<compile_context>
chip_gen: v7x
topology: tpu7x:2x2x1
jax: 0.10.2.dev20260603
libtpu: 0.0.44.dev20260713+nightly
codegen_flags: <defaults>
</compile_context>

<pallas_src>
import functools

import jax
import jax.numpy as jnp
from jax import lax
from jax.experimental import pallas as pl
from jax.experimental.pallas import tpu as pltpu
from jax.experimental.pallas import tpu_sc as plsc

def _bf16r(x):
    u = plsc.bitcast(x, jnp.int32)
    r = u + 0x7FFF + ((u >> 16) & 1)
    return plsc.bitcast(r & jnp.int32(-65536), jnp.float32)


RADIUS = 0.05
HMIN = -0.02
HMAX = 0.04
NS = 32
CF = 256
CO = 256
EPS = 1e-5
NTEC = 32


def _f1_body(feat_ref, w_ref, o_ref):
    o_ref[0] = lax.dot_general(
        feat_ref[0], w_ref[...], (((0,), (0,)), ((), ())),
        preferred_element_type=jnp.float32)


def _stage_a(features, w1ft, interpret=False):
    B = features.shape[0]
    return pl.pallas_call(
        _f1_body,
        grid=(B,),
        in_specs=[
            pl.BlockSpec((1, CF, 1024), lambda b: (b, 0, 0)),
            pl.BlockSpec((CF, CO), lambda b: (0, 0)),
        ],
        out_specs=pl.BlockSpec((1, 1024, CO), lambda b: (b, 0, 0)),
        out_shape=jax.ShapeDtypeStruct((B, 1024, CO), jnp.float32),
        interpret=interpret,
    )(features, w1ft)


def _make_query(B, N):
    CPT = B * N // NTEC
    TPB = N // CPT
    mesh = plsc.VectorSubcoreMesh(core_axis_name="c", subcore_axis_name="s")

    @functools.partial(
        pl.kernel, mesh=mesh,
        compiler_params=pltpu.CompilerParams(needs_layout_passes=False),
        out_type=[
            jax.ShapeDtypeStruct((B * N * NS, CF), jnp.float32),
            jax.ShapeDtypeStruct((B * N, NS * 8), jnp.float32),
            jax.ShapeDtypeStruct((NTEC, 4, N), jnp.float32),
            jax.ShapeDtypeStruct((NTEC, 8, 16), jnp.float32),
        ],
        scratch_types=[
            pltpu.VMEM((3, N), jnp.float32),
            pltpu.VMEM((CPT, 16), jnp.float32),
            pltpu.VMEM((64,), jnp.int32),
            pltpu.VMEM((NS,), jnp.int32),
            pltpu.VMEM((NS,), jnp.int32),
            pltpu.VMEM((NS, CF), jnp.float32),
            pltpu.VMEM((NS, CF), jnp.float32),
            pltpu.VMEM((NS * 8,), jnp.float32),
            pltpu.VMEM((NS * 8,), jnp.float32),
            pltpu.VMEM((4, N), jnp.float32),
            pltpu.VMEM((8, 16), jnp.float32),
            pltpu.SemaphoreType.DMA,
            pltpu.SemaphoreType.DMA,
            pltpu.SemaphoreType.DMA,
            pltpu.SemaphoreType.DMA,
        ],
    )
    def q(xyzt_hbm, rotp_hbm, f1_hbm, yf_hbm, rr_hbm, cnt_hbm, m2_hbm,
          xyz_v, rot_v, idxb, gidx0, gidx1, rows0, rows1, rr0, rr1,
          hist_v, m2_v, gsem0, gsem1, wsem0, wsem1):
        gidx_s = (gidx0, gidx1)
        rows_s = (rows0, rows1)
        rr_s = (rr0, rr1)
        gsem_s = (gsem0, gsem1)
        wsem_s = (wsem0, wsem1)
        wid = lax.axis_index("s") * 2 + lax.axis_index("c")
        b = wid // TPB
        i0 = (wid % TPB) * CPT
        pltpu.sync_copy(xyzt_hbm.at[b], xyz_v)
        pltpu.sync_copy(rotp_hbm.at[b, pl.ds(i0, CPT)], rot_v)

        iota = lax.iota(jnp.int32, 16)
        zf = jnp.zeros((16,), jnp.float32)

        def _zh(k, _):
            z = jnp.zeros((16,), jnp.float32)
            hist_v[0, pl.ds(k * 16, 16)] = z
            hist_v[1, pl.ds(k * 16, 16)] = z
            hist_v[2, pl.ds(k * 16, 16)] = z
            hist_v[3, pl.ds(k * 16, 16)] = z
            return 0
        lax.fori_loop(0, N // 16, _zh, 0)

        def _zr(k, _):
            z = jnp.zeros((16,), jnp.float32)
            rr0[pl.ds(k * 16, 16)] = z
            rr1[pl.ds(k * 16, 16)] = z
            return 0
        lax.fori_loop(0, NS * 8 // 16, _zr, 0)
        for k in range(8):
            m2_v[k] = zf

        x0 = xyz_v[0, pl.ds(0, 16)][0]
        y0 = xyz_v[1, pl.ds(0, 16)][0]
        z0 = xyz_v[2, pl.ds(0, 16)][0]

        def _wait_writes(s):
            pltpu.make_async_copy(rows_s[s], yf_hbm.at[pl.ds(0, NS)],
                                  wsem_s[s]).wait()
            pltpu.make_async_copy(rr_s[s], rr_hbm.at[0], wsem_s[s]).wait()

        def _finish_other(s, gc_prev):
            o = 1 - s
            pltpu.make_async_copy(f1_hbm.at[gidx_s[o]], rows_s[o],
                                  gsem_s[o]).wait()
            pltpu.async_copy(rows_s[o], yf_hbm.at[pl.ds(gc_prev * NS, NS)],
                             wsem_s[o])
            pltpu.async_copy(rr_s[o], rr_hbm.at[gc_prev], wsem_s[o])

        def _do_center(ic, s, k, carry, first):
            (padn, wpx, wpy, wpz) = carry
            rv = rot_v[ic]
            rvb = _bf16r(rv)
            r0 = rvb[0]
            r1 = rvb[1]
            r2 = rvb[2]
            r3 = rvb[3]
            r4 = rvb[4]
            r5 = rvb[5]
            r6 = rvb[6]
            r7 = rvb[7]
            r8 = rvb[8]
            cx = rv[12]
            cy = rv[13]
            cz = rv[14]
            th = rv[2]

            zi_l = jnp.zeros((16,), jnp.int32)
            idxb[pl.ds(0, 16)] = zi_l
            idxb[pl.ds(16, 16)] = zi_l
            idxb[pl.ds(32, 16)] = zi_l
            idxb[pl.ds(48, 16)] = zi_l

            def chunk4(q4, cntv):
                io = lax.iota(jnp.int32, 16)
                cums = []
                for j in range(4):
                    cb = q4 * 4 + j
                    px = xyz_v[0, pl.ds(cb * 16, 16)]
                    py = xyz_v[1, pl.ds(cb * 16, 16)]
                    pz = xyz_v[2, pl.ds(cb * 16, 16)]
                    ax = _bf16r(px - cx)
                    ay = _bf16r(py - cy)
                    az = _bf16r(pz - cz)
                    rx = ax * r0 + ay * r3 + az * r6
                    ry = ax * r1 + ay * r4 + az * r7
                    rz = ax * r2 + ay * r5 + az * r8
                    m = (((ry * ry + rz * rz) < th) & (rx > HMIN)
                         & (rx < HMAX))
                    pc = plsc.all_reduce_population_count(m)
                    cums.append((m, plsc.cumsum(m.astype(jnp.int32)), pc))
                for j in range(4):
                    m, cum, pc = cums[j]
                    dest = cum + (cntv - 1)
                    plsc.store_scatter(idxb, [dest], io + (q4 * 4 + j) * 16,
                                       mask=m & (dest < NS))
                    cntv = cntv + pc
                return cntv

            cntv = lax.fori_loop(0, N // 64, chunk4,
                                 jnp.zeros((16,), jnp.int32))
            cnt = cntv[0]
            vn = jnp.minimum(cnt, NS)

            a0x = x0 - cx
            a0y = y0 - cy
            a0z = z0 - cz
            p0x = a0x * r0 + a0y * r3 + a0z * r6
            p0y = a0x * r1 + a0y * r4 + a0z * r7
            p0z = a0x * r2 + a0y * r5 + a0z * r8
            npadf = (NS - vn).astype(jnp.float32)
            padn = padn + npadf
            wpx = wpx + npadf * p0x
            wpy = wpy + npadf * p0y
            wpz = wpz + npadf * p0z

            if first:
                pass
            else:
                @pl.when(k > 0)
                def _():
                    _wait_writes(s)

            io_c = lax.iota(jnp.int32, 16)
            onesf_l = jnp.ones((16,), jnp.float32)
            zi_c = jnp.zeros((16,), jnp.int32)
            rr_v = rr_s[s]
            for h in range(2):
                li = idxb[pl.ds(h * 16, 16)]
                lanes = io_c + h * 16
                vmask = lanes < vn
                gx = plsc.load_gather(xyz_v, [zi_c, li])
                gy = plsc.load_gather(xyz_v, [zi_c + 1, li])
                gz = plsc.load_gather(xyz_v, [zi_c + 2, li])
                ax = gx - cx
                ay = gy - cy
                az = gz - cz
                rrx = ax * r0 + ay * r3 + az * r6
                rry = ax * r1 + ay * r4 + az * r7
                rrz = ax * r2 + ay * r5 + az * r8
                plsc.store_scatter(rr_v, [lanes * 8], rrx)
                plsc.store_scatter(rr_v, [lanes * 8 + 1], rry)
                plsc.store_scatter(rr_v, [lanes * 8 + 2], rrz)
                plsc.addupdate_scatter(hist_v, [zi_c, li], onesf_l, mask=vmask)
                plsc.addupdate_scatter(hist_v, [zi_c + 1, li], rrx, mask=vmask)
                plsc.addupdate_scatter(hist_v, [zi_c + 2, li], rry, mask=vmask)
                plsc.addupdate_scatter(hist_v, [zi_c + 3, li], rrz, mask=vmask)
                m2_v[0] = m2_v[0] + rrx * rrx
                m2_v[1] = m2_v[1] + rry * rry
                m2_v[2] = m2_v[2] + rrz * rrz
                m2_v[3] = m2_v[3] + rrx * rry
                m2_v[4] = m2_v[4] + rrx * rrz
                m2_v[5] = m2_v[5] + rry * rrz
                gidx_s[s][pl.ds(h * 16, 16)] = li + b * N

            pltpu.async_copy(f1_hbm.at[gidx_s[s]], rows_s[s], gsem_s[s])

            gc_prev = wid * CPT + (ic - 1)
            if first:
                pass
            elif s == 0:
                @pl.when(k > 0)
                def _():
                    _finish_other(s, gc_prev)
            else:
                _finish_other(s, gc_prev)
            return (padn, wpx, wpy, wpz)

        def pair(k, carry):
            carry = _do_center(2 * k, 0, k, carry, False)
            carry = _do_center(2 * k + 1, 1, k, carry, False)
            return carry

        init = (jnp.float32(0.0), jnp.float32(0.0), jnp.float32(0.0),
                jnp.float32(0.0))
        (padn, wpx, wpy, wpz) = lax.fori_loop(0, CPT // 2, pair, init)

        _finish_other(0, wid * CPT + CPT - 1)
        _wait_writes(0)
        _wait_writes(1)

        lane0 = iota == 0
        for r, s in ((0, padn), (1, wpx), (2, wpy), (3, wpz)):
            cur = hist_v[r, pl.ds(0, 16)]
            hist_v[r, pl.ds(0, 16)] = cur + jnp.where(lane0, jnp.full((16,), s), zf)
        pltpu.sync_copy(hist_v, cnt_hbm.at[wid])
        pltpu.sync_copy(m2_v, m2_hbm.at[wid])

    return q


def _p1_body(cntw_ref, f1_ref, m2_ref, wx8_ref, g1b1_ref, o_ref, acc):
    b = pl.program_id(0)
    nb = pl.num_programs(0)

    @pl.when(b == 0)
    def _():
        acc[...] = jnp.zeros_like(acc)

    rows4 = jnp.sum(cntw_ref[...], axis=0)
    f1 = f1_ref[0]
    g = lax.dot_general(rows4, f1, (((1,), (0,)), ((), ())),
                        preferred_element_type=jnp.float32)
    s = lax.dot_general(rows4[0:1], f1 * f1, (((1,), (0,)), ((), ())),
                        preferred_element_type=jnp.float32)
    w = jnp.sum(rows4[1:4], axis=1, keepdims=True)
    acc[0:4] += g
    acc[4:5] += s
    acc[5:8] += jnp.broadcast_to(w, (3, CO))

    @pl.when(b == nb - 1)
    def _():
        npos = jnp.float32(nb * f1_ref.shape[1] * NS)
        m2s = jnp.sum(jnp.sum(m2_ref[...], axis=0), axis=1)
        wxr = wx8_ref[0:3]
        sum1 = acc[0:1] + jnp.sum(wxr * acc[5:8], axis=0, keepdims=True)
        cross = jnp.sum(wxr * acc[1:4], axis=0, keepdims=True)
        quad = (m2s[0] * wxr[0:1] * wxr[0:1]
                + m2s[1] * wxr[1:2] * wxr[1:2]
                + m2s[2] * wxr[2:3] * wxr[2:3]
                + 2.0 * m2s[3] * wxr[0:1] * wxr[1:2]
                + 2.0 * m2s[4] * wxr[0:1] * wxr[2:3]
                + 2.0 * m2s[5] * wxr[1:2] * wxr[2:3])
        sumsq = acc[4:5] + 2.0 * cross + quad
        mean = sum1 / npos
        var = sumsq / npos - mean * mean
        a1 = g1b1_ref[0:1] * lax.rsqrt(var + EPS)
        o_ref[0:1] = a1
        o_ref[1:2] = g1b1_ref[1:2] - mean * a1


def _stage_p1(cntw, f1, m2, wx8, g1b1, interpret=False):
    B, N = f1.shape[0], f1.shape[1]
    tpb = NTEC // B
    return pl.pallas_call(
        _p1_body,
        grid=(B,),
        in_specs=[
            pl.BlockSpec((tpb, 4, N), lambda b: (b, 0, 0)),
            pl.BlockSpec((1, N, CO), lambda b: (b, 0, 0)),
            pl.BlockSpec((NTEC, 8, 16), lambda b: (0, 0, 0)),
            pl.BlockSpec((8, CO), lambda b: (0, 0)),
            pl.BlockSpec((2, CO), lambda b: (0, 0)),
        ],
        out_specs=pl.BlockSpec((2, CO), lambda b: (0, 0)),
        out_shape=jax.ShapeDtypeStruct((2, CO), jnp.float32),
        scratch_shapes=[pltpu.VMEM((8, CO), jnp.float32)],
        interpret=interpret,
    )(cntw, f1, m2, wx8, g1b1)


_TP = 256


def _p2_body(yf_ref, rr_ref, wx8_ref, a1c1_ref, w2_ref, mx_ref, s2_ref, acc):
    t = pl.program_id(0)
    nt = pl.num_programs(0)

    @pl.when(t == 0)
    def _():
        acc[...] = jnp.zeros_like(acc)

    xyzt = lax.dot_general(rr_ref[...], wx8_ref[...], (((1,), (0,)), ((), ())),
                           preferred_element_type=jnp.float32)
    y1 = yf_ref[...] + xyzt
    h = jnp.maximum(y1 * a1c1_ref[0:1] + a1c1_ref[1:2], 0.0)
    y2 = lax.dot_general(h.astype(jnp.bfloat16), w2_ref[...],
                         (((1,), (1,)), ((), ())),
                         preferred_element_type=jnp.float32)
    acc[0:1] += jnp.sum(y2, axis=0, keepdims=True)
    acc[1:2] += jnp.sum(y2 * y2, axis=0, keepdims=True)
    mx_ref[...] = jnp.max(y2.reshape(_TP // NS, NS, CO), axis=1)

    @pl.when(t == nt - 1)
    def _():
        s2_ref[...] = acc[...]


def _stage_p2(yf, rr8, wx8, a1c1, w2, interpret=False):
    npos = yf.shape[0]
    nt = npos // _TP
    return pl.pallas_call(
        _p2_body,
        grid=(nt,),
        in_specs=[
            pl.BlockSpec((_TP, CF), lambda t: (t, 0)),
            pl.BlockSpec((_TP, 8), lambda t: (t, 0)),
            pl.BlockSpec((8, CO), lambda t: (0, 0)),
            pl.BlockSpec((2, CO), lambda t: (0, 0)),
            pl.BlockSpec((CO, CF), lambda t: (0, 0)),
        ],
        out_specs=[
            pl.BlockSpec((_TP // NS, CO), lambda t: (t, 0)),
            pl.BlockSpec((2, CO), lambda t: (0, 0)),
        ],
        out_shape=[
            jax.ShapeDtypeStruct((npos // NS, CO), jnp.float32),
            jax.ShapeDtypeStruct((2, CO), jnp.float32),
        ],
        scratch_shapes=[pltpu.VMEM((2, CO), jnp.float32)],
        interpret=interpret,
    )(yf, rr8, wx8, a1c1, w2)


def _p3_body(mx_ref, s2_ref, g2b2_ref, o_ref):
    npos = jnp.float32(pl.num_programs(0) * mx_ref.shape[0] * NS)
    s = s2_ref[...]
    mean = s[0:1] / npos
    var = s[1:2] / npos - mean * mean
    a2 = g2b2_ref[0:1] * lax.rsqrt(var + EPS)
    c2 = g2b2_ref[1:2] - mean * a2
    y = jnp.maximum(mx_ref[...] * a2 + c2, 0.0)
    o_ref[0] = y.T


def _stage_p3(mx, s2, g2b2, B, N, interpret=False):
    nt = mx.shape[0] // _TP
    tb = nt // B
    return pl.pallas_call(
        _p3_body,
        grid=(nt,),
        in_specs=[
            pl.BlockSpec((_TP, CO), lambda t: (t, 0)),
            pl.BlockSpec((2, CO), lambda t: (0, 0)),
            pl.BlockSpec((2, CO), lambda t: (0, 0)),
        ],
        out_specs=pl.BlockSpec((1, CO, _TP), lambda t: (t // tb, 0, t % tb)),
        out_shape=jax.ShapeDtypeStruct((B, CO, N), jnp.float32),
        interpret=interpret,
    )(mx, s2, g2b2)


def kernel(seed_xyz_graspable, seed_features_graspable, vp_rot,
           W1, g1, b1, W2, g2, b2):
    xyz = seed_xyz_graspable
    B, N, _ = xyz.shape
    rot9 = vp_rot.reshape(B, N, 9)
    rotp = jnp.concatenate(
        [rot9, jnp.zeros((B, N, 3), jnp.float32), xyz,
         jnp.zeros((B, N, 1), jnp.float32)], axis=-1)
    xyzt = jnp.transpose(xyz, (0, 2, 1))
    w1ft = jnp.transpose(W1[:, 3:])
    wx8 = jnp.concatenate(
        [jnp.transpose(W1[:, :3]) / RADIUS, jnp.zeros((5, CO), jnp.float32)],
        axis=0)

    f1 = _stage_a(seed_features_graspable, w1ft)
    yf, rr, cntw, m2 = _make_query(B, N)(xyzt, rotp, f1.reshape(B * N, CO))
    a1c1 = _stage_p1(cntw, f1, m2, wx8, jnp.stack([g1, b1]))
    mx, s2 = _stage_p2(yf, rr.reshape(B * N * NS, 8), wx8, a1c1,
                       W2.astype(jnp.bfloat16))
    return _stage_p3(mx, s2, jnp.stack([g2, b2]), B, N)

# --- scband reference (transcript-rebuilt; emitter-appended) ---
"""Pipeline reference for scband-cloud-crop-33397665693880 (READ-ONLY COPY).

The authoritative reference and input builder live on the scoring server;
editing this copy changes nothing except your own understanding.
"""

import jax, jax.numpy as jnp
import numpy as np

RADIUS = 0.05
HMIN = -0.02
HMAX = 0.04
NSAMPLE = 32
SEED_FEAT = 256
B, N = 4, 1024
EPS = 1e-5


def _cylinder_query(xyz, new_xyz, rot_flat):
    n = xyz.shape[1]

    def per_center(xyz_b, center, r9):
        rel = xyz_b - center
        R = r9.reshape(3, 3)
        rotated = rel @ R
        x_rot = rotated[:, 0]
        y_rot = rotated[:, 1]
        z_rot = rotated[:, 2]
        d2 = y_rot ** 2 + z_rot ** 2
        # Faithful to original torch code: r2 = radius**2 is shadowed by r2 = rot[i, j, 2]
        thresh = r9[2]
        mask = (d2 < thresh) & (x_rot > HMIN) & (x_rot < HMAX)
        order = jnp.cumsum(mask.astype(jnp.int32)) - 1
        valid = mask & (order < NSAMPLE)
        dest = jnp.where(valid, order, NSAMPLE)
        out = jnp.zeros((NSAMPLE,), dtype=jnp.int32)
        out = out.at[dest].set(jnp.arange(n, dtype=jnp.int32), mode="drop")
        return out

    f = jax.vmap(jax.vmap(per_center, in_axes=(None, 0, 0)), in_axes=(0, 0, 0))
    return f(xyz, new_xyz, rot_flat)


def _group(features, idx):
    C = features.shape[1]

    def g(feat_b, idx_b):
        return feat_b[:, idx_b.reshape(-1)].reshape(C, idx_b.shape[0], idx_b.shape[1])

    return jax.vmap(g)(features, idx)


def _conv_bn_relu(x, W, gamma, beta):
    y = jnp.einsum("bchw,oc->bohw", x, W)
    mean = y.mean(axis=(0, 2, 3), keepdims=True)
    var = y.var(axis=(0, 2, 3), keepdims=True)
    y = (y - mean) / jnp.sqrt(var + EPS)
    y = y * gamma.reshape(1, -1, 1, 1) + beta.reshape(1, -1, 1, 1)
    return jnp.maximum(y, 0.0)


def _forward(seed_xyz_graspable, seed_features_graspable, vp_rot, W1, g1, b1, W2, g2, b2):
    Bc, M, _ = seed_xyz_graspable.shape
    rot_flat = vp_rot.reshape(Bc, M, 9)
    idx = _cylinder_query(seed_xyz_graspable, seed_xyz_graspable, rot_flat)
    xyz_t = jnp.transpose(seed_xyz_graspable, (0, 2, 1))
    grouped_xyz = _group(xyz_t, idx)
    grouped_xyz = grouped_xyz - xyz_t[..., None]
    grouped_xyz = grouped_xyz / RADIUS  # normalize_xyz=True
    gx = jnp.transpose(grouped_xyz, (0, 2, 3, 1))
    gx = jnp.matmul(gx, vp_rot)  # rotate_xyz=True
    grouped_xyz = jnp.transpose(gx, (0, 3, 1, 2))
    grouped_feat = _group(seed_features_graspable, idx)
    nf = jnp.concatenate([grouped_xyz, grouped_feat], axis=1)  # (B, 3+C, M, S)
    nf = _conv_bn_relu(nf, W1, g1, b1)
    nf = _conv_bn_relu(nf, W2, g2, b2)
    return nf.max(axis=3)  # max_pool2d over nsample, squeezed


def setup_inputs(seed: int = 0) -> dict:
    key = jax.random.key(seed)
    k1, k2, k3, k4, k5 = jax.random.split(key, 5)
    xyz = jax.random.uniform(k1, (B, N, 3), dtype=jnp.float32)
    features = jax.random.normal(k2, (B, SEED_FEAT, N), dtype=jnp.float32)
    rot = jax.random.uniform(k3, (B, N, 3, 3), dtype=jnp.float32)
    c_in = 3 + SEED_FEAT
    W1 = jax.random.normal(k4, (256, c_in), dtype=jnp.float32) * np.sqrt(2.0 / c_in)
    W2 = jax.random.normal(k5, (256, 256), dtype=jnp.float32) * np.sqrt(2.0 / 256.0)
    g1 = jnp.ones((256,), jnp.float32)
    b1 = jnp.zeros((256,), jnp.float32)
    g2 = jnp.ones((256,), jnp.float32)
    b2 = jnp.zeros((256,), jnp.float32)
    return {"seed_xyz_graspable": xyz, "seed_features_graspable": features, "vp_rot": rot,
            "W1": W1, "g1": g1, "b1": b1, "W2": W2, "g2": g2, "b2": b2}


def reference(seed_xyz_graspable, seed_features_graspable, vp_rot, W1, g1, b1, W2, g2, b2):
    return _forward(seed_xyz_graspable, seed_features_graspable, vp_rot, W1, g1, b1, W2, g2, b2)

if __name__ == "__main__":
    import jax
    _d = setup_inputs()
    print(jax.jit(kernel)(*tuple(_d.values())))

</pallas_src>

<mosaic_0001>
#map = affine_map<(d0, d1) -> (0, 0, 0)>
#map1 = affine_map<(d0, d1) -> (0, 0)>
module attributes {stable_mosaic.version = 14 : i64} {
  func.func @q(%arg0: i32, %arg1: i32, %arg2: memref<4x3x1024xf32, #tpu.memory_space<hbm>>, %arg3: memref<4x1024x16xf32, #tpu.memory_space<hbm>>, %arg4: memref<4096x256xf32, #tpu.memory_space<hbm>>, %arg5: memref<131072x256xf32, #tpu.memory_space<hbm>>, %arg6: memref<4096x256xf32, #tpu.memory_space<hbm>>, %arg7: memref<32x4x1024xf32, #tpu.memory_space<hbm>>, %arg8: memref<32x8x16xf32, #tpu.memory_space<hbm>>, %arg9: memref<3x1024xf32, #tpu.memory_space<vmem>>, %arg10: memref<128x16xf32, #tpu.memory_space<vmem>>, %arg11: memref<64xi32, #tpu.memory_space<vmem>>, %arg12: memref<32xi32, #tpu.memory_space<vmem>>, %arg13: memref<32xi32, #tpu.memory_space<vmem>>, %arg14: memref<32x256xf32, #tpu.memory_space<vmem>>, %arg15: memref<32x256xf32, #tpu.memory_space<vmem>>, %arg16: memref<256xf32, #tpu.memory_space<vmem>>, %arg17: memref<256xf32, #tpu.memory_space<vmem>>, %arg18: memref<4x1024xf32, #tpu.memory_space<vmem>>, %arg19: memref<8x16xf32, #tpu.memory_space<vmem>>, %arg20: memref<!tpu.dma_semaphore, #tpu.memory_space<semaphore_mem>>, %arg21: memref<!tpu.dma_semaphore, #tpu.memory_space<semaphore_mem>>, %arg22: memref<!tpu.dma_semaphore, #tpu.memory_space<semaphore_mem>>, %arg23: memref<!tpu.dma_semaphore, #tpu.memory_space<semaphore_mem>>) attributes {dimension_semantics = [#tpu.dimension_semantics<core_parallel>, #tpu.dimension_semantics<subcore_parallel>], iteration_bounds = array<i64: 2, 16>, scalar_prefetch = 0 : i64, scratch_operands = 15 : i64, tpu.core_type = #tpu.core_type<sc_vector_subcore>, window_params = [{transform_indices = #map}, {transform_indices = #map}, {transform_indices = #map1}, {transform_indices = #map1}, {transform_indices = #map1}, {transform_indices = #map}, {transform_indices = #map}]} {
    %mul3A = arith.constant 2 : i32
    %mul3A_0 = arith.muli %arg1, %mul3A : i32
    %add3A = arith.addi %mul3A_0, %arg0 : i32
    %jit3A = arith.constant 8 : i32
    %div3A = arith.divsi %add3A, %jit3A : i32
    %sign3A = arith.constant 0 : i32
    %sign3A_1 = arith.cmpi sgt, %add3A, %sign3A : i32
    %sign3A_2 = arith.extui %sign3A_1 : i1 to i32
    %sign3A_3 = arith.constant 0 : i32
    %sign3A_4 = arith.cmpi slt, %add3A, %sign3A_3 : i32
    %sign3A_5 = arith.extui %sign3A_4 : i1 to i32
    %sign3A_6 = arith.subi %sign3A_2, %sign3A_5 : i32
    %sign3A_7 = arith.constant 0 : i32
    %sign3A_8 = arith.cmpi sgt, %jit3A, %sign3A_7 : i32
    %sign3A_9 = arith.extui %sign3A_8 : i1 to i32
    %sign3A_10 = arith.constant 0 : i32
    %sign3A_11 = arith.cmpi slt, %jit3A, %sign3A_10 : i32
    %sign3A_12 = arith.extui %sign3A_11 : i1 to i32
    %sign3A_13 = arith.subi %sign3A_9, %sign3A_12 : i32
    %ne3A = arith.cmpi ne, %sign3A_6, %sign3A_13 : i32
    %rem3A = arith.remsi %add3A, %jit3A : i32
    %ne3A_14 = arith.constant 0 : i32
    %ne3A_15 = arith.cmpi ne, %rem3A, %ne3A_14 : i32
    %and3A = arith.andi %ne3A, %ne3A_15 : i1
    %sub3A = arith.constant 1 : i32
    %sub3A_16 = arith.subi %div3A, %sub3A : i32
    %select_n3A = arith.select %and3A, %sub3A_16, %div3A : i32
    %jit3A_17 = arith.constant 8 : i32
    %eq3A = arith.constant 0 : i32
    %eq3A_18 = arith.cmpi eq, %jit3A_17, %eq3A : i32
    %jit3A_19 = arith.constant 1 : i32
    %select_n3A_20 = arith.select %eq3A_18, %jit3A_19, %jit3A_17 : i32
    %rem3A_21 = arith.remsi %add3A, %select_n3A_20 : i32
    %ne3A_22 = arith.constant 0 : i32
    %ne3A_23 = arith.cmpi ne, %rem3A_21, %ne3A_22 : i32
    %lt3A = arith.constant 0 : i32
    %lt3A_24 = arith.cmpi slt, %rem3A_21, %lt3A : i32
    %lt3A_25 = arith.constant 0 : i32
    %lt3A_26 = arith.cmpi slt, %select_n3A_20, %lt3A_25 : i32
    %ne3A_27 = arith.xori %lt3A_24, %lt3A_26 : i1
    %and3A_28 = arith.andi %ne3A_27, %ne3A_23 : i1
    %add3A_29 = arith.addi %rem3A_21, %select_n3A_20 : i32
    %select_n3A_30 = arith.select %and3A_28, %add3A_29, %rem3A_21 : i32
    %mul3A_31 = arith.constant 128 : i32
    %mul3A_32 = arith.muli %select_n3A_30, %mul3A_31 : i32
    "tpu.region"() ({
      %run_scoped3A = tpu.sem_alloc : memref<!tpu.dma_semaphore, #tpu.memory_space<semaphore_mem>>
      %dma_start3A_195 = arith.constant 0 : i32
      %dma_start3A_196 = arith.constant 0 : i32
      %dma_start3A_197 = tpu.memref_slice %arg2[%select_n3A, %dma_start3A_195, %dma_start3A_196] : memref<4x3x1024xf32, #tpu.memory_space<hbm>> -> memref<1x3x1024xf32, #tpu.memory_space<hbm>>
      %dma_start3A_198 = tpu.memref_squeeze %dma_start3A_197 : memref<1x3x1024xf32, #tpu.memory_space<hbm>> -> memref<3x1024xf32, #tpu.memory_space<hbm>>
      %dma_start3A_199 = arith.constant 0 : i32
      %dma_start3A_200 = arith.constant 0 : i32
      %dma_start3A_201 = tpu.memref_slice %arg2[%select_n3A, %dma_start3A_199, %dma_start3A_200] : memref<4x3x1024xf32, #tpu.memory_space<hbm>> -> memref<1x3x1024xf32, #tpu.memory_space<hbm>>
      %dma_start3A_202 = tpu.memref_squeeze %dma_start3A_201 : memref<1x3x1024xf32, #tpu.memory_space<hbm>> -> memref<3x1024xf32, #tpu.memory_space<hbm>>
      tpu.enqueue_dma source(%dma_start3A_202 : memref<3x1024xf32, #tpu.memory_space<hbm>>) target(%arg9 : memref<3x1024xf32, #tpu.memory_space<vmem>>) target_semaphore(%run_scoped3A : memref<!tpu.dma_semaphore, #tpu.memory_space<semaphore_mem>>)
      %dma_wait3A_203 = arith.constant 0 : i32
      %dma_wait3A_204 = arith.constant 0 : i32
      %dma_wait3A_205 = tpu.memref_slice %arg2[%select_n3A, %dma_wait3A_203, %dma_wait3A_204] : memref<4x3x1024xf32, #tpu.memory_space<hbm>> -> memref<1x3x1024xf32, #tpu.memory_space<hbm>>
      %dma_wait3A_206 = tpu.memref_squeeze %dma_wait3A_205 : memref<1x3x1024xf32, #tpu.memory_space<hbm>> -> memref<3x1024xf32, #tpu.memory_space<hbm>>
      %dma_wait3A_207 = arith.constant 0 : i32
      %dma_wait3A_208 = arith.constant 0 : i32
      %dma_wait3A_209 = tpu.memref_slice %arg2[%select_n3A, %dma_wait3A_207, %dma_wait3A_208] : memref<4x3x1024xf32, #tpu.memory_space<hbm>> -> memref<1x3x1024xf32, #tpu.memory_space<hbm>>
      %dma_wait3A_210 = tpu.memref_squeeze %dma_wait3A_209 : memref<1x3x1024xf32, #tpu.memory_space<hbm>> -> memref<3x1024xf32, #tpu.memory_space<hbm>>
      tpu.wait_dma2 semaphore(%run_scoped3A : memref<!tpu.dma_semaphore, #tpu.memory_space<semaphore_mem>>) src(%dma_wait3A_210 : memref<3x1024xf32, #tpu.memory_space<hbm>>) dst(%arg9 : memref<3x1024xf32, #tpu.memory_space<vmem>>)
      tpu.yield
    }) : () -> ()
    "tpu.region"() ({
      %run_scoped3A = tpu.sem_alloc : memref<!tpu.dma_semaphore, #tpu.memory_space<semaphore_mem>>
      %dma_start3A_195 = arith.constant 0 : i32
      %dma_start3A_196 = tpu.memref_slice %arg3[%select_n3A, %mul3A_32, %dma_start3A_195] : memref<4x1024x16xf32, #tpu.memory_space<hbm>> -> memref<1x128x16xf32, #tpu.memory_space<hbm>>
      %dma_start3A_197 = tpu.memref_squeeze %dma_start3A_196 : memref<1x128x16xf32, #tpu.memory_space<hbm>> -> memref<128x16xf32, #tpu.memory_space<hbm>>
      %dma_start3A_198 = arith.constant 0 : i32
      %dma_start3A_199 = tpu.memref_slice %arg3[%select_n3A, %mul3A_32, %dma_start3A_198] : memref<4x1024x16xf32, #tpu.memory_space<hbm>> -> memref<1x128x16xf32, #tpu.memory_space<hbm>>
      %dma_start3A_200 = tpu.memref_squeeze %dma_start3A_199 : memref<1x128x16xf32, #tpu.memory_space<hbm>> -> memref<128x16xf32, #tpu.memory_space<hbm>>
      tpu.enqueue_dma source(%dma_start3A_200 : memref<128x16xf32, #tpu.memory_space<hbm>>) target(%arg10 : memref<128x16xf32, #tpu.memory_space<vmem>>) target_semaphore(%run_scoped3A : memref<!tpu.dma_semaphore, #tpu.memory_space<semaphore_mem>>)
      %dma_wait3A_201 = arith.constant 0 : i32
      %dma_wait3A_202 = tpu.memref_slice %arg3[%select_n3A, %mul3A_32, %dma_wait3A_201] : memref<4x1024x16xf32, #tpu.memory_space<hbm>> -> memref<1x128x16xf32, #tpu.memory_space<hbm>>
      %dma_wait3A_203 = tpu.memref_squeeze %dma_wait3A_202 : memref<1x128x16xf32, #tpu.memory_space<hbm>> -> memref<128x16xf32, #tpu.memory_space<hbm>>
      %dma_wait3A_204 = arith.constant 0 : i32
      %dma_wait3A_205 = tpu.memref_slice %arg3[%select_n3A, %mul3A_32, %dma_wait3A_204] : memref<4x1024x16xf32, #tpu.memory_space<hbm>> -> memref<1x128x16xf32, #tpu.memory_space<hbm>>
      %dma_wait3A_206 = tpu.memref_squeeze %dma_wait3A_205 : memref<1x128x16xf32, #tpu.memory_space<hbm>> -> memref<128x16xf32, #tpu.memory_space<hbm>>
      tpu.wait_dma2 semaphore(%run_scoped3A : memref<!tpu.dma_semaphore, #tpu.memory_space<semaphore_mem>>) src(%dma_wait3A_206 : memref<128x16xf32, #tpu.memory_space<hbm>>) dst(%arg10 : memref<128x16xf32, #tpu.memory_space<vmem>>)
      tpu.yield
    }) : () -> ()
    %iota3A = tpu.iota {dimensions = array<i32: 0>} : vector<16xi32>
    %broadcast_in_dim3A = arith.constant 0.000000e+00 : f32
    %broadcast_in_dim3A_33 = vector.broadcast %broadcast_in_dim3A : f32 to vector<16xf32>
    %scan3A = arith.constant 0 : i32
    %scan3A_34 = arith.constant 0 : i32
    %scan3A_35 = arith.constant 64 : i32
    %scan3A_36 = arith.addi %scan3A_34, %scan3A_35 : i32
    %scan3A_37 = arith.constant 1 : i32
    %scan3A_38 = scf.for %scan3A_195 = %scan3A_34 to %scan3A_36 step %scan3A_37 iter_args(%scan3A_196 = %scan3A) -> (i32)  : i32 {
      %broadcast_in_dim3A_197 = arith.constant 0.000000e+00 : f32
      %broadcast_in_dim3A_198 = vector.broadcast %broadcast_in_dim3A_197 : f32 to vector<16xf32>
      %mul3A_199 = arith.constant 16 : i32
      %mul3A_200 = arith.muli %scan3A_195, %mul3A_199 : i32
      %swap3A_201 = arith.constant 0 : i32
      %swap3A_202 = arith.index_cast %swap3A_201 : i32 to index
      %swap3A_203 = arith.index_cast %mul3A_200 : i32 to index
      %swap3A_204 = tpu.vector_load %arg18[%swap3A_202, %swap3A_203] {strides = array<i32>} : memref<4x1024xf32, #tpu.memory_space<vmem>>, vector<16xf32>,
      tpu.vector_store %arg18[%swap3A_202, %swap3A_203], %broadcast_in_dim3A_198 {strides = array<i32>} : memref<4x1024xf32, #tpu.memory_space<vmem>>, vector<16xf32>,
      %mul3A_205 = arith.constant 16 : i32
      %mul3A_206 = arith.muli %scan3A_195, %mul3A_205 : i32
      %swap3A_207 = arith.constant 1 : i32
      %swap3A_208 = arith.index_cast %swap3A_207 : i32 to index
      %swap3A_209 = arith.index_cast %mul3A_206 : i32 to index
      %swap3A_210 = tpu.vector_load %arg18[%swap3A_208, %swap3A_209] {strides = array<i32>} : memref<4x1024xf32, #tpu.memory_space<vmem>>, vector<16xf32>,
      tpu.vector_store %arg18[%swap3A_208, %swap3A_209], %broadcast_in_dim3A_198 {strides = array<i32>} : memref<4x1024xf32, #tpu.memory_space<vmem>>, vector<16xf32>,
      %mul3A_211 = arith.constant 16 : i32
      %mul3A_212 = arith.muli %scan3A_195, %mul3A_211 : i32
      %swap3A_213 = arith.constant 2 : i32
      %swap3A_214 = arith.index_cast %swap3A_213 : i32 to index
      %swap3A_215 = arith.index_cast %mul3A_212 : i32 to index
      %swap3A_216 = tpu.vector_load %arg18[%swap3A_214, %swap3A_215] {strides = array<i32>} : memref<4x1024xf32, #tpu.memory_space<vmem>>, vector<16xf32>,
      tpu.vector_store %arg18[%swap3A_214, %swap3A_215], %broadcast_in_dim3A_198 {strides = array<i32>} : memref<4x1024xf32, #tpu.memory_space<vmem>>, vector<16xf32>,
      %mul3A_217 = arith.constant 16 : i32
      %mul3A_218 = arith.muli %scan3A_195, %mul3A_217 : i32
      %swap3A_219 = arith.constant 3 : i32
      %swap3A_220 = arith.index_cast %swap3A_219 : i32 to index
      %swap3A_221 = arith.index_cast %mul3A_218 : i32 to index
      %swap3A_222 = tpu.vector_load %arg18[%swap3A_220, %swap3A_221] {strides = array<i32>} : memref<4x1024xf32, #tpu.memory_space<vmem>>, vector<16xf32>,
      tpu.vector_store %arg18[%swap3A_220, %swap3A_221], %broadcast_in_dim3A_198 {strides = array<i32>} : memref<4x1024xf32, #tpu.memory_space<vmem>>, vector<16xf32>,
      %scan3A_223 = arith.constant 0 : i32
      scf.yield %scan3A_223 : i32
    }
    %scan3A_39 = arith.constant 64 : i32
    %scan3A_40 = arith.constant 0 : i32
    %scan3A_41 = arith.constant 0 : i32
    %scan3A_42 = arith.constant 16 : i32
    %scan3A_43 = arith.addi %scan3A_41, %scan3A_42 : i32
    %scan3A_44 = arith.constant 1 : i32
    %scan3A_45 = scf.for %scan3A_195 = %scan3A_41 to %scan3A_43 step %scan3A_44 iter_args(%scan3A_196 = %scan3A_40) -> (i32)  : i32 {
      %broadcast_in_dim3A_197 = arith.constant 0.000000e+00 : f32
      %broadcast_in_dim3A_198 = vector.broadcast %broadcast_in_dim3A_197 : f32 to vector<16xf32>
      %mul3A_199 = arith.constant 16 : i32
      %mul3A_200 = arith.muli %scan3A_195, %mul3A_199 : i32
      %swap3A_201 = arith.index_cast %mul3A_200 : i32 to index
      %swap3A_202 = tpu.vector_load %arg16[%swap3A_201] {strides = array<i32>} : memref<256xf32, #tpu.memory_space<vmem>>, vector<16xf32>,
      tpu.vector_store %arg16[%swap3A_201], %broadcast_in_dim3A_198 {strides = array<i32>} : memref<256xf32, #tpu.memory_space<vmem>>, vector<16xf32>,
      %mul3A_203 = arith.constant 16 : i32
      %mul3A_204 = arith.muli %scan3A_195, %mul3A_203 : i32
      %swap3A_205 = arith.index_cast %mul3A_204 : i32 to index
      %swap3A_206 = tpu.vector_load %arg17[%swap3A_205] {strides = array<i32>} : memref<256xf32, #tpu.memory_space<vmem>>, vector<16xf32>,
      tpu.vector_store %arg17[%swap3A_205], %broadcast_in_dim3A_198 {strides = array<i32>} : memref<256xf32, #tpu.memory_space<vmem>>, vector<16xf32>,
      %scan3A_207 = arith.constant 0 : i32
      scf.yield %scan3A_207 : i32
    }
    %scan3A_46 = arith.constant 16 : i32
    %swap3A = arith.constant 0 : i32
    %swap3A_47 = arith.index_cast %swap3A : i32 to index
    %swap3A_48 = arith.constant 0 : index
    %swap3A_49 = tpu.vector_load %arg19[%swap3A_47, %swap3A_48] {strides = array<i32>} : memref<8x16xf32, #tpu.memory_space<vmem>>, vector<16xf32>,
    tpu.vector_store %arg19[%swap3A_47, %swap3A_48], %broadcast_in_dim3A_33 {strides = array<i32>} : memref<8x16xf32, #tpu.memory_space<vmem>>, vector<16xf32>,
    %swap3A_50 = arith.constant 1 : i32
    %swap3A_51 = arith.index_cast %swap3A_50 : i32 to index
    %swap3A_52 = arith.constant 0 : index
    %swap3A_53 = tpu.vector_load %arg19[%swap3A_51, %swap3A_52] {strides = array<i32>} : memref<8x16xf32, #tpu.memory_space<vmem>>, vector<16xf32>,
    tpu.vector_store %arg19[%swap3A_51, %swap3A_52], %broadcast_in_dim3A_33 {strides = array<i32>} : memref<8x16xf32, #tpu.memory_space<vmem>>, vector<16xf32>,
    %swap3A_54 = arith.constant 2 : i32
    %swap3A_55 = arith.index_cast %swap3A_54 : i32 to index
    %swap3A_56 = arith.constant 0 : index
    %swap3A_57 = tpu.vector_load %arg19[%swap3A_55, %swap3A_56] {strides = array<i32>} : memref<8x16xf32, #tpu.memory_space<vmem>>, vector<16xf32>,
    tpu.vector_store %arg19[%swap3A_55, %swap3A_56], %broadcast_in_dim3A_33 {strides = array<i32>} : memref<8x16xf32, #tpu.memory_space<vmem>>, vector<16xf32>,
    %swap3A_58 = arith.constant 3 : i32
    %swap3A_59 = arith.index_cast %swap3A_58 : i32 to index
    %swap3A_60 = arith.constant 0 : index
    %swap3A_61 = tpu.vector_load %arg19[%swap3A_59, %swap3A_60] {strides = array<i32>} : memref<8x16xf32, #tpu.memory_space<vmem>>, vector<16xf32>,
    tpu.vector_store %arg19[%swap3A_59, %swap3A_60], %broadcast_in_dim3A_33 {strides = array<i32>} : memref<8x16xf32, #tpu.memory_space<vmem>>, vector<16xf32>,
    %swap3A_62 = arith.constant 4 : i32
    %swap3A_63 = arith.index_cast %swap3A_62 : i32 to index
    %swap3A_64 = arith.constant 0 : index
    %swap3A_65 = tpu.vector_load %arg19[%swap3A_63, %swap3A_64] {strides = array<i32>} : memref<8x16xf32, #tpu.memory_space<vmem>>, vector<16xf32>,
    tpu.vector_store %arg19[%swap3A_63, %swap3A_64], %broadcast_in_dim3A_33 {strides = array<i32>} : memref<8x16xf32, #tpu.memory_space<vmem>>, vector<16xf32>,
    %swap3A_66 = arith.constant 5 : i32
    %swap3A_67 = arith.index_cast %swap3A_66 : i32 to index
    %swap3A_68 = arith.constant 0 : index
    %swap3A_69 = tpu.vector_load %arg19[%swap3A_67, %swap3A_68] {strides = array<i32>} : memref<8x16xf32, #tpu.memory_space<vmem>>, vector<16xf32>,
    tpu.vector_store %arg19[%swap3A_67, %swap3A_68], %broadcast_in_dim3A_33 {strides = array<i32>} : memref<8x16xf32, #tpu.memory_space<vmem>>, vector<16xf32>,
    %swap3A_70 = arith.constant 6 : i32
    %swap3A_71 = arith.index_cast %swap3A_70 : i32 to index
    %swap3A_72 = arith.constant 0 : index
    %swap3A_73 = tpu.vector_load %arg19[%swap3A_71, %swap3A_72] {strides = array<i32>} : memref<8x16xf32, #tpu.memory_space<vmem>>, vector<16xf32>,
    tpu.vector_store %arg19[%swap3A_71, %swap3A_72], %broadcast_in_dim3A_33 {strides = array<i32>} : memref<8x16xf32, #tpu.memory_space<vmem>>, vector<16xf32>,
    %swap3A_74 = arith.constant 7 : i32
    %swap3A_75 = arith.index_cast %swap3A_74 : i32 to index
    %swap3A_76 = arith.constant 0 : index
    %swap3A_77 = tpu.vector_load %arg19[%swap3A_75, %swap3A_76] {strides = array<i32>} : memref<8x16xf32, #tpu.memory_space<vmem>>, vector<16xf32>,
    tpu.vector_store %arg19[%swap3A_75, %swap3A_76], %broadcast_in_dim3A_33 {strides = array<i32>} : memref<8x16xf32, #tpu.memory_space<vmem>>, vector<16xf32>,
    %get3A = arith.constant 0 : i32
    %get3A_78 = arith.index_cast %get3A : i32 to index
    %get3A_79 = arith.constant 0 : index
    %get3A_80 = tpu.vector_load %arg9[%get3A_78, %get3A_79] {strides = array<i32>} : memref<3x1024xf32, #tpu.memory_space<vmem>>, vector<16xf32>,
    %slice3A = vector.extract_strided_slice %get3A_80 {offsets = [0], sizes = [1], strides = [1]} : vector<16xf32> to vector<1xf32>
    %squeeze3A = vector.extract %slice3A[0] : f32 from vector<1xf32>
    %get3A_81 = arith.constant 1 : i32
    %get3A_82 = arith.index_cast %get3A_81 : i32 to index
    %get3A_83 = arith.constant 0 : index
    %get3A_84 = tpu.vector_load %arg9[%get3A_82, %get3A_83] {strides = array<i32>} : memref<3x1024xf32, #tpu.memory_space<vmem>>, vector<16xf32>,
    %slice3A_85 = vector.extract_strided_slice %get3A_84 {offsets = [0], sizes = [1], strides = [1]} : vector<16xf32> to vector<1xf32>
    %squeeze3A_86 = vector.extract %slice3A_85[0] : f32 from vector<1xf32>
    %get3A_87 = arith.constant 2 : i32
    %get3A_88 = arith.index_cast %get3A_87 : i32 to index
    %get3A_89 = arith.constant 0 : index
    %get3A_90 = tpu.vector_load %arg9[%get3A_88, %get3A_89] {strides = array<i32>} : memref<3x1024xf32, #tpu.memory_space<vmem>>, vector<16xf32>,
    %slice3A_91 = vector.extract_strided_slice %get3A_90 {offsets = [0], sizes = [1], strides = [1]} : vector<16xf32> to vector<1xf32>
    %squeeze3A_92 = vector.extract %slice3A_91[0] : f32 from vector<1xf32>
    %scan3A_93 = arith.constant 0.000000e+00 : f32
    %scan3A_94 = arith.constant 0.000000e+00 : f32
    %scan3A_95 = arith.constant 0.000000e+00 : f32
    %scan3A_96 = arith.constant 0.000000e+00 : f32
    %scan3A_97 = arith.constant 0 : i32
    %scan3A_98 = arith.constant 64 : i32
    %scan3A_99 = arith.addi %scan3A_97, %scan3A_98 : i32
    %scan3A_100 = arith.constant 1 : i32
    %scan3A_101:4 = scf.for %scan3A_195 = %scan3A_97 to %scan3A_99 step %scan3A_100 iter_args(%scan3A_196 = %scan3A_93, %scan3A_197 = %scan3A_94, %scan3A_198 = %scan3A_95, %scan3A_199 = %scan3A_96) -> (f32, f32, f32, f32)  : i32 {
      %mul3A_200 = arith.constant 2 : i32
      %mul3A_201 = arith.muli %mul3A_200, %scan3A_195 : i32
      %get3A_202 = arith.index_cast %mul3A_201 : i32 to index
      %get3A_203 = arith.constant 0 : index
      %get3A_204 = tpu.vector_load %arg10[%get3A_202, %get3A_203] {strides = array<i32>} : memref<128x16xf32, #tpu.memory_space<vmem>>, vector<16xf32>,
      %bitcast3A = vector.bitcast %get3A_204 : vector<16xf32> to vector<16xi32>
      %add3A_205 = arith.constant 32767 : i32
      %add3A_206 = vector.broadcast %add3A_205 : i32 to vector<16xi32>
      %add3A_207 = arith.addi %bitcast3A, %add3A_206 : vector<16xi32>
      %shift_right_arithmetic3A = arith.constant 16 : i32
      %shift_right_arithmetic3A_208 = vector.broadcast %shift_right_arithmetic3A : i32 to vector<16xi32>
      %shift_right_arithmetic3A_209 = arith.shrsi %bitcast3A, %shift_right_arithmetic3A_208 : vector<16xi32>
      %and3A_210 = arith.constant 1 : i32
      %and3A_211 = vector.broadcast %and3A_210 : i32 to vector<16xi32>
      %and3A_212 = arith.andi %shift_right_arithmetic3A_209, %and3A_211 : vector<16xi32>
      %add3A_213 = arith.addi %add3A_207, %and3A_212 : vector<16xi32>
      %and3A_214 = arith.constant -65536 : i32
      %and3A_215 = vector.broadcast %and3A_214 : i32 to vector<16xi32>
      %and3A_216 = arith.andi %add3A_213, %and3A_215 : vector<16xi32>
      %bitcast3A_217 = vector.bitcast %and3A_216 : vector<16xi32> to vector<16xf32>
      %slice3A_218 = vector.extract_strided_slice %bitcast3A_217 {offsets = [0], sizes = [1], strides = [1]} : vector<16xf32> to vector<1xf32>
      %squeeze3A_219 = vector.extract %slice3A_218[0] : f32 from vector<1xf32>
      %slice3A_220 = vector.extract_strided_slice %bitcast3A_217 {offsets = [1], sizes = [1], strides = [1]} : vector<16xf32> to vector<1xf32>
      %squeeze3A_221 = vector.extract %slice3A_220[0] : f32 from vector<1xf32>
      %slice3A_222 = vector.extract_strided_slice %bitcast3A_217 {offsets = [2], sizes = [1], strides = [1]} : vector<16xf32> to vector<1xf32>
      %squeeze3A_223 = vector.extract %slice3A_222[0] : f32 from vector<1xf32>
      %slice3A_224 = vector.extract_strided_slice %bitcast3A_217 {offsets = [3], sizes = [1], strides = [1]} : vector<16xf32> to vector<1xf32>
      %squeeze3A_225 = vector.extract %slice3A_224[0] : f32 from vector<1xf32>
      %slice3A_226 = vector.extract_strided_slice %bitcast3A_217 {offsets = [4], sizes = [1], strides = [1]} : vector<16xf32> to vector<1xf32>
      %squeeze3A_227 = vector.extract %slice3A_226[0] : f32 from vector<1xf32>
      %slice3A_228 = vector.extract_strided_slice %bitcast3A_217 {offsets = [5], sizes = [1], strides = [1]} : vector<16xf32> to vector<1xf32>
      %squeeze3A_229 = vector.extract %slice3A_228[0] : f32 from vector<1xf32>
      %slice3A_230 = vector.extract_strided_slice %bitcast3A_217 {offsets = [6], sizes = [1], strides = [1]} : vector<16xf32> to vector<1xf32>
      %squeeze3A_231 = vector.extract %slice3A_230[0] : f32 from vector<1xf32>
      %slice3A_232 = vector.extract_strided_slice %bitcast3A_217 {offsets = [7], sizes = [1], strides = [1]} : vector<16xf32> to vector<1xf32>
      %squeeze3A_233 = vector.extract %slice3A_232[0] : f32 from vector<1xf32>
      %slice3A_234 = vector.extract_strided_slice %bitcast3A_217 {offsets = [8], sizes = [1], strides = [1]} : vector<16xf32> to vector<1xf32>
      %squeeze3A_235 = vector.extract %slice3A_234[0] : f32 from vector<1xf32>
      %slice3A_236 = vector.extract_strided_slice %get3A_204 {offsets = [12], sizes = [1], strides = [1]} : vector<16xf32> to vector<1xf32>
      %squeeze3A_237 = vector.extract %slice3A_236[0] : f32 from vector<1xf32>
      %slice3A_238 = vector.extract_strided_slice %get3A_204 {offsets = [13], sizes = [1], strides = [1]} : vector<16xf32> to vector<1xf32>
      %squeeze3A_239 = vector.extract %slice3A_238[0] : f32 from vector<1xf32>
      %slice3A_240 = vector.extract_strided_slice %get3A_204 {offsets = [14], sizes = [1], strides = [1]} : vector<16xf32> to vector<1xf32>
      %squeeze3A_241 = vector.extract %slice3A_240[0] : f32 from vector<1xf32>
      %slice3A_242 = vector.extract_strided_slice %get3A_204 {offsets = [2], sizes = [1], strides = [1]} : vector<16xf32> to vector<1xf32>
      %squeeze3A_243 = vector.extract %slice3A_242[0] : f32 from vector<1xf32>
      %broadcast_in_dim3A_244 = arith.constant 0 : i32
      %broadcast_in_dim3A_245 = vector.broadcast %broadcast_in_dim3A_244 : i32 to vector<16xi32>
      %swap3A_246 = arith.constant 0 : index
      %swap3A_247 = tpu.vector_load %arg11[%swap3A_246] {strides = array<i32>} : memref<64xi32, #tpu.memory_space<vmem>>, vector<16xi32>,
      tpu.vector_store %arg11[%swap3A_246], %broadcast_in_dim3A_245 {strides = array<i32>} : memref<64xi32, #tpu.memory_space<vmem>>, vector<16xi32>,
      %swap3A_248 = arith.constant 16 : index
      %swap3A_249 = tpu.vector_load %arg11[%swap3A_248] {strides = array<i32>} : memref<64xi32, #tpu.memory_space<vmem>>, vector<16xi32>,
      tpu.vector_store %arg11[%swap3A_248], %broadcast_in_dim3A_245 {strides = array<i32>} : memref<64xi32, #tpu.memory_space<vmem>>, vector<16xi32>,
      %swap3A_250 = arith.constant 32 : index
      %swap3A_251 = tpu.vector_load %arg11[%swap3A_250] {strides = array<i32>} : memref<64xi32, #tpu.memory_space<vmem>>, vector<16xi32>,
      tpu.vector_store %arg11[%swap3A_250], %broadcast_in_dim3A_245 {strides = array<i32>} : memref<64xi32, #tpu.memory_space<vmem>>, vector<16xi32>,
      %swap3A_252 = arith.constant 48 : index
      %swap3A_253 = tpu.vector_load %arg11[%swap3A_252] {strides = array<i32>} : memref<64xi32, #tpu.memory_space<vmem>>, vector<16xi32>,
      tpu.vector_store %arg11[%swap3A_252], %broadcast_in_dim3A_245 {strides = array<i32>} : memref<64xi32, #tpu.memory_space<vmem>>, vector<16xi32>,
      %broadcast_in_dim3A_254 = arith.constant 0 : i32
      %broadcast_in_dim3A_255 = vector.broadcast %broadcast_in_dim3A_254 : i32 to vector<16xi32>
      %scan3A_256 = arith.constant 0 : i32
      %scan3A_257 = arith.constant 16 : i32
      %scan3A_258 = arith.addi %scan3A_256, %scan3A_257 : i32
      %scan3A_259 = arith.constant 1 : i32
      %scan3A_260 = scf.for %scan3A_987 = %scan3A_256 to %scan3A_258 step %scan3A_259 iter_args(%scan3A_988 = %broadcast_in_dim3A_255) -> (vector<16xi32>)  : i32 {
        %iota3A_989 = tpu.iota {dimensions = array<i32: 0>} : vector<16xi32>
        %mul3A_990 = arith.constant 4 : i32
        %mul3A_991 = arith.muli %scan3A_987, %mul3A_990 : i32
        %add3A_992 = arith.constant 0 : i32
        %add3A_993 = arith.addi %mul3A_991, %add3A_992 : i32
        %mul3A_994 = arith.constant 16 : i32
        %mul3A_995 = arith.muli %add3A_993, %mul3A_994 : i32
        %get3A_996 = arith.constant 0 : i32
        %get3A_997 = arith.index_cast %get3A_996 : i32 to index
        %get3A_998 = arith.index_cast %mul3A_995 : i32 to index
        %get3A_999 = tpu.vector_load %arg9[%get3A_997, %get3A_998] {strides = array<i32>} : memref<3x1024xf32, #tpu.memory_space<vmem>>, vector<16xf32>,
        %mul3A_1000 = arith.constant 16 : i32
        %mul3A_1001 = arith.muli %add3A_993, %mul3A_1000 : i32
        %get3A_1002 = arith.constant 1 : i32
        %get3A_1003 = arith.index_cast %get3A_1002 : i32 to index
        %get3A_1004 = arith.index_cast %mul3A_1001 : i32 to index
        %get3A_1005 = tpu.vector_load %arg9[%get3A_1003, %get3A_1004] {strides = array<i32>} : memref<3x1024xf32, #tpu.memory_space<vmem>>, vector<16xf32>,
        %mul3A_1006 = arith.constant 16 : i32
        %mul3A_1007 = arith.muli %add3A_993, %mul3A_1006 : i32
        %get3A_1008 = arith.constant 2 : i32
        %get3A_1009 = arith.index_cast %get3A_1008 : i32 to index
        %get3A_1010 = arith.index_cast %mul3A_1007 : i32 to index
        %get3A_1011 = tpu.vector_load %arg9[%get3A_1009, %get3A_1010] {strides = array<i32>} : memref<3x1024xf32, #tpu.memory_space<vmem>>, vector<16xf32>,
        %sub3A_1012 = vector.broadcast %squeeze3A_237 : f32 to vector<16xf32>
        %sub3A_1013 = arith.subf %get3A_999, %sub3A_1012 : vector<16xf32>
        %bitcast3A_1014 = vector.bitcast %sub3A_1013 : vector<16xf32> to vector<16xi32>
        %add3A_1015 = arith.constant 32767 : i32
        %add3A_1016 = vector.broadcast %add3A_1015 : i32 to vector<16xi32>
        %add3A_1017 = arith.addi %bitcast3A_1014, %add3A_1016 : vector<16xi32>
        %shift_right_arithmetic3A_1018 = arith.constant 16 : i32
        %shift_right_arithmetic3A_1019 = vector.broadcast %shift_right_arithmetic3A_1018 : i32 to vector<16xi32>
        %shift_right_arithmetic3A_1020 = arith.shrsi %bitcast3A_1014, %shift_right_arithmetic3A_1019 : vector<16xi32>
        %and3A_1021 = arith.constant 1 : i32
        %and3A_1022 = vector.broadcast %and3A_1021 : i32 to vector<16xi32>
        %and3A_1023 = arith.andi %shift_right_arithmetic3A_1020, %and3A_1022 : vector<16xi32>
        %add3A_1024 = arith.addi %add3A_1017, %and3A_1023 : vector<16xi32>
        %and3A_1025 = arith.constant -65536 : i32
        %and3A_1026 = vector.broadcast %and3A_1025 : i32 to vector<16xi32>
        %and3A_1027 = arith.andi %add3A_1024, %and3A_1026 : vector<16xi32>
        %bitcast3A_1028 = vector.bitcast %and3A_1027 : vector<16xi32> to vector<16xf32>
        %sub3A_1029 = vector.broadcast %squeeze3A_239 : f32 to vector<16xf32>
        %sub3A_1030 = arith.subf %get3A_1005, %sub3A_1029 : vector<16xf32>
        %bitcast3A_1031 = vector.bitcast %sub3A_1030 : vector<16xf32> to vector<16xi32>
        %add3A_1032 = arith.constant 32767 : i32
        %add3A_1033 = vector.broadcast %add3A_1032 : i32 to vector<16xi32>
        %add3A_1034 = arith.addi %bitcast3A_1031, %add3A_1033 : vector<16xi32>
        %shift_right_arithmetic3A_1035 = arith.constant 16 : i32
        %shift_right_arithmetic3A_1036 = vector.broadcast %shift_right_arithmetic3A_1035 : i32 to vector<16xi32>
        %shift_right_arithmetic3A_1037 = arith.shrsi %bitcast3A_1031, %shift_right_arithmetic3A_1036 : vector<16xi32>
        %and3A_1038 = arith.constant 1 : i32
        %and3A_1039 = vector.broadcast %and3A_1038 : i32 to vector<16xi32>
        %and3A_1040 = arith.andi %shift_right_arithmetic3A_1037, %and3A_1039 : vector<16xi32>
        %add3A_1041 = arith.addi %add3A_1034, %and3A_1040 : vector<16xi32>
        %and3A_1042 = arith.constant -65536 : i32
        %and3A_1043 = vector.broadcast %and3A_1042 : i32 to vector<16xi32>
        %and3A_1044 = arith.andi %add3A_1041, %and3A_1043 : vector<16xi32>
        %bitcast3A_1045 = vector.bitcast %and3A_1044 : vector<16xi32> to vector<16xf32>
        %sub3A_1046 = vector.broadcast %squeeze3A_241 : f32 to vector<16xf32>
        %sub3A_1047 = arith.subf %get3A_1011, %sub3A_1046 : vector<16xf32>
        %bitcast3A_1048 = vector.bitcast %sub3A_1047 : vector<16xf32> to vector<16xi32>
        %add3A_1049 = arith.constant 32767 : i32
        %add3A_1050 = vector.broadcast %add3A_1049 : i32 to vector<16xi32>
        %add3A_1051 = arith.addi %bitcast3A_1048, %add3A_1050 : vector<16xi32>
        %shift_right_arithmetic3A_1052 = arith.constant 16 : i32
        %shift_right_arithmetic3A_1053 = vector.broadcast %shift_right_arithmetic3A_1052 : i32 to vector<16xi32>
        %shift_right_arithmetic3A_1054 = arith.shrsi %bitcast3A_1048, %shift_right_arithmetic3A_1053 : vector<16xi32>
        %and3A_1055 = arith.constant 1 : i32
        %and3A_1056 = vector.broadcast %and3A_1055 : i32 to vector<16xi32>
        %and3A_1057 = arith.andi %shift_right_arithmetic3A_1054, %and3A_1056 : vector<16xi32>
        %add3A_1058 = arith.addi %add3A_1051, %and3A_1057 : vector<16xi32>
        %and3A_1059 = arith.constant -65536 : i32
        %and3A_1060 = vector.broadcast %and3A_1059 : i32 to vector<16xi32>
        %and3A_1061 = arith.andi %add3A_1058, %and3A_1060 : vector<16xi32>
        %bitcast3A_1062 = vector.bitcast %and3A_1061 : vector<16xi32> to vector<16xf32>
        %mul3A_1063 = vector.broadcast %squeeze3A_219 : f32 to vector<16xf32>
        %mul3A_1064 = arith.mulf %bitcast3A_1028, %mul3A_1063 : vector<16xf32>
        %mul3A_1065 = vector.broadcast %squeeze3A_225 : f32 to vector<16xf32>
        %mul3A_1066 = arith.mulf %bitcast3A_1045, %mul3A_1065 : vector<16xf32>
        %add3A_1067 = arith.addf %mul3A_1064, %mul3A_1066 : vector<16xf32>
        %mul3A_1068 = vector.broadcast %squeeze3A_231 : f32 to vector<16xf32>
        %mul3A_1069 = arith.mulf %bitcast3A_1062, %mul3A_1068 : vector<16xf32>
        %add3A_1070 = arith.addf %add3A_1067, %mul3A_1069 : vector<16xf32>
        %mul3A_1071 = vector.broadcast %squeeze3A_221 : f32 to vector<16xf32>
        %mul3A_1072 = arith.mulf %bitcast3A_1028, %mul3A_1071 : vector<16xf32>
        %mul3A_1073 = vector.broadcast %squeeze3A_227 : f32 to vector<16xf32>
        %mul3A_1074 = arith.mulf %bitcast3A_1045, %mul3A_1073 : vector<16xf32>
        %add3A_1075 = arith.addf %mul3A_1072, %mul3A_1074 : vector<16xf32>
        %mul3A_1076 = vector.broadcast %squeeze3A_233 : f32 to vector<16xf32>
        %mul3A_1077 = arith.mulf %bitcast3A_1062, %mul3A_1076 : vector<16xf32>
        %add3A_1078 = arith.addf %add3A_1075, %mul3A_1077 : vector<16xf32>
        %mul3A_1079 = vector.broadcast %squeeze3A_223 : f32 to vector<16xf32>
        %mul3A_1080 = arith.mulf %bitcast3A_1028, %mul3A_1079 : vector<16xf32>
        %mul3A_1081 = vector.broadcast %squeeze3A_229 : f32 to vector<16xf32>
        %mul3A_1082 = arith.mulf %bitcast3A_1045, %mul3A_1081 : vector<16xf32>
        %add3A_1083 = arith.addf %mul3A_1080, %mul3A_1082 : vector<16xf32>
        %mul3A_1084 = vector.broadcast %squeeze3A_235 : f32 to vector<16xf32>
        %mul3A_1085 = arith.mulf %bitcast3A_1062, %mul3A_1084 : vector<16xf32>
        %add3A_1086 = arith.addf %add3A_1083, %mul3A_1085 : vector<16xf32>
        %mul3A_1087 = arith.mulf %add3A_1078, %add3A_1078 : vector<16xf32>
        %mul3A_1088 = arith.mulf %add3A_1086, %add3A_1086 : vector<16xf32>
        %add3A_1089 = arith.addf %mul3A_1087, %mul3A_1088 : vector<16xf32>
        %lt3A_1090 = vector.broadcast %squeeze3A_243 : f32 to vector<16xf32>
        %lt3A_1091 = arith.cmpf olt, %add3A_1089, %lt3A_1090 : vector<16xf32>
        %gt3A_1092 = arith.constant -2.000000e-02 : f32
        %gt3A_1093 = vector.broadcast %gt3A_1092 : f32 to vector<16xf32>
        %gt3A_1094 = arith.cmpf ogt, %add3A_1070, %gt3A_1093 : vector<16xf32>
        %and3A_1095 = arith.andi %lt3A_1091, %gt3A_1094 : vector<16xi1>
        %lt3A_1096 = arith.constant 4.000000e-02 : f32
        %lt3A_1097 = vector.broadcast %lt3A_1096 : f32 to vector<16xf32>
        %lt3A_1098 = arith.cmpf olt, %add3A_1070, %lt3A_1097 : vector<16xf32>
        %and3A_1099 = arith.andi %and3A_1095, %lt3A_1098 : vector<16xi1>
        %all_reduce_population_count3A = tpu.all_reduce %and3A_1099 {dim = 0 : i64, kind = #tpu.reduction_kind<sum>} : vector<16xi1> -> vector<16xi32>
        %convert_element_type3A_1100 = arith.extui %and3A_1099 : vector<16xi1> to vector<16xi32>
        %broadcast_in_dim3A_1101 = arith.constant true
        %broadcast_in_dim3A_1102 = vector.broadcast %broadcast_in_dim3A_1101 : i1 to vector<16xi1>
        %masked_cumsum3A = tpu.scan <sum>, %convert_element_type3A_1100 masked %broadcast_in_dim3A_1102 : vector<16xi32>, vector<16xi1> -> vector<16xi32>
        %mul3A_1103 = arith.constant 4 : i32
        %mul3A_1104 = arith.muli %scan3A_987, %mul3A_1103 : i32
        %add3A_1105 = arith.constant 1 : i32
        %add3A_1106 = arith.addi %mul3A_1104, %add3A_1105 : i32
        %mul3A_1107 = arith.constant 16 : i32
        %mul3A_1108 = arith.muli %add3A_1106, %mul3A_1107 : i32
        %get3A_1109 = arith.constant 0 : i32
        %get3A_1110 = arith.index_cast %get3A_1109 : i32 to index
        %get3A_1111 = arith.index_cast %mul3A_1108 : i32 to index
        %get3A_1112 = tpu.vector_load %arg9[%get3A_1110, %get3A_1111] {strides = array<i32>} : memref<3x1024xf32, #tpu.memory_space<vmem>>, vector<16xf32>,
        %mul3A_1113 = arith.constant 16 : i32
        %mul3A_1114 = arith.muli %add3A_1106, %mul3A_1113 : i32
        %get3A_1115 = arith.constant 1 : i32
        %get3A_1116 = arith.index_cast %get3A_1115 : i32 to index
        %get3A_1117 = arith.index_cast %mul3A_1114 : i32 to index
        %get3A_1118 = tpu.vector_load %arg9[%get3A_1116, %get3A_1117] {strides = array<i32>} : memref<3x1024xf32, #tpu.memory_space<vmem>>, vector<16xf32>,
        %mul3A_1119 = arith.constant 16 : i32
        %mul3A_1120 = arith.muli %add3A_1106, %mul3A_1119 : i32
        %get3A_1121 = arith.constant 2 : i32
        %get3A_1122 = arith.index_cast %get3A_1121 : i32 to index
        %get3A_1123 = arith.index_cast %mul3A_1120 : i32 to index
        %get3A_1124 = tpu.vector_load %arg9[%get3A_1122, %get3A_1123] {strides = array<i32>} : memref<3x1024xf32, #tpu.memory_space<vmem>>, vector<16xf32>,
        %sub3A_1125 = vector.broadcast %squeeze3A_237 : f32 to vector<16xf32>
        %sub3A_1126 = arith.subf %get3A_1112, %sub3A_1125 : vector<16xf32>
        %bitcast3A_1127 = vector.bitcast %sub3A_1126 : vector<16xf32> to vector<16xi32>
        %add3A_1128 = arith.constant 32767 : i32
        %add3A_1129 = vector.broadcast %add3A_1128 : i32 to vector<16xi32>
        %add3A_1130 = arith.addi %bitcast3A_1127, %add3A_1129 : vector<16xi32>
        %shift_right_arithmetic3A_1131 = arith.constant 16 : i32
        %shift_right_arithmetic3A_1132 = vector.broadcast %shift_right_arithmetic3A_1131 : i32 to vector<16xi32>
        %shift_right_arithmetic3A_1133 = arith.shrsi %bitcast3A_1127, %shift_right_arithmetic3A_1132 : vector<16xi32>
        %and3A_1134 = arith.constant 1 : i32
        %and3A_1135 = vector.broadcast %and3A_1134 : i32 to vector<16xi32>
        %and3A_1136 = arith.andi %shift_right_arithmetic3A_1133, %and3A_1135 : vector<16xi32>
        %add3A_1137 = arith.addi %add3A_1130, %and3A_1136 : vector<16xi32>
        %and3A_1138 = arith.constant -65536 : i32
        %and3A_1139 = vector.broadcast %and3A_1138 : i32 to vector<16xi32>
        %and3A_1140 = arith.andi %add3A_1137, %and3A_1139 : vector<16xi32>
        %bitcast3A_1141 = vector.bitcast %and3A_1140 : vector<16xi32> to vector<16xf32>
        %sub3A_1142 = vector.broadcast %squeeze3A_239 : f32 to vector<16xf32>
        %sub3A_1143 = arith.subf %get3A_1118, %sub3A_1142 : vector<16xf32>
        %bitcast3A_1144 = vector.bitcast %sub3A_1143 : vector<16xf32> to vector<16xi32>
        %add3A_1145 = arith.constant 32767 : i32
        %add3A_1146 = vector.broadcast %add3A_1145 : i32 to vector<16xi32>
        %add3A_1147 = arith.addi %bitcast3A_1144, %add3A_1146 : vector<16xi32>
        %shift_right_arithmetic3A_1148 = arith.constant 16 : i32
        %shift_right_arithmetic3A_1149 = vector.broadcast %shift_right_arithmetic3A_1148 : i32 to vector<16xi32>
        %shift_right_arithmetic3A_1150 = arith.shrsi %bitcast3A_1144, %shift_right_arithmetic3A_1149 : vector<16xi32>
        %and3A_1151 = arith.constant 1 : i32
        %and3A_1152 = vector.broadcast %and3A_1151 : i32 to vector<16xi32>
        %and3A_1153 = arith.andi %shift_right_arithmetic3A_1150, %and3A_1152 : vector<16xi32>
        %add3A_1154 = arith.addi %add3A_1147, %and3A_1153 : vector<16xi32>
        %and3A_1155 = arith.constant -65536 : i32
        %and3A_1156 = vector.broadcast %and3A_1155 : i32 to vector<16xi32>
        %and3A_1157 = arith.andi %add3A_1154, %and3A_1156 : vector<16xi32>
        %bitcast3A_1158 = vector.bitcast %and3A_1157 : vector<16xi32> to vector<16xf32>
        %sub3A_1159 = vector.broadcast %squeeze3A_241 : f32 to vector<16xf32>
        %sub3A_1160 = arith.subf %get3A_1124, %sub3A_1159 : vector<16xf32>
        %bitcast3A_1161 = vector.bitcast %sub3A_1160 : vector<16xf32> to vector<16xi32>
        %add3A_1162 = arith.constant 32767 : i32
        %add3A_1163 = vector.broadcast %add3A_1162 : i32 to vector<16xi32>
        %add3A_1164 = arith.addi %bitcast3A_1161, %add3A_1163 : vector<16xi32>
        %shift_right_arithmetic3A_1165 = arith.constant 16 : i32
        %shift_right_arithmetic3A_1166 = vector.broadcast %shift_right_arithmetic3A_1165 : i32 to vector<16xi32>
        %shift_right_arithmetic3A_1167 = arith.shrsi %bitcast3A_1161, %shift_right_arithmetic3A_1166 : vector<16xi32>
        %and3A_1168 = arith.constant 1 : i32
        %and3A_1169 = vector.broadcast %and3A_1168 : i32 to vector<16xi32>
        %and3A_1170 = arith.andi %shift_right_arithmetic3A_1167, %and3A_1169 : vector<16xi32>
        %add3A_1171 = arith.addi %add3A_1164, %and3A_1170 : vector<16xi32>
        %and3A_1172 = arith.constant -65536 : i32
        %and3A_1173 = vector.broadcast %and3A_1172 : i32 to vector<16xi32>
        %and3A_1174 = arith.andi %add3A_1171, %and3A_1173 : vector<16xi32>
        %bitcast3A_1175 = vector.bitcast %and3A_1174 : vector<16xi32> to vector<16xf32>
        %mul3A_1176 = vector.broadcast %squeeze3A_219 : f32 to vector<16xf32>
        %mul3A_1177 = arith.mulf %bitcast3A_1141, %mul3A_1176 : vector<16xf32>
        %mul3A_1178 = vector.broadcast %squeeze3A_225 : f32 to vector<16xf32>
        %mul3A_1179 = arith.mulf %bitcast3A_1158, %mul3A_1178 : vector<16xf32>
        %add3A_1180 = arith.addf %mul3A_1177, %mul3A_1179 : vector<16xf32>
        %mul3A_1181 = vector.broadcast %squeeze3A_231 : f32 to vector<16xf32>
        %mul3A_1182 = arith.mulf %bitcast3A_1175, %mul3A_1181 : vector<16xf32>
        %add3A_1183 = arith.addf %add3A_1180, %mul3A_1182 : vector<16xf32>
        %mul3A_1184 = vector.broadcast %squeeze3A_221 : f32 to vector<16xf32>
        %mul3A_1185 = arith.mulf %bitcast3A_1141, %mul3A_1184 : vector<16xf32>
        %mul3A_1186 = vector.broadcast %squeeze3A_227 : f32 to vector<16xf32>
        %mul3A_1187 = arith.mulf %bitcast3A_1158, %mul3A_1186 : vector<16xf32>
        %add3A_1188 = arith.addf %mul3A_1185, %mul3A_1187 : vector<16xf32>
        %mul3A_1189 = vector.broadcast %squeeze3A_233 : f32 to vector<16xf32>
        %mul3A_1190 = arith.mulf %bitcast3A_1175, %mul3A_1189 : vector<16xf32>
        %add3A_1191 = arith.addf %add3A_1188, %mul3A_1190 : vector<16xf32>
        %mul3A_1192 = vector.broadcast %squeeze3A_223 : f32 to vector<16xf32>
        %mul3A_1193 = arith.mulf %bitcast3A_1141, %mul3A_1192 : vector<16xf32>
        %mul3A_1194 = vector.broadcast %squeeze3A_229 : f32 to vector<16xf32>
        %mul3A_1195 = arith.mulf %bitcast3A_1158, %mul3A_1194 : vector<16xf32>
        %add3A_1196 = arith.addf %mul3A_1193, %mul3A_1195 : vector<16xf32>
        %mul3A_1197 = vector.broadcast %squeeze3A_235 : f32 to vector<16xf32>
        %mul3A_1198 = arith.mulf %bitcast3A_1175, %mul3A_1197 : vector<16xf32>
        %add3A_1199 = arith.addf %add3A_1196, %mul3A_1198 : vector<16xf32>
        %mul3A_1200 = arith.mulf %add3A_1191, %add3A_1191 : vector<16xf32>
        %mul3A_1201 = arith.mulf %add3A_1199, %add3A_1199 : vector<16xf32>
        %add3A_1202 = arith.addf %mul3A_1200, %mul3A_1201 : vector<16xf32>
        %lt3A_1203 = vector.broadcast %squeeze3A_243 : f32 to vector<16xf32>
        %lt3A_1204 = arith.cmpf olt, %add3A_1202, %lt3A_1203 : vector<16xf32>
        %gt3A_1205 = arith.constant -2.000000e-02 : f32
        %gt3A_1206 = vector.broadcast %gt3A_1205 : f32 to vector<16xf32>
        %gt3A_1207 = arith.cmpf ogt, %add3A_1183, %gt3A_1206 : vector<16xf32>
        %and3A_1208 = arith.andi %lt3A_1204, %gt3A_1207 : vector<16xi1>
        %lt3A_1209 = arith.constant 4.000000e-02 : f32
        %lt3A_1210 = vector.broadcast %lt3A_1209 : f32 to vector<16xf32>
        %lt3A_1211 = arith.cmpf olt, %add3A_1183, %lt3A_1210 : vector<16xf32>
        %and3A_1212 = arith.andi %and3A_1208, %lt3A_1211 : vector<16xi1>
        %all_reduce_population_count3A_1213 = tpu.all_reduce %and3A_1212 {dim = 0 : i64, kind = #tpu.reduction_kind<sum>} : vector<16xi1> -> vector<16xi32>
        %convert_element_type3A_1214 = arith.extui %and3A_1212 : vector<16xi1> to vector<16xi32>
        %broadcast_in_dim3A_1215 = arith.constant true
        %broadcast_in_dim3A_1216 = vector.broadcast %broadcast_in_dim3A_1215 : i1 to vector<16xi1>
        %masked_cumsum3A_1217 = tpu.scan <sum>, %convert_element_type3A_1214 masked %broadcast_in_dim3A_1216 : vector<16xi32>, vector<16xi1> -> vector<16xi32>
        %mul3A_1218 = arith.constant 4 : i32
        %mul3A_1219 = arith.muli %scan3A_987, %mul3A_1218 : i32
        %add3A_1220 = arith.constant 2 : i32
        %add3A_1221 = arith.addi %mul3A_1219, %add3A_1220 : i32
        %mul3A_1222 = arith.constant 16 : i32
        %mul3A_1223 = arith.muli %add3A_1221, %mul3A_1222 : i32
        %get3A_1224 = arith.constant 0 : i32
        %get3A_1225 = arith.index_cast %get3A_1224 : i32 to index
        %get3A_1226 = arith.index_cast %mul3A_1223 : i32 to index
        %get3A_1227 = tpu.vector_load %arg9[%get3A_1225, %get3A_1226] {strides = array<i32>} : memref<3x1024xf32, #tpu.memory_space<vmem>>, vector<16xf32>,
        %mul3A_1228 = arith.constant 16 : i32
        %mul3A_1229 = arith.muli %add3A_1221, %mul3A_1228 : i32
        %get3A_1230 = arith.constant 1 : i32
        %get3A_1231 = arith.index_cast %get3A_1230 : i32 to index
        %get3A_1232 = arith.index_cast %mul3A_1229 : i32 to index
        %get3A_1233 = tpu.vector_load %arg9[%get3A_1231, %get3A_1232] {strides = array<i32>} : memref<3x1024xf32, #tpu.memory_space<vmem>>, vector<16xf32>,
        %mul3A_1234 = arith.constant 16 : i32
        %mul3A_1235 = arith.muli %add3A_1221, %mul3A_1234 : i32
        %get3A_1236 = arith.constant 2 : i32
        %get3A_1237 = arith.index_cast %get3A_1236 : i32 to index
        %get3A_1238 = arith.index_cast %mul3A_1235 : i32 to index
        %get3A_1239 = tpu.vector_load %arg9[%get3A_1237, %get3A_1238] {strides = array<i32>} : memref<3x1024xf32, #tpu.memory_space<vmem>>, vector<16xf32>,
        %sub3A_1240 = vector.broadcast %squeeze3A_237 : f32 to vector<16xf32>
        %sub3A_1241 = arith.subf %get3A_1227, %sub3A_1240 : vector<16xf32>
        %bitcast3A_1242 = vector.bitcast %sub3A_1241 : vector<16xf32> to vector<16xi32>
        %add3A_1243 = arith.constant 32767 : i32
        %add3A_1244 = vector.broadcast %add3A_1243 : i32 to vector<16xi32>
        %add3A_1245 = arith.addi %bitcast3A_1242, %add3A_1244 : vector<16xi32>
        %shift_right_arithmetic3A_1246 = arith.constant 16 : i32
        %shift_right_arithmetic3A_1247 = vector.broadcast %shift_right_arithmetic3A_1246 : i32 to vector<16xi32>
        %shift_right_arithmetic3A_1248 = arith.shrsi %bitcast3A_1242, %shift_right_arithmetic3A_1247 : vector<16xi32>
        %and3A_1249 = arith.constant 1 : i32
        %and3A_1250 = vector.broadcast %and3A_1249 : i32 to vector<16xi32>
        %and3A_1251 = arith.andi %shift_right_arithmetic3A_1248, %and3A_1250 : vector<16xi32>
        %add3A_1252 = arith.addi %add3A_1245, %and3A_1251 : vector<16xi32>
        %and3A_1253 = arith.constant -65536 : i32
        %and3A_1254 = vector.broadcast %and3A_1253 : i32 to vector<16xi32>
        %and3A_1255 = arith.andi %add3A_1252, %and3A_1254 : vector<16xi32>
        %bitcast3A_1256 = vector.bitcast %and3A_1255 : vector<16xi32> to vector<16xf32>
        %sub3A_1257 = vector.broadcast %squeeze3A_239 : f32 to vector<16xf32>
        %sub3A_1258 = arith.subf %get3A_1233, %sub3A_1257 : vector<16xf32>
        %bitcast3A_1259 = vector.bitcast %sub3A_1258 : vector<16xf32> to vector<16xi32>
        %add3A_1260 = arith.constant 32767 : i32
        %add3A_1261 = vector.broadcast %add3A_1260 : i32 to vector<16xi32>
        %add3A_1262 = arith.addi %bitcast3A_1259, %add3A_1261 : vector<16xi32>
        %shift_right_arithmetic3A_1263 = arith.constant 16 : i32
        %shift_right_arithmetic3A_1264 = vector.broadcast %shift_right_arithmetic3A_1263 : i32 to vector<16xi32>
        %shift_right_arithmetic3A_1265 = arith.shrsi %bitcast3A_1259, %shift_right_arithmetic3A_1264 : vector<16xi32>
        %and3A_1266 = arith.constant 1 : i32
        %and3A_1267 = vector.broadcast %and3A_1266 : i32 to vector<16xi32>
        %and3A_1268 = arith.andi %shift_right_arithmetic3A_1265, %and3A_1267 : vector<16xi32>
        %add3A_1269 = arith.addi %add3A_1262, %and3A_1268 : vector<16xi32>
        %and3A_1270 = arith.constant -65536 : i32
        %and3A_1271 = vector.broadcast %and3A_1270 : i32 to vector<16xi32>
        %and3A_1272 = arith.andi %add3A_1269, %and3A_1271 : vector<16xi32>
        %bitcast3A_1273 = vector.bitcast %and3A_1272 : vector<16xi32> to vector<16xf32>
        %sub3A_1274 = vector.broadcast %squeeze3A_241 : f32 to vector<16xf32>
        %sub3A_1275 = arith.subf %get3A_1239, %sub3A_1274 : vector<16xf32>
        %bitcast3A_1276 = vector.bitcast %sub3A_1275 : vector<16xf32> to vector<16xi32>
        %add3A_1277 = arith.constant 32767 : i32
        %add3A_1278 = vector.broadcast %add3A_1277 : i32 to vector<16xi32>
        %add3A_1279 = arith.addi %bitcast3A_1276, %add3A_1278 : vector<16xi32>
        %shift_right_arithmetic3A_1280 = arith.constant 16 : i32
        %shift_right_arithmetic3A_1281 = vector.broadcast %shift_right_arithmetic3A_1280 : i32 to vector<16xi32>
        %shift_right_arithmetic3A_1282 = arith.shrsi %bitcast3A_1276, %shift_right_arithmetic3A_1281 : vector<16xi32>
        %and3A_1283 = arith.constant 1 : i32
        %and3A_1284 = vector.broadcast %and3A_1283 : i32 to vector<16xi32>
        %and3A_1285 = arith.andi %shift_right_arithmetic3A_1282, %and3A_1284 : vector<16xi32>
        %add3A_1286 = arith.addi %add3A_1279, %and3A_1285 : vector<16xi32>
        %and3A_1287 = arith.constant -65536 : i32
        %and3A_1288 = vector.broadcast %and3A_1287 : i32 to vector<16xi32>
        %and3A_1289 = arith.andi %add3A_1286, %and3A_1288 : vector<16xi32>
        %bitcast3A_1290 = vector.bitcast %and3A_1289 : vector<16xi32> to vector<16xf32>
        %mul3A_1291 = vector.broadcast %squeeze3A_219 : f32 to vector<16xf32>
        %mul3A_1292 = arith.mulf %bitcast3A_1256, %mul3A_1291 : vector<16xf32>
        %mul3A_1293 = vector.broadcast %squeeze3A_225 : f32 to vector<16xf32>
        %mul3A_1294 = arith.mulf %bitcast3A_1273, %mul3A_1293 : vector<16xf32>
        %add3A_1295 = arith.addf %mul3A_1292, %mul3A_1294 : vector<16xf32>
        %mul3A_1296 = vector.broadcast %squeeze3A_231 : f32 to vector<16xf32>
        %mul3A_1297 = arith.mulf %bitcast3A_1290, %mul3A_1296 : vector<16xf32>
        %add3A_1298 = arith.addf %add3A_1295, %mul3A_1297 : vector<16xf32>
        %mul3A_1299 = vector.broadcast %squeeze3A_221 : f32 to vector<16xf32>
        %mul3A_1300 = arith.mulf %bitcast3A_1256, %mul3A_1299 : vector<16xf32>
        %mul3A_1301 = vector.broadcast %squeeze3A_227 : f32 to vector<16xf32>
        %mul3A_1302 = arith.mulf %bitcast3A_1273, %mul3A_1301 : vector<16xf32>
        %add3A_1303 = arith.addf %mul3A_1300, %mul3A_1302 : vector<16xf32>
        %mul3A_1304 = vector.broadcast %squeeze3A_233 : f32 to vector<16xf32>
        %mul3A_1305 = arith.mulf %bitcast3A_1290, %mul3A_1304 : vector<16xf32>
        %add3A_1306 = arith.addf %add3A_1303, %mul3A_1305 : vector<16xf32>
        %mul3A_1307 = vector.broadcast %squeeze3A_223 : f32 to vector<16xf32>
        %mul3A_1308 = arith.mulf %bitcast3A_1256, %mul3A_1307 : vector<16xf32>
        %mul3A_1309 = vector.broadcast %squeeze3A_229 : f32 to vector<16xf32>
        %mul3A_1310 = arith.mulf %bitcast3A_1273, %mul3A_1309 : vector<16xf32>
        %add3A_1311 = arith.addf %mul3A_1308, %mul3A_1310 : vector<16xf32>
        %mul3A_1312 = vector.broadcast %squeeze3A_235 : f32 to vector<16xf32>
        %mul3A_1313 = arith.mulf %bitcast3A_1290, %mul3A_1312 : vector<16xf32>
        %add3A_1314 = arith.addf %add3A_1311, %mul3A_1313 : vector<16xf32>
        %mul3A_1315 = arith.mulf %add3A_1306, %add3A_1306 : vector<16xf32>
        %mul3A_1316 = arith.mulf %add3A_1314, %add3A_1314 : vector<16xf32>
        %add3A_1317 = arith.addf %mul3A_1315, %mul3A_1316 : vector<16xf32>
        %lt3A_1318 = vector.broadcast %squeeze3A_243 : f32 to vector<16xf32>
        %lt3A_1319 = arith.cmpf olt, %add3A_1317, %lt3A_1318 : vector<16xf32>
        %gt3A_1320 = arith.constant -2.000000e-02 : f32
        %gt3A_1321 = vector.broadcast %gt3A_1320 : f32 to vector<16xf32>
        %gt3A_1322 = arith.cmpf ogt, %add3A_1298, %gt3A_1321 : vector<16xf32>
        %and3A_1323 = arith.andi %lt3A_1319, %gt3A_1322 : vector<16xi1>
        %lt3A_1324 = arith.constant 4.000000e-02 : f32
        %lt3A_1325 = vector.broadcast %lt3A_1324 : f32 to vector<16xf32>
        %lt3A_1326 = arith.cmpf olt, %add3A_1298, %lt3A_1325 : vector<16xf32>
        %and3A_1327 = arith.andi %and3A_1323, %lt3A_1326 : vector<16xi1>
        %all_reduce_population_count3A_1328 = tpu.all_reduce %and3A_1327 {dim = 0 : i64, kind = #tpu.reduction_kind<sum>} : vector<16xi1> -> vector<16xi32>
        %convert_element_type3A_1329 = arith.extui %and3A_1327 : vector<16xi1> to vector<16xi32>
        %broadcast_in_dim3A_1330 = arith.constant true
        %broadcast_in_dim3A_1331 = vector.broadcast %broadcast_in_dim3A_1330 : i1 to vector<16xi1>
        %masked_cumsum3A_1332 = tpu.scan <sum>, %convert_element_type3A_1329 masked %broadcast_in_dim3A_1331 : vector<16xi32>, vector<16xi1> -> vector<16xi32>
        %mul3A_1333 = arith.constant 4 : i32
        %mul3A_1334 = arith.muli %scan3A_987, %mul3A_1333 : i32
        %add3A_1335 = arith.constant 3 : i32
        %add3A_1336 = arith.addi %mul3A_1334, %add3A_1335 : i32
        %mul3A_1337 = arith.constant 16 : i32
        %mul3A_1338 = arith.muli %add3A_1336, %mul3A_1337 : i32
        %get3A_1339 = arith.constant 0 : i32
        %get3A_1340 = arith.index_cast %get3A_1339 : i32 to index
        %get3A_1341 = arith.index_cast %mul3A_1338 : i32 to index
        %get3A_1342 = tpu.vector_load %arg9[%get3A_1340, %get3A_1341] {strides = array<i32>} : memref<3x1024xf32, #tpu.memory_space<vmem>>, vector<16xf32>,
        %mul3A_1343 = arith.constant 16 : i32
        %mul3A_1344 = arith.muli %add3A_1336, %mul3A_1343 : i32
        %get3A_1345 = arith.constant 1 : i32
        %get3A_1346 = arith.index_cast %get3A_1345 : i32 to index
        %get3A_1347 = arith.index_cast %mul3A_1344 : i32 to index
        %get3A_1348 = tpu.vector_load %arg9[%get3A_1346, %get3A_1347] {strides = array<i32>} : memref<3x1024xf32, #tpu.memory_space<vmem>>, vector<16xf32>,
        %mul3A_1349 = arith.constant 16 : i32
        %mul3A_1350 = arith.muli %add3A_1336, %mul3A_1349 : i32
        %get3A_1351 = arith.constant 2 : i32
        %get3A_1352 = arith.index_cast %get3A_1351 : i32 to index
        %get3A_1353 = arith.index_cast %mul3A_1350 : i32 to index
        %get3A_1354 = tpu.vector_load %arg9[%get3A_1352, %get3A_1353] {strides = array<i32>} : memref<3x1024xf32, #tpu.memory_space<vmem>>, vector<16xf32>,
        %sub3A_1355 = vector.broadcast %squeeze3A_237 : f32 to vector<16xf32>
        %sub3A_1356 = arith.subf %get3A_1342, %sub3A_1355 : vector<16xf32>
        %bitcast3A_1357 = vector.bitcast %sub3A_1356 : vector<16xf32> to vector<16xi32>
        %add3A_1358 = arith.constant 32767 : i32
        %add3A_1359 = vector.broadcast %add3A_1358 : i32 to vector<16xi32>
        %add3A_1360 = arith.addi %bitcast3A_1357, %add3A_1359 : vector<16xi32>
        %shift_right_arithmetic3A_1361 = arith.constant 16 : i32
        %shift_right_arithmetic3A_1362 = vector.broadcast %shift_right_arithmetic3A_1361 : i32 to vector<16xi32>
        %shift_right_arithmetic3A_1363 = arith.shrsi %bitcast3A_1357, %shift_right_arithmetic3A_1362 : vector<16xi32>
        %and3A_1364 = arith.constant 1 : i32
        %and3A_1365 = vector.broadcast %and3A_1364 : i32 to vector<16xi32>
        %and3A_1366 = arith.andi %shift_right_arithmetic3A_1363, %and3A_1365 : vector<16xi32>
        %add3A_1367 = arith.addi %add3A_1360, %and3A_1366 : vector<16xi32>
        %and3A_1368 = arith.constant -65536 : i32
        %and3A_1369 = vector.broadcast %and3A_1368 : i32 to vector<16xi32>
        %and3A_1370 = arith.andi %add3A_1367, %and3A_1369 : vector<16xi32>
        %bitcast3A_1371 = vector.bitcast %and3A_1370 : vector<16xi32> to vector<16xf32>
        %sub3A_1372 = vector.broadcast %squeeze3A_239 : f32 to vector<16xf32>
        %sub3A_1373 = arith.subf %get3A_1348, %sub3A_1372 : vector<16xf32>
        %bitcast3A_1374 = vector.bitcast %sub3A_1373 : vector<16xf32> to vector<16xi32>
        %add3A_1375 = arith.constant 32767 : i32
        %add3A_1376 = vector.broadcast %add3A_1375 : i32 to vector<16xi32>
        %add3A_1377 = arith.addi %bitcast3A_1374, %add3A_1376 : vector<16xi32>
        %shift_right_arithmetic3A_1378 = arith.constant 16 : i32
        %shift_right_arithmetic3A_1379 = vector.broadcast %shift_right_arithmetic3A_1378 : i32 to vector<16xi32>
        %shift_right_arithmetic3A_1380 = arith.shrsi %bitcast3A_1374, %shift_right_arithmetic3A_1379 : vector<16xi32>
        %and3A_1381 = arith.constant 1 : i32
        %and3A_1382 = vector.broadcast %and3A_1381 : i32 to vector<16xi32>
        %and3A_1383 = arith.andi %shift_right_arithmetic3A_1380, %and3A_1382 : vector<16xi32>
        %add3A_1384 = arith.addi %add3A_1377, %and3A_1383 : vector<16xi32>
        %and3A_1385 = arith.constant -65536 : i32
        %and3A_1386 = vector.broadcast %and3A_1385 : i32 to vector<16xi32>
        %and3A_1387 = arith.andi %add3A_1384, %and3A_1386 : vector<16xi32>
        %bitcast3A_1388 = vector.bitcast %and3A_1387 : vector<16xi32> to vector<16xf32>
        %sub3A_1389 = vector.broadcast %squeeze3A_241 : f32 to vector<16xf32>
        %sub3A_1390 = arith.subf %get3A_1354, %sub3A_1389 : vector<16xf32>
        %bitcast3A_1391 = vector.bitcast %sub3A_1390 : vector<16xf32> to vector<16xi32>
        %add3A_1392 = arith.constant 32767 : i32
        %add3A_1393 = vector.broadcast %add3A_1392 : i32 to vector<16xi32>
        %add3A_1394 = arith.addi %bitcast3A_1391, %add3A_1393 : vector<16xi32>
        %shift_right_arithmetic3A_1395 = arith.constant 16 : i32
        %shift_right_arithmetic3A_1396 = vector.broadcast %shift_right_arithmetic3A_1395 : i32 to vector<16xi32>
        %shift_right_arithmetic3A_1397 = arith.shrsi %bitcast3A_1391, %shift_right_arithmetic3A_1396 : vector<16xi32>
        %and3A_1398 = arith.constant 1 : i32
        %and3A_1399 = vector.broadcast %and3A_1398 : i32 to vector<16xi32>
        %and3A_1400 = arith.andi %shift_right_arithmetic3A_1397, %and3A_1399 : vector<16xi32>
        %add3A_1401 = arith.addi %add3A_1394, %and3A_1400 : vector<16xi32>
        %and3A_1402 = arith.constant -65536 : i32
        %and3A_1403 = vector.broadcast %and3A_1402 : i32 to vector<16xi32>
        %and3A_1404 = arith.andi %add3A_1401, %and3A_1403 : vector<16xi32>
        %bitcast3A_1405 = vector.bitcast %and3A_1404 : vector<16xi32> to vector<16xf32>
        %mul3A_1406 = vector.broadcast %squeeze3A_219 : f32 to vector<16xf32>
        %mul3A_1407 = arith.mulf %bitcast3A_1371, %mul3A_1406 : vector<16xf32>
        %mul3A_1408 = vector.broadcast %squeeze3A_225 : f32 to vector<16xf32>
        %mul3A_1409 = arith.mulf %bitcast3A_1388, %mul3A_1408 : vector<16xf32>
        %add3A_1410 = arith.addf %mul3A_1407, %mul3A_1409 : vector<16xf32>
        %mul3A_1411 = vector.broadcast %squeeze3A_231 : f32 to vector<16xf32>
        %mul3A_1412 = arith.mulf %bitcast3A_1405, %mul3A_1411 : vector<16xf32>
        %add3A_1413 = arith.addf %add3A_1410, %mul3A_1412 : vector<16xf32>
        %mul3A_1414 = vector.broadcast %squeeze3A_221 : f32 to vector<16xf32>
        %mul3A_1415 = arith.mulf %bitcast3A_1371, %mul3A_1414 : vector<16xf32>
        %mul3A_1416 = vector.broadcast %squeeze3A_227 : f32 to vector<16xf32>
        %mul3A_1417 = arith.mulf %bitcast3A_1388, %mul3A_1416 : vector<16xf32>
        %add3A_1418 = arith.addf %mul3A_1415, %mul3A_1417 : vector<16xf32>
        %mul3A_1419 = vector.broadcast %squeeze3A_233 : f32 to vector<16xf32>
        %mul3A_1420 = arith.mulf %bitcast3A_1405, %mul3A_1419 : vector<16xf32>
        %add3A_1421 = arith.addf %add3A_1418, %mul3A_1420 : vector<16xf32>
        %mul3A_1422 = vector.broadcast %squeeze3A_223 : f32 to vector<16xf32>
        %mul3A_1423 = arith.mulf %bitcast3A_1371, %mul3A_1422 : vector<16xf32>
        %mul3A_1424 = vector.broadcast %squeeze3A_229 : f32 to vector<16xf32>
        %mul3A_1425 = arith.mulf %bitcast3A_1388, %mul3A_1424 : vector<16xf32>
        %add3A_1426 = arith.addf %mul3A_1423, %mul3A_1425 : vector<16xf32>
        %mul3A_1427 = vector.broadcast %squeeze3A_235 : f32 to vector<16xf32>
        %mul3A_1428 = arith.mulf %bitcast3A_1405, %mul3A_1427 : vector<16xf32>
        %add3A_1429 = arith.addf %add3A_1426, %mul3A_1428 : vector<16xf32>
        %mul3A_1430 = arith.mulf %add3A_1421, %add3A_1421 : vector<16xf32>
        %mul3A_1431 = arith.mulf %add3A_1429, %add3A_1429 : vector<16xf32>
        %add3A_1432 = arith.addf %mul3A_1430, %mul3A_1431 : vector<16xf32>
        %lt3A_1433 = vector.broadcast %squeeze3A_243 : f32 to vector<16xf32>
        %lt3A_1434 = arith.cmpf olt, %add3A_1432, %lt3A_1433 : vector<16xf32>
        %gt3A_1435 = arith.constant -2.000000e-02 : f32
        %gt3A_1436 = vector.broadcast %gt3A_1435 : f32 to vector<16xf32>
        %gt3A_1437 = arith.cmpf ogt, %add3A_1413, %gt3A_1436 : vector<16xf32>
        %and3A_1438 = arith.andi %lt3A_1434, %gt3A_1437 : vector<16xi1>
        %lt3A_1439 = arith.constant 4.000000e-02 : f32
        %lt3A_1440 = vector.broadcast %lt3A_1439 : f32 to vector<16xf32>
        %lt3A_1441 = arith.cmpf olt, %add3A_1413, %lt3A_1440 : vector<16xf32>
        %and3A_1442 = arith.andi %and3A_1438, %lt3A_1441 : vector<16xi1>
        %all_reduce_population_count3A_1443 = tpu.all_reduce %and3A_1442 {dim = 0 : i64, kind = #tpu.reduction_kind<sum>} : vector<16xi1> -> vector<16xi32>
        %convert_element_type3A_1444 = arith.extui %and3A_1442 : vector<16xi1> to vector<16xi32>
        %broadcast_in_dim3A_1445 = arith.constant true
        %broadcast_in_dim3A_1446 = vector.broadcast %broadcast_in_dim3A_1445 : i1 to vector<16xi1>
        %masked_cumsum3A_1447 = tpu.scan <sum>, %convert_element_type3A_1444 masked %broadcast_in_dim3A_1446 : vector<16xi32>, vector<16xi1> -> vector<16xi32>
        %sub3A_1448 = arith.constant 1 : i32
        %sub3A_1449 = vector.broadcast %sub3A_1448 : i32 to vector<16xi32>
        %sub3A_1450 = arith.subi %scan3A_988, %sub3A_1449 : vector<16xi32>
        %add3A_1451 = arith.addi %masked_cumsum3A, %sub3A_1450 : vector<16xi32>
        %mul3A_1452 = arith.constant 4 : i32
        %mul3A_1453 = arith.muli %scan3A_987, %mul3A_1452 : i32
        %add3A_1454 = arith.constant 0 : i32
        %add3A_1455 = arith.addi %mul3A_1453, %add3A_1454 : i32
        %mul3A_1456 = arith.constant 16 : i32
        %mul3A_1457 = arith.muli %add3A_1455, %mul3A_1456 : i32
        %add3A_1458 = vector.broadcast %mul3A_1457 : i32 to vector<16xi32>
        %add3A_1459 = arith.addi %iota3A_989, %add3A_1458 : vector<16xi32>
        %lt3A_1460 = arith.constant 32 : i32
        %lt3A_1461 = vector.broadcast %lt3A_1460 : i32 to vector<16xi32>
        %lt3A_1462 = arith.cmpi slt, %add3A_1451, %lt3A_1461 : vector<16xi32>
        %and3A_1463 = arith.andi %and3A_1099, %lt3A_1462 : vector<16xi1>
        tpu.vector_store_idx %arg11[%add3A_1451], %add3A_1459 masked %and3A_1463 : memref<64xi32, #tpu.memory_space<vmem>>[vector<16xi32>], vector<16xi32>, vector<16xi1>
        %add3A_1464 = arith.addi %scan3A_988, %all_reduce_population_count3A : vector<16xi32>
        %sub3A_1465 = arith.constant 1 : i32
        %sub3A_1466 = vector.broadcast %sub3A_1465 : i32 to vector<16xi32>
        %sub3A_1467 = arith.subi %add3A_1464, %sub3A_1466 : vector<16xi32>
        %add3A_1468 = arith.addi %masked_cumsum3A_1217, %sub3A_1467 : vector<16xi32>
        %mul3A_1469 = arith.constant 4 : i32
        %mul3A_1470 = arith.muli %scan3A_987, %mul3A_1469 : i32
        %add3A_1471 = arith.constant 1 : i32
        %add3A_1472 = arith.addi %mul3A_1470, %add3A_1471 : i32
        %mul3A_1473 = arith.constant 16 : i32
        %mul3A_1474 = arith.muli %add3A_1472, %mul3A_1473 : i32
        %add3A_1475 = vector.broadcast %mul3A_1474 : i32 to vector<16xi32>
        %add3A_1476 = arith.addi %iota3A_989, %add3A_1475 : vector<16xi32>
        %lt3A_1477 = arith.constant 32 : i32
        %lt3A_1478 = vector.broadcast %lt3A_1477 : i32 to vector<16xi32>
        %lt3A_1479 = arith.cmpi slt, %add3A_1468, %lt3A_1478 : vector<16xi32>
        %and3A_1480 = arith.andi %and3A_1212, %lt3A_1479 : vector<16xi1>
        tpu.vector_store_idx %arg11[%add3A_1468], %add3A_1476 masked %and3A_1480 : memref<64xi32, #tpu.memory_space<vmem>>[vector<16xi32>], vector<16xi32>, vector<16xi1>
        %add3A_1481 = arith.addi %add3A_1464, %all_reduce_population_count3A_1213 : vector<16xi32>
        %sub3A_1482 = arith.constant 1 : i32
        %sub3A_1483 = vector.broadcast %sub3A_1482 : i32 to vector<16xi32>
        %sub3A_1484 = arith.subi %add3A_1481, %sub3A_1483 : vector<16xi32>
        %add3A_1485 = arith.addi %masked_cumsum3A_1332, %sub3A_1484 : vector<16xi32>
        %mul3A_1486 = arith.constant 4 : i32
        %mul3A_1487 = arith.muli %scan3A_987, %mul3A_1486 : i32
        %add3A_1488 = arith.constant 2 : i32
        %add3A_1489 = arith.addi %mul3A_1487, %add3A_1488 : i32
        %mul3A_1490 = arith.constant 16 : i32
        %mul3A_1491 = arith.muli %add3A_1489, %mul3A_1490 : i32
        %add3A_1492 = vector.broadcast %mul3A_1491 : i32 to vector<16xi32>
        %add3A_1493 = arith.addi %iota3A_989, %add3A_1492 : vector<16xi32>
        %lt3A_1494 = arith.constant 32 : i32
        %lt3A_1495 = vector.broadcast %lt3A_1494 : i32 to vector<16xi32>
        %lt3A_1496 = arith.cmpi slt, %add3A_1485, %lt3A_1495 : vector<16xi32>
        %and3A_1497 = arith.andi %and3A_1327, %lt3A_1496 : vector<16xi1>
        tpu.vector_store_idx %arg11[%add3A_1485], %add3A_1493 masked %and3A_1497 : memref<64xi32, #tpu.memory_space<vmem>>[vector<16xi32>], vector<16xi32>, vector<16xi1>
        %add3A_1498 = arith.addi %add3A_1481, %all_reduce_population_count3A_1328 : vector<16xi32>
        %sub3A_1499 = arith.constant 1 : i32
        %sub3A_1500 = vector.broadcast %sub3A_1499 : i32 to vector<16xi32>
        %sub3A_1501 = arith.subi %add3A_1498, %sub3A_1500 : vector<16xi32>
        %add3A_1502 = arith.addi %masked_cumsum3A_1447, %sub3A_1501 : vector<16xi32>
        %mul3A_1503 = arith.constant 4 : i32
        %mul3A_1504 = arith.muli %scan3A_987, %mul3A_1503 : i32
        %add3A_1505 = arith.constant 3 : i32
        %add3A_1506 = arith.addi %mul3A_1504, %add3A_1505 : i32
        %mul3A_1507 = arith.constant 16 : i32
        %mul3A_1508 = arith.muli %add3A_1506, %mul3A_1507 : i32
        %add3A_1509 = vector.broadcast %mul3A_1508 : i32 to vector<16xi32>
        %add3A_1510 = arith.addi %iota3A_989, %add3A_1509 : vector<16xi32>
        %lt3A_1511 = arith.constant 32 : i32
        %lt3A_1512 = vector.broadcast %lt3A_1511 : i32 to vector<16xi32>
        %lt3A_1513 = arith.cmpi slt, %add3A_1502, %lt3A_1512 : vector<16xi32>
        %and3A_1514 = arith.andi %and3A_1442, %lt3A_1513 : vector<16xi1>
        tpu.vector_store_idx %arg11[%add3A_1502], %add3A_1510 masked %and3A_1514 : memref<64xi32, #tpu.memory_space<vmem>>[vector<16xi32>], vector<16xi32>, vector<16xi1>
        %add3A_1515 = arith.addi %add3A_1498, %all_reduce_population_count3A_1443 : vector<16xi32>
        scf.yield %add3A_1515 : vector<16xi32>
      }
      %scan3A_261 = arith.constant 16 : i32
      %slice3A_262 = vector.extract_strided_slice %scan3A_260 {offsets = [0], sizes = [1], strides = [1]} : vector<16xi32> to vector<1xi32>
      %squeeze3A_263 = vector.extract %slice3A_262[0] : i32 from vector<1xi32>
      %min3A = arith.constant 32 : i32
      %min3A_264 = arith.minsi %squeeze3A_263, %min3A : i32
      %sub3A_265 = arith.subf %squeeze3A, %squeeze3A_237 : f32
      %sub3A_266 = arith.subf %squeeze3A_86, %squeeze3A_239 : f32
      %sub3A_267 = arith.subf %squeeze3A_92, %squeeze3A_241 : f32
      %mul3A_268 = arith.mulf %sub3A_265, %squeeze3A_219 : f32
      %mul3A_269 = arith.mulf %sub3A_266, %squeeze3A_225 : f32
      %add3A_270 = arith.addf %mul3A_268, %mul3A_269 : f32
      %mul3A_271 = arith.mulf %sub3A_267, %squeeze3A_231 : f32
      %add3A_272 = arith.addf %add3A_270, %mul3A_271 : f32
      %mul3A_273 = arith.mulf %sub3A_265, %squeeze3A_221 : f32
      %mul3A_274 = arith.mulf %sub3A_266, %squeeze3A_227 : f32
      %add3A_275 = arith.addf %mul3A_273, %mul3A_274 : f32
      %mul3A_276 = arith.mulf %sub3A_267, %squeeze3A_233 : f32
      %add3A_277 = arith.addf %add3A_275, %mul3A_276 : f32
      %mul3A_278 = arith.mulf %sub3A_265, %squeeze3A_223 : f32
      %mul3A_279 = arith.mulf %sub3A_266, %squeeze3A_229 : f32
      %add3A_280 = arith.addf %mul3A_278, %mul3A_279 : f32
      %mul3A_281 = arith.mulf %sub3A_267, %squeeze3A_235 : f32
      %add3A_282 = arith.addf %add3A_280, %mul3A_281 : f32
      %sub3A_283 = arith.constant 32 : i32
      %sub3A_284 = arith.subi %sub3A_283, %min3A_264 : i32
      %convert_element_type3A = arith.sitofp %sub3A_284 : i32 to f32
      %add3A_285 = arith.addf %scan3A_196, %convert_element_type3A : f32
      %mul3A_286 = arith.mulf %convert_element_type3A, %add3A_272 : f32
      %add3A_287 = arith.addf %scan3A_197, %mul3A_286 : f32
      %mul3A_288 = arith.mulf %convert_element_type3A, %add3A_277 : f32
      %add3A_289 = arith.addf %scan3A_198, %mul3A_288 : f32
      %mul3A_290 = arith.mulf %convert_element_type3A, %add3A_282 : f32
      %add3A_291 = arith.addf %scan3A_199, %mul3A_290 : f32
      %gt3A = arith.constant 0 : i32
      %gt3A_292 = arith.cmpi sgt, %scan3A_195, %gt3A : i32
      %convert_element_type3A_293 = arith.extui %gt3A_292 : i1 to i32
      %cond3A = arith.constant 0 : i32
      %cond3A_294 = arith.cmpi ne, %convert_element_type3A_293, %cond3A : i32
      scf.if %cond3A_294 {
        %dma_wait3A_987 = arith.constant 0 : i32
        %dma_wait3A_988 = arith.constant 0 : i32
        %dma_wait3A_989 = tpu.memref_slice %arg5[%dma_wait3A_987, %dma_wait3A_988] : memref<131072x256xf32, #tpu.memory_space<hbm>> -> memref<32x256xf32, #tpu.memory_space<hbm>>
        %dma_wait3A_990 = arith.constant 0 : i32
        %dma_wait3A_991 = arith.constant 0 : i32
        %dma_wait3A_992 = tpu.memref_slice %arg5[%dma_wait3A_990, %dma_wait3A_991] : memref<131072x256xf32, #tpu.memory_space<hbm>> -> memref<32x256xf32, #tpu.memory_space<hbm>>
        tpu.wait_dma2 semaphore(%arg22 : memref<!tpu.dma_semaphore, #tpu.memory_space<semaphore_mem>>) src(%arg14 : memref<32x256xf32, #tpu.memory_space<vmem>>) dst(%dma_wait3A_992 : memref<32x256xf32, #tpu.memory_space<hbm>>)
        %dma_wait3A_993 = arith.constant 0 : i32
        %dma_wait3A_994 = arith.constant 0 : i32
        %dma_wait3A_995 = tpu.memref_slice %arg6[%dma_wait3A_993, %dma_wait3A_994] : memref<4096x256xf32, #tpu.memory_space<hbm>> -> memref<1x256xf32, #tpu.memory_space<hbm>>
        %dma_wait3A_996 = tpu.memref_squeeze %dma_wait3A_995 : memref<1x256xf32, #tpu.memory_space<hbm>> -> memref<256xf32, #tpu.memory_space<hbm>>
        %dma_wait3A_997 = arith.constant 0 : i32
        %dma_wait3A_998 = tpu.memref_slice %arg6[%dma_wait3A_993, %dma_wait3A_997] : memref<4096x256xf32, #tpu.memory_space<hbm>> -> memref<1x256xf32, #tpu.memory_space<hbm>>
        %dma_wait3A_999 = tpu.memref_squeeze %dma_wait3A_998 : memref<1x256xf32, #tpu.memory_space<hbm>> -> memref<256xf32, #tpu.memory_space<hbm>>
        tpu.wait_dma2 semaphore(%arg22 : memref<!tpu.dma_semaphore, #tpu.memory_space<semaphore_mem>>) src(%arg16 : memref<256xf32, #tpu.memory_space<vmem>>) dst(%dma_wait3A_999 : memref<256xf32, #tpu.memory_space<hbm>>)
      } else {
      }
      %iota3A_295 = tpu.iota {dimensions = array<i32: 0>} : vector<16xi32>
      %broadcast_in_dim3A_296 = arith.constant 1.000000e+00 : f32
      %broadcast_in_dim3A_297 = vector.broadcast %broadcast_in_dim3A_296 : f32 to vector<16xf32>
      %broadcast_in_dim3A_298 = arith.constant 0 : i32
      %broadcast_in_dim3A_299 = vector.broadcast %broadcast_in_dim3A_298 : i32 to vector<16xi32>
      %get3A_300 = arith.constant 0 : index
      %get3A_301 = tpu.vector_load %arg11[%get3A_300] {strides = array<i32>} : memref<64xi32, #tpu.memory_space<vmem>>, vector<16xi32>,
      %add3A_302 = arith.constant 0 : i32
      %add3A_303 = vector.broadcast %add3A_302 : i32 to vector<16xi32>
      %add3A_304 = arith.addi %iota3A_295, %add3A_303 : vector<16xi32>
      %lt3A_305 = vector.broadcast %min3A_264 : i32 to vector<16xi32>
      %lt3A_306 = arith.cmpi slt, %add3A_304, %lt3A_305 : vector<16xi32>
      %gather3A = tpu.vector_load_idx %arg9[%broadcast_in_dim3A_299, %get3A_301] : memref<3x1024xf32, #tpu.memory_space<vmem>>[vector<16xi32>, vector<16xi32>], vector<16xf32>,
      %add3A_307 = arith.constant 1 : i32
      %add3A_308 = vector.broadcast %add3A_307 : i32 to vector<16xi32>
      %add3A_309 = arith.addi %broadcast_in_dim3A_299, %add3A_308 : vector<16xi32>
      %gather3A_310 = tpu.vector_load_idx %arg9[%add3A_309, %get3A_301] : memref<3x1024xf32, #tpu.memory_space<vmem>>[vector<16xi32>, vector<16xi32>], vector<16xf32>,
      %add3A_311 = arith.constant 2 : i32
      %add3A_312 = vector.broadcast %add3A_311 : i32 to vector<16xi32>
      %add3A_313 = arith.addi %broadcast_in_dim3A_299, %add3A_312 : vector<16xi32>
      %gather3A_314 = tpu.vector_load_idx %arg9[%add3A_313, %get3A_301] : memref<3x1024xf32, #tpu.memory_space<vmem>>[vector<16xi32>, vector<16xi32>], vector<16xf32>,
      %sub3A_315 = vector.broadcast %squeeze3A_237 : f32 to vector<16xf32>
      %sub3A_316 = arith.subf %gather3A, %sub3A_315 : vector<16xf32>
      %sub3A_317 = vector.broadcast %squeeze3A_239 : f32 to vector<16xf32>
      %sub3A_318 = arith.subf %gather3A_310, %sub3A_317 : vector<16xf32>
      %sub3A_319 = vector.broadcast %squeeze3A_241 : f32 to vector<16xf32>
      %sub3A_320 = arith.subf %gather3A_314, %sub3A_319 : vector<16xf32>
      %mul3A_321 = vector.broadcast %squeeze3A_219 : f32 to vector<16xf32>
      %mul3A_322 = arith.mulf %sub3A_316, %mul3A_321 : vector<16xf32>
      %mul3A_323 = vector.broadcast %squeeze3A_225 : f32 to vector<16xf32>
      %mul3A_324 = arith.mulf %sub3A_318, %mul3A_323 : vector<16xf32>
      %add3A_325 = arith.addf %mul3A_322, %mul3A_324 : vector<16xf32>
      %mul3A_326 = vector.broadcast %squeeze3A_231 : f32 to vector<16xf32>
      %mul3A_327 = arith.mulf %sub3A_320, %mul3A_326 : vector<16xf32>
      %add3A_328 = arith.addf %add3A_325, %mul3A_327 : vector<16xf32>
      %mul3A_329 = vector.broadcast %squeeze3A_221 : f32 to vector<16xf32>
      %mul3A_330 = arith.mulf %sub3A_316, %mul3A_329 : vector<16xf32>
      %mul3A_331 = vector.broadcast %squeeze3A_227 : f32 to vector<16xf32>
      %mul3A_332 = arith.mulf %sub3A_318, %mul3A_331 : vector<16xf32>
      %add3A_333 = arith.addf %mul3A_330, %mul3A_332 : vector<16xf32>
      %mul3A_334 = vector.broadcast %squeeze3A_233 : f32 to vector<16xf32>
      %mul3A_335 = arith.mulf %sub3A_320, %mul3A_334 : vector<16xf32>
      %add3A_336 = arith.addf %add3A_333, %mul3A_335 : vector<16xf32>
      %mul3A_337 = vector.broadcast %squeeze3A_223 : f32 to vector<16xf32>
      %mul3A_338 = arith.mulf %sub3A_316, %mul3A_337 : vector<16xf32>
      %mul3A_339 = vector.broadcast %squeeze3A_229 : f32 to vector<16xf32>
      %mul3A_340 = arith.mulf %sub3A_318, %mul3A_339 : vector<16xf32>
      %add3A_341 = arith.addf %mul3A_338, %mul3A_340 : vector<16xf32>
      %mul3A_342 = vector.broadcast %squeeze3A_235 : f32 to vector<16xf32>
      %mul3A_343 = arith.mulf %sub3A_320, %mul3A_342 : vector<16xf32>
      %add3A_344 = arith.addf %add3A_341, %mul3A_343 : vector<16xf32>
      %mul3A_345 = arith.constant 8 : i32
      %mul3A_346 = vector.broadcast %mul3A_345 : i32 to vector<16xi32>
      %mul3A_347 = arith.muli %add3A_304, %mul3A_346 : vector<16xi32>
      tpu.vector_store_idx %arg16[%mul3A_347], %add3A_328 : memref<256xf32, #tpu.memory_space<vmem>>[vector<16xi32>], vector<16xf32>,
      %mul3A_348 = arith.constant 8 : i32
      %mul3A_349 = vector.broadcast %mul3A_348 : i32 to vector<16xi32>
      %mul3A_350 = arith.muli %add3A_304, %mul3A_349 : vector<16xi32>
      %add3A_351 = arith.constant 1 : i32
      %add3A_352 = vector.broadcast %add3A_351 : i32 to vector<16xi32>
      %add3A_353 = arith.addi %mul3A_350, %add3A_352 : vector<16xi32>
      tpu.vector_store_idx %arg16[%add3A_353], %add3A_336 : memref<256xf32, #tpu.memory_space<vmem>>[vector<16xi32>], vector<16xf32>,
      %mul3A_354 = arith.constant 8 : i32
      %mul3A_355 = vector.broadcast %mul3A_354 : i32 to vector<16xi32>
      %mul3A_356 = arith.muli %add3A_304, %mul3A_355 : vector<16xi32>
      %add3A_357 = arith.constant 2 : i32
      %add3A_358 = vector.broadcast %add3A_357 : i32 to vector<16xi32>
      %add3A_359 = arith.addi %mul3A_356, %add3A_358 : vector<16xi32>
      tpu.vector_store_idx %arg16[%add3A_359], %add3A_344 : memref<256xf32, #tpu.memory_space<vmem>>[vector<16xi32>], vector<16xf32>,
      tpu.vector_store_idx %arg18[%broadcast_in_dim3A_299, %get3A_301], %broadcast_in_dim3A_297 masked %lt3A_306 {add = true} : memref<4x1024xf32, #tpu.memory_space<vmem>>[vector<16xi32>, vector<16xi32>], vector<16xf32>, vector<16xi1>
      %add3A_360 = arith.constant 1 : i32
      %add3A_361 = vector.broadcast %add3A_360 : i32 to vector<16xi32>
      %add3A_362 = arith.addi %broadcast_in_dim3A_299, %add3A_361 : vector<16xi32>
      tpu.vector_store_idx %arg18[%add3A_362, %get3A_301], %add3A_328 masked %lt3A_306 {add = true} : memref<4x1024xf32, #tpu.memory_space<vmem>>[vector<16xi32>, vector<16xi32>], vector<16xf32>, vector<16xi1>
      %add3A_363 = arith.constant 2 : i32
      %add3A_364 = vector.broadcast %add3A_363 : i32 to vector<16xi32>
      %add3A_365 = arith.addi %broadcast_in_dim3A_299, %add3A_364 : vector<16xi32>
      tpu.vector_store_idx %arg18[%add3A_365, %get3A_301], %add3A_336 masked %lt3A_306 {add = true} : memref<4x1024xf32, #tpu.memory_space<vmem>>[vector<16xi32>, vector<16xi32>], vector<16xf32>, vector<16xi1>
      %add3A_366 = arith.constant 3 : i32
      %add3A_367 = vector.broadcast %add3A_366 : i32 to vector<16xi32>
      %add3A_368 = arith.addi %broadcast_in_dim3A_299, %add3A_367 : vector<16xi32>
      tpu.vector_store_idx %arg18[%add3A_368, %get3A_301], %add3A_344 masked %lt3A_306 {add = true} : memref<4x1024xf32, #tpu.memory_space<vmem>>[vector<16xi32>, vector<16xi32>], vector<16xf32>, vector<16xi1>
      %get3A_369 = arith.constant 0 : i32
      %get3A_370 = arith.index_cast %get3A_369 : i32 to index
      %get3A_371 = arith.constant 0 : index
      %get3A_372 = tpu.vector_load %arg19[%get3A_370, %get3A_371] {strides = array<i32>} : memref<8x16xf32, #tpu.memory_space<vmem>>, vector<16xf32>,
      %mul3A_373 = arith.mulf %add3A_328, %add3A_328 : vector<16xf32>
      %add3A_374 = arith.addf %get3A_372, %mul3A_373 : vector<16xf32>
      %swap3A_375 = arith.constant 0 : i32
      %swap3A_376 = arith.index_cast %swap3A_375 : i32 to index
      %swap3A_377 = arith.constant 0 : index
      %swap3A_378 = tpu.vector_load %arg19[%swap3A_376, %swap3A_377] {strides = array<i32>} : memref<8x16xf32, #tpu.memory_space<vmem>>, vector<16xf32>,
      tpu.vector_store %arg19[%swap3A_376, %swap3A_377], %add3A_374 {strides = array<i32>} : memref<8x16xf32, #tpu.memory_space<vmem>>, vector<16xf32>,
      %get3A_379 = arith.constant 1 : i32
      %get3A_380 = arith.index_cast %get3A_379 : i32 to index
      %get3A_381 = arith.constant 0 : index
      %get3A_382 = tpu.vector_load %arg19[%get3A_380, %get3A_381] {strides = array<i32>} : memref<8x16xf32, #tpu.memory_space<vmem>>, vector<16xf32>,
      %mul3A_383 = arith.mulf %add3A_336, %add3A_336 : vector<16xf32>
      %add3A_384 = arith.addf %get3A_382, %mul3A_383 : vector<16xf32>
      %swap3A_385 = arith.constant 1 : i32
      %swap3A_386 = arith.index_cast %swap3A_385 : i32 to index
      %swap3A_387 = arith.constant 0 : index
      %swap3A_388 = tpu.vector_load %arg19[%swap3A_386, %swap3A_387] {strides = array<i32>} : memref<8x16xf32, #tpu.memory_space<vmem>>, vector<16xf32>,
      tpu.vector_store %arg19[%swap3A_386, %swap3A_387], %add3A_384 {strides = array<i32>} : memref<8x16xf32, #tpu.memory_space<vmem>>, vector<16xf32>,
      %get3A_389 = arith.constant 2 : i32
      %get3A_390 = arith.index_cast %get3A_389 : i32 to index
      %get3A_391 = arith.constant 0 : index
      %get3A_392 = tpu.vector_load %arg19[%get3A_390, %get3A_391] {strides = array<i32>} : memref<8x16xf32, #tpu.memory_space<vmem>>, vector<16xf32>,
      %mul3A_393 = arith.mulf %add3A_344, %add3A_344 : vector<16xf32>
      %add3A_394 = arith.addf %get3A_392, %mul3A_393 : vector<16xf32>
      %swap3A_395 = arith.constant 2 : i32
      %swap3A_396 = arith.index_cast %swap3A_395 : i32 to index
      %swap3A_397 = arith.constant 0 : index
      %swap3A_398 = tpu.vector_load %arg19[%swap3A_396, %swap3A_397] {strides = array<i32>} : memref<8x16xf32, #tpu.memory_space<vmem>>, vector<16xf32>,
      tpu.vector_store %arg19[%swap3A_396, %swap3A_397], %add3A_394 {strides = array<i32>} : memref<8x16xf32, #tpu.memory_space<vmem>>, vector<16xf32>,
      %get3A_399 = arith.constant 3 : i32
      %get3A_400 = arith.index_cast %get3A_399 : i32 to index
      %get3A_401 = arith.constant 0 : index
      %get3A_402 = tpu.vector_load %arg19[%get3A_400, %get3A_401] {strides = array<i32>} : memref<8x16xf32, #tpu.memory_space<vmem>>, vector<16xf32>,
      %mul3A_403 = arith.mulf %add3A_328, %add3A_336 : vector<16xf32>
      %add3A_404 = arith.addf %get3A_402, %mul3A_403 : vector<16xf32>
      %swap3A_405 = arith.constant 3 : i32
      %swap3A_406 = arith.index_cast %swap3A_405 : i32 to index
      %swap3A_407 = arith.constant 0 : index
      %swap3A_408 = tpu.vector_load %arg19[%swap3A_406, %swap3A_407] {strides = array<i32>} : memref<8x16xf32, #tpu.memory_space<vmem>>, vector<16xf32>,
      tpu.vector_store %arg19[%swap3A_406, %swap3A_407], %add3A_404 {strides = array<i32>} : memref<8x16xf32, #tpu.memory_space<vmem>>, vector<16xf32>,
      %get3A_409 = arith.constant 4 : i32
      %get3A_410 = arith.index_cast %get3A_409 : i32 to index
      %get3A_411 = arith.constant 0 : index
      %get3A_412 = tpu.vector_load %arg19[%get3A_410, %get3A_411] {strides = array<i32>} : memref<8x16xf32, #tpu.memory_space<vmem>>, vector<16xf32>,
      %mul3A_413 = arith.mulf %add3A_328, %add3A_344 : vector<16xf32>
      %add3A_414 = arith.addf %get3A_412, %mul3A_413 : vector<16xf32>
      %swap3A_415 = arith.constant 4 : i32
      %swap3A_416 = arith.index_cast %swap3A_415 : i32 to index
      %swap3A_417 = arith.constant 0 : index
      %swap3A_418 = tpu.vector_load %arg19[%swap3A_416, %swap3A_417] {strides = array<i32>} : memref<8x16xf32, #tpu.memory_space<vmem>>, vector<16xf32>,
      tpu.vector_store %arg19[%swap3A_416, %swap3A_417], %add3A_414 {strides = array<i32>} : memref<8x16xf32, #tpu.memory_space<vmem>>, vector<16xf32>,
      %get3A_419 = arith.constant 5 : i32
      %get3A_420 = arith.index_cast %get3A_419 : i32 to index
      %get3A_421 = arith.constant 0 : index
      %get3A_422 = tpu.vector_load %arg19[%get3A_420, %get3A_421] {strides = array<i32>} : memref<8x16xf32, #tpu.memory_space<vmem>>, vector<16xf32>,
      %mul3A_423 = arith.mulf %add3A_336, %add3A_344 : vector<16xf32>
      %add3A_424 = arith.addf %get3A_422, %mul3A_423 : vector<16xf32>
      %swap3A_425 = arith.constant 5 : i32
      %swap3A_426 = arith.index_cast %swap3A_425 : i32 to index
      %swap3A_427 = arith.constant 0 : index
      %swap3A_428 = tpu.vector_load %arg19[%swap3A_426, %swap3A_427] {strides = array<i32>} : memref<8x16xf32, #tpu.memory_space<vmem>>, vector<16xf32>,
      tpu.vector_store %arg19[%swap3A_426, %swap3A_427], %add3A_424 {strides = array<i32>} : memref<8x16xf32, #tpu.memory_space<vmem>>, vector<16xf32>,
      %mul3A_429 = arith.constant 1024 : i32
      %mul3A_430 = arith.muli %select_n3A, %mul3A_429 : i32
      %add3A_431 = vector.broadcast %mul3A_430 : i32 to vector<16xi32>
      %add3A_432 = arith.addi %get3A_301, %add3A_431 : vector<16xi32>
      %swap3A_433 = arith.constant 0 : index
      %swap3A_434 = tpu.vector_load %arg12[%swap3A_433] {strides = array<i32>} : memref<32xi32, #tpu.memory_space<vmem>>, vector<16xi32>,
      tpu.vector_store %arg12[%swap3A_433], %add3A_432 {strides = array<i32>} : memref<32xi32, #tpu.memory_space<vmem>>, vector<16xi32>,
      %get3A_435 = arith.constant 16 : index
      %get3A_436 = tpu.vector_load %arg11[%get3A_435] {strides = array<i32>} : memref<64xi32, #tpu.memory_space<vmem>>, vector<16xi32>,
      %add3A_437 = arith.constant 16 : i32
      %add3A_438 = vector.broadcast %add3A_437 : i32 to vector<16xi32>
      %add3A_439 = arith.addi %iota3A_295, %add3A_438 : vector<16xi32>
      %lt3A_440 = vector.broadcast %min3A_264 : i32 to vector<16xi32>
      %lt3A_441 = arith.cmpi slt, %add3A_439, %lt3A_440 : vector<16xi32>
      %gather3A_442 = tpu.vector_load_idx %arg9[%broadcast_in_dim3A_299, %get3A_436] : memref<3x1024xf32, #tpu.memory_space<vmem>>[vector<16xi32>, vector<16xi32>], vector<16xf32>,
      %add3A_443 = arith.constant 1 : i32
      %add3A_444 = vector.broadcast %add3A_443 : i32 to vector<16xi32>
      %add3A_445 = arith.addi %broadcast_in_dim3A_299, %add3A_444 : vector<16xi32>
      %gather3A_446 = tpu.vector_load_idx %arg9[%add3A_445, %get3A_436] : memref<3x1024xf32, #tpu.memory_space<vmem>>[vector<16xi32>, vector<16xi32>], vector<16xf32>,
      %add3A_447 = arith.constant 2 : i32
      %add3A_448 = vector.broadcast %add3A_447 : i32 to vector<16xi32>
      %add3A_449 = arith.addi %broadcast_in_dim3A_299, %add3A_448 : vector<16xi32>
      %gather3A_450 = tpu.vector_load_idx %arg9[%add3A_449, %get3A_436] : memref<3x1024xf32, #tpu.memory_space<vmem>>[vector<16xi32>, vector<16xi32>], vector<16xf32>,
      %sub3A_451 = vector.broadcast %squeeze3A_237 : f32 to vector<16xf32>
      %sub3A_452 = arith.subf %gather3A_442, %sub3A_451 : vector<16xf32>
      %sub3A_453 = vector.broadcast %squeeze3A_239 : f32 to vector<16xf32>
      %sub3A_454 = arith.subf %gather3A_446, %sub3A_453 : vector<16xf32>
      %sub3A_455 = vector.broadcast %squeeze3A_241 : f32 to vector<16xf32>
      %sub3A_456 = arith.subf %gather3A_450, %sub3A_455 : vector<16xf32>
      %mul3A_457 = vector.broadcast %squeeze3A_219 : f32 to vector<16xf32>
      %mul3A_458 = arith.mulf %sub3A_452, %mul3A_457 : vector<16xf32>
      %mul3A_459 = vector.broadcast %squeeze3A_225 : f32 to vector<16xf32>
      %mul3A_460 = arith.mulf %sub3A_454, %mul3A_459 : vector<16xf32>
      %add3A_461 = arith.addf %mul3A_458, %mul3A_460 : vector<16xf32>
      %mul3A_462 = vector.broadcast %squeeze3A_231 : f32 to vector<16xf32>
      %mul3A_463 = arith.mulf %sub3A_456, %mul3A_462 : vector<16xf32>
      %add3A_464 = arith.addf %add3A_461, %mul3A_463 : vector<16xf32>
      %mul3A_465 = vector.broadcast %squeeze3A_221 : f32 to vector<16xf32>
      %mul3A_466 = arith.mulf %sub3A_452, %mul3A_465 : vector<16xf32>
      %mul3A_467 = vector.broadcast %squeeze3A_227 : f32 to vector<16xf32>
      %mul3A_468 = arith.mulf %sub3A_454, %mul3A_467 : vector<16xf32>
      %add3A_469 = arith.addf %mul3A_466, %mul3A_468 : vector<16xf32>
      %mul3A_470 = vector.broadcast %squeeze3A_233 : f32 to vector<16xf32>
      %mul3A_471 = arith.mulf %sub3A_456, %mul3A_470 : vector<16xf32>
      %add3A_472 = arith.addf %add3A_469, %mul3A_471 : vector<16xf32>
      %mul3A_473 = vector.broadcast %squeeze3A_223 : f32 to vector<16xf32>
      %mul3A_474 = arith.mulf %sub3A_452, %mul3A_473 : vector<16xf32>
      %mul3A_475 = vector.broadcast %squeeze3A_229 : f32 to vector<16xf32>
      %mul3A_476 = arith.mulf %sub3A_454, %mul3A_475 : vector<16xf32>
      %add3A_477 = arith.addf %mul3A_474, %mul3A_476 : vector<16xf32>
      %mul3A_478 = vector.broadcast %squeeze3A_235 : f32 to vector<16xf32>
      %mul3A_479 = arith.mulf %sub3A_456, %mul3A_478 : vector<16xf32>
      %add3A_480 = arith.addf %add3A_477, %mul3A_479 : vector<16xf32>
      %mul3A_481 = arith.constant 8 : i32
      %mul3A_482 = vector.broadcast %mul3A_481 : i32 to vector<16xi32>
      %mul3A_483 = arith.muli %add3A_439, %mul3A_482 : vector<16xi32>
      tpu.vector_store_idx %arg16[%mul3A_483], %add3A_464 : memref<256xf32, #tpu.memory_space<vmem>>[vector<16xi32>], vector<16xf32>,
      %mul3A_484 = arith.constant 8 : i32
      %mul3A_485 = vector.broadcast %mul3A_484 : i32 to vector<16xi32>
      %mul3A_486 = arith.muli %add3A_439, %mul3A_485 : vector<16xi32>
      %add3A_487 = arith.constant 1 : i32
      %add3A_488 = vector.broadcast %add3A_487 : i32 to vector<16xi32>
      %add3A_489 = arith.addi %mul3A_486, %add3A_488 : vector<16xi32>
      tpu.vector_store_idx %arg16[%add3A_489], %add3A_472 : memref<256xf32, #tpu.memory_space<vmem>>[vector<16xi32>], vector<16xf32>,
      %mul3A_490 = arith.constant 8 : i32
      %mul3A_491 = vector.broadcast %mul3A_490 : i32 to vector<16xi32>
      %mul3A_492 = arith.muli %add3A_439, %mul3A_491 : vector<16xi32>
      %add3A_493 = arith.constant 2 : i32
      %add3A_494 = vector.broadcast %add3A_493 : i32 to vector<16xi32>
      %add3A_495 = arith.addi %mul3A_492, %add3A_494 : vector<16xi32>
      tpu.vector_store_idx %arg16[%add3A_495], %add3A_480 : memref<256xf32, #tpu.memory_space<vmem>>[vector<16xi32>], vector<16xf32>,
      tpu.vector_store_idx %arg18[%broadcast_in_dim3A_299, %get3A_436], %broadcast_in_dim3A_297 masked %lt3A_441 {add = true} : memref<4x1024xf32, #tpu.memory_space<vmem>>[vector<16xi32>, vector<16xi32>], vector<16xf32>, vector<16xi1>
      %add3A_496 = arith.constant 1 : i32
      %add3A_497 = vector.broadcast %add3A_496 : i32 to vector<16xi32>
      %add3A_498 = arith.addi %broadcast_in_dim3A_299, %add3A_497 : vector<16xi32>
      tpu.vector_store_idx %arg18[%add3A_498, %get3A_436], %add3A_464 masked %lt3A_441 {add = true} : memref<4x1024xf32, #tpu.memory_space<vmem>>[vector<16xi32>, vector<16xi32>], vector<16xf32>, vector<16xi1>
      %add3A_499 = arith.constant 2 : i32
      %add3A_500 = vector.broadcast %add3A_499 : i32 to vector<16xi32>
      %add3A_501 = arith.addi %broadcast_in_dim3A_299, %add3A_500 : vector<16xi32>
      tpu.vector_store_idx %arg18[%add3A_501, %get3A_436], %add3A_472 masked %lt3A_441 {add = true} : memref<4x1024xf32, #tpu.memory_space<vmem>>[vector<16xi32>, vector<16xi32>], vector<16xf32>, vector<16xi1>
      %add3A_502 = arith.constant 3 : i32
      %add3A_503 = vector.broadcast %add3A_502 : i32 to vector<16xi32>
      %add3A_504 = arith.addi %broadcast_in_dim3A_299, %add3A_503 : vector<16xi32>
      tpu.vector_store_idx %arg18[%add3A_504, %get3A_436], %add3A_480 masked %lt3A_441 {add = true} : memref<4x1024xf32, #tpu.memory_space<vmem>>[vector<16xi32>, vector<16xi32>], vector<16xf32>, vector<16xi1>
      %get3A_505 = arith.constant 0 : i32
      %get3A_506 = arith.index_cast %get3A_505 : i32 to index
      %get3A_507 = arith.constant 0 : index
      %get3A_508 = tpu.vector_load %arg19[%get3A_506, %get3A_507] {strides = array<i32>} : memref<8x16xf32, #tpu.memory_space<vmem>>, vector<16xf32>,
      %mul3A_509 = arith.mulf %add3A_464, %add3A_464 : vector<16xf32>
      %add3A_510 = arith.addf %get3A_508, %mul3A_509 : vector<16xf32>
      %swap3A_511 = arith.constant 0 : i32
      %swap3A_512 = arith.index_cast %swap3A_511 : i32 to index
      %swap3A_513 = arith.constant 0 : index
      %swap3A_514 = tpu.vector_load %arg19[%swap3A_512, %swap3A_513] {strides = array<i32>} : memref<8x16xf32, #tpu.memory_space<vmem>>, vector<16xf32>,
      tpu.vector_store %arg19[%swap3A_512, %swap3A_513], %add3A_510 {strides = array<i32>} : memref<8x16xf32, #tpu.memory_space<vmem>>, vector<16xf32>,
      %get3A_515 = arith.constant 1 : i32
      %get3A_516 = arith.index_cast %get3A_515 : i32 to index
      %get3A_517 = arith.constant 0 : index
      %get3A_518 = tpu.vector_load %arg19[%get3A_516, %get3A_517] {strides = array<i32>} : memref<8x16xf32, #tpu.memory_space<vmem>>, vector<16xf32>,
      %mul3A_519 = arith.mulf %add3A_472, %add3A_472 : vector<16xf32>
      %add3A_520 = arith.addf %get3A_518, %mul3A_519 : vector<16xf32>
      %swap3A_521 = arith.constant 1 : i32
      %swap3A_522 = arith.index_cast %swap3A_521 : i32 to index
      %swap3A_523 = arith.constant 0 : index
      %swap3A_524 = tpu.vector_load %arg19[%swap3A_522, %swap3A_523] {strides = array<i32>} : memref<8x16xf32, #tpu.memory_space<vmem>>, vector<16xf32>,
      tpu.vector_store %arg19[%swap3A_522, %swap3A_523], %add3A_520 {strides = array<i32>} : memref<8x16xf32, #tpu.memory_space<vmem>>, vector<16xf32>,
      %get3A_525 = arith.constant 2 : i32
      %get3A_526 = arith.index_cast %get3A_525 : i32 to index
      %get3A_527 = arith.constant 0 : index
      %get3A_528 = tpu.vector_load %arg19[%get3A_526, %get3A_527] {strides = array<i32>} : memref<8x16xf32, #tpu.memory_space<vmem>>, vector<16xf32>,
      %mul3A_529 = arith.mulf %add3A_480, %add3A_480 : vector<16xf32>
      %add3A_530 = arith.addf %get3A_528, %mul3A_529 : vector<16xf32>
      %swap3A_531 = arith.constant 2 : i32
      %swap3A_532 = arith.index_cast %swap3A_531 : i32 to index
      %swap3A_533 = arith.constant 0 : index
      %swap3A_534 = tpu.vector_load %arg19[%swap3A_532, %swap3A_533] {strides = array<i32>} : memref<8x16xf32, #tpu.memory_space<vmem>>, vector<16xf32>,
      tpu.vector_store %arg19[%swap3A_532, %swap3A_533], %add3A_530 {strides = array<i32>} : memref<8x16xf32, #tpu.memory_space<vmem>>, vector<16xf32>,
      %get3A_535 = arith.constant 3 : i32
      %get3A_536 = arith.index_cast %get3A_535 : i32 to index
      %get3A_537 = arith.constant 0 : index
      %get3A_538 = tpu.vector_load %arg19[%get3A_536, %get3A_537] {strides = array<i32>} : memref<8x16xf32, #tpu.memory_space<vmem>>, vector<16xf32>,
      %mul3A_539 = arith.mulf %add3A_464, %add3A_472 : vector<16xf32>
      %add3A_540 = arith.addf %get3A_538, %mul3A_539 : vector<16xf32>
      %swap3A_541 = arith.constant 3 : i32
      %swap3A_542 = arith.index_cast %swap3A_541 : i32 to index
      %swap3A_543 = arith.constant 0 : index
      %swap3A_544 = tpu.vector_load %arg19[%swap3A_542, %swap3A_543] {strides = array<i32>} : memref<8x16xf32, #tpu.memory_space<vmem>>, vector<16xf32>,
      tpu.vector_store %arg19[%swap3A_542, %swap3A_543], %add3A_540 {strides = array<i32>} : memref<8x16xf32, #tpu.memory_space<vmem>>, vector<16xf32>,
      %get3A_545 = arith.constant 4 : i32
      %get3A_546 = arith.index_cast %get3A_545 : i32 to index
      %get3A_547 = arith.constant 0 : index
      %get3A_548 = tpu.vector_load %arg19[%get3A_546, %get3A_547] {strides = array<i32>} : memref<8x16xf32, #tpu.memory_space<vmem>>, vector<16xf32>,
      %mul3A_549 = arith.mulf %add3A_464, %add3A_480 : vector<16xf32>
      %add3A_550 = arith.addf %get3A_548, %mul3A_549 : vector<16xf32>
      %swap3A_551 = arith.constant 4 : i32
      %swap3A_552 = arith.index_cast %swap3A_551 : i32 to index
      %swap3A_553 = arith.constant 0 : index
      %swap3A_554 = tpu.vector_load %arg19[%swap3A_552, %swap3A_553] {strides = array<i32>} : memref<8x16xf32, #tpu.memory_space<vmem>>, vector<16xf32>,
      tpu.vector_store %arg19[%swap3A_552, %swap3A_553], %add3A_550 {strides = array<i32>} : memref<8x16xf32, #tpu.memory_space<vmem>>, vector<16xf32>,
      %get3A_555 = arith.constant 5 : i32
      %get3A_556 = arith.index_cast %get3A_555 : i32 to index
      %get3A_557 = arith.constant 0 : index
      %get3A_558 = tpu.vector_load %arg19[%get3A_556, %get3A_557] {strides = array<i32>} : memref<8x16xf32, #tpu.memory_space<vmem>>, vector<16xf32>,
      %mul3A_559 = arith.mulf %add3A_472, %add3A_480 : vector<16xf32>
      %add3A_560 = arith.addf %get3A_558, %mul3A_559 : vector<16xf32>
      %swap3A_561 = arith.constant 5 : i32
      %swap3A_562 = arith.index_cast %swap3A_561 : i32 to index
      %swap3A_563 = arith.constant 0 : index
      %swap3A_564 = tpu.vector_load %arg19[%swap3A_562, %swap3A_563] {strides = array<i32>} : memref<8x16xf32, #tpu.memory_space<vmem>>, vector<16xf32>,
      tpu.vector_store %arg19[%swap3A_562, %swap3A_563], %add3A_560 {strides = array<i32>} : memref<8x16xf32, #tpu.memory_space<vmem>>, vector<16xf32>,
      %mul3A_565 = arith.constant 1024 : i32
      %mul3A_566 = arith.muli %select_n3A, %mul3A_565 : i32
      %add3A_567 = vector.broadcast %mul3A_566 : i32 to vector<16xi32>
      %add3A_568 = arith.addi %get3A_436, %add3A_567 : vector<16xi32>
      %swap3A_569 = arith.constant 16 : index
      %swap3A_570 = tpu.vector_load %arg12[%swap3A_569] {strides = array<i32>} : memref<32xi32, #tpu.memory_space<vmem>>, vector<16xi32>,
      tpu.vector_store %arg12[%swap3A_569], %add3A_568 {strides = array<i32>} : memref<32xi32, #tpu.memory_space<vmem>>, vector<16xi32>,
      %dma_start3A_571 = arith.constant 0 : i32
      %dma_start3A_572 = arith.constant 0 : i32
      %dma_start3A_573 = tpu.memref_slice %arg4[%dma_start3A_571, %dma_start3A_572] : memref<4096x256xf32, #tpu.memory_space<hbm>> -> memref<4096x256xf32, #tpu.memory_space<hbm>>
      tpu.enqueue_indirect_dma source(%dma_start3A_573 : memref<4096x256xf32, #tpu.memory_space<hbm>>) target(%arg14 : memref<32x256xf32, #tpu.memory_space<vmem>>) offsets(%arg12 : memref<32xi32, #tpu.memory_space<vmem>>) semaphore(%arg20 : memref<!tpu.dma_semaphore, #tpu.memory_space<semaphore_mem>>)
      %mul3A_574 = arith.constant 128 : i32
      %mul3A_575 = arith.muli %add3A, %mul3A_574 : i32
      %sub3A_576 = arith.constant 1 : i32
      %sub3A_577 = arith.subi %mul3A_201, %sub3A_576 : i32
      %add3A_578 = arith.addi %mul3A_575, %sub3A_577 : i32
      %gt3A_579 = arith.constant 0 : i32
      %gt3A_580 = arith.cmpi sgt, %scan3A_195, %gt3A_579 : i32
      %convert_element_type3A_581 = arith.extui %gt3A_580 : i1 to i32
      %cond3A_582 = arith.constant 0 : i32
      %cond3A_583 = arith.cmpi ne, %convert_element_type3A_581, %cond3A_582 : i32
      scf.if %cond3A_583 {
        %dma_wait3A_987 = arith.constant 0 : i32
        %dma_wait3A_988 = arith.constant 0 : i32
        %dma_wait3A_989 = tpu.memref_slice %arg4[%dma_wait3A_987, %dma_wait3A_988] : memref<4096x256xf32, #tpu.memory_space<hbm>> -> memref<4096x256xf32, #tpu.memory_space<hbm>>
        tpu.wait_indirect_dma semaphore(%arg21 : memref<!tpu.dma_semaphore, #tpu.memory_space<semaphore_mem>>) src(%dma_wait3A_989 : memref<4096x256xf32, #tpu.memory_space<hbm>>) dst(%arg15 : memref<32x256xf32, #tpu.memory_space<vmem>>)
        %mul3A_990 = arith.constant 32 : i32
        %mul3A_991 = arith.muli %add3A_578, %mul3A_990 : i32
        %dma_start3A_992 = arith.constant 0 : i32
        %dma_start3A_993 = tpu.memref_slice %arg5[%mul3A_991, %dma_start3A_992] : memref<131072x256xf32, #tpu.memory_space<hbm>> -> memref<32x256xf32, #tpu.memory_space<hbm>>
        %dma_start3A_994 = arith.constant 0 : i32
        %dma_start3A_995 = tpu.memref_slice %arg5[%mul3A_991, %dma_start3A_994] : memref<131072x256xf32, #tpu.memory_space<hbm>> -> memref<32x256xf32, #tpu.memory_space<hbm>>
        tpu.enqueue_dma source(%arg15 : memref<32x256xf32, #tpu.memory_space<vmem>>) target(%dma_start3A_995 : memref<32x256xf32, #tpu.memory_space<hbm>>) target_semaphore(%arg23 : memref<!tpu.dma_semaphore, #tpu.memory_space<semaphore_mem>>)
        %dma_start3A_996 = arith.constant 0 : i32
        %dma_start3A_997 = tpu.memref_slice %arg6[%add3A_578, %dma_start3A_996] : memref<4096x256xf32, #tpu.memory_space<hbm>> -> memref<1x256xf32, #tpu.memory_space<hbm>>
        %dma_start3A_998 = tpu.memref_squeeze %dma_start3A_997 : memref<1x256xf32, #tpu.memory_space<hbm>> -> memref<256xf32, #tpu.memory_space<hbm>>
        %dma_start3A_999 = arith.constant 0 : i32
        %dma_start3A_1000 = tpu.memref_slice %arg6[%add3A_578, %dma_start3A_999] : memref<4096x256xf32, #tpu.memory_space<hbm>> -> memref<1x256xf32, #tpu.memory_space<hbm>>
        %dma_start3A_1001 = tpu.memref_squeeze %dma_start3A_1000 : memref<1x256xf32, #tpu.memory_space<hbm>> -> memref<256xf32, #tpu.memory_space<hbm>>
        tpu.enqueue_dma source(%arg17 : memref<256xf32, #tpu.memory_space<vmem>>) target(%dma_start3A_1001 : memref<256xf32, #tpu.memory_space<hbm>>) target_semaphore(%arg23 : memref<!tpu.dma_semaphore, #tpu.memory_space<semaphore_mem>>)
      } else {
      }
      %mul3A_584 = arith.constant 2 : i32
      %mul3A_585 = arith.muli %mul3A_584, %scan3A_195 : i32
      %add3A_586 = arith.constant 1 : i32
      %add3A_587 = arith.addi %mul3A_585, %add3A_586 : i32
      %get3A_588 = arith.index_cast %add3A_587 : i32 to index
      %get3A_589 = arith.constant 0 : index
      %get3A_590 = tpu.vector_load %arg10[%get3A_588, %get3A_589] {strides = array<i32>} : memref<128x16xf32, #tpu.memory_space<vmem>>, vector<16xf32>,
      %bitcast3A_591 = vector.bitcast %get3A_590 : vector<16xf32> to vector<16xi32>
      %add3A_592 = arith.constant 32767 : i32
      %add3A_593 = vector.broadcast %add3A_592 : i32 to vector<16xi32>
      %add3A_594 = arith.addi %bitcast3A_591, %add3A_593 : vector<16xi32>
      %shift_right_arithmetic3A_595 = arith.constant 16 : i32
      %shift_right_arithmetic3A_596 = vector.broadcast %shift_right_arithmetic3A_595 : i32 to vector<16xi32>
      %shift_right_arithmetic3A_597 = arith.shrsi %bitcast3A_591, %shift_right_arithmetic3A_596 : vector<16xi32>
      %and3A_598 = arith.constant 1 : i32
      %and3A_599 = vector.broadcast %and3A_598 : i32 to vector<16xi32>
      %and3A_600 = arith.andi %shift_right_arithmetic3A_597, %and3A_599 : vector<16xi32>
      %add3A_601 = arith.addi %add3A_594, %and3A_600 : vector<16xi32>
      %and3A_602 = arith.constant -65536 : i32
      %and3A_603 = vector.broadcast %and3A_602 : i32 to vector<16xi32>
      %and3A_604 = arith.andi %add3A_601, %and3A_603 : vector<16xi32>
      %bitcast3A_605 = vector.bitcast %and3A_604 : vector<16xi32> to vector<16xf32>
      %slice3A_606 = vector.extract_strided_slice %bitcast3A_605 {offsets = [0], sizes = [1], strides = [1]} : vector<16xf32> to vector<1xf32>
      %squeeze3A_607 = vector.extract %slice3A_606[0] : f32 from vector<1xf32>
      %slice3A_608 = vector.extract_strided_slice %bitcast3A_605 {offsets = [1], sizes = [1], strides = [1]} : vector<16xf32> to vector<1xf32>
      %squeeze3A_609 = vector.extract %slice3A_608[0] : f32 from vector<1xf32>
      %slice3A_610 = vector.extract_strided_slice %bitcast3A_605 {offsets = [2], sizes = [1], strides = [1]} : vector<16xf32> to vector<1xf32>
      %squeeze3A_611 = vector.extract %slice3A_610[0] : f32 from vector<1xf32>
      %slice3A_612 = vector.extract_strided_slice %bitcast3A_605 {offsets = [3], sizes = [1], strides = [1]} : vector<16xf32> to vector<1xf32>
      %squeeze3A_613 = vector.extract %slice3A_612[0] : f32 from vector<1xf32>
      %slice3A_614 = vector.extract_strided_slice %bitcast3A_605 {offsets = [4], sizes = [1], strides = [1]} : vector<16xf32> to vector<1xf32>
      %squeeze3A_615 = vector.extract %slice3A_614[0] : f32 from vector<1xf32>
      %slice3A_616 = vector.extract_strided_slice %bitcast3A_605 {offsets = [5], sizes = [1], strides = [1]} : vector<16xf32> to vector<1xf32>
      %squeeze3A_617 = vector.extract %slice3A_616[0] : f32 from vector<1xf32>
      %slice3A_618 = vector.extract_strided_slice %bitcast3A_605 {offsets = [6], sizes = [1], strides = [1]} : vector<16xf32> to vector<1xf32>
      %squeeze3A_619 = vector.extract %slice3A_618[0] : f32 from vector<1xf32>
      %slice3A_620 = vector.extract_strided_slice %bitcast3A_605 {offsets = [7], sizes = [1], strides = [1]} : vector<16xf32> to vector<1xf32>
      %squeeze3A_621 = vector.extract %slice3A_620[0] : f32 from vector<1xf32>
      %slice3A_622 = vector.extract_strided_slice %bitcast3A_605 {offsets = [8], sizes = [1], strides = [1]} : vector<16xf32> to vector<1xf32>
      %squeeze3A_623 = vector.extract %slice3A_622[0] : f32 from vector<1xf32>
      %slice3A_624 = vector.extract_strided_slice %get3A_590 {offsets = [12], sizes = [1], strides = [1]} : vector<16xf32> to vector<1xf32>
      %squeeze3A_625 = vector.extract %slice3A_624[0] : f32 from vector<1xf32>
      %slice3A_626 = vector.extract_strided_slice %get3A_590 {offsets = [13], sizes = [1], strides = [1]} : vector<16xf32> to vector<1xf32>
      %squeeze3A_627 = vector.extract %slice3A_626[0] : f32 from vector<1xf32>
      %slice3A_628 = vector.extract_strided_slice %get3A_590 {offsets = [14], sizes = [1], strides = [1]} : vector<16xf32> to vector<1xf32>
      %squeeze3A_629 = vector.extract %slice3A_628[0] : f32 from vector<1xf32>
      %slice3A_630 = vector.extract_strided_slice %get3A_590 {offsets = [2], sizes = [1], strides = [1]} : vector<16xf32> to vector<1xf32>
      %squeeze3A_631 = vector.extract %slice3A_630[0] : f32 from vector<1xf32>
      %broadcast_in_dim3A_632 = arith.constant 0 : i32
      %broadcast_in_dim3A_633 = vector.broadcast %broadcast_in_dim3A_632 : i32 to vector<16xi32>
      %swap3A_634 = arith.constant 0 : index
      %swap3A_635 = tpu.vector_load %arg11[%swap3A_634] {strides = array<i32>} : memref<64xi32, #tpu.memory_space<vmem>>, vector<16xi32>,
      tpu.vector_store %arg11[%swap3A_634], %broadcast_in_dim3A_633 {strides = array<i32>} : memref<64xi32, #tpu.memory_space<vmem>>, vector<16xi32>,
      %swap3A_636 = arith.constant 16 : index
      %swap3A_637 = tpu.vector_load %arg11[%swap3A_636] {strides = array<i32>} : memref<64xi32, #tpu.memory_space<vmem>>, vector<16xi32>,
      tpu.vector_store %arg11[%swap3A_636], %broadcast_in_dim3A_633 {strides = array<i32>} : memref<64xi32, #tpu.memory_space<vmem>>, vector<16xi32>,
      %swap3A_638 = arith.constant 32 : index
      %swap3A_639 = tpu.vector_load %arg11[%swap3A_638] {strides = array<i32>} : memref<64xi32, #tpu.memory_space<vmem>>, vector<16xi32>,
      tpu.vector_store %arg11[%swap3A_638], %broadcast_in_dim3A_633 {strides = array<i32>} : memref<64xi32, #tpu.memory_space<vmem>>, vector<16xi32>,
      %swap3A_640 = arith.constant 48 : index
      %swap3A_641 = tpu.vector_load %arg11[%swap3A_640] {strides = array<i32>} : memref<64xi32, #tpu.memory_space<vmem>>, vector<16xi32>,
      tpu.vector_store %arg11[%swap3A_640], %broadcast_in_dim3A_633 {strides = array<i32>} : memref<64xi32, #tpu.memory_space<vmem>>, vector<16xi32>,
      %broadcast_in_dim3A_642 = arith.constant 0 : i32
      %broadcast_in_dim3A_643 = vector.broadcast %broadcast_in_dim3A_642 : i32 to vector<16xi32>
      %scan3A_644 = arith.constant 0 : i32
      %scan3A_645 = arith.constant 16 : i32
      %scan3A_646 = arith.addi %scan3A_644, %scan3A_645 : i32
      %scan3A_647 = arith.constant 1 : i32
      %scan3A_648 = scf.for %scan3A_987 = %scan3A_644 to %scan3A_646 step %scan3A_647 iter_args(%scan3A_988 = %broadcast_in_dim3A_643) -> (vector<16xi32>)  : i32 {
        %iota3A_989 = tpu.iota {dimensions = array<i32: 0>} : vector<16xi32>
        %mul3A_990 = arith.constant 4 : i32
        %mul3A_991 = arith.muli %scan3A_987, %mul3A_990 : i32
        %add3A_992 = arith.constant 0 : i32
        %add3A_993 = arith.addi %mul3A_991, %add3A_992 : i32
        %mul3A_994 = arith.constant 16 : i32
        %mul3A_995 = arith.muli %add3A_993, %mul3A_994 : i32
        %get3A_996 = arith.constant 0 : i32
        %get3A_997 = arith.index_cast %get3A_996 : i32 to index
        %get3A_998 = arith.index_cast %mul3A_995 : i32 to index
        %get3A_999 = tpu.vector_load %arg9[%get3A_997, %get3A_998] {strides = array<i32>} : memref<3x1024xf32, #tpu.memory_space<vmem>>, vector<16xf32>,
        %mul3A_1000 = arith.constant 16 : i32
        %mul3A_1001 = arith.muli %add3A_993, %mul3A_1000 : i32
        %get3A_1002 = arith.constant 1 : i32
        %get3A_1003 = arith.index_cast %get3A_1002 : i32 to index
        %get3A_1004 = arith.index_cast %mul3A_1001 : i32 to index
        %get3A_1005 = tpu.vector_load %arg9[%get3A_1003, %get3A_1004] {strides = array<i32>} : memref<3x1024xf32, #tpu.memory_space<vmem>>, vector<16xf32>,
        %mul3A_1006 = arith.constant 16 : i32
        %mul3A_1007 = arith.muli %add3A_993, %mul3A_1006 : i32
        %get3A_1008 = arith.constant 2 : i32
        %get3A_1009 = arith.index_cast %get3A_1008 : i32 to index
        %get3A_1010 = arith.index_cast %mul3A_1007 : i32 to index
        %get3A_1011 = tpu.vector_load %arg9[%get3A_1009, %get3A_1010] {strides = array<i32>} : memref<3x1024xf32, #tpu.memory_space<vmem>>, vector<16xf32>,
        %sub3A_1012 = vector.broadcast %squeeze3A_625 : f32 to vector<16xf32>
        %sub3A_1013 = arith.subf %get3A_999, %sub3A_1012 : vector<16xf32>
        %bitcast3A_1014 = vector.bitcast %sub3A_1013 : vector<16xf32> to vector<16xi32>
        %add3A_1015 = arith.constant 32767 : i32
        %add3A_1016 = vector.broadcast %add3A_1015 : i32 to vector<16xi32>
        %add3A_1017 = arith.addi %bitcast3A_1014, %add3A_1016 : vector<16xi32>
        %shift_right_arithmetic3A_1018 = arith.constant 16 : i32
        %shift_right_arithmetic3A_1019 = vector.broadcast %shift_right_arithmetic3A_1018 : i32 to vector<16xi32>
        %shift_right_arithmetic3A_1020 = arith.shrsi %bitcast3A_1014, %shift_right_arithmetic3A_1019 : vector<16xi32>
        %and3A_1021 = arith.constant 1 : i32
        %and3A_1022 = vector.broadcast %and3A_1021 : i32 to vector<16xi32>
        %and3A_1023 = arith.andi %shift_right_arithmetic3A_1020, %and3A_1022 : vector<16xi32>
        %add3A_1024 = arith.addi %add3A_1017, %and3A_1023 : vector<16xi32>
        %and3A_1025 = arith.constant -65536 : i32
        %and3A_1026 = vector.broadcast %and3A_1025 : i32 to vector<16xi32>
        %and3A_1027 = arith.andi %add3A_1024, %and3A_1026 : vector<16xi32>
        %bitcast3A_1028 = vector.bitcast %and3A_1027 : vector<16xi32> to vector<16xf32>
        %sub3A_1029 = vector.broadcast %squeeze3A_627 : f32 to vector<16xf32>
        %sub3A_1030 = arith.subf %get3A_1005, %sub3A_1029 : vector<16xf32>
        %bitcast3A_1031 = vector.bitcast %sub3A_1030 : vector<16xf32> to vector<16xi32>
        %add3A_1032 = arith.constant 32767 : i32
        %add3A_1033 = vector.broadcast %add3A_1032 : i32 to vector<16xi32>
        %add3A_1034 = arith.addi %bitcast3A_1031, %add3A_1033 : vector<16xi32>
        %shift_right_arithmetic3A_1035 = arith.constant 16 : i32
        %shift_right_arithmetic3A_1036 = vector.broadcast %shift_right_arithmetic3A_1035 : i32 to vector<16xi32>
        %shift_right_arithmetic3A_1037 = arith.shrsi %bitcast3A_1031, %shift_right_arithmetic3A_1036 : vector<16xi32>
        %and3A_1038 = arith.constant 1 : i32
        %and3A_1039 = vector.broadcast %and3A_1038 : i32 to vector<16xi32>
        %and3A_1040 = arith.andi %shift_right_arithmetic3A_1037, %and3A_1039 : vector<16xi32>
        %add3A_1041 = arith.addi %add3A_1034, %and3A_1040 : vector<16xi32>
        %and3A_1042 = arith.constant -65536 : i32
        %and3A_1043 = vector.broadcast %and3A_1042 : i32 to vector<16xi32>
        %and3A_1044 = arith.andi %add3A_1041, %and3A_1043 : vector<16xi32>
        %bitcast3A_1045 = vector.bitcast %and3A_1044 : vector<16xi32> to vector<16xf32>
        %sub3A_1046 = vector.broadcast %squeeze3A_629 : f32 to vector<16xf32>
        %sub3A_1047 = arith.subf %get3A_1011, %sub3A_1046 : vector<16xf32>
        %bitcast3A_1048 = vector.bitcast %sub3A_1047 : vector<16xf32> to vector<16xi32>
        %add3A_1049 = arith.constant 32767 : i32
        %add3A_1050 = vector.broadcast %add3A_1049 : i32 to vector<16xi32>
        %add3A_1051 = arith.addi %bitcast3A_1048, %add3A_1050 : vector<16xi32>
        %shift_right_arithmetic3A_1052 = arith.constant 16 : i32
        %shift_right_arithmetic3A_1053 = vector.broadcast %shift_right_arithmetic3A_1052 : i32 to vector<16xi32>
        %shift_right_arithmetic3A_1054 = arith.shrsi %bitcast3A_1048, %shift_right_arithmetic3A_1053 : vector<16xi32>
        %and3A_1055 = arith.constant 1 : i32
        %and3A_1056 = vector.broadcast %and3A_1055 : i32 to vector<16xi32>
        %and3A_1057 = arith.andi %shift_right_arithmetic3A_1054, %and3A_1056 : vector<16xi32>
        %add3A_1058 = arith.addi %add3A_1051, %and3A_1057 : vector<16xi32>
        %and3A_1059 = arith.constant -65536 : i32
        %and3A_1060 = vector.broadcast %and3A_1059 : i32 to vector<16xi32>
        %and3A_1061 = arith.andi %add3A_1058, %and3A_1060 : vector<16xi32>
        %bitcast3A_1062 = vector.bitcast %and3A_1061 : vector<16xi32> to vector<16xf32>
        %mul3A_1063 = vector.broadcast %squeeze3A_607 : f32 to vector<16xf32>
        %mul3A_1064 = arith.mulf %bitcast3A_1028, %mul3A_1063 : vector<16xf32>
        %mul3A_1065 = vector.broadcast %squeeze3A_613 : f32 to vector<16xf32>
        %mul3A_1066 = arith.mulf %bitcast3A_1045, %mul3A_1065 : vector<16xf32>
        %add3A_1067 = arith.addf %mul3A_1064, %mul3A_1066 : vector<16xf32>
        %mul3A_1068 = vector.broadcast %squeeze3A_619 : f32 to vector<16xf32>
        %mul3A_1069 = arith.mulf %bitcast3A_1062, %mul3A_1068 : vector<16xf32>
        %add3A_1070 = arith.addf %add3A_1067, %mul3A_1069 : vector<16xf32>
        %mul3A_1071 = vector.broadcast %squeeze3A_609 : f32 to vector<16xf32>
        %mul3A_1072 = arith.mulf %bitcast3A_1028, %mul3A_1071 : vector<16xf32>
        %mul3A_1073 = vector.broadcast %squeeze3A_615 : f32 to vector<16xf32>
        %mul3A_1074 = arith.mulf %bitcast3A_1045, %mul3A_1073 : vector<16xf32>
        %add3A_1075 = arith.addf %mul3A_1072, %mul3A_1074 : vector<16xf32>
        %mul3A_1076 = vector.broadcast %squeeze3A_621 : f32 to vector<16xf32>
        %mul3A_1077 = arith.mulf %bitcast3A_1062, %mul3A_1076 : vector<16xf32>
        %add3A_1078 = arith.addf %add3A_1075, %mul3A_1077 : vector<16xf32>
        %mul3A_1079 = vector.broadcast %squeeze3A_611 : f32 to vector<16xf32>
        %mul3A_1080 = arith.mulf %bitcast3A_1028, %mul3A_1079 : vector<16xf32>
        %mul3A_1081 = vector.broadcast %squeeze3A_617 : f32 to vector<16xf32>
        %mul3A_1082 = arith.mulf %bitcast3A_1045, %mul3A_1081 : vector<16xf32>
        %add3A_1083 = arith.addf %mul3A_1080, %mul3A_1082 : vector<16xf32>
        %mul3A_1084 = vector.broadcast %squeeze3A_623 : f32 to vector<16xf32>
        %mul3A_1085 = arith.mulf %bitcast3A_1062, %mul3A_1084 : vector<16xf32>
        %add3A_1086 = arith.addf %add3A_1083, %mul3A_1085 : vector<16xf32>
        %mul3A_1087 = arith.mulf %add3A_1078, %add3A_1078 : vector<16xf32>
        %mul3A_1088 = arith.mulf %add3A_1086, %add3A_1086 : vector<16xf32>
        %add3A_1089 = arith.addf %mul3A_1087, %mul3A_1088 : vector<16xf32>
        %lt3A_1090 = vector.broadcast %squeeze3A_631 : f32 to vector<16xf32>
        %lt3A_1091 = arith.cmpf olt, %add3A_1089, %lt3A_1090 : vector<16xf32>
        %gt3A_1092 = arith.constant -2.000000e-02 : f32
        %gt3A_1093 = vector.broadcast %gt3A_1092 : f32 to vector<16xf32>
        %gt3A_1094 = arith.cmpf ogt, %add3A_1070, %gt3A_1093 : vector<16xf32>
        %and3A_1095 = arith.andi %lt3A_1091, %gt3A_1094 : vector<16xi1>
        %lt3A_1096 = arith.constant 4.000000e-02 : f32
        %lt3A_1097 = vector.broadcast %lt3A_1096 : f32 to vector<16xf32>
        %lt3A_1098 = arith.cmpf olt, %add3A_1070, %lt3A_1097 : vector<16xf32>
        %and3A_1099 = arith.andi %and3A_1095, %lt3A_1098 : vector<16xi1>
        %all_reduce_population_count3A = tpu.all_reduce %and3A_1099 {dim = 0 : i64, kind = #tpu.reduction_kind<sum>} : vector<16xi1> -> vector<16xi32>
        %convert_element_type3A_1100 = arith.extui %and3A_1099 : vector<16xi1> to vector<16xi32>
        %broadcast_in_dim3A_1101 = arith.constant true
        %broadcast_in_dim3A_1102 = vector.broadcast %broadcast_in_dim3A_1101 : i1 to vector<16xi1>
        %masked_cumsum3A = tpu.scan <sum>, %convert_element_type3A_1100 masked %broadcast_in_dim3A_1102 : vector<16xi32>, vector<16xi1> -> vector<16xi32>
        %mul3A_1103 = arith.constant 4 : i32
        %mul3A_1104 = arith.muli %scan3A_987, %mul3A_1103 : i32
        %add3A_1105 = arith.constant 1 : i32
        %add3A_1106 = arith.addi %mul3A_1104, %add3A_1105 : i32
        %mul3A_1107 = arith.constant 16 : i32
        %mul3A_1108 = arith.muli %add3A_1106, %mul3A_1107 : i32
        %get3A_1109 = arith.constant 0 : i32
        %get3A_1110 = arith.index_cast %get3A_1109 : i32 to index
        %get3A_1111 = arith.index_cast %mul3A_1108 : i32 to index
        %get3A_1112 = tpu.vector_load %arg9[%get3A_1110, %get3A_1111] {strides = array<i32>} : memref<3x1024xf32, #tpu.memory_space<vmem>>, vector<16xf32>,
        %mul3A_1113 = arith.constant 16 : i32
        %mul3A_1114 = arith.muli %add3A_1106, %mul3A_1113 : i32
        %get3A_1115 = arith.constant 1 : i32
        %get3A_1116 = arith.index_cast %get3A_1115 : i32 to index
        %get3A_1117 = arith.index_cast %mul3A_1114 : i32 to index
        %get3A_1118 = tpu.vector_load %arg9[%get3A_1116, %get3A_1117] {strides = array<i32>} : memref<3x1024xf32, #tpu.memory_space<vmem>>, vector<16xf32>,
        %mul3A_1119 = arith.constant 16 : i32
        %mul3A_1120 = arith.muli %add3A_1106, %mul3A_1119 : i32
        %get3A_1121 = arith.constant 2 : i32
        %get3A_1122 = arith.index_cast %get3A_1121 : i32 to index
        %get3A_1123 = arith.index_cast %mul3A_1120 : i32 to index
        %get3A_1124 = tpu.vector_load %arg9[%get3A_1122, %get3A_1123] {strides = array<i32>} : memref<3x1024xf32, #tpu.memory_space<vmem>>, vector<16xf32>,
        %sub3A_1125 = vector.broadcast %squeeze3A_625 : f32 to vector<16xf32>
        %sub3A_1126 = arith.subf %get3A_1112, %sub3A_1125 : vector<16xf32>
        %bitcast3A_1127 = vector.bitcast %sub3A_1126 : vector<16xf32> to vector<16xi32>
        %add3A_1128 = arith.constant 32767 : i32
        %add3A_1129 = vector.broadcast %add3A_1128 : i32 to vector<16xi32>
        %add3A_1130 = arith.addi %bitcast3A_1127, %add3A_1129 : vector<16xi32>
        %shift_right_arithmetic3A_1131 = arith.constant 16 : i32
        %shift_right_arithmetic3A_1132 = vector.broadcast %shift_right_arithmetic3A_1131 : i32 to vector<16xi32>
        %shift_right_arithmetic3A_1133 = arith.shrsi %bitcast3A_1127, %shift_right_arithmetic3A_1132 : vector<16xi32>
        %and3A_1134 = arith.constant 1 : i32
        %and3A_1135 = vector.broadcast %and3A_1134 : i32 to vector<16xi32>
        %and3A_1136 = arith.andi %shift_right_arithmetic3A_1133, %and3A_1135 : vector<16xi32>
        %add3A_1137 = arith.addi %add3A_1130, %and3A_1136 : vector<16xi32>
        %and3A_1138 = arith.constant -65536 : i32
        %and3A_1139 = vector.broadcast %and3A_1138 : i32 to vector<16xi32>
        %and3A_1140 = arith.andi %add3A_1137, %and3A_1139 : vector<16xi32>
        %bitcast3A_1141 = vector.bitcast %and3A_1140 : vector<16xi32> to vector<16xf32>
        %sub3A_1142 = vector.broadcast %squeeze3A_627 : f32 to vector<16xf32>
        %sub3A_1143 = arith.subf %get3A_1118, %sub3A_1142 : vector<16xf32>
        %bitcast3A_1144 = vector.bitcast %sub3A_1143 : vector<16xf32> to vector<16xi32>
        %add3A_1145 = arith.constant 32767 : i32
        %add3A_1146 = vector.broadcast %add3A_1145 : i32 to vector<16xi32>
        %add3A_1147 = arith.addi %bitcast3A_1144, %add3A_1146 : vector<16xi32>
        %shift_right_arithmetic3A_1148 = arith.constant 16 : i32
        %shift_right_arithmetic3A_1149 = vector.broadcast %shift_right_arithmetic3A_1148 : i32 to vector<16xi32>
        %shift_right_arithmetic3A_1150 = arith.shrsi %bitcast3A_1144, %shift_right_arithmetic3A_1149 : vector<16xi32>
        %and3A_1151 = arith.constant 1 : i32
        %and3A_1152 = vector.broadcast %and3A_1151 : i32 to vector<16xi32>
        %and3A_1153 = arith.andi %shift_right_arithmetic3A_1150, %and3A_1152 : vector<16xi32>
        %add3A_1154 = arith.addi %add3A_1147, %and3A_1153 : vector<16xi32>
        %and3A_1155 = arith.constant -65536 : i32
        %and3A_1156 = vector.broadcast %and3A_1155 : i32 to vector<16xi32>
        %and3A_1157 = arith.andi %add3A_1154, %and3A_1156 : vector<16xi32>
        %bitcast3A_1158 = vector.bitcast %and3A_1157 : vector<16xi32> to vector<16xf32>
        %sub3A_1159 = vector.broadcast %squeeze3A_629 : f32 to vector<16xf32>
        %sub3A_1160 = arith.subf %get3A_1124, %sub3A_1159 : vector<16xf32>
        %bitcast3A_1161 = vector.bitcast %sub3A_1160 : vector<16xf32> to vector<16xi32>
        %add3A_1162 = arith.constant 32767 : i32
        %add3A_1163 = vector.broadcast %add3A_1162 : i32 to vector<16xi32>
        %add3A_1164 = arith.addi %bitcast3A_1161, %add3A_1163 : vector<16xi32>
        %shift_right_arithmetic3A_1165 = arith.constant 16 : i32
        %shift_right_arithmetic3A_1166 = vector.broadcast %shift_right_arithmetic3A_1165 : i32 to vector<16xi32>
        %shift_right_arithmetic3A_1167 = arith.shrsi %bitcast3A_1161, %shift_right_arithmetic3A_1166 : vector<16xi32>
        %and3A_1168 = arith.constant 1 : i32
        %and3A_1169 = vector.broadcast %and3A_1168 : i32 to vector<16xi32>
        %and3A_1170 = arith.andi %shift_right_arithmetic3A_1167, %and3A_1169 : vector<16xi32>
        %add3A_1171 = arith.addi %add3A_1164, %and3A_1170 : vector<16xi32>
        %and3A_1172 = arith.constant -65536 : i32
        %and3A_1173 = vector.broadcast %and3A_1172 : i32 to vector<16xi32>
        %and3A_1174 = arith.andi %add3A_1171, %and3A_1173 : vector<16xi32>
        %bitcast3A_1175 = vector.bitcast %and3A_1174 : vector<16xi32> to vector<16xf32>
        %mul3A_1176 = vector.broadcast %squeeze3A_607 : f32 to vector<16xf32>
        %mul3A_1177 = arith.mulf %bitcast3A_1141, %mul3A_1176 : vector<16xf32>
        %mul3A_1178 = vector.broadcast %squeeze3A_613 : f32 to vector<16xf32>
        %mul3A_1179 = arith.mulf %bitcast3A_1158, %mul3A_1178 : vector<16xf32>
        %add3A_1180 = arith.addf %mul3A_1177, %mul3A_1179 : vector<16xf32>
        %mul3A_1181 = vector.broadcast %squeeze3A_619 : f32 to vector<16xf32>
        %mul3A_1182 = arith.mulf %bitcast3A_1175, %mul3A_1181 : vector<16xf32>
        %add3A_1183 = arith.addf %add3A_1180, %mul3A_1182 : vector<16xf32>
        %mul3A_1184 = vector.broadcast %squeeze3A_609 : f32 to vector<16xf32>
        %mul3A_1185 = arith.mulf %bitcast3A_1141, %mul3A_1184 : vector<16xf32>
        %mul3A_1186 = vector.broadcast %squeeze3A_615 : f32 to vector<16xf32>
        %mul3A_1187 = arith.mulf %bitcast3A_1158, %mul3A_1186 : vector<16xf32>
        %add3A_1188 = arith.addf %mul3A_1185, %mul3A_1187 : vector<16xf32>
        %mul3A_1189 = vector.broadcast %squeeze3A_621 : f32 to vector<16xf32>
        %mul3A_1190 = arith.mulf %bitcast3A_1175, %mul3A_1189 : vector<16xf32>
        %add3A_1191 = arith.addf %add3A_1188, %mul3A_1190 : vector<16xf32>
        %mul3A_1192 = vector.broadcast %squeeze3A_611 : f32 to vector<16xf32>
        %mul3A_1193 = arith.mulf %bitcast3A_1141, %mul3A_1192 : vector<16xf32>
        %mul3A_1194 = vector.broadcast %squeeze3A_617 : f32 to vector<16xf32>
        %mul3A_1195 = arith.mulf %bitcast3A_1158, %mul3A_1194 : vector<16xf32>
        %add3A_1196 = arith.addf %mul3A_1193, %mul3A_1195 : vector<16xf32>
        %mul3A_1197 = vector.broadcast %squeeze3A_623 : f32 to vector<16xf32>
        %mul3A_1198 = arith.mulf %bitcast3A_1175, %mul3A_1197 : vector<16xf32>
        %add3A_1199 = arith.addf %add3A_1196, %mul3A_1198 : vector<16xf32>
        %mul3A_1200 = arith.mulf %add3A_1191, %add3A_1191 : vector<16xf32>
        %mul3A_1201 = arith.mulf %add3A_1199, %add3A_1199 : vector<16xf32>
        %add3A_1202 = arith.addf %mul3A_1200, %mul3A_1201 : vector<16xf32>
        %lt3A_1203 = vector.broadcast %squeeze3A_631 : f32 to vector<16xf32>
        %lt3A_1204 = arith.cmpf olt, %add3A_1202, %lt3A_1203 : vector<16xf32>
        %gt3A_1205 = arith.constant -2.000000e-02 : f32
        %gt3A_1206 = vector.broadcast %gt3A_1205 : f32 to vector<16xf32>
        %gt3A_1207 = arith.cmpf ogt, %add3A_1183, %gt3A_1206 : vector<16xf32>
        %and3A_1208 = arith.andi %lt3A_1204, %gt3A_1207 : vector<16xi1>
        %lt3A_1209 = arith.constant 4.000000e-02 : f32
        %lt3A_1210 = vector.broadcast %lt3A_1209 : f32 to vector<16xf32>
        %lt3A_1211 = arith.cmpf olt, %add3A_1183, %lt3A_1210 : vector<16xf32>
        %and3A_1212 = arith.andi %and3A_1208, %lt3A_1211 : vector<16xi1>
        %all_reduce_population_count3A_1213 = tpu.all_reduce %and3A_1212 {dim = 0 : i64, kind = #tpu.reduction_kind<sum>} : vector<16xi1> -> vector<16xi32>
        %convert_element_type3A_1214 = arith.extui %and3A_1212 : vector<16xi1> to vector<16xi32>
        %broadcast_in_dim3A_1215 = arith.constant true
        %broadcast_in_dim3A_1216 = vector.broadcast %broadcast_in_dim3A_1215 : i1 to vector<16xi1>
        %masked_cumsum3A_1217 = tpu.scan <sum>, %convert_element_type3A_1214 masked %broadcast_in_dim3A_1216 : vector<16xi32>, vector<16xi1> -> vector<16xi32>
        %mul3A_1218 = arith.constant 4 : i32
        %mul3A_1219 = arith.muli %scan3A_987, %mul3A_1218 : i32
        %add3A_1220 = arith.constant 2 : i32
        %add3A_1221 = arith.addi %mul3A_1219, %add3A_1220 : i32
        %mul3A_1222 = arith.constant 16 : i32
        %mul3A_1223 = arith.muli %add3A_1221, %mul3A_1222 : i32
        %get3A_1224 = arith.constant 0 : i32
        %get3A_1225 = arith.index_cast %get3A_1224 : i32 to index
        %get3A_1226 = arith.index_cast %mul3A_1223 : i32 to index
        %get3A_1227 = tpu.vector_load %arg9[%get3A_1225, %get3A_1226] {strides = array<i32>} : memref<3x1024xf32, #tpu.memory_space<vmem>>, vector<16xf32>,
        %mul3A_1228 = arith.constant 16 : i32
        %mul3A_1229 = arith.muli %add3A_1221, %mul3A_1228 : i32
        %get3A_1230 = arith.constant 1 : i32
        %get3A_1231 = arith.index_cast %get3A_1230 : i32 to index
        %get3A_1232 = arith.index_cast %mul3A_1229 : i32 to index
        %get3A_1233 = tpu.vector_load %arg9[%get3A_1231, %get3A_1232] {strides = array<i32>} : memref<3x1024xf32, #tpu.memory_space<vmem>>, vector<16xf32>,
        %mul3A_1234 = arith.constant 16 : i32
        %mul3A_1235 = arith.muli %add3A_1221, %mul3A_1234 : i32
        %get3A_1236 = arith.constant 2 : i32
        %get3A_1237 = arith.index_cast %get3A_1236 : i32 to index
        %get3A_1238 = arith.index_cast %mul3A_1235 : i32 to index
        %get3A_1239 = tpu.vector_load %arg9[%get3A_1237, %get3A_1238] {strides = array<i32>} : memref<3x1024xf32, #tpu.memory_space<vmem>>, vector<16xf32>,
        %sub3A_1240 = vector.broadcast %squeeze3A_625 : f32 to vector<16xf32>
        %sub3A_1241 = arith.subf %get3A_1227, %sub3A_1240 : vector<16xf32>
        %bitcast3A_1242 = vector.bitcast %sub3A_1241 : vector<16xf32> to vector<16xi32>
        %add3A_1243 = arith.constant 32767 : i32
        %add3A_1244 = vector.broadcast %add3A_1243 : i32 to vector<16xi32>
        %add3A_1245 = arith.addi %bitcast3A_1242, %add3A_1244 : vector<16xi32>
        %shift_right_arithmetic3A_1246 = arith.constant 16 : i32
        %shift_right_arithmetic3A_1247 = vector.broadcast %shift_right_arithmetic3A_1246 : i32 to vector<16xi32>
        %shift_right_arithmetic3A_1248 = arith.shrsi %bitcast3A_1242, %shift_right_arithmetic3A_1247 : vector<16xi32>
        %and3A_1249 = arith.constant 1 : i32
        %and3A_1250 = vector.broadcast %and3A_1249 : i32 to vector<16xi32>
        %and3A_1251 = arith.andi %shift_right_arithmetic3A_1248, %and3A_1250 : vector<16xi32>
        %add3A_1252 = arith.addi %add3A_1245, %and3A_1251 : vector<16xi32>
        %and3A_1253 = arith.constant -65536 : i32
        %and3A_1254 = vector.broadcast %and3A_1253 : i32 to vector<16xi32>
        %and3A_1255 = arith.andi %add3A_1252, %and3A_1254 : vector<16xi32>
        %bitcast3A_1256 = vector.bitcast %and3A_1255 : vector<16xi32> to vector<16xf32>
        %sub3A_1257 = vector.broadcast %squeeze3A_627 : f32 to vector<16xf32>
        %sub3A_1258 = arith.subf %get3A_1233, %sub3A_1257 : vector<16xf32>
        %bitcast3A_1259 = vector.bitcast %sub3A_1258 : vector<16xf32> to vector<16xi32>
        %add3A_1260 = arith.constant 32767 : i32
        %add3A_1261 = vector.broadcast %add3A_1260 : i32 to vector<16xi32>
        %add3A_1262 = arith.addi %bitcast3A_1259, %add3A_1261 : vector<16xi32>
        %shift_right_arithmetic3A_1263 = arith.constant 16 : i32
        %shift_right_arithmetic3A_1264 = vector.broadcast %shift_right_arithmetic3A_1263 : i32 to vector<16xi32>
        %shift_right_arithmetic3A_1265 = arith.shrsi %bitcast3A_1259, %shift_right_arithmetic3A_1264 : vector<16xi32>
        %and3A_1266 = arith.constant 1 : i32
        %and3A_1267 = vector.broadcast %and3A_1266 : i32 to vector<16xi32>
        %and3A_1268 = arith.andi %shift_right_arithmetic3A_1265, %and3A_1267 : vector<16xi32>
        %add3A_1269 = arith.addi %add3A_1262, %and3A_1268 : vector<16xi32>
        %and3A_1270 = arith.constant -65536 : i32
        %and3A_1271 = vector.broadcast %and3A_1270 : i32 to vector<16xi32>
        %and3A_1272 = arith.andi %add3A_1269, %and3A_1271 : vector<16xi32>
        %bitcast3A_1273 = vector.bitcast %and3A_1272 : vector<16xi32> to vector<16xf32>
        %sub3A_1274 = vector.broadcast %squeeze3A_629 : f32 to vector<16xf32>
        %sub3A_1275 = arith.subf %get3A_1239, %sub3A_1274 : vector<16xf32>
        %bitcast3A_1276 = vector.bitcast %sub3A_1275 : vector<16xf32> to vector<16xi32>
        %add3A_1277 = arith.constant 32767 : i32
        %add3A_1278 = vector.broadcast %add3A_1277 : i32 to vector<16xi32>
        %add3A_1279 = arith.addi %bitcast3A_1276, %add3A_1278 : vector<16xi32>
        %shift_right_arithmetic3A_1280 = arith.constant 16 : i32
        %shift_right_arithmetic3A_1281 = vector.broadcast %shift_right_arithmetic3A_1280 : i32 to vector<16xi32>
        %shift_right_arithmetic3A_1282 = arith.shrsi %bitcast3A_1276, %shift_right_arithmetic3A_1281 : vector<16xi32>
        %and3A_1283 = arith.constant 1 : i32
        %and3A_1284 = vector.broadcast %and3A_1283 : i32 to vector<16xi32>
        %and3A_1285 = arith.andi %shift_right_arithmetic3A_1282, %and3A_1284 : vector<16xi32>
        %add3A_1286 = arith.addi %add3A_1279, %and3A_1285 : vector<16xi32>
        %and3A_1287 = arith.constant -65536 : i32
        %and3A_1288 = vector.broadcast %and3A_1287 : i32 to vector<16xi32>
        %and3A_1289 = arith.andi %add3A_1286, %and3A_1288 : vector<16xi32>
        %bitcast3A_1290 = vector.bitcast %and3A_1289 : vector<16xi32> to vector<16xf32>
        %mul3A_1291 = vector.broadcast %squeeze3A_607 : f32 to vector<16xf32>
        %mul3A_1292 = arith.mulf %bitcast3A_1256, %mul3A_1291 : vector<16xf32>
        %mul3A_1293 = vector.broadcast %squeeze3A_613 : f32 to vector<16xf32>
        %mul3A_1294 = arith.mulf %bitcast3A_1273, %mul3A_1293 : vector<16xf32>
        %add3A_1295 = arith.addf %mul3A_1292, %mul3A_1294 : vector<16xf32>
        %mul3A_1296 = vector.broadcast %squeeze3A_619 : f32 to vector<16xf32>
        %mul3A_1297 = arith.mulf %bitcast3A_1290, %mul3A_1296 : vector<16xf32>
        %add3A_1298 = arith.addf %add3A_1295, %mul3A_1297 : vector<16xf32>
        %mul3A_1299 = vector.broadcast %squeeze3A_609 : f32 to vector<16xf32>
        %mul3A_1300 = arith.mulf %bitcast3A_1256, %mul3A_1299 : vector<16xf32>
        %mul3A_1301 = vector.broadcast %squeeze3A_615 : f32 to vector<16xf32>
        %mul3A_1302 = arith.mulf %bitcast3A_1273, %mul3A_1301 : vector<16xf32>
        %add3A_1303 = arith.addf %mul3A_1300, %mul3A_1302 : vector<16xf32>
        %mul3A_1304 = vector.broadcast %squeeze3A_621 : f32 to vector<16xf32>
        %mul3A_1305 = arith.mulf %bitcast3A_1290, %mul3A_1304 : vector<16xf32>
        %add3A_1306 = arith.addf %add3A_1303, %mul3A_1305 : vector<16xf32>
        %mul3A_1307 = vector.broadcast %squeeze3A_611 : f32 to vector<16xf32>
        %mul3A_1308 = arith.mulf %bitcast3A_1256, %mul3A_1307 : vector<16xf32>
        %mul3A_1309 = vector.broadcast %squeeze3A_617 : f32 to vector<16xf32>
        %mul3A_1310 = arith.mulf %bitcast3A_1273, %mul3A_1309 : vector<16xf32>
        %add3A_1311 = arith.addf %mul3A_1308, %mul3A_1310 : vector<16xf32>
        %mul3A_1312 = vector.broadcast %squeeze3A_623 : f32 to vector<16xf32>
        %mul3A_1313 = arith.mulf %bitcast3A_1290, %mul3A_1312 : vector<16xf32>
        %add3A_1314 = arith.addf %add3A_1311, %mul3A_1313 : vector<16xf32>
        %mul3A_1315 = arith.mulf %add3A_1306, %add3A_1306 : vector<16xf32>
        %mul3A_1316 = arith.mulf %add3A_1314, %add3A_1314 : vector<16xf32>
        %add3A_1317 = arith.addf %mul3A_1315, %mul3A_1316 : vector<16xf32>
        %lt3A_1318 = vector.broadcast %squeeze3A_631 : f32 to vector<16xf32>
        %lt3A_1319 = arith.cmpf olt, %add3A_1317, %lt3A_1318 : vector<16xf32>
        %gt3A_1320 = arith.constant -2.000000e-02 : f32
        %gt3A_1321 = vector.broadcast %gt3A_1320 : f32 to vector<16xf32>
        %gt3A_1322 = arith.cmpf ogt, %add3A_1298, %gt3A_1321 : vector<16xf32>
        %and3A_1323 = arith.andi %lt3A_1319, %gt3A_1322 : vector<16xi1>
        %lt3A_1324 = arith.constant 4.000000e-02 : f32
        %lt3A_1325 = vector.broadcast %lt3A_1324 : f32 to vector<16xf32>
        %lt3A_1326 = arith.cmpf olt, %add3A_1298, %lt3A_1325 : vector<16xf32>
        %and3A_1327 = arith.andi %and3A_1323, %lt3A_1326 : vector<16xi1>
        %all_reduce_population_count3A_1328 = tpu.all_reduce %and3A_1327 {dim = 0 : i64, kind = #tpu.reduction_kind<sum>} : vector<16xi1> -> vector<16xi32>
        %convert_element_type3A_1329 = arith.extui %and3A_1327 : vector<16xi1> to vector<16xi32>
        %broadcast_in_dim3A_1330 = arith.constant true
        %broadcast_in_dim3A_1331 = vector.broadcast %broadcast_in_dim3A_1330 : i1 to vector<16xi1>
        %masked_cumsum3A_1332 = tpu.scan <sum>, %convert_element_type3A_1329 masked %broadcast_in_dim3A_1331 : vector<16xi32>, vector<16xi1> -> vector<16xi32>
        %mul3A_1333 = arith.constant 4 : i32
        %mul3A_1334 = arith.muli %scan3A_987, %mul3A_1333 : i32
        %add3A_1335 = arith.constant 3 : i32
        %add3A_1336 = arith.addi %mul3A_1334, %add3A_1335 : i32
        %mul3A_1337 = arith.constant 16 : i32
        %mul3A_1338 = arith.muli %add3A_1336, %mul3A_1337 : i32
        %get3A_1339 = arith.constant 0 : i32
        %get3A_1340 = arith.index_cast %get3A_1339 : i32 to index
        %get3A_1341 = arith.index_cast %mul3A_1338 : i32 to index
        %get3A_1342 = tpu.vector_load %arg9[%get3A_1340, %get3A_1341] {strides = array<i32>} : memref<3x1024xf32, #tpu.memory_space<vmem>>, vector<16xf32>,
        %mul3A_1343 = arith.constant 16 : i32
        %mul3A_1344 = arith.muli %add3A_1336, %mul3A_1343 : i32
        %get3A_1345 = arith.constant 1 : i32
        %get3A_1346 = arith.index_cast %get3A_1345 : i32 to index
        %get3A_1347 = arith.index_cast %mul3A_1344 : i32 to index
        %get3A_1348 = tpu.vector_load %arg9[%get3A_1346, %get3A_1347] {strides = array<i32>} : memref<3x1024xf32, #tpu.memory_space<vmem>>, vector<16xf32>,
        %mul3A_1349 = arith.constant 16 : i32
        %mul3A_1350 = arith.muli %add3A_1336, %mul3A_1349 : i32
        %get3A_1351 = arith.constant 2 : i32
        %get3A_1352 = arith.index_cast %get3A_1351 : i32 to index
        %get3A_1353 = arith.index_cast %mul3A_1350 : i32 to index
        %get3A_1354 = tpu.vector_load %arg9[%get3A_1352, %get3A_1353] {strides = array<i32>} : memref<3x1024xf32, #tpu.memory_space<vmem>>, vector<16xf32>,
        %sub3A_1355 = vector.broadcast %squeeze3A_625 : f32 to vector<16xf32>
        %sub3A_1356 = arith.subf %get3A_1342, %sub3A_1355 : vector<16xf32>
        %bitcast3A_1357 = vector.bitcast %sub3A_1356 : vector<16xf32> to vector<16xi32>
        %add3A_1358 = arith.constant 32767 : i32
        %add3A_1359 = vector.broadcast %add3A_1358 : i32 to vector<16xi32>
        %add3A_1360 = arith.addi %bitcast3A_1357, %add3A_1359 : vector<16xi32>
        %shift_right_arithmetic3A_1361 = arith.constant 16 : i32
        %shift_right_arithmetic3A_1362 = vector.broadcast %shift_right_arithmetic3A_1361 : i32 to vector<16xi32>
        %shift_right_arithmetic3A_1363 = arith.shrsi %bitcast3A_1357, %shift_right_arithmetic3A_1362 : vector<16xi32>
        %and3A_1364 = arith.constant 1 : i32
        %and3A_1365 = vector.broadcast %and3A_1364 : i32 to vector<16xi32>
        %and3A_1366 = arith.andi %shift_right_arithmetic3A_1363, %and3A_1365 : vector<16xi32>
        %add3A_1367 = arith.addi %add3A_1360, %and3A_1366 : vector<16xi32>
        %and3A_1368 = arith.constant -65536 : i32
        %and3A_1369 = vector.broadcast %and3A_1368 : i32 to vector<16xi32>
        %and3A_1370 = arith.andi %add3A_1367, %and3A_1369 : vector<16xi32>
        %bitcast3A_1371 = vector.bitcast %and3A_1370 : vector<16xi32> to vector<16xf32>
        %sub3A_1372 = vector.broadcast %squeeze3A_627 : f32 to vector<16xf32>
        %sub3A_1373 = arith.subf %get3A_1348, %sub3A_1372 : vector<16xf32>
        %bitcast3A_1374 = vector.bitcast %sub3A_1373 : vector<16xf32> to vector<16xi32>
        %add3A_1375 = arith.constant 32767 : i32
        %add3A_1376 = vector.broadcast %add3A_1375 : i32 to vector<16xi32>
        %add3A_1377 = arith.addi %bitcast3A_1374, %add3A_1376 : vector<16xi32>
        %shift_right_arithmetic3A_1378 = arith.constant 16 : i32
        %shift_right_arithmetic3A_1379 = vector.broadcast %shift_right_arithmetic3A_1378 : i32 to vector<16xi32>
        %shift_right_arithmetic3A_1380 = arith.shrsi %bitcast3A_1374, %shift_right_arithmetic3A_1379 : vector<16xi32>
        %and3A_1381 = arith.constant 1 : i32
        %and3A_1382 = vector.broadcast %and3A_1381 : i32 to vector<16xi32>
        %and3A_1383 = arith.andi %shift_right_arithmetic3A_1380, %and3A_1382 : vector<16xi32>
        %add3A_1384 = arith.addi %add3A_1377, %and3A_1383 : vector<16xi32>
        %and3A_1385 = arith.constant -65536 : i32
        %and3A_1386 = vector.broadcast %and3A_1385 : i32 to vector<16xi32>
        %and3A_1387 = arith.andi %add3A_1384, %and3A_1386 : vector<16xi32>
        %bitcast3A_1388 = vector.bitcast %and3A_1387 : vector<16xi32> to vector<16xf32>
        %sub3A_1389 = vector.broadcast %squeeze3A_629 : f32 to vector<16xf32>
        %sub3A_1390 = arith.subf %get3A_1354, %sub3A_1389 : vector<16xf32>
        %bitcast3A_1391 = vector.bitcast %sub3A_1390 : vector<16xf32> to vector<16xi32>
        %add3A_1392 = arith.constant 32767 : i32
        %add3A_1393 = vector.broadcast %add3A_1392 : i32 to vector<16xi32>
        %add3A_1394 = arith.addi %bitcast3A_1391, %add3A_1393 : vector<16xi32>
        %shift_right_arithmetic3A_1395 = arith.constant 16 : i32
        %shift_right_arithmetic3A_1396 = vector.broadcast %shift_right_arithmetic3A_1395 : i32 to vector<16xi32>
        %shift_right_arithmetic3A_1397 = arith.shrsi %bitcast3A_1391, %shift_right_arithmetic3A_1396 : vector<16xi32>
        %and3A_1398 = arith.constant 1 : i32
        %and3A_1399 = vector.broadcast %and3A_1398 : i32 to vector<16xi32>
        %and3A_1400 = arith.andi %shift_right_arithmetic3A_1397, %and3A_1399 : vector<16xi32>
        %add3A_1401 = arith.addi %add3A_1394, %and3A_1400 : vector<16xi32>
        %and3A_1402 = arith.constant -65536 : i32
        %and3A_1403 = vector.broadcast %and3A_1402 : i32 to vector<16xi32>
        %and3A_1404 = arith.andi %add3A_1401, %and3A_1403 : vector<16xi32>
        %bitcast3A_1405 = vector.bitcast %and3A_1404 : vector<16xi32> to vector<16xf32>
        %mul3A_1406 = vector.broadcast %squeeze3A_607 : f32 to vector<16xf32>
        %mul3A_1407 = arith.mulf %bitcast3A_1371, %mul3A_1406 : vector<16xf32>
        %mul3A_1408 = vector.broadcast %squeeze3A_613 : f32 to vector<16xf32>
        %mul3A_1409 = arith.mulf %bitcast3A_1388, %mul3A_1408 : vector<16xf32>
        %add3A_1410 = arith.addf %mul3A_1407, %mul3A_1409 : vector<16xf32>
        %mul3A_1411 = vector.broadcast %squeeze3A_619 : f32 to vector<16xf32>
        %mul3A_1412 = arith.mulf %bitcast3A_1405, %mul3A_1411 : vector<16xf32>
        %add3A_1413 = arith.addf %add3A_1410, %mul3A_1412 : vector<16xf32>
        %mul3A_1414 = vector.broadcast %squeeze3A_609 : f32 to vector<16xf32>
        %mul3A_1415 = arith.mulf %bitcast3A_1371, %mul3A_1414 : vector<16xf32>
        %mul3A_1416 = vector.broadcast %squeeze3A_615 : f32 to vector<16xf32>
        %mul3A_1417 = arith.mulf %bitcast3A_1388, %mul3A_1416 : vector<16xf32>
        %add3A_1418 = arith.addf %mul3A_1415, %mul3A_1417 : vector<16xf32>
        %mul3A_1419 = vector.broadcast %squeeze3A_621 : f32 to vector<16xf32>
        %mul3A_1420 = arith.mulf %bitcast3A_1405, %mul3A_1419 : vector<16xf32>
        %add3A_1421 = arith.addf %add3A_1418, %mul3A_1420 : vector<16xf32>
        %mul3A_1422 = vector.broadcast %squeeze3A_611 : f32 to vector<16xf32>
        %mul3A_1423 = arith.mulf %bitcast3A_1371, %mul3A_1422 : vector<16xf32>
        %mul3A_1424 = vector.broadcast %squeeze3A_617 : f32 to vector<16xf32>
        %mul3A_1425 = arith.mulf %bitcast3A_1388, %mul3A_1424 : vector<16xf32>
        %add3A_1426 = arith.addf %mul3A_1423, %mul3A_1425 : vector<16xf32>
        %mul3A_1427 = vector.broadcast %squeeze3A_623 : f32 to vector<16xf32>
        %mul3A_1428 = arith.mulf %bitcast3A_1405, %mul3A_1427 : vector<16xf32>
        %add3A_1429 = arith.addf %add3A_1426, %mul3A_1428 : vector<16xf32>
        %mul3A_1430 = arith.mulf %add3A_1421, %add3A_1421 : vector<16xf32>
        %mul3A_1431 = arith.mulf %add3A_1429, %add3A_1429 : vector<16xf32>
        %add3A_1432 = arith.addf %mul3A_1430, %mul3A_1431 : vector<16xf32>
        %lt3A_1433 = vector.broadcast %squeeze3A_631 : f32 to vector<16xf32>
        %lt3A_1434 = arith.cmpf olt, %add3A_1432, %lt3A_1433 : vector<16xf32>
        %gt3A_1435 = arith.constant -2.000000e-02 : f32
        %gt3A_1436 = vector.broadcast %gt3A_1435 : f32 to vector<16xf32>
        %gt3A_1437 = arith.cmpf ogt, %add3A_1413, %gt3A_1436 : vector<16xf32>
        %and3A_1438 = arith.andi %lt3A_1434, %gt3A_1437 : vector<16xi1>
        %lt3A_1439 = arith.constant 4.000000e-02 : f32
        %lt3A_1440 = vector.broadcast %lt3A_1439 : f32 to vector<16xf32>
        %lt3A_1441 = arith.cmpf olt, %add3A_1413, %lt3A_1440 : vector<16xf32>
        %and3A_1442 = arith.andi %and3A_1438, %lt3A_1441 : vector<16xi1>
        %all_reduce_population_count3A_1443 = tpu.all_reduce %and3A_1442 {dim = 0 : i64, kind = #tpu.reduction_kind<sum>} : vector<16xi1> -> vector<16xi32>
        %convert_element_type3A_1444 = arith.extui %and3A_1442 : vector<16xi1> to vector<16xi32>
        %broadcast_in_dim3A_1445 = arith.constant true
        %broadcast_in_dim3A_1446 = vector.broadcast %broadcast_in_dim3A_1445 : i1 to vector<16xi1>
        %masked_cumsum3A_1447 = tpu.scan <sum>, %convert_element_type3A_1444 masked %broadcast_in_dim3A_1446 : vector<16xi32>, vector<16xi1> -> vector<16xi32>
        %sub3A_1448 = arith.constant 1 : i32
        %sub3A_1449 = vector.broadcast %sub3A_1448 : i32 to vector<16xi32>
        %sub3A_1450 = arith.subi %scan3A_988, %sub3A_1449 : vector<16xi32>
        %add3A_1451 = arith.addi %masked_cumsum3A, %sub3A_1450 : vector<16xi32>
        %mul3A_1452 = arith.constant 4 : i32
        %mul3A_1453 = arith.muli %scan3A_987, %mul3A_1452 : i32
        %add3A_1454 = arith.constant 0 : i32
        %add3A_1455 = arith.addi %mul3A_1453, %add3A_1454 : i32
        %mul3A_1456 = arith.constant 16 : i32
        %mul3A_1457 = arith.muli %add3A_1455, %mul3A_1456 : i32
        %add3A_1458 = vector.broadcast %mul3A_1457 : i32 to vector<16xi32>
        %add3A_1459 = arith.addi %iota3A_989, %add3A_1458 : vector<16xi32>
        %lt3A_1460 = arith.constant 32 : i32
        %lt3A_1461 = vector.broadcast %lt3A_1460 : i32 to vector<16xi32>
        %lt3A_1462 = arith.cmpi slt, %add3A_1451, %lt3A_1461 : vector<16xi32>
        %and3A_1463 = arith.andi %and3A_1099, %lt3A_1462 : vector<16xi1>
        tpu.vector_store_idx %arg11[%add3A_1451], %add3A_1459 masked %and3A_1463 : memref<64xi32, #tpu.memory_space<vmem>>[vector<16xi32>], vector<16xi32>, vector<16xi1>
        %add3A_1464 = arith.addi %scan3A_988, %all_reduce_population_count3A : vector<16xi32>
        %sub3A_1465 = arith.constant 1 : i32
        %sub3A_1466 = vector.broadcast %sub3A_1465 : i32 to vector<16xi32>
        %sub3A_1467 = arith.subi %add3A_1464, %sub3A_1466 : vector<16xi32>
        %add3A_1468 = arith.addi %masked_cumsum3A_1217, %sub3A_1467 : vector<16xi32>
        %mul3A_1469 = arith.constant 4 : i32
        %mul3A_1470 = arith.muli %scan3A_987, %mul3A_1469 : i32
        %add3A_1471 = arith.constant 1 : i32
        %add3A_1472 = arith.addi %mul3A_1470, %add3A_1471 : i32
        %mul3A_1473 = arith.constant 16 : i32
        %mul3A_1474 = arith.muli %add3A_1472, %mul3A_1473 : i32
        %add3A_1475 = vector.broadcast %mul3A_1474 : i32 to vector<16xi32>
        %add3A_1476 = arith.addi %iota3A_989, %add3A_1475 : vector<16xi32>
        %lt3A_1477 = arith.constant 32 : i32
        %lt3A_1478 = vector.broadcast %lt3A_1477 : i32 to vector<16xi32>
        %lt3A_1479 = arith.cmpi slt, %add3A_1468, %lt3A_1478 : vector<16xi32>
        %and3A_1480 = arith.andi %and3A_1212, %lt3A_1479 : vector<16xi1>
        tpu.vector_store_idx %arg11[%add3A_1468], %add3A_1476 masked %and3A_1480 : memref<64xi32, #tpu.memory_space<vmem>>[vector<16xi32>], vector<16xi32>, vector<16xi1>
        %add3A_1481 = arith.addi %add3A_1464, %all_reduce_population_count3A_1213 : vector<16xi32>
        %sub3A_1482 = arith.constant 1 : i32
        %sub3A_1483 = vector.broadcast %sub3A_1482 : i32 to vector<16xi32>
        %sub3A_1484 = arith.subi %add3A_1481, %sub3A_1483 : vector<16xi32>
        %add3A_1485 = arith.addi %masked_cumsum3A_1332, %sub3A_1484 : vector<16xi32>
        %mul3A_1486 = arith.constant 4 : i32
        %mul3A_1487 = arith.muli %scan3A_987, %mul3A_1486 : i32
        %add3A_1488 = arith.constant 2 : i32
        %add3A_1489 = arith.addi %mul3A_1487, %add3A_1488 : i32
        %mul3A_1490 = arith.constant 16 : i32
        %mul3A_1491 = arith.muli %add3A_1489, %mul3A_1490 : i32
        %add3A_1492 = vector.broadcast %mul3A_1491 : i32 to vector<16xi32>
        %add3A_1493 = arith.addi %iota3A_989, %add3A_1492 : vector<16xi32>
        %lt3A_1494 = arith.constant 32 : i32
        %lt3A_1495 = vector.broadcast %lt3A_1494 : i32 to vector<16xi32>
        %lt3A_1496 = arith.cmpi slt, %add3A_1485, %lt3A_1495 : vector<16xi32>
        %and3A_1497 = arith.andi %and3A_1327, %lt3A_1496 : vector<16xi1>
        tpu.vector_store_idx %arg11[%add3A_1485], %add3A_1493 masked %and3A_1497 : memref<64xi32, #tpu.memory_space<vmem>>[vector<16xi32>], vector<16xi32>, vector<16xi1>
        %add3A_1498 = arith.addi %add3A_1481, %all_reduce_population_count3A_1328 : vector<16xi32>
        %sub3A_1499 = arith.constant 1 : i32
        %sub3A_1500 = vector.broadcast %sub3A_1499 : i32 to vector<16xi32>
        %sub3A_1501 = arith.subi %add3A_1498, %sub3A_1500 : vector<16xi32>
        %add3A_1502 = arith.addi %masked_cumsum3A_1447, %sub3A_1501 : vector<16xi32>
        %mul3A_1503 = arith.constant 4 : i32
        %mul3A_1504 = arith.muli %scan3A_987, %mul3A_1503 : i32
        %add3A_1505 = arith.constant 3 : i32
        %add3A_1506 = arith.addi %mul3A_1504, %add3A_1505 : i32
        %mul3A_1507 = arith.constant 16 : i32
        %mul3A_1508 = arith.muli %add3A_1506, %mul3A_1507 : i32
        %add3A_1509 = vector.broadcast %mul3A_1508 : i32 to vector<16xi32>
        %add3A_1510 = arith.addi %iota3A_989, %add3A_1509 : vector<16xi32>
        %lt3A_1511 = arith.constant 32 : i32
        %lt3A_1512 = vector.broadcast %lt3A_1511 : i32 to vector<16xi32>
        %lt3A_1513 = arith.cmpi slt, %add3A_1502, %lt3A_1512 : vector<16xi32>
        %and3A_1514 = arith.andi %and3A_1442, %lt3A_1513 : vector<16xi1>
        tpu.vector_store_idx %arg11[%add3A_1502], %add3A_1510 masked %and3A_1514 : memref<64xi32, #tpu.memory_space<vmem>>[vector<16xi32>], vector<16xi32>, vector<16xi1>
        %add3A_1515 = arith.addi %add3A_1498, %all_reduce_population_count3A_1443 : vector<16xi32>
        scf.yield %add3A_1515 : vector<16xi32>
      }
      %scan3A_649 = arith.constant 16 : i32
      %slice3A_650 = vector.extract_strided_slice %scan3A_648 {offsets = [0], sizes = [1], strides = [1]} : vector<16xi32> to vector<1xi32>
      %squeeze3A_651 = vector.extract %slice3A_650[0] : i32 from vector<1xi32>
      %min3A_652 = arith.constant 32 : i32
      %min3A_653 = arith.minsi %squeeze3A_651, %min3A_652 : i32
      %sub3A_654 = arith.subf %squeeze3A, %squeeze3A_625 : f32
      %sub3A_655 = arith.subf %squeeze3A_86, %squeeze3A_627 : f32
      %sub3A_656 = arith.subf %squeeze3A_92, %squeeze3A_629 : f32
      %mul3A_657 = arith.mulf %sub3A_654, %squeeze3A_607 : f32
      %mul3A_658 = arith.mulf %sub3A_655, %squeeze3A_613 : f32
      %add3A_659 = arith.addf %mul3A_657, %mul3A_658 : f32
      %mul3A_660 = arith.mulf %sub3A_656, %squeeze3A_619 : f32
      %add3A_661 = arith.addf %add3A_659, %mul3A_660 : f32
      %mul3A_662 = arith.mulf %sub3A_654, %squeeze3A_609 : f32
      %mul3A_663 = arith.mulf %sub3A_655, %squeeze3A_615 : f32
      %add3A_664 = arith.addf %mul3A_662, %mul3A_663 : f32
      %mul3A_665 = arith.mulf %sub3A_656, %squeeze3A_621 : f32
      %add3A_666 = arith.addf %add3A_664, %mul3A_665 : f32
      %mul3A_667 = arith.mulf %sub3A_654, %squeeze3A_611 : f32
      %mul3A_668 = arith.mulf %sub3A_655, %squeeze3A_617 : f32
      %add3A_669 = arith.addf %mul3A_667, %mul3A_668 : f32
      %mul3A_670 = arith.mulf %sub3A_656, %squeeze3A_623 : f32
      %add3A_671 = arith.addf %add3A_669, %mul3A_670 : f32
      %sub3A_672 = arith.constant 32 : i32
      %sub3A_673 = arith.subi %sub3A_672, %min3A_653 : i32
      %convert_element_type3A_674 = arith.sitofp %sub3A_673 : i32 to f32
      %add3A_675 = arith.addf %add3A_285, %convert_element_type3A_674 : f32
      %mul3A_676 = arith.mulf %convert_element_type3A_674, %add3A_661 : f32
      %add3A_677 = arith.addf %add3A_287, %mul3A_676 : f32
      %mul3A_678 = arith.mulf %convert_element_type3A_674, %add3A_666 : f32
      %add3A_679 = arith.addf %add3A_289, %mul3A_678 : f32
      %mul3A_680 = arith.mulf %convert_element_type3A_674, %add3A_671 : f32
      %add3A_681 = arith.addf %add3A_291, %mul3A_680 : f32
      %gt3A_682 = arith.constant 0 : i32
      %gt3A_683 = arith.cmpi sgt, %scan3A_195, %gt3A_682 : i32
      %convert_element_type3A_684 = arith.extui %gt3A_683 : i1 to i32
      %cond3A_685 = arith.constant 0 : i32
      %cond3A_686 = arith.cmpi ne, %convert_element_type3A_684, %cond3A_685 : i32
      scf.if %cond3A_686 {
        %dma_wait3A_987 = arith.constant 0 : i32
        %dma_wait3A_988 = arith.constant 0 : i32
        %dma_wait3A_989 = tpu.memref_slice %arg5[%dma_wait3A_987, %dma_wait3A_988] : memref<131072x256xf32, #tpu.memory_space<hbm>> -> memref<32x256xf32, #tpu.memory_space<hbm>>
        %dma_wait3A_990 = arith.constant 0 : i32
        %dma_wait3A_991 = arith.constant 0 : i32
        %dma_wait3A_992 = tpu.memref_slice %arg5[%dma_wait3A_990, %dma_wait3A_991] : memref<131072x256xf32, #tpu.memory_space<hbm>> -> memref<32x256xf32, #tpu.memory_space<hbm>>
        tpu.wait_dma2 semaphore(%arg23 : memref<!tpu.dma_semaphore, #tpu.memory_space<semaphore_mem>>) src(%arg15 : memref<32x256xf32, #tpu.memory_space<vmem>>) dst(%dma_wait3A_992 : memref<32x256xf32, #tpu.memory_space<hbm>>)
        %dma_wait3A_993 = arith.constant 0 : i32
        %dma_wait3A_994 = arith.constant 0 : i32
        %dma_wait3A_995 = tpu.memref_slice %arg6[%dma_wait3A_993, %dma_wait3A_994] : memref<4096x256xf32, #tpu.memory_space<hbm>> -> memref<1x256xf32, #tpu.memory_space<hbm>>
        %dma_wait3A_996 = tpu.memref_squeeze %dma_wait3A_995 : memref<1x256xf32, #tpu.memory_space<hbm>> -> memref<256xf32, #tpu.memory_space<hbm>>
        %dma_wait3A_997 = arith.constant 0 : i32
        %dma_wait3A_998 = tpu.memref_slice %arg6[%dma_wait3A_993, %dma_wait3A_997] : memref<4096x256xf32, #tpu.memory_space<hbm>> -> memref<1x256xf32, #tpu.memory_space<hbm>>
        %dma_wait3A_999 = tpu.memref_squeeze %dma_wait3A_998 : memref<1x256xf32, #tpu.memory_space<hbm>> -> memref<256xf32, #tpu.memory_space<hbm>>
        tpu.wait_dma2 semaphore(%arg23 : memref<!tpu.dma_semaphore, #tpu.memory_space<semaphore_mem>>) src(%arg17 : memref<256xf32, #tpu.memory_space<vmem>>) dst(%dma_wait3A_999 : memref<256xf32, #tpu.memory_space<hbm>>)
      } else {
      }
      %iota3A_687 = tpu.iota {dimensions = array<i32: 0>} : vector<16xi32>
      %broadcast_in_dim3A_688 = arith.constant 1.000000e+00 : f32
      %broadcast_in_dim3A_689 = vector.broadcast %broadcast_in_dim3A_688 : f32 to vector<16xf32>
      %broadcast_in_dim3A_690 = arith.constant 0 : i32
      %broadcast_in_dim3A_691 = vector.broadcast %broadcast_in_dim3A_690 : i32 to vector<16xi32>
      %get3A_692 = arith.constant 0 : index
      %get3A_693 = tpu.vector_load %arg11[%get3A_692] {strides = array<i32>} : memref<64xi32, #tpu.memory_space<vmem>>, vector<16xi32>,
      %add3A_694 = arith.constant 0 : i32
      %add3A_695 = vector.broadcast %add3A_694 : i32 to vector<16xi32>
      %add3A_696 = arith.addi %iota3A_687, %add3A_695 : vector<16xi32>
      %lt3A_697 = vector.broadcast %min3A_653 : i32 to vector<16xi32>
      %lt3A_698 = arith.cmpi slt, %add3A_696, %lt3A_697 : vector<16xi32>
      %gather3A_699 = tpu.vector_load_idx %arg9[%broadcast_in_dim3A_691, %get3A_693] : memref<3x1024xf32, #tpu.memory_space<vmem>>[vector<16xi32>, vector<16xi32>], vector<16xf32>,
      %add3A_700 = arith.constant 1 : i32
      %add3A_701 = vector.broadcast %add3A_700 : i32 to vector<16xi32>
      %add3A_702 = arith.addi %broadcast_in_dim3A_691, %add3A_701 : vector<16xi32>
      %gather3A_703 = tpu.vector_load_idx %arg9[%add3A_702, %get3A_693] : memref<3x1024xf32, #tpu.memory_space<vmem>>[vector<16xi32>, vector<16xi32>], vector<16xf32>,
      %add3A_704 = arith.constant 2 : i32
      %add3A_705 = vector.broadcast %add3A_704 : i32 to vector<16xi32>
      %add3A_706 = arith.addi %broadcast_in_dim3A_691, %add3A_705 : vector<16xi32>
      %gather3A_707 = tpu.vector_load_idx %arg9[%add3A_706, %get3A_693] : memref<3x1024xf32, #tpu.memory_space<vmem>>[vector<16xi32>, vector<16xi32>], vector<16xf32>,
      %sub3A_708 = vector.broadcast %squeeze3A_625 : f32 to vector<16xf32>
      %sub3A_709 = arith.subf %gather3A_699, %sub3A_708 : vector<16xf32>
      %sub3A_710 = vector.broadcast %squeeze3A_627 : f32 to vector<16xf32>
      %sub3A_711 = arith.subf %gather3A_703, %sub3A_710 : vector<16xf32>
      %sub3A_712 = vector.broadcast %squeeze3A_629 : f32 to vector<16xf32>
      %sub3A_713 = arith.subf %gather3A_707, %sub3A_712 : vector<16xf32>
      %mul3A_714 = vector.broadcast %squeeze3A_607 : f32 to vector<16xf32>
      %mul3A_715 = arith.mulf %sub3A_709, %mul3A_714 : vector<16xf32>
      %mul3A_716 = vector.broadcast %squeeze3A_613 : f32 to vector<16xf32>
      %mul3A_717 = arith.mulf %sub3A_711, %mul3A_716 : vector<16xf32>
      %add3A_718 = arith.addf %mul3A_715, %mul3A_717 : vector<16xf32>
      %mul3A_719 = vector.broadcast %squeeze3A_619 : f32 to vector<16xf32>
      %mul3A_720 = arith.mulf %sub3A_713, %mul3A_719 : vector<16xf32>
      %add3A_721 = arith.addf %add3A_718, %mul3A_720 : vector<16xf32>
      %mul3A_722 = vector.broadcast %squeeze3A_609 : f32 to vector<16xf32>
      %mul3A_723 = arith.mulf %sub3A_709, %mul3A_722 : vector<16xf32>
      %mul3A_724 = vector.broadcast %squeeze3A_615 : f32 to vector<16xf32>
      %mul3A_725 = arith.mulf %sub3A_711, %mul3A_724 : vector<16xf32>
      %add3A_726 = arith.addf %mul3A_723, %mul3A_725 : vector<16xf32>
      %mul3A_727 = vector.broadcast %squeeze3A_621 : f32 to vector<16xf32>
      %mul3A_728 = arith.mulf %sub3A_713, %mul3A_727 : vector<16xf32>
      %add3A_729 = arith.addf %add3A_726, %mul3A_728 : vector<16xf32>
      %mul3A_730 = vector.broadcast %squeeze3A_611 : f32 to vector<16xf32>
      %mul3A_731 = arith.mulf %sub3A_709, %mul3A_730 : vector<16xf32>
      %mul3A_732 = vector.broadcast %squeeze3A_617 : f32 to vector<16xf32>
      %mul3A_733 = arith.mulf %sub3A_711, %mul3A_732 : vector<16xf32>
      %add3A_734 = arith.addf %mul3A_731, %mul3A_733 : vector<16xf32>
      %mul3A_735 = vector.broadcast %squeeze3A_623 : f32 to vector<16xf32>
      %mul3A_736 = arith.mulf %sub3A_713, %mul3A_735 : vector<16xf32>
      %add3A_737 = arith.addf %add3A_734, %mul3A_736 : vector<16xf32>
      %mul3A_738 = arith.constant 8 : i32
      %mul3A_739 = vector.broadcast %mul3A_738 : i32 to vector<16xi32>
      %mul3A_740 = arith.muli %add3A_696, %mul3A_739 : vector<16xi32>
      tpu.vector_store_idx %arg17[%mul3A_740], %add3A_721 : memref<256xf32, #tpu.memory_space<vmem>>[vector<16xi32>], vector<16xf32>,
      %mul3A_741 = arith.constant 8 : i32
      %mul3A_742 = vector.broadcast %mul3A_741 : i32 to vector<16xi32>
      %mul3A_743 = arith.muli %add3A_696, %mul3A_742 : vector<16xi32>
      %add3A_744 = arith.constant 1 : i32
      %add3A_745 = vector.broadcast %add3A_744 : i32 to vector<16xi32>
      %add3A_746 = arith.addi %mul3A_743, %add3A_745 : vector<16xi32>
      tpu.vector_store_idx %arg17[%add3A_746], %add3A_729 : memref<256xf32, #tpu.memory_space<vmem>>[vector<16xi32>], vector<16xf32>,
      %mul3A_747 = arith.constant 8 : i32
      %mul3A_748 = vector.broadcast %mul3A_747 : i32 to vector<16xi32>
      %mul3A_749 = arith.muli %add3A_696, %mul3A_748 : vector<16xi32>
      %add3A_750 = arith.constant 2 : i32
      %add3A_751 = vector.broadcast %add3A_750 : i32 to vector<16xi32>
      %add3A_752 = arith.addi %mul3A_749, %add3A_751 : vector<16xi32>
      tpu.vector_store_idx %arg17[%add3A_752], %add3A_737 : memref<256xf32, #tpu.memory_space<vmem>>[vector<16xi32>], vector<16xf32>,
      tpu.vector_store_idx %arg18[%broadcast_in_dim3A_691, %get3A_693], %broadcast_in_dim3A_689 masked %lt3A_698 {add = true} : memref<4x1024xf32, #tpu.memory_space<vmem>>[vector<16xi32>, vector<16xi32>], vector<16xf32>, vector<16xi1>
      %add3A_753 = arith.constant 1 : i32
      %add3A_754 = vector.broadcast %add3A_753 : i32 to vector<16xi32>
      %add3A_755 = arith.addi %broadcast_in_dim3A_691, %add3A_754 : vector<16xi32>
      tpu.vector_store_idx %arg18[%add3A_755, %get3A_693], %add3A_721 masked %lt3A_698 {add = true} : memref<4x1024xf32, #tpu.memory_space<vmem>>[vector<16xi32>, vector<16xi32>], vector<16xf32>, vector<16xi1>
      %add3A_756 = arith.constant 2 : i32
      %add3A_757 = vector.broadcast %add3A_756 : i32 to vector<16xi32>
      %add3A_758 = arith.addi %broadcast_in_dim3A_691, %add3A_757 : vector<16xi32>
      tpu.vector_store_idx %arg18[%add3A_758, %get3A_693], %add3A_729 masked %lt3A_698 {add = true} : memref<4x1024xf32, #tpu.memory_space<vmem>>[vector<16xi32>, vector<16xi32>], vector<16xf32>, vector<16xi1>
      %add3A_759 = arith.constant 3 : i32
      %add3A_760 = vector.broadcast %add3A_759 : i32 to vector<16xi32>
      %add3A_761 = arith.addi %broadcast_in_dim3A_691, %add3A_760 : vector<16xi32>
      tpu.vector_store_idx %arg18[%add3A_761, %get3A_693], %add3A_737 masked %lt3A_698 {add = true} : memref<4x1024xf32, #tpu.memory_space<vmem>>[vector<16xi32>, vector<16xi32>], vector<16xf32>, vector<16xi1>
      %get3A_762 = arith.constant 0 : i32
      %get3A_763 = arith.index_cast %get3A_762 : i32 to index
      %get3A_764 = arith.constant 0 : index
      %get3A_765 = tpu.vector_load %arg19[%get3A_763, %get3A_764] {strides = array<i32>} : memref<8x16xf32, #tpu.memory_space<vmem>>, vector<16xf32>,
      %mul3A_766 = arith.mulf %add3A_721, %add3A_721 : vector<16xf32>
      %add3A_767 = arith.addf %get3A_765, %mul3A_766 : vector<16xf32>
      %swap3A_768 = arith.constant 0 : i32
      %swap3A_769 = arith.index_cast %swap3A_768 : i32 to index
      %swap3A_770 = arith.constant 0 : index
      %swap3A_771 = tpu.vector_load %arg19[%swap3A_769, %swap3A_770] {strides = array<i32>} : memref<8x16xf32, #tpu.memory_space<vmem>>, vector<16xf32>,
      tpu.vector_store %arg19[%swap3A_769, %swap3A_770], %add3A_767 {strides = array<i32>} : memref<8x16xf32, #tpu.memory_space<vmem>>, vector<16xf32>,
      %get3A_772 = arith.constant 1 : i32
      %get3A_773 = arith.index_cast %get3A_772 : i32 to index
      %get3A_774 = arith.constant 0 : index
      %get3A_775 = tpu.vector_load %arg19[%get3A_773, %get3A_774] {strides = array<i32>} : memref<8x16xf32, #tpu.memory_space<vmem>>, vector<16xf32>,
      %mul3A_776 = arith.mulf %add3A_729, %add3A_729 : vector<16xf32>
      %add3A_777 = arith.addf %get3A_775, %mul3A_776 : vector<16xf32>
      %swap3A_778 = arith.constant 1 : i32
      %swap3A_779 = arith.index_cast %swap3A_778 : i32 to index
      %swap3A_780 = arith.constant 0 : index
      %swap3A_781 = tpu.vector_load %arg19[%swap3A_779, %swap3A_780] {strides = array<i32>} : memref<8x16xf32, #tpu.memory_space<vmem>>, vector<16xf32>,
      tpu.vector_store %arg19[%swap3A_779, %swap3A_780], %add3A_777 {strides = array<i32>} : memref<8x16xf32, #tpu.memory_space<vmem>>, vector<16xf32>,
      %get3A_782 = arith.constant 2 : i32
      %get3A_783 = arith.index_cast %get3A_782 : i32 to index
      %get3A_784 = arith.constant 0 : index
      %get3A_785 = tpu.vector_load %arg19[%get3A_783, %get3A_784] {strides = array<i32>} : memref<8x16xf32, #tpu.memory_space<vmem>>, vector<16xf32>,
      %mul3A_786 = arith.mulf %add3A_737, %add3A_737 : vector<16xf32>
      %add3A_787 = arith.addf %get3A_785, %mul3A_786 : vector<16xf32>
      %swap3A_788 = arith.constant 2 : i32
      %swap3A_789 = arith.index_cast %swap3A_788 : i32 to index
      %swap3A_790 = arith.constant 0 : index
      %swap3A_791 = tpu.vector_load %arg19[%swap3A_789, %swap3A_790] {strides = array<i32>} : memref<8x16xf32, #tpu.memory_space<vmem>>, vector<16xf32>,
      tpu.vector_store %arg19[%swap3A_789, %swap3A_790], %add3A_787 {strides = array<i32>} : memref<8x16xf32, #tpu.memory_space<vmem>>, vector<16xf32>,
      %get3A_792 = arith.constant 3 : i32
      %get3A_793 = arith.index_cast %get3A_792 : i32 to index
      %get3A_794 = arith.constant 0 : index
      %get3A_795 = tpu.vector_load %arg19[%get3A_793, %get3A_794] {strides = array<i32>} : memref<8x16xf32, #tpu.memory_space<vmem>>, vector<16xf32>,
      %mul3A_796 = arith.mulf %add3A_721, %add3A_729 : vector<16xf32>
      %add3A_797 = arith.addf %get3A_795, %mul3A_796 : vector<16xf32>
      %swap3A_798 = arith.constant 3 : i32
      %swap3A_799 = arith.index_cast %swap3A_798 : i32 to index
      %swap3A_800 = arith.constant 0 : index
      %swap3A_801 = tpu.vector_load %arg19[%swap3A_799, %swap3A_800] {strides = array<i32>} : memref<8x16xf32, #tpu.memory_space<vmem>>, vector<16xf32>,
      tpu.vector_store %arg19[%swap3A_799, %swap3A_800], %add3A_797 {strides = array<i32>} : memref<8x16xf32, #tpu.memory_space<vmem>>, vector<16xf32>,
      %get3A_802 = arith.constant 4 : i32
      %get3A_803 = arith.index_cast %get3A_802 : i32 to index
      %get3A_804 = arith.constant 0 : index
      %get3A_805 = tpu.vector_load %arg19[%get3A_803, %get3A_804] {strides = array<i32>} : memref<8x16xf32, #tpu.memory_space<vmem>>, vector<16xf32>,
      %mul3A_806 = arith.mulf %add3A_721, %add3A_737 : vector<16xf32>
      %add3A_807 = arith.addf %get3A_805, %mul3A_806 : vector<16xf32>
      %swap3A_808 = arith.constant 4 : i32
      %swap3A_809 = arith.index_cast %swap3A_808 : i32 to index
      %swap3A_810 = arith.constant 0 : index
      %swap3A_811 = tpu.vector_load %arg19[%swap3A_809, %swap3A_810] {strides = array<i32>} : memref<8x16xf32, #tpu.memory_space<vmem>>, vector<16xf32>,
      tpu.vector_store %arg19[%swap3A_809, %swap3A_810], %add3A_807 {strides = array<i32>} : memref<8x16xf32, #tpu.memory_space<vmem>>, vector<16xf32>,
      %get3A_812 = arith.constant 5 : i32
      %get3A_813 = arith.index_cast %get3A_812 : i32 to index
      %get3A_814 = arith.constant 0 : index
      %get3A_815 = tpu.vector_load %arg19[%get3A_813, %get3A_814] {strides = array<i32>} : memref<8x16xf32, #tpu.memory_space<vmem>>, vector<16xf32>,
      %mul3A_816 = arith.mulf %add3A_729, %add3A_737 : vector<16xf32>
      %add3A_817 = arith.addf %get3A_815, %mul3A_816 : vector<16xf32>
      %swap3A_818 = arith.constant 5 : i32
      %swap3A_819 = arith.index_cast %swap3A_818 : i32 to index
      %swap3A_820 = arith.constant 0 : index
      %swap3A_821 = tpu.vector_load %arg19[%swap3A_819, %swap3A_820] {strides = array<i32>} : memref<8x16xf32, #tpu.memory_space<vmem>>, vector<16xf32>,
      tpu.vector_store %arg19[%swap3A_819, %swap3A_820], %add3A_817 {strides = array<i32>} : memref<8x16xf32, #tpu.memory_space<vmem>>, vector<16xf32>,
      %mul3A_822 = arith.constant 1024 : i32
      %mul3A_823 = arith.muli %select_n3A, %mul3A_822 : i32
      %add3A_824 = vector.broadcast %mul3A_823 : i32 to vector<16xi32>
      %add3A_825 = arith.addi %get3A_693, %add3A_824 : vector<16xi32>
      %swap3A_826 = arith.constant 0 : index
      %swap3A_827 = tpu.vector_load %arg13[%swap3A_826] {strides = array<i32>} : memref<32xi32, #tpu.memory_space<vmem>>, vector<16xi32>,
      tpu.vector_store %arg13[%swap3A_826], %add3A_825 {strides = array<i32>} : memref<32xi32, #tpu.memory_space<vmem>>, vector<16xi32>,
      %get3A_828 = arith.constant 16 : index
      %get3A_829 = tpu.vector_load %arg11[%get3A_828] {strides = array<i32>} : memref<64xi32, #tpu.memory_space<vmem>>, vector<16xi32>,
      %add3A_830 = arith.constant 16 : i32
      %add3A_831 = vector.broadcast %add3A_830 : i32 to vector<16xi32>
      %add3A_832 = arith.addi %iota3A_687, %add3A_831 : vector<16xi32>
      %lt3A_833 = vector.broadcast %min3A_653 : i32 to vector<16xi32>
      %lt3A_834 = arith.cmpi slt, %add3A_832, %lt3A_833 : vector<16xi32>
      %gather3A_835 = tpu.vector_load_idx %arg9[%broadcast_in_dim3A_691, %get3A_829] : memref<3x1024xf32, #tpu.memory_space<vmem>>[vector<16xi32>, vector<16xi32>], vector<16xf32>,
      %add3A_836 = arith.constant 1 : i32
      %add3A_837 = vector.broadcast %add3A_836 : i32 to vector<16xi32>
      %add3A_838 = arith.addi %broadcast_in_dim3A_691, %add3A_837 : vector<16xi32>
      %gather3A_839 = tpu.vector_load_idx %arg9[%add3A_838, %get3A_829] : memref<3x1024xf32, #tpu.memory_space<vmem>>[vector<16xi32>, vector<16xi32>], vector<16xf32>,
      %add3A_840 = arith.constant 2 : i32
      %add3A_841 = vector.broadcast %add3A_840 : i32 to vector<16xi32>
      %add3A_842 = arith.addi %broadcast_in_dim3A_691, %add3A_841 : vector<16xi32>
      %gather3A_843 = tpu.vector_load_idx %arg9[%add3A_842, %get3A_829] : memref<3x1024xf32, #tpu.memory_space<vmem>>[vector<16xi32>, vector<16xi32>], vector<16xf32>,
      %sub3A_844 = vector.broadcast %squeeze3A_625 : f32 to vector<16xf32>
      %sub3A_845 = arith.subf %gather3A_835, %sub3A_844 : vector<16xf32>
      %sub3A_846 = vector.broadcast %squeeze3A_627 : f32 to vector<16xf32>
      %sub3A_847 = arith.subf %gather3A_839, %sub3A_846 : vector<16xf32>
      %sub3A_848 = vector.broadcast %squeeze3A_629 : f32 to vector<16xf32>
      %sub3A_849 = arith.subf %gather3A_843, %sub3A_848 : vector<16xf32>
      %mul3A_850 = vector.broadcast %squeeze3A_607 : f32 to vector<16xf32>
      %mul3A_851 = arith.mulf %sub3A_845, %mul3A_850 : vector<16xf32>
      %mul3A_852 = vector.broadcast %squeeze3A_613 : f32 to vector<16xf32>
      %mul3A_853 = arith.mulf %sub3A_847, %mul3A_852 : vector<16xf32>
      %add3A_854 = arith.addf %mul3A_851, %mul3A_853 : vector<16xf32>
      %mul3A_855 = vector.broadcast %squeeze3A_619 : f32 to vector<16xf32>
      %mul3A_856 = arith.mulf %sub3A_849, %mul3A_855 : vector<16xf32>
      %add3A_857 = arith.addf %add3A_854, %mul3A_856 : vector<16xf32>
      %mul3A_858 = vector.broadcast %squeeze3A_609 : f32 to vector<16xf32>
      %mul3A_859 = arith.mulf %sub3A_845, %mul3A_858 : vector<16xf32>
      %mul3A_860 = vector.broadcast %squeeze3A_615 : f32 to vector<16xf32>
      %mul3A_861 = arith.mulf %sub3A_847, %mul3A_860 : vector<16xf32>
      %add3A_862 = arith.addf %mul3A_859, %mul3A_861 : vector<16xf32>
      %mul3A_863 = vector.broadcast %squeeze3A_621 : f32 to vector<16xf32>
      %mul3A_864 = arith.mulf %sub3A_849, %mul3A_863 : vector<16xf32>
      %add3A_865 = arith.addf %add3A_862, %mul3A_864 : vector<16xf32>
      %mul3A_866 = vector.broadcast %squeeze3A_611 : f32 to vector<16xf32>
      %mul3A_867 = arith.mulf %sub3A_845, %mul3A_866 : vector<16xf32>
      %mul3A_868 = vector.broadcast %squeeze3A_617 : f32 to vector<16xf32>
      %mul3A_869 = arith.mulf %sub3A_847, %mul3A_868 : vector<16xf32>
      %add3A_870 = arith.addf %mul3A_867, %mul3A_869 : vector<16xf32>
      %mul3A_871 = vector.broadcast %squeeze3A_623 : f32 to vector<16xf32>
      %mul3A_872 = arith.mulf %sub3A_849, %mul3A_871 : vector<16xf32>
      %add3A_873 = arith.addf %add3A_870, %mul3A_872 : vector<16xf32>
      %mul3A_874 = arith.constant 8 : i32
      %mul3A_875 = vector.broadcast %mul3A_874 : i32 to vector<16xi32>
      %mul3A_876 = arith.muli %add3A_832, %mul3A_875 : vector<16xi32>
      tpu.vector_store_idx %arg17[%mul3A_876], %add3A_857 : memref<256xf32, #tpu.memory_space<vmem>>[vector<16xi32>], vector<16xf32>,
      %mul3A_877 = arith.constant 8 : i32
      %mul3A_878 = vector.broadcast %mul3A_877 : i32 to vector<16xi32>
      %mul3A_879 = arith.muli %add3A_832, %mul3A_878 : vector<16xi32>
      %add3A_880 = arith.constant 1 : i32
      %add3A_881 = vector.broadcast %add3A_880 : i32 to vector<16xi32>
      %add3A_882 = arith.addi %mul3A_879, %add3A_881 : vector<16xi32>
      tpu.vector_store_idx %arg17[%add3A_882], %add3A_865 : memref<256xf32, #tpu.memory_space<vmem>>[vector<16xi32>], vector<16xf32>,
      %mul3A_883 = arith.constant 8 : i32
      %mul3A_884 = vector.broadcast %mul3A_883 : i32 to vector<16xi32>
      %mul3A_885 = arith.muli %add3A_832, %mul3A_884 : vector<16xi32>
      %add3A_886 = arith.constant 2 : i32
      %add3A_887 = vector.broadcast %add3A_886 : i32 to vector<16xi32>
      %add3A_888 = arith.addi %mul3A_885, %add3A_887 : vector<16xi32>
      tpu.vector_store_idx %arg17[%add3A_888], %add3A_873 : memref<256xf32, #tpu.memory_space<vmem>>[vector<16xi32>], vector<16xf32>,
      tpu.vector_store_idx %arg18[%broadcast_in_dim3A_691, %get3A_829], %broadcast_in_dim3A_689 masked %lt3A_834 {add = true} : memref<4x1024xf32, #tpu.memory_space<vmem>>[vector<16xi32>, vector<16xi32>], vector<16xf32>, vector<16xi1>
      %add3A_889 = arith.constant 1 : i32
      %add3A_890 = vector.broadcast %add3A_889 : i32 to vector<16xi32>
      %add3A_891 = arith.addi %broadcast_in_dim3A_691, %add3A_890 : vector<16xi32>
      tpu.vector_store_idx %arg18[%add3A_891, %get3A_829], %add3A_857 masked %lt3A_834 {add = true} : memref<4x1024xf32, #tpu.memory_space<vmem>>[vector<16xi32>, vector<16xi32>], vector<16xf32>, vector<16xi1>
      %add3A_892 = arith.constant 2 : i32
      %add3A_893 = vector.broadcast %add3A_892 : i32 to vector<16xi32>
      %add3A_894 = arith.addi %broadcast_in_dim3A_691, %add3A_893 : vector<16xi32>
      tpu.vector_store_idx %arg18[%add3A_894, %get3A_829], %add3A_865 masked %lt3A_834 {add = true} : memref<4x1024xf32, #tpu.memory_space<vmem>>[vector<16xi32>, vector<16xi32>], vector<16xf32>, vector<16xi1>
      %add3A_895 = arith.constant 3 : i32
      %add3A_896 = vector.broadcast %add3A_895 : i32 to vector<16xi32>
      %add3A_897 = arith.addi %broadcast_in_dim3A_691, %add3A_896 : vector<16xi32>
      tpu.vector_store_idx %arg18[%add3A_897, %get3A_829], %add3A_873 masked %lt3A_834 {add = true} : memref<4x1024xf32, #tpu.memory_space<vmem>>[vector<16xi32>, vector<16xi32>], vector<16xf32>, vector<16xi1>
      %get3A_898 = arith.constant 0 : i32
      %get3A_899 = arith.index_cast %get3A_898 : i32 to index
      %get3A_900 = arith.constant 0 : index
      %get3A_901 = tpu.vector_load %arg19[%get3A_899, %get3A_900] {strides = array<i32>} : memref<8x16xf32, #tpu.memory_space<vmem>>, vector<16xf32>,
      %mul3A_902 = arith.mulf %add3A_857, %add3A_857 : vector<16xf32>
      %add3A_903 = arith.addf %get3A_901, %mul3A_902 : vector<16xf32>
      %swap3A_904 = arith.constant 0 : i32
      %swap3A_905 = arith.index_cast %swap3A_904 : i32 to index
      %swap3A_906 = arith.constant 0 : index
      %swap3A_907 = tpu.vector_load %arg19[%swap3A_905, %swap3A_906] {strides = array<i32>} : memref<8x16xf32, #tpu.memory_space<vmem>>, vector<16xf32>,
      tpu.vector_store %arg19[%swap3A_905, %swap3A_906], %add3A_903 {strides = array<i32>} : memref<8x16xf32, #tpu.memory_space<vmem>>, vector<16xf32>,
      %get3A_908 = arith.constant 1 : i32
      %get3A_909 = arith.index_cast %get3A_908 : i32 to index
      %get3A_910 = arith.constant 0 : index
      %get3A_911 = tpu.vector_load %arg19[%get3A_909, %get3A_910] {strides = array<i32>} : memref<8x16xf32, #tpu.memory_space<vmem>>, vector<16xf32>,
      %mul3A_912 = arith.mulf %add3A_865, %add3A_865 : vector<16xf32>
      %add3A_913 = arith.addf %get3A_911, %mul3A_912 : vector<16xf32>
      %swap3A_914 = arith.constant 1 : i32
      %swap3A_915 = arith.index_cast %swap3A_914 : i32 to index
      %swap3A_916 = arith.constant 0 : index
      %swap3A_917 = tpu.vector_load %arg19[%swap3A_915, %swap3A_916] {strides = array<i32>} : memref<8x16xf32, #tpu.memory_space<vmem>>, vector<16xf32>,
      tpu.vector_store %arg19[%swap3A_915, %swap3A_916], %add3A_913 {strides = array<i32>} : memref<8x16xf32, #tpu.memory_space<vmem>>, vector<16xf32>,
      %get3A_918 = arith.constant 2 : i32
      %get3A_919 = arith.index_cast %get3A_918 : i32 to index
      %get3A_920 = arith.constant 0 : index
      %get3A_921 = tpu.vector_load %arg19[%get3A_919, %get3A_920] {strides = array<i32>} : memref<8x16xf32, #tpu.memory_space<vmem>>, vector<16xf32>,
      %mul3A_922 = arith.mulf %add3A_873, %add3A_873 : vector<16xf32>
      %add3A_923 = arith.addf %get3A_921, %mul3A_922 : vector<16xf32>
      %swap3A_924 = arith.constant 2 : i32
      %swap3A_925 = arith.index_cast %swap3A_924 : i32 to index
      %swap3A_926 = arith.constant 0 : index
      %swap3A_927 = tpu.vector_load %arg19[%swap3A_925, %swap3A_926] {strides = array<i32>} : memref<8x16xf32, #tpu.memory_space<vmem>>, vector<16xf32>,
      tpu.vector_store %arg19[%swap3A_925, %swap3A_926], %add3A_923 {strides = array<i32>} : memref<8x16xf32, #tpu.memory_space<vmem>>, vector<16xf32>,
      %get3A_928 = arith.constant 3 : i32
      %get3A_929 = arith.index_cast %get3A_928 : i32 to index
      %get3A_930 = arith.constant 0 : index
      %get3A_931 = tpu.vector_load %arg19[%get3A_929, %get3A_930] {strides = array<i32>} : memref<8x16xf32, #tpu.memory_space<vmem>>, vector<16xf32>,
      %mul3A_932 = arith.mulf %add3A_857, %add3A_865 : vector<16xf32>
      %add3A_933 = arith.addf %get3A_931, %mul3A_932 : vector<16xf32>
      %swap3A_934 = arith.constant 3 : i32
      %swap3A_935 = arith.index_cast %swap3A_934 : i32 to index
      %swap3A_936 = arith.constant 0 : index
      %swap3A_937 = tpu.vector_load %arg19[%swap3A_935, %swap3A_936] {strides = array<i32>} : memref<8x16xf32, #tpu.memory_space<vmem>>, vector<16xf32>,
      tpu.vector_store %arg19[%swap3A_935, %swap3A_936], %add3A_933 {strides = array<i32>} : memref<8x16xf32, #tpu.memory_space<vmem>>, vector<16xf32>,
      %get3A_938 = arith.constant 4 : i32
      %get3A_939 = arith.index_cast %get3A_938 : i32 to index
      %get3A_940 = arith.constant 0 : index
      %get3A_941 = tpu.vector_load %arg19[%get3A_939, %get3A_940] {strides = array<i32>} : memref<8x16xf32, #tpu.memory_space<vmem>>, vector<16xf32>,
      %mul3A_942 = arith.mulf %add3A_857, %add3A_873 : vector<16xf32>
      %add3A_943 = arith.addf %get3A_941, %mul3A_942 : vector<16xf32>
      %swap3A_944 = arith.constant 4 : i32
      %swap3A_945 = arith.index_cast %swap3A_944 : i32 to index
      %swap3A_946 = arith.constant 0 : index
      %swap3A_947 = tpu.vector_load %arg19[%swap3A_945, %swap3A_946] {strides = array<i32>} : memref<8x16xf32, #tpu.memory_space<vmem>>, vector<16xf32>,
      tpu.vector_store %arg19[%swap3A_945, %swap3A_946], %add3A_943 {strides = array<i32>} : memref<8x16xf32, #tpu.memory_space<vmem>>, vector<16xf32>,
      %get3A_948 = arith.constant 5 : i32
      %get3A_949 = arith.index_cast %get3A_948 : i32 to index
      %get3A_950 = arith.constant 0 : index
      %get3A_951 = tpu.vector_load %arg19[%get3A_949, %get3A_950] {strides = array<i32>} : memref<8x16xf32, #tpu.memory_space<vmem>>, vector<16xf32>,
      %mul3A_952 = arith.mulf %add3A_865, %add3A_873 : vector<16xf32>
      %add3A_953 = arith.addf %get3A_951, %mul3A_952 : vector<16xf32>
      %swap3A_954 = arith.constant 5 : i32
      %swap3A_955 = arith.index_cast %swap3A_954 : i32 to index
      %swap3A_956 = arith.constant 0 : index
      %swap3A_957 = tpu.vector_load %arg19[%swap3A_955, %swap3A_956] {strides = array<i32>} : memref<8x16xf32, #tpu.memory_space<vmem>>, vector<16xf32>,
      tpu.vector_store %arg19[%swap3A_955, %swap3A_956], %add3A_953 {strides = array<i32>} : memref<8x16xf32, #tpu.memory_space<vmem>>, vector<16xf32>,
      %mul3A_958 = arith.constant 1024 : i32
      %mul3A_959 = arith.muli %select_n3A, %mul3A_958 : i32
      %add3A_960 = vector.broadcast %mul3A_959 : i32 to vector<16xi32>
      %add3A_961 = arith.addi %get3A_829, %add3A_960 : vector<16xi32>
      %swap3A_962 = arith.constant 16 : index
      %swap3A_963 = tpu.vector_load %arg13[%swap3A_962] {strides = array<i32>} : memref<32xi32, #tpu.memory_space<vmem>>, vector<16xi32>,
      tpu.vector_store %arg13[%swap3A_962], %add3A_961 {strides = array<i32>} : memref<32xi32, #tpu.memory_space<vmem>>, vector<16xi32>,
      %dma_start3A_964 = arith.constant 0 : i32
      %dma_start3A_965 = arith.constant 0 : i32
      %dma_start3A_966 = tpu.memref_slice %arg4[%dma_start3A_964, %dma_start3A_965] : memref<4096x256xf32, #tpu.memory_space<hbm>> -> memref<4096x256xf32, #tpu.memory_space<hbm>>
      tpu.enqueue_indirect_dma source(%dma_start3A_966 : memref<4096x256xf32, #tpu.memory_space<hbm>>) target(%arg15 : memref<32x256xf32, #tpu.memory_space<vmem>>) offsets(%arg13 : memref<32xi32, #tpu.memory_space<vmem>>) semaphore(%arg21 : memref<!tpu.dma_semaphore, #tpu.memory_space<semaphore_mem>>)
      %mul3A_967 = arith.constant 128 : i32
      %mul3A_968 = arith.muli %add3A, %mul3A_967 : i32
      %sub3A_969 = arith.constant 1 : i32
      %sub3A_970 = arith.subi %add3A_587, %sub3A_969 : i32
      %add3A_971 = arith.addi %mul3A_968, %sub3A_970 : i32
      %dma_wait3A_972 = arith.constant 0 : i32
      %dma_wait3A_973 = arith.constant 0 : i32
      %dma_wait3A_974 = tpu.memref_slice %arg4[%dma_wait3A_972, %dma_wait3A_973] : memref<4096x256xf32, #tpu.memory_space<hbm>> -> memref<4096x256xf32, #tpu.memory_space<hbm>>
      tpu.wait_indirect_dma semaphore(%arg20 : memref<!tpu.dma_semaphore, #tpu.memory_space<semaphore_mem>>) src(%dma_wait3A_974 : memref<4096x256xf32, #tpu.memory_space<hbm>>) dst(%arg14 : memref<32x256xf32, #tpu.memory_space<vmem>>)
      %mul3A_975 = arith.constant 32 : i32
      %mul3A_976 = arith.muli %add3A_971, %mul3A_975 : i32
      %dma_start3A_977 = arith.constant 0 : i32
      %dma_start3A_978 = tpu.memref_slice %arg5[%mul3A_976, %dma_start3A_977] : memref<131072x256xf32, #tpu.memory_space<hbm>> -> memref<32x256xf32, #tpu.memory_space<hbm>>
      %dma_start3A_979 = arith.constant 0 : i32
      %dma_start3A_980 = tpu.memref_slice %arg5[%mul3A_976, %dma_start3A_979] : memref<131072x256xf32, #tpu.memory_space<hbm>> -> memref<32x256xf32, #tpu.memory_space<hbm>>
      tpu.enqueue_dma source(%arg14 : memref<32x256xf32, #tpu.memory_space<vmem>>) target(%dma_start3A_980 : memref<32x256xf32, #tpu.memory_space<hbm>>) target_semaphore(%arg22 : memref<!tpu.dma_semaphore, #tpu.memory_space<semaphore_mem>>)
      %dma_start3A_981 = arith.constant 0 : i32
      %dma_start3A_982 = tpu.memref_slice %arg6[%add3A_971, %dma_start3A_981] : memref<4096x256xf32, #tpu.memory_space<hbm>> -> memref<1x256xf32, #tpu.memory_space<hbm>>
      %dma_start3A_983 = tpu.memref_squeeze %dma_start3A_982 : memref<1x256xf32, #tpu.memory_space<hbm>> -> memref<256xf32, #tpu.memory_space<hbm>>
      %dma_start3A_984 = arith.constant 0 : i32
      %dma_start3A_985 = tpu.memref_slice %arg6[%add3A_971, %dma_start3A_984] : memref<4096x256xf32, #tpu.memory_space<hbm>> -> memref<1x256xf32, #tpu.memory_space<hbm>>
      %dma_start3A_986 = tpu.memref_squeeze %dma_start3A_985 : memref<1x256xf32, #tpu.memory_space<hbm>> -> memref<256xf32, #tpu.memory_space<hbm>>
      tpu.enqueue_dma source(%arg16 : memref<256xf32, #tpu.memory_space<vmem>>) target(%dma_start3A_986 : memref<256xf32, #tpu.memory_space<hbm>>) target_semaphore(%arg22 : memref<!tpu.dma_semaphore, #tpu.memory_space<semaphore_mem>>)
      scf.yield %add3A_675, %add3A_677, %add3A_679, %add3A_681 : f32, f32, f32, f32
    }
    %scan3A_102 = arith.constant 64 : i32
    %mul3A_103 = arith.constant 128 : i32
    %mul3A_104 = arith.muli %add3A, %mul3A_103 : i32
    %add3A_105 = arith.constant 128 : i32
    %add3A_106 = arith.addi %mul3A_104, %add3A_105 : i32
    %sub3A_107 = arith.constant 1 : i32
    %sub3A_108 = arith.subi %add3A_106, %sub3A_107 : i32
    %dma_wait3A = arith.constant 0 : i32
    %dma_wait3A_109 = arith.constant 0 : i32
    %dma_wait3A_110 = tpu.memref_slice %arg4[%dma_wait3A, %dma_wait3A_109] : memref<4096x256xf32, #tpu.memory_space<hbm>> -> memref<4096x256xf32, #tpu.memory_space<hbm>>
    tpu.wait_indirect_dma semaphore(%arg21 : memref<!tpu.dma_semaphore, #tpu.memory_space<semaphore_mem>>) src(%dma_wait3A_110 : memref<4096x256xf32, #tpu.memory_space<hbm>>) dst(%arg15 : memref<32x256xf32, #tpu.memory_space<vmem>>)
    %mul3A_111 = arith.constant 32 : i32
    %mul3A_112 = arith.muli %sub3A_108, %mul3A_111 : i32
    %dma_start3A = arith.constant 0 : i32
    %dma_start3A_113 = tpu.memref_slice %arg5[%mul3A_112, %dma_start3A] : memref<131072x256xf32, #tpu.memory_space<hbm>> -> memref<32x256xf32, #tpu.memory_space<hbm>>
    %dma_start3A_114 = arith.constant 0 : i32
    %dma_start3A_115 = tpu.memref_slice %arg5[%mul3A_112, %dma_start3A_114] : memref<131072x256xf32, #tpu.memory_space<hbm>> -> memref<32x256xf32, #tpu.memory_space<hbm>>
    tpu.enqueue_dma source(%arg15 : memref<32x256xf32, #tpu.memory_space<vmem>>) target(%dma_start3A_115 : memref<32x256xf32, #tpu.memory_space<hbm>>) target_semaphore(%arg23 : memref<!tpu.dma_semaphore, #tpu.memory_space<semaphore_mem>>)
    %dma_start3A_116 = arith.constant 0 : i32
    %dma_start3A_117 = tpu.memref_slice %arg6[%sub3A_108, %dma_start3A_116] : memref<4096x256xf32, #tpu.memory_space<hbm>> -> memref<1x256xf32, #tpu.memory_space<hbm>>
    %dma_start3A_118 = tpu.memref_squeeze %dma_start3A_117 : memref<1x256xf32, #tpu.memory_space<hbm>> -> memref<256xf32, #tpu.memory_space<hbm>>
    %dma_start3A_119 = arith.constant 0 : i32
    %dma_start3A_120 = tpu.memref_slice %arg6[%sub3A_108, %dma_start3A_119] : memref<4096x256xf32, #tpu.memory_space<hbm>> -> memref<1x256xf32, #tpu.memory_space<hbm>>
    %dma_start3A_121 = tpu.memref_squeeze %dma_start3A_120 : memref<1x256xf32, #tpu.memory_space<hbm>> -> memref<256xf32, #tpu.memory_space<hbm>>
    tpu.enqueue_dma source(%arg17 : memref<256xf32, #tpu.memory_space<vmem>>) target(%dma_start3A_121 : memref<256xf32, #tpu.memory_space<hbm>>) target_semaphore(%arg23 : memref<!tpu.dma_semaphore, #tpu.memory_space<semaphore_mem>>)
    %dma_wait3A_122 = arith.constant 0 : i32
    %dma_wait3A_123 = arith.constant 0 : i32
    %dma_wait3A_124 = tpu.memref_slice %arg5[%dma_wait3A_122, %dma_wait3A_123] : memref<131072x256xf32, #tpu.memory_space<hbm>> -> memref<32x256xf32, #tpu.memory_space<hbm>>
    %dma_wait3A_125 = arith.constant 0 : i32
    %dma_wait3A_126 = arith.constant 0 : i32
    %dma_wait3A_127 = tpu.memref_slice %arg5[%dma_wait3A_125, %dma_wait3A_126] : memref<131072x256xf32, #tpu.memory_space<hbm>> -> memref<32x256xf32, #tpu.memory_space<hbm>>
    tpu.wait_dma2 semaphore(%arg22 : memref<!tpu.dma_semaphore, #tpu.memory_space<semaphore_mem>>) src(%arg14 : memref<32x256xf32, #tpu.memory_space<vmem>>) dst(%dma_wait3A_127 : memref<32x256xf32, #tpu.memory_space<hbm>>)
    %dma_wait3A_128 = arith.constant 0 : i32
    %dma_wait3A_129 = arith.constant 0 : i32
    %dma_wait3A_130 = tpu.memref_slice %arg6[%dma_wait3A_128, %dma_wait3A_129] : memref<4096x256xf32, #tpu.memory_space<hbm>> -> memref<1x256xf32, #tpu.memory_space<hbm>>
    %dma_wait3A_131 = tpu.memref_squeeze %dma_wait3A_130 : memref<1x256xf32, #tpu.memory_space<hbm>> -> memref<256xf32, #tpu.memory_space<hbm>>
    %dma_wait3A_132 = arith.constant 0 : i32
    %dma_wait3A_133 = tpu.memref_slice %arg6[%dma_wait3A_128, %dma_wait3A_132] : memref<4096x256xf32, #tpu.memory_space<hbm>> -> memref<1x256xf32, #tpu.memory_space<hbm>>
    %dma_wait3A_134 = tpu.memref_squeeze %dma_wait3A_133 : memref<1x256xf32, #tpu.memory_space<hbm>> -> memref<256xf32, #tpu.memory_space<hbm>>
    tpu.wait_dma2 semaphore(%arg22 : memref<!tpu.dma_semaphore, #tpu.memory_space<semaphore_mem>>) src(%arg16 : memref<256xf32, #tpu.memory_space<vmem>>) dst(%dma_wait3A_134 : memref<256xf32, #tpu.memory_space<hbm>>)
    %dma_wait3A_135 = arith.constant 0 : i32
    %dma_wait3A_136 = arith.constant 0 : i32
    %dma_wait3A_137 = tpu.memref_slice %arg5[%dma_wait3A_135, %dma_wait3A_136] : memref<131072x256xf32, #tpu.memory_space<hbm>> -> memref<32x256xf32, #tpu.memory_space<hbm>>
    %dma_wait3A_138 = arith.constant 0 : i32
    %dma_wait3A_139 = arith.constant 0 : i32
    %dma_wait3A_140 = tpu.memref_slice %arg5[%dma_wait3A_138, %dma_wait3A_139] : memref<131072x256xf32, #tpu.memory_space<hbm>> -> memref<32x256xf32, #tpu.memory_space<hbm>>
    tpu.wait_dma2 semaphore(%arg23 : memref<!tpu.dma_semaphore, #tpu.memory_space<semaphore_mem>>) src(%arg15 : memref<32x256xf32, #tpu.memory_space<vmem>>) dst(%dma_wait3A_140 : memref<32x256xf32, #tpu.memory_space<hbm>>)
    %dma_wait3A_141 = arith.constant 0 : i32
    %dma_wait3A_142 = arith.constant 0 : i32
    %dma_wait3A_143 = tpu.memref_slice %arg6[%dma_wait3A_141, %dma_wait3A_142] : memref<4096x256xf32, #tpu.memory_space<hbm>> -> memref<1x256xf32, #tpu.memory_space<hbm>>
    %dma_wait3A_144 = tpu.memref_squeeze %dma_wait3A_143 : memref<1x256xf32, #tpu.memory_space<hbm>> -> memref<256xf32, #tpu.memory_space<hbm>>
    %dma_wait3A_145 = arith.constant 0 : i32
    %dma_wait3A_146 = tpu.memref_slice %arg6[%dma_wait3A_141, %dma_wait3A_145] : memref<4096x256xf32, #tpu.memory_space<hbm>> -> memref<1x256xf32, #tpu.memory_space<hbm>>
    %dma_wait3A_147 = tpu.memref_squeeze %dma_wait3A_146 : memref<1x256xf32, #tpu.memory_space<hbm>> -> memref<256xf32, #tpu.memory_space<hbm>>
    tpu.wait_dma2 semaphore(%arg23 : memref<!tpu.dma_semaphore, #tpu.memory_space<semaphore_mem>>) src(%arg17 : memref<256xf32, #tpu.memory_space<vmem>>) dst(%dma_wait3A_147 : memref<256xf32, #tpu.memory_space<hbm>>)
    %eq3A_148 = arith.constant 0 : i32
    %eq3A_149 = vector.broadcast %eq3A_148 : i32 to vector<16xi32>
    %eq3A_150 = arith.cmpi eq, %iota3A, %eq3A_149 : vector<16xi32>
    %get3A_151 = arith.constant 0 : i32
    %get3A_152 = arith.index_cast %get3A_151 : i32 to index
    %get3A_153 = arith.constant 0 : index
    %get3A_154 = tpu.vector_load %arg18[%get3A_152, %get3A_153] {strides = array<i32>} : memref<4x1024xf32, #tpu.memory_space<vmem>>, vector<16xf32>,
    %broadcast_in_dim3A_155 = vector.broadcast %scan3A_101#0 : f32 to vector<16xf32>
    %select_n3A_156 = arith.select %eq3A_150, %broadcast_in_dim3A_155, %broadcast_in_dim3A_33 : vector<16xi1>, vector<16xf32>
    %add3A_157 = arith.addf %get3A_154, %select_n3A_156 : vector<16xf32>
    %swap3A_158 = arith.constant 0 : i32
    %swap3A_159 = arith.index_cast %swap3A_158 : i32 to index
    %swap3A_160 = arith.constant 0 : index
    %swap3A_161 = tpu.vector_load %arg18[%swap3A_159, %swap3A_160] {strides = array<i32>} : memref<4x1024xf32, #tpu.memory_space<vmem>>, vector<16xf32>,
    tpu.vector_store %arg18[%swap3A_159, %swap3A_160], %add3A_157 {strides = array<i32>} : memref<4x1024xf32, #tpu.memory_space<vmem>>, vector<16xf32>,
    %get3A_162 = arith.constant 1 : i32
    %get3A_163 = arith.index_cast %get3A_162 : i32 to index
    %get3A_164 = arith.constant 0 : index
    %get3A_165 = tpu.vector_load %arg18[%get3A_163, %get3A_164] {strides = array<i32>} : memref<4x1024xf32, #tpu.memory_space<vmem>>, vector<16xf32>,
    %broadcast_in_dim3A_166 = vector.broadcast %scan3A_101#1 : f32 to vector<16xf32>
    %select_n3A_167 = arith.select %eq3A_150, %broadcast_in_dim3A_166, %broadcast_in_dim3A_33 : vector<16xi1>, vector<16xf32>
    %add3A_168 = arith.addf %get3A_165, %select_n3A_167 : vector<16xf32>
    %swap3A_169 = arith.constant 1 : i32
    %swap3A_170 = arith.index_cast %swap3A_169 : i32 to index
    %swap3A_171 = arith.constant 0 : index
    %swap3A_172 = tpu.vector_load %arg18[%swap3A_170, %swap3A_171] {strides = array<i32>} : memref<4x1024xf32, #tpu.memory_space<vmem>>, vector<16xf32>,
    tpu.vector_store %arg18[%swap3A_170, %swap3A_171], %add3A_168 {strides = array<i32>} : memref<4x1024xf32, #tpu.memory_space<vmem>>, vector<16xf32>,
    %get3A_173 = arith.constant 2 : i32
    %get3A_174 = arith.index_cast %get3A_173 : i32 to index
    %get3A_175 = arith.constant 0 : index
    %get3A_176 = tpu.vector_load %arg18[%get3A_174, %get3A_175] {strides = array<i32>} : memref<4x1024xf32, #tpu.memory_space<vmem>>, vector<16xf32>,
    %broadcast_in_dim3A_177 = vector.broadcast %scan3A_101#2 : f32 to vector<16xf32>
    %select_n3A_178 = arith.select %eq3A_150, %broadcast_in_dim3A_177, %broadcast_in_dim3A_33 : vector<16xi1>, vector<16xf32>
    %add3A_179 = arith.addf %get3A_176, %select_n3A_178 : vector<16xf32>
    %swap3A_180 = arith.constant 2 : i32
    %swap3A_181 = arith.index_cast %swap3A_180 : i32 to index
    %swap3A_182 = arith.constant 0 : index
    %swap3A_183 = tpu.vector_load %arg18[%swap3A_181, %swap3A_182] {strides = array<i32>} : memref<4x1024xf32, #tpu.memory_space<vmem>>, vector<16xf32>,
    tpu.vector_store %arg18[%swap3A_181, %swap3A_182], %add3A_179 {strides = array<i32>} : memref<4x1024xf32, #tpu.memory_space<vmem>>, vector<16xf32>,
    %get3A_184 = arith.constant 3 : i32
    %get3A_185 = arith.index_cast %get3A_184 : i32 to index
    %get3A_186 = arith.constant 0 : index
    %get3A_187 = tpu.vector_load %arg18[%get3A_185, %get3A_186] {strides = array<i32>} : memref<4x1024xf32, #tpu.memory_space<vmem>>, vector<16xf32>,
    %broadcast_in_dim3A_188 = vector.broadcast %scan3A_101#3 : f32 to vector<16xf32>
    %select_n3A_189 = arith.select %eq3A_150, %broadcast_in_dim3A_188, %broadcast_in_dim3A_33 : vector<16xi1>, vector<16xf32>
    %add3A_190 = arith.addf %get3A_187, %select_n3A_189 : vector<16xf32>
    %swap3A_191 = arith.constant 3 : i32
    %swap3A_192 = arith.index_cast %swap3A_191 : i32 to index
    %swap3A_193 = arith.constant 0 : index
    %swap3A_194 = tpu.vector_load %arg18[%swap3A_192, %swap3A_193] {strides = array<i32>} : memref<4x1024xf32, #tpu.memory_space<vmem>>, vector<16xf32>,
    tpu.vector_store %arg18[%swap3A_192, %swap3A_193], %add3A_190 {strides = array<i32>} : memref<4x1024xf32, #tpu.memory_space<vmem>>, vector<16xf32>,
    "tpu.region"() ({
      %run_scoped3A = tpu.sem_alloc : memref<!tpu.dma_semaphore, #tpu.memory_space<semaphore_mem>>
      %dma_start3A_195 = arith.constant 0 : i32
      %dma_start3A_196 = arith.constant 0 : i32
      %dma_start3A_197 = tpu.memref_slice %arg7[%add3A, %dma_start3A_195, %dma_start3A_196] : memref<32x4x1024xf32, #tpu.memory_space<hbm>> -> memref<1x4x1024xf32, #tpu.memory_space<hbm>>
      %dma_start3A_198 = tpu.memref_squeeze %dma_start3A_197 : memref<1x4x1024xf32, #tpu.memory_space<hbm>> -> memref<4x1024xf32, #tpu.memory_space<hbm>>
      %dma_start3A_199 = arith.constant 0 : i32
      %dma_start3A_200 = arith.constant 0 : i32
      %dma_start3A_201 = tpu.memref_slice %arg7[%add3A, %dma_start3A_199, %dma_start3A_200] : memref<32x4x1024xf32, #tpu.memory_space<hbm>> -> memref<1x4x1024xf32, #tpu.memory_space<hbm>>
      %dma_start3A_202 = tpu.memref_squeeze %dma_start3A_201 : memref<1x4x1024xf32, #tpu.memory_space<hbm>> -> memref<4x1024xf32, #tpu.memory_space<hbm>>
      tpu.enqueue_dma source(%arg18 : memref<4x1024xf32, #tpu.memory_space<vmem>>) target(%dma_start3A_202 : memref<4x1024xf32, #tpu.memory_space<hbm>>) target_semaphore(%run_scoped3A : memref<!tpu.dma_semaphore, #tpu.memory_space<semaphore_mem>>)
      %dma_wait3A_203 = arith.constant 0 : i32
      %dma_wait3A_204 = arith.constant 0 : i32
      %dma_wait3A_205 = tpu.memref_slice %arg7[%add3A, %dma_wait3A_203, %dma_wait3A_204] : memref<32x4x1024xf32, #tpu.memory_space<hbm>> -> memref<1x4x1024xf32, #tpu.memory_space<hbm>>
      %dma_wait3A_206 = tpu.memref_squeeze %dma_wait3A_205 : memref<1x4x1024xf32, #tpu.memory_space<hbm>> -> memref<4x1024xf32, #tpu.memory_space<hbm>>
      %dma_wait3A_207 = arith.constant 0 : i32
      %dma_wait3A_208 = arith.constant 0 : i32
      %dma_wait3A_209 = tpu.memref_slice %arg7[%add3A, %dma_wait3A_207, %dma_wait3A_208] : memref<32x4x1024xf32, #tpu.memory_space<hbm>> -> memref<1x4x1024xf32, #tpu.memory_space<hbm>>
      %dma_wait3A_210 = tpu.memref_squeeze %dma_wait3A_209 : memref<1x4x1024xf32, #tpu.memory_space<hbm>> -> memref<4x1024xf32, #tpu.memory_space<hbm>>
      tpu.wait_dma2 semaphore(%run_scoped3A : memref<!tpu.dma_semaphore, #tpu.memory_space<semaphore_mem>>) src(%arg18 : memref<4x1024xf32, #tpu.memory_space<vmem>>) dst(%dma_wait3A_210 : memref<4x1024xf32, #tpu.memory_space<hbm>>)
      tpu.yield
    }) : () -> ()
    "tpu.region"() ({
      %run_scoped3A = tpu.sem_alloc : memref<!tpu.dma_semaphore, #tpu.memory_space<semaphore_mem>>
      %dma_start3A_195 = arith.constant 0 : i32
      %dma_start3A_196 = arith.constant 0 : i32
      %dma_start3A_197 = tpu.memref_slice %arg8[%add3A, %dma_start3A_195, %dma_start3A_196] : memref<32x8x16xf32, #tpu.memory_space<hbm>> -> memref<1x8x16xf32, #tpu.memory_space<hbm>>
      %dma_start3A_198 = tpu.memref_squeeze %dma_start3A_197 : memref<1x8x16xf32, #tpu.memory_space<hbm>> -> memref<8x16xf32, #tpu.memory_space<hbm>>
      %dma_start3A_199 = arith.constant 0 : i32
      %dma_start3A_200 = arith.constant 0 : i32
      %dma_start3A_201 = tpu.memref_slice %arg8[%add3A, %dma_start3A_199, %dma_start3A_200] : memref<32x8x16xf32, #tpu.memory_space<hbm>> -> memref<1x8x16xf32, #tpu.memory_space<hbm>>
      %dma_start3A_202 = tpu.memref_squeeze %dma_start3A_201 : memref<1x8x16xf32, #tpu.memory_space<hbm>> -> memref<8x16xf32, #tpu.memory_space<hbm>>
      tpu.enqueue_dma source(%arg19 : memref<8x16xf32, #tpu.memory_space<vmem>>) target(%dma_start3A_202 : memref<8x16xf32, #tpu.memory_space<hbm>>) target_semaphore(%run_scoped3A : memref<!tpu.dma_semaphore, #tpu.memory_space<semaphore_mem>>)
      %dma_wait3A_203 = arith.constant 0 : i32
      %dma_wait3A_204 = arith.constant 0 : i32
      %dma_wait3A_205 = tpu.memref_slice %arg8[%add3A, %dma_wait3A_203, %dma_wait3A_204] : memref<32x8x16xf32, #tpu.memory_space<hbm>> -> memref<1x8x16xf32, #tpu.memory_space<hbm>>
      %dma_wait3A_206 = tpu.memref_squeeze %dma_wait3A_205 : memref<1x8x16xf32, #tpu.memory_space<hbm>> -> memref<8x16xf32, #tpu.memory_space<hbm>>
      %dma_wait3A_207 = arith.constant 0 : i32
      %dma_wait3A_208 = arith.constant 0 : i32
      %dma_wait3A_209 = tpu.memref_slice %arg8[%add3A, %dma_wait3A_207, %dma_wait3A_208] : memref<32x8x16xf32, #tpu.memory_space<hbm>> -> memref<1x8x16xf32, #tpu.memory_space<hbm>>
      %dma_wait3A_210 = tpu.memref_squeeze %dma_wait3A_209 : memref<1x8x16xf32, #tpu.memory_space<hbm>> -> memref<8x16xf32, #tpu.memory_space<hbm>>
      tpu.wait_dma2 semaphore(%run_scoped3A : memref<!tpu.dma_semaphore, #tpu.memory_space<semaphore_mem>>) src(%arg19 : memref<8x16xf32, #tpu.memory_space<vmem>>) dst(%dma_wait3A_210 : memref<8x16xf32, #tpu.memory_space<hbm>>)
      tpu.yield
    }) : () -> ()
    return
  }
}

module attributes {stable_mosaic.version = 14 : i64} {
  func.func @_f1_body(%arg0: i32, %arg1: memref<1x256x1024xf32, #tpu.memory_space<vmem>>, %arg2: memref<256x256xf32, #tpu.memory_space<vmem>>, %arg3: memref<1x1024x256xf32, #tpu.memory_space<vmem>>) attributes {dimension_semantics = [#tpu.dimension_semantics<arbitrary>], iteration_bounds = array<i64: 4>, scalar_prefetch = 0 : i64, scratch_operands = 0 : i64, tpu.core_type = #tpu.core_type<tc>, window_params = [{transform_indices = @transform_0, window_bounds = array<i64: 1, 256, 1024>}, {pipeline_mode = #tpu.pipeline_mode<synchronous>, transform_indices = @transform_1, window_bounds = array<i64: 256, 256>}, {transform_indices = @transform_2, window_bounds = array<i64: 1, 1024, 256>}]} {
    %get3A = arith.constant 0 : index
    %get3A_0 = arith.constant 0 : index
    %get3A_1 = arith.constant 0 : index
    %get3A_2 = vector.load %arg1[%get3A, %get3A_0, %get3A_1] : memref<1x256x1024xf32, #tpu.memory_space<vmem>>, vector<1x256x1024xf32>
    %get3A_3 = vector.shape_cast %get3A_2 : vector<1x256x1024xf32> to vector<256x1024xf32>
    %get3A_4 = arith.constant 0 : index
    %get3A_5 = arith.constant 0 : index
    %get3A_6 = vector.load %arg2[%get3A_4, %get3A_5] : memref<256x256xf32, #tpu.memory_space<vmem>>, vector<256x256xf32>
    %dot_general3A = arith.constant dense<0.000000e+00> : vector<1024x256xf32>
    %dot_general3A_7 = tpu.matmul %get3A_3, %get3A_6, %dot_general3A {dimension_numbers = #tpu.dot_dimension_numbers<[0], [0], [1], [1], [0, 1, 1, 1], [], []>, transpose_lhs_hint = false} : vector<256x1024xf32>, vector<256x256xf32>, vector<1024x256xf32> -> vector<1024x256xf32>
    %swap3A = arith.constant 0 : index
    %swap3A_8 = arith.constant 0 : index
    %swap3A_9 = arith.constant 0 : index
    %swap3A_10 = vector.load %arg3[%swap3A, %swap3A_8, %swap3A_9] : memref<1x1024x256xf32, #tpu.memory_space<vmem>>, vector<1x1024x256xf32>
    %swap3A_11 = vector.shape_cast %swap3A_10 : vector<1x1024x256xf32> to vector<1024x256xf32>
    %swap3A_12 = vector.shape_cast %dot_general3A_7 : vector<1024x256xf32> to vector<1x1024x256xf32>
    tpu.vector_store %arg3[%swap3A, %swap3A_8, %swap3A_9], %swap3A_12 {strides = array<i32>} : memref<1x1024x256xf32, #tpu.memory_space<vmem>>, vector<1x1024x256xf32>,
    return
  }
  func.func @transform_0(%arg0: i32) -> (i32, i32, i32) {
    %c0_i32 = arith.constant 0 : i32
    %c0_i32_0 = arith.constant 0 : i32
    %c0_i32_1 = arith.constant 0 : i32
    return %arg0, %c0_i32, %c0_i32_0 : i32, i32, i32
  }
  func.func @transform_1(%arg0: i32) -> (i32, i32) {
    %c0_i32 = arith.constant 0 : i32
    %c0_i32_0 = arith.constant 0 : i32
    %c0_i32_1 = arith.constant 0 : i32
    return %c0_i32, %c0_i32_0 : i32, i32
  }
  func.func @transform_2(%arg0: i32) -> (i32, i32, i32) {
    %c0_i32 = arith.constant 0 : i32
    %c0_i32_0 = arith.constant 0 : i32
    %c0_i32_1 = arith.constant 0 : i32
    return %arg0, %c0_i32, %c0_i32_0 : i32, i32, i32
  }
}

module attributes {stable_mosaic.version = 14 : i64} {
  func.func @_p1_body(%arg0: i32, %arg1: memref<8x4x1024xf32, #tpu.memory_space<vmem>>, %arg2: memref<1x1024x256xf32, #tpu.memory_space<vmem>>, %arg3: memref<32x8x16xf32, #tpu.memory_space<vmem>>, %arg4: memref<8x256xf32, #tpu.memory_space<vmem>>, %arg5: memref<2x256xf32, #tpu.memory_space<vmem>>, %arg6: memref<2x256xf32, #tpu.memory_space<vmem>>, %arg7: memref<8x256xf32, #tpu.memory_space<vmem>>) attributes {dimension_semantics = [#tpu.dimension_semantics<arbitrary>], iteration_bounds = array<i64: 4>, scalar_prefetch = 0 : i64, scratch_operands = 1 : i64, tpu.core_type = #tpu.core_type<tc>, window_params = [{transform_indices = @transform_0, window_bounds = array<i64: 8, 4, 1024>}, {transform_indices = @transform_1, window_bounds = array<i64: 1, 1024, 256>}, {pipeline_mode = #tpu.pipeline_mode<synchronous>, transform_indices = @transform_2, window_bounds = array<i64: 32, 8, 16>}, {pipeline_mode = #tpu.pipeline_mode<synchronous>, transform_indices = @transform_3, window_bounds = array<i64: 8, 256>}, {pipeline_mode = #tpu.pipeline_mode<synchronous>, transform_indices = @transform_4, window_bounds = array<i64: 2, 256>}, {pipeline_mode = #tpu.pipeline_mode<synchronous>, transform_indices = @transform_5, window_bounds = array<i64: 2, 256>}]} {
    %eq3A = arith.constant 0 : i32
    %eq3A_0 = arith.cmpi eq, %arg0, %eq3A : i32
    %convert_element_type3A = arith.extui %eq3A_0 : i1 to i32
    %cond3A = arith.constant 0 : i32
    %cond3A_1 = arith.cmpi ne, %convert_element_type3A, %cond3A : i32
    scf.if %cond3A_1 {
      %broadcast_in_dim3A_43 = arith.constant 0.000000e+00 : f32
      %broadcast_in_dim3A_44 = vector.broadcast %broadcast_in_dim3A_43 : f32 to vector<8x256xf32>
      %swap3A_45 = arith.constant 0 : index
      %swap3A_46 = arith.constant 0 : index
      %swap3A_47 = vector.load %arg7[%swap3A_45, %swap3A_46] : memref<8x256xf32, #tpu.memory_space<vmem>>, vector<8x256xf32>
      tpu.vector_store %arg7[%swap3A_45, %swap3A_46], %broadcast_in_dim3A_44 {strides = array<i32>} : memref<8x256xf32, #tpu.memory_space<vmem>>, vector<8x256xf32>,
    } else {
    }
    %get3A = arith.constant 0 : index
    %get3A_2 = arith.constant 0 : index
    %get3A_3 = arith.constant 0 : index
    %get3A_4 = vector.load %arg1[%get3A, %get3A_2, %get3A_3] : memref<8x4x1024xf32, #tpu.memory_space<vmem>>, vector<8x4x1024xf32>
    %reduce_sum3A = arith.constant dense<0.000000e+00> : vector<4x1024xf32>
    %reduce_sum3A_5 = vector.multi_reduction <add>, %get3A_4, %reduce_sum3A [0] : vector<8x4x1024xf32> to vector<4x1024xf32>
    %get3A_6 = arith.constant 0 : index
    %get3A_7 = arith.constant 0 : index
    %get3A_8 = arith.constant 0 : index
    %get3A_9 = vector.load %arg2[%get3A_6, %get3A_7, %get3A_8] : memref<1x1024x256xf32, #tpu.memory_space<vmem>>, vector<1x1024x256xf32>
    %get3A_10 = vector.shape_cast %get3A_9 : vector<1x1024x256xf32> to vector<1024x256xf32>
    %dot_general3A = arith.constant dense<0.000000e+00> : vector<4x256xf32>
    %dot_general3A_11 = tpu.matmul %reduce_sum3A_5, %get3A_10, %dot_general3A {dimension_numbers = #tpu.dot_dimension_numbers<[1], [0], [0], [1], [0, 0, 1, 1], [], []>, transpose_lhs_hint = false} : vector<4x1024xf32>, vector<1024x256xf32>, vector<4x256xf32> -> vector<4x256xf32>
    %slice3A = vector.extract_strided_slice %reduce_sum3A_5 {offsets = [0, 0], sizes = [1, 1024], strides = [1, 1]} : vector<4x1024xf32> to vector<1x1024xf32>
    %mul3A = arith.mulf %get3A_10, %get3A_10 : vector<1024x256xf32>
    %dot_general3A_12 = arith.constant dense<0.000000e+00> : vector<1x256xf32>
    %dot_general3A_13 = tpu.matmul %slice3A, %mul3A, %dot_general3A_12 {dimension_numbers = #tpu.dot_dimension_numbers<[1], [0], [0], [1], [0, 0, 1, 1], [], []>, transpose_lhs_hint = false} : vector<1x1024xf32>, vector<1024x256xf32>, vector<1x256xf32> -> vector<1x256xf32>
    %slice3A_14 = vector.extract_strided_slice %reduce_sum3A_5 {offsets = [1, 0], sizes = [3, 1024], strides = [1, 1]} : vector<4x1024xf32> to vector<3x1024xf32>
    %reduce_sum3A_15 = arith.constant dense<0.000000e+00> : vector<3xf32>
    %reduce_sum3A_16 = vector.multi_reduction <add>, %slice3A_14, %reduce_sum3A_15 [1] : vector<3x1024xf32> to vector<3xf32>
    %broadcast_in_dim3A = vector.shape_cast %reduce_sum3A_16 : vector<3xf32> to vector<3x1xf32>
    %get3A_17 = arith.constant 0 : index
    %get3A_18 = arith.constant 0 : index
    %get3A_19 = vector.load %arg7[%get3A_17, %get3A_18] : memref<8x256xf32, #tpu.memory_space<vmem>>, vector<4x256xf32>
    %add3A = arith.addf %get3A_19, %dot_general3A_11 : vector<4x256xf32>
    %swap3A = arith.constant 0 : index
    %swap3A_20 = arith.constant 0 : index
    %swap3A_21 = vector.load %arg7[%swap3A, %swap3A_20] : memref<8x256xf32, #tpu.memory_space<vmem>>, vector<4x256xf32>
    tpu.vector_store %arg7[%swap3A, %swap3A_20], %add3A {strides = array<i32>} : memref<8x256xf32, #tpu.memory_space<vmem>>, vector<4x256xf32>,
    %get3A_22 = arith.constant 4 : index
    %get3A_23 = arith.constant 0 : index
    %get3A_24 = vector.load %arg7[%get3A_22, %get3A_23] : memref<8x256xf32, #tpu.memory_space<vmem>>, vector<1x256xf32>
    %add3A_25 = arith.addf %get3A_24, %dot_general3A_13 : vector<1x256xf32>
    %swap3A_26 = arith.constant 4 : index
    %swap3A_27 = arith.constant 0 : index
    %swap3A_28 = vector.load %arg7[%swap3A_26, %swap3A_27] : memref<8x256xf32, #tpu.memory_space<vmem>>, vector<1x256xf32>
    tpu.vector_store %arg7[%swap3A_26, %swap3A_27], %add3A_25 {strides = array<i32>} : memref<8x256xf32, #tpu.memory_space<vmem>>, vector<1x256xf32>,
    %get3A_29 = arith.constant 5 : index
    %get3A_30 = arith.constant 0 : index
    %get3A_31 = vector.load %arg7[%get3A_29, %get3A_30] : memref<8x256xf32, #tpu.memory_space<vmem>>, vector<3x256xf32>
    %broadcast_in_dim3A_32 = vector.shape_cast %broadcast_in_dim3A : vector<3x1xf32> to vector<3x1xf32>
    %broadcast_in_dim3A_33 = vector.broadcast %broadcast_in_dim3A_32 : vector<3x1xf32> to vector<3x256xf32>
    %add3A_34 = arith.addf %get3A_31, %broadcast_in_dim3A_33 : vector<3x256xf32>
    %swap3A_35 = arith.constant 5 : index
    %swap3A_36 = arith.constant 0 : index
    %swap3A_37 = vector.load %arg7[%swap3A_35, %swap3A_36] : memref<8x256xf32, #tpu.memory_space<vmem>>, vector<3x256xf32>
    tpu.vector_store %arg7[%swap3A_35, %swap3A_36], %add3A_34 {strides = array<i32>} : memref<8x256xf32, #tpu.memory_space<vmem>>, vector<3x256xf32>,
    %eq3A_38 = arith.constant 3 : i32
    %eq3A_39 = arith.cmpi eq, %arg0, %eq3A_38 : i32
    %convert_element_type3A_40 = arith.extui %eq3A_39 : i1 to i32
    %cond3A_41 = arith.constant 0 : i32
    %cond3A_42 = arith.cmpi ne, %convert_element_type3A_40, %cond3A_41 : i32
    scf.if %cond3A_42 {
      %get3A_43 = arith.constant 0 : index
      %get3A_44 = arith.constant 0 : index
      %get3A_45 = arith.constant 0 : index
      %get3A_46 = vector.load %arg3[%get3A_43, %get3A_44, %get3A_45] : memref<32x8x16xf32, #tpu.memory_space<vmem>>, vector<32x8x16xf32>
      %reduce_sum3A_47 = arith.constant dense<0.000000e+00> : vector<8x16xf32>
      %reduce_sum3A_48 = vector.multi_reduction <add>, %get3A_46, %reduce_sum3A_47 [0] : vector<32x8x16xf32> to vector<8x16xf32>
      %reduce_sum3A_49 = arith.constant dense<0.000000e+00> : vector<8xf32>
      %reduce_sum3A_50 = vector.multi_reduction <add>, %reduce_sum3A_48, %reduce_sum3A_49 [1] : vector<8x16xf32> to vector<8xf32>
      %get3A_51 = arith.constant 0 : index
      %get3A_52 = arith.constant 0 : index
      %get3A_53 = vector.load %arg4[%get3A_51, %get3A_52] : memref<8x256xf32, #tpu.memory_space<vmem>>, vector<3x256xf32>
      %get3A_54 = arith.constant 0 : index
      %get3A_55 = arith.constant 0 : index
      %get3A_56 = vector.load %arg7[%get3A_54, %get3A_55] : memref<8x256xf32, #tpu.memory_space<vmem>>, vector<1x256xf32>
      %get3A_57 = arith.constant 5 : index
      %get3A_58 = arith.constant 0 : index
      %get3A_59 = vector.load %arg7[%get3A_57, %get3A_58] : memref<8x256xf32, #tpu.memory_space<vmem>>, vector<3x256xf32>
      %mul3A_60 = arith.mulf %get3A_53, %get3A_59 : vector<3x256xf32>
      %reduce_sum3A_61 = arith.constant dense<0.000000e+00> : vector<256xf32>
      %reduce_sum3A_62 = vector.multi_reduction <add>, %mul3A_60, %reduce_sum3A_61 [0] : vector<3x256xf32> to vector<256xf32>
      %broadcast_in_dim3A_63 = vector.shape_cast %reduce_sum3A_62 : vector<256xf32> to vector<1x256xf32>
      %add3A_64 = arith.addf %get3A_56, %broadcast_in_dim3A_63 : vector<1x256xf32>
      %get3A_65 = arith.constant 1 : index
      %get3A_66 = arith.constant 0 : index
      %get3A_67 = vector.load %arg7[%get3A_65, %get3A_66] : memref<8x256xf32, #tpu.memory_space<vmem>>, vector<3x256xf32>
      %mul3A_68 = arith.mulf %get3A_53, %get3A_67 : vector<3x256xf32>
      %reduce_sum3A_69 = arith.constant dense<0.000000e+00> : vector<256xf32>
      %reduce_sum3A_70 = vector.multi_reduction <add>, %mul3A_68, %reduce_sum3A_69 [0] : vector<3x256xf32> to vector<256xf32>
      %broadcast_in_dim3A_71 = vector.shape_cast %reduce_sum3A_70 : vector<256xf32> to vector<1x256xf32>
      %slice3A_72 = vector.extract_strided_slice %reduce_sum3A_50 {offsets = [0], sizes = [1], strides = [1]} : vector<8xf32> to vector<1xf32>
      %squeeze3A = vector.extract %slice3A_72[0] : f32 from vector<1xf32>
      %slice3A_73 = vector.extract_strided_slice %get3A_53 {offsets = [0, 0], sizes = [1, 256], strides = [1, 1]} : vector<3x256xf32> to vector<1x256xf32>
      %mul3A_74 = vector.broadcast %squeeze3A : f32 to vector<1x256xf32>
      %mul3A_75 = arith.mulf %mul3A_74, %slice3A_73 : vector<1x256xf32>
      %slice3A_76 = vector.extract_strided_slice %get3A_53 {offsets = [0, 0], sizes = [1, 256], strides = [1, 1]} : vector<3x256xf32> to vector<1x256xf32>
      %mul3A_77 = arith.mulf %mul3A_75, %slice3A_76 : vector<1x256xf32>
      %slice3A_78 = vector.extract_strided_slice %reduce_sum3A_50 {offsets = [1], sizes = [1], strides = [1]} : vector<8xf32> to vector<1xf32>
      %squeeze3A_79 = vector.extract %slice3A_78[0] : f32 from vector<1xf32>
      %slice3A_80 = vector.extract_strided_slice %get3A_53 {offsets = [1, 0], sizes = [1, 256], strides = [1, 1]} : vector<3x256xf32> to vector<1x256xf32>
      %mul3A_81 = vector.broadcast %squeeze3A_79 : f32 to vector<1x256xf32>
      %mul3A_82 = arith.mulf %mul3A_81, %slice3A_80 : vector<1x256xf32>
      %slice3A_83 = vector.extract_strided_slice %get3A_53 {offsets = [1, 0], sizes = [1, 256], strides = [1, 1]} : vector<3x256xf32> to vector<1x256xf32>
      %mul3A_84 = arith.mulf %mul3A_82, %slice3A_83 : vector<1x256xf32>
      %add3A_85 = arith.addf %mul3A_77, %mul3A_84 : vector<1x256xf32>
      %slice3A_86 = vector.extract_strided_slice %reduce_sum3A_50 {offsets = [2], sizes = [1], strides = [1]} : vector<8xf32> to vector<1xf32>
      %squeeze3A_87 = vector.extract %slice3A_86[0] : f32 from vector<1xf32>
      %slice3A_88 = vector.extract_strided_slice %get3A_53 {offsets = [2, 0], sizes = [1, 256], strides = [1, 1]} : vector<3x256xf32> to vector<1x256xf32>
      %mul3A_89 = vector.broadcast %squeeze3A_87 : f32 to vector<1x256xf32>
      %mul3A_90 = arith.mulf %mul3A_89, %slice3A_88 : vector<1x256xf32>
      %slice3A_91 = vector.extract_strided_slice %get3A_53 {offsets = [2, 0], sizes = [1, 256], strides = [1, 1]} : vector<3x256xf32> to vector<1x256xf32>
      %mul3A_92 = arith.mulf %mul3A_90, %slice3A_91 : vector<1x256xf32>
      %add3A_93 = arith.addf %add3A_85, %mul3A_92 : vector<1x256xf32>
      %slice3A_94 = vector.extract_strided_slice %reduce_sum3A_50 {offsets = [3], sizes = [1], strides = [1]} : vector<8xf32> to vector<1xf32>
      %squeeze3A_95 = vector.extract %slice3A_94[0] : f32 from vector<1xf32>
      %mul3A_96 = arith.constant 2.000000e+00 : f32
      %mul3A_97 = arith.mulf %mul3A_96, %squeeze3A_95 : f32
      %slice3A_98 = vector.extract_strided_slice %get3A_53 {offsets = [0, 0], sizes = [1, 256], strides = [1, 1]} : vector<3x256xf32> to vector<1x256xf32>
      %mul3A_99 = vector.broadcast %mul3A_97 : f32 to vector<1x256xf32>
      %mul3A_100 = arith.mulf %mul3A_99, %slice3A_98 : vector<1x256xf32>
      %slice3A_101 = vector.extract_strided_slice %get3A_53 {offsets = [1, 0], sizes = [1, 256], strides = [1, 1]} : vector<3x256xf32> to vector<1x256xf32>
      %mul3A_102 = arith.mulf %mul3A_100, %slice3A_101 : vector<1x256xf32>
      %add3A_103 = arith.addf %add3A_93, %mul3A_102 : vector<1x256xf32>
      %slice3A_104 = vector.extract_strided_slice %reduce_sum3A_50 {offsets = [4], sizes = [1], strides = [1]} : vector<8xf32> to vector<1xf32>
      %squeeze3A_105 = vector.extract %slice3A_104[0] : f32 from vector<1xf32>
      %mul3A_106 = arith.constant 2.000000e+00 : f32
      %mul3A_107 = arith.mulf %mul3A_106, %squeeze3A_105 : f32
      %slice3A_108 = vector.extract_strided_slice %get3A_53 {offsets = [0, 0], sizes = [1, 256], strides = [1, 1]} : vector<3x256xf32> to vector<1x256xf32>
      %mul3A_109 = vector.broadcast %mul3A_107 : f32 to vector<1x256xf32>
      %mul3A_110 = arith.mulf %mul3A_109, %slice3A_108 : vector<1x256xf32>
      %slice3A_111 = vector.extract_strided_slice %get3A_53 {offsets = [2, 0], sizes = [1, 256], strides = [1, 1]} : vector<3x256xf32> to vector<1x256xf32>
      %mul3A_112 = arith.mulf %mul3A_110, %slice3A_111 : vector<1x256xf32>
      %add3A_113 = arith.addf %add3A_103, %mul3A_112 : vector<1x256xf32>
      %slice3A_114 = vector.extract_strided_slice %reduce_sum3A_50 {offsets = [5], sizes = [1], strides = [1]} : vector<8xf32> to vector<1xf32>
      %squeeze3A_115 = vector.extract %slice3A_114[0] : f32 from vector<1xf32>
      %mul3A_116 = arith.constant 2.000000e+00 : f32
      %mul3A_117 = arith.mulf %mul3A_116, %squeeze3A_115 : f32
      %slice3A_118 = vector.extract_strided_slice %get3A_53 {offsets = [1, 0], sizes = [1, 256], strides = [1, 1]} : vector<3x256xf32> to vector<1x256xf32>
      %mul3A_119 = vector.broadcast %mul3A_117 : f32 to vector<1x256xf32>
      %mul3A_120 = arith.mulf %mul3A_119, %slice3A_118 : vector<1x256xf32>
      %slice3A_121 = vector.extract_strided_slice %get3A_53 {offsets = [2, 0], sizes = [1, 256], strides = [1, 1]} : vector<3x256xf32> to vector<1x256xf32>
      %mul3A_122 = arith.mulf %mul3A_120, %slice3A_121 : vector<1x256xf32>
      %add3A_123 = arith.addf %add3A_113, %mul3A_122 : vector<1x256xf32>
      %get3A_124 = arith.constant 4 : index
      %get3A_125 = arith.constant 0 : index
      %get3A_126 = vector.load %arg7[%get3A_124, %get3A_125] : memref<8x256xf32, #tpu.memory_space<vmem>>, vector<1x256xf32>
      %mul3A_127 = arith.constant 2.000000e+00 : f32
      %mul3A_128 = vector.broadcast %mul3A_127 : f32 to vector<1x256xf32>
      %mul3A_129 = arith.mulf %mul3A_128, %broadcast_in_dim3A_71 : vector<1x256xf32>
      %add3A_130 = arith.addf %get3A_126, %mul3A_129 : vector<1x256xf32>
      %add3A_131 = arith.addf %add3A_130, %add3A_123 : vector<1x256xf32>
      %div3A = arith.constant 1.310720e+05 : f32
      %div3A_132 = vector.broadcast %div3A : f32 to vector<1x256xf32>
      %div3A_133 = arith.divf %add3A_64, %div3A_132 : vector<1x256xf32>
      %div3A_134 = arith.constant 1.310720e+05 : f32
      %div3A_135 = vector.broadcast %div3A_134 : f32 to vector<1x256xf32>
      %div3A_136 = arith.divf %add3A_131, %div3A_135 : vector<1x256xf32>
      %mul3A_137 = arith.mulf %div3A_133, %div3A_133 : vector<1x256xf32>
      %sub3A = arith.subf %div3A_136, %mul3A_137 : vector<1x256xf32>
      %get3A_138 = arith.constant 0 : index
      %get3A_139 = arith.constant 0 : index
      %get3A_140 = vector.load %arg5[%get3A_138, %get3A_139] : memref<2x256xf32, #tpu.memory_space<vmem>>, vector<1x256xf32>
      %add3A_141 = arith.constant 9.99999974E-6 : f32
      %add3A_142 = vector.broadcast %add3A_141 : f32 to vector<1x256xf32>
      %add3A_143 = arith.addf %sub3A, %add3A_142 : vector<1x256xf32>
      %rsqrt3A = math.rsqrt %add3A_143 : vector<1x256xf32>
      %mul3A_144 = arith.mulf %get3A_140, %rsqrt3A : vector<1x256xf32>
      %swap3A_145 = arith.constant 0 : index
      %swap3A_146 = arith.constant 0 : index
      %swap3A_147 = vector.load %arg6[%swap3A_145, %swap3A_146] : memref<2x256xf32, #tpu.memory_space<vmem>>, vector<1x256xf32>
      tpu.vector_store %arg6[%swap3A_145, %swap3A_146], %mul3A_144 {strides = array<i32>} : memref<2x256xf32, #tpu.memory_space<vmem>>, vector<1x256xf32>,
      %get3A_148 = arith.constant 1 : index
      %get3A_149 = arith.constant 0 : index
      %get3A_150 = vector.load %arg5[%get3A_148, %get3A_149] : memref<2x256xf32, #tpu.memory_space<vmem>>, vector<1x256xf32>
      %mul3A_151 = arith.mulf %div3A_133, %mul3A_144 : vector<1x256xf32>
      %sub3A_152 = arith.subf %get3A_150, %mul3A_151 : vector<1x256xf32>
      %swap3A_153 = arith.constant 1 : index
      %swap3A_154 = arith.constant 0 : index
      %swap3A_155 = vector.load %arg6[%swap3A_153, %swap3A_154] : memref<2x256xf32, #tpu.memory_space<vmem>>, vector<1x256xf32>
      tpu.vector_store %arg6[%swap3A_153, %swap3A_154], %sub3A_152 {strides = array<i32>} : memref<2x256xf32, #tpu.memory_space<vmem>>, vector<1x256xf32>,
    } else {
    }
    return
  }
  func.func @transform_0(%arg0: i32) -> (i32, i32, i32) {
    %c0_i32 = arith.constant 0 : i32
    %c0_i32_0 = arith.constant 0 : i32
    %c0_i32_1 = arith.constant 0 : i32
    return %arg0, %c0_i32, %c0_i32_0 : i32, i32, i32
  }
  func.func @transform_1(%arg0: i32) -> (i32, i32, i32) {
    %c0_i32 = arith.constant 0 : i32
    %c0_i32_0 = arith.constant 0 : i32
    %c0_i32_1 = arith.constant 0 : i32
    return %arg0, %c0_i32, %c0_i32_0 : i32, i32, i32
  }
  func.func @transform_2(%arg0: i32) -> (i32, i32, i32) {
    %c0_i32 = arith.constant 0 : i32
    %c0_i32_0 = arith.constant 0 : i32
    %c0_i32_1 = arith.constant 0 : i32
    %c0_i32_2 = arith.constant 0 : i32
    return %c0_i32, %c0_i32_0, %c0_i32_1 : i32, i32, i32
  }
  func.func @transform_3(%arg0: i32) -> (i32, i32) {
    %c0_i32 = arith.constant 0 : i32
    %c0_i32_0 = arith.constant 0 : i32
    %c0_i32_1 = arith.constant 0 : i32
    return %c0_i32, %c0_i32_0 : i32, i32
  }
  func.func @transform_4(%arg0: i32) -> (i32, i32) {
    %c0_i32 = arith.constant 0 : i32
    %c0_i32_0 = arith.constant 0 : i32
    %c0_i32_1 = arith.constant 0 : i32
    return %c0_i32, %c0_i32_0 : i32, i32
  }
  func.func @transform_5(%arg0: i32) -> (i32, i32) {
    %c0_i32 = arith.constant 0 : i32
    %c0_i32_0 = arith.constant 0 : i32
    %c0_i32_1 = arith.constant 0 : i32
    return %c0_i32, %c0_i32_0 : i32, i32
  }
}

module attributes {stable_mosaic.version = 14 : i64} {
  func.func @_p2_body(%arg0: i32, %arg1: memref<256x256xf32, #tpu.memory_space<vmem>>, %arg2: memref<256x8xf32, #tpu.memory_space<vmem>>, %arg3: memref<8x256xf32, #tpu.memory_space<vmem>>, %arg4: memref<2x256xf32, #tpu.memory_space<vmem>>, %arg5: memref<256x256xbf16, #tpu.memory_space<vmem>>, %arg6: memref<8x256xf32, #tpu.memory_space<vmem>>, %arg7: memref<2x256xf32, #tpu.memory_space<vmem>>, %arg8: memref<2x256xf32, #tpu.memory_space<vmem>>) attributes {dimension_semantics = [#tpu.dimension_semantics<arbitrary>], iteration_bounds = array<i64: 512>, scalar_prefetch = 0 : i64, scratch_operands = 1 : i64, tpu.core_type = #tpu.core_type<tc>, window_params = [{transform_indices = @transform_0, window_bounds = array<i64: 256, 256>}, {transform_indices = @transform_1, window_bounds = array<i64: 256, 8>}, {pipeline_mode = #tpu.pipeline_mode<synchronous>, transform_indices = @transform_2, window_bounds = array<i64: 8, 256>}, {pipeline_mode = #tpu.pipeline_mode<synchronous>, transform_indices = @transform_3, window_bounds = array<i64: 2, 256>}, {pipeline_mode = #tpu.pipeline_mode<synchronous>, transform_indices = @transform_4, window_bounds = array<i64: 256, 256>}, {transform_indices = @transform_5, window_bounds = array<i64: 8, 256>}, {pipeline_mode = #tpu.pipeline_mode<synchronous>, transform_indices = @transform_6, window_bounds = array<i64: 2, 256>}]} {
    %eq3A = arith.constant 0 : i32
    %eq3A_0 = arith.cmpi eq, %arg0, %eq3A : i32
    %convert_element_type3A = arith.extui %eq3A_0 : i1 to i32
    %cond3A = arith.constant 0 : i32
    %cond3A_1 = arith.cmpi ne, %convert_element_type3A, %cond3A : i32
    scf.if %cond3A_1 {
      %broadcast_in_dim3A_55 = arith.constant 0.000000e+00 : f32
      %broadcast_in_dim3A_56 = vector.broadcast %broadcast_in_dim3A_55 : f32 to vector<2x256xf32>
      %swap3A_57 = arith.constant 0 : index
      %swap3A_58 = arith.constant 0 : index
      %swap3A_59 = vector.load %arg8[%swap3A_57, %swap3A_58] : memref<2x256xf32, #tpu.memory_space<vmem>>, vector<2x256xf32>
      tpu.vector_store %arg8[%swap3A_57, %swap3A_58], %broadcast_in_dim3A_56 {strides = array<i32>} : memref<2x256xf32, #tpu.memory_space<vmem>>, vector<2x256xf32>,
    } else {
    }
    %get3A = arith.constant 0 : index
    %get3A_2 = arith.constant 0 : index
    %get3A_3 = vector.load %arg2[%get3A, %get3A_2] : memref<256x8xf32, #tpu.memory_space<vmem>>, vector<256x8xf32>
    %get3A_4 = arith.constant 0 : index
    %get3A_5 = arith.constant 0 : index
    %get3A_6 = vector.load %arg3[%get3A_4, %get3A_5] : memref<8x256xf32, #tpu.memory_space<vmem>>, vector<8x256xf32>
    %dot_general3A = arith.constant dense<0.000000e+00> : vector<256x256xf32>
    %dot_general3A_7 = tpu.matmul %get3A_3, %get3A_6, %dot_general3A {dimension_numbers = #tpu.dot_dimension_numbers<[1], [0], [0], [1], [0, 0, 1, 1], [], []>, transpose_lhs_hint = false} : vector<256x8xf32>, vector<8x256xf32>, vector<256x256xf32> -> vector<256x256xf32>
    %get3A_8 = arith.constant 0 : index
    %get3A_9 = arith.constant 0 : index
    %get3A_10 = vector.load %arg1[%get3A_8, %get3A_9] : memref<256x256xf32, #tpu.memory_space<vmem>>, vector<256x256xf32>
    %add3A = arith.addf %get3A_10, %dot_general3A_7 : vector<256x256xf32>
    %get3A_11 = arith.constant 0 : index
    %get3A_12 = arith.constant 0 : index
    %get3A_13 = vector.load %arg4[%get3A_11, %get3A_12] : memref<2x256xf32, #tpu.memory_space<vmem>>, vector<1x256xf32>
    %mul3A = vector.broadcast %get3A_13 : vector<1x256xf32> to vector<256x256xf32>
    %mul3A_14 = arith.mulf %add3A, %mul3A : vector<256x256xf32>
    %get3A_15 = arith.constant 1 : index
    %get3A_16 = arith.constant 0 : index
    %get3A_17 = vector.load %arg4[%get3A_15, %get3A_16] : memref<2x256xf32, #tpu.memory_space<vmem>>, vector<1x256xf32>
    %add3A_18 = vector.broadcast %get3A_17 : vector<1x256xf32> to vector<256x256xf32>
    %add3A_19 = arith.addf %mul3A_14, %add3A_18 : vector<256x256xf32>
    %max3A = arith.constant 0.000000e+00 : f32
    %max3A_20 = vector.broadcast %max3A : f32 to vector<256x256xf32>
    %max3A_21 = arith.maximumf %add3A_19, %max3A_20 : vector<256x256xf32>
    %convert_element_type3A_22 = arith.truncf %max3A_21 : vector<256x256xf32> to vector<256x256xbf16>
    %get3A_23 = arith.constant 0 : index
    %get3A_24 = arith.constant 0 : index
    %get3A_25 = vector.load %arg5[%get3A_23, %get3A_24] : memref<256x256xbf16, #tpu.memory_space<vmem>>, vector<256x256xbf16>
    %dot_general3A_26 = arith.constant dense<0.000000e+00> : vector<256x256xf32>
    %dot_general3A_27 = tpu.matmul %convert_element_type3A_22, %get3A_25, %dot_general3A_26 {dimension_numbers = #tpu.dot_dimension_numbers<[1], [1], [0], [0], [0, 0, 1, 0], [], []>, transpose_lhs_hint = false} : vector<256x256xbf16>, vector<256x256xbf16>, vector<256x256xf32> -> vector<256x256xf32>
    %get3A_28 = arith.constant 0 : index
    %get3A_29 = arith.constant 0 : index
    %get3A_30 = vector.load %arg8[%get3A_28, %get3A_29] : memref<2x256xf32, #tpu.memory_space<vmem>>, vector<1x256xf32>
    %reduce_sum3A = arith.constant dense<0.000000e+00> : vector<256xf32>
    %reduce_sum3A_31 = vector.multi_reduction <add>, %dot_general3A_27, %reduce_sum3A [0] : vector<256x256xf32> to vector<256xf32>
    %broadcast_in_dim3A = vector.shape_cast %reduce_sum3A_31 : vector<256xf32> to vector<1x256xf32>
    %add3A_32 = arith.addf %get3A_30, %broadcast_in_dim3A : vector<1x256xf32>
    %swap3A = arith.constant 0 : index
    %swap3A_33 = arith.constant 0 : index
    %swap3A_34 = vector.load %arg8[%swap3A, %swap3A_33] : memref<2x256xf32, #tpu.memory_space<vmem>>, vector<1x256xf32>
    tpu.vector_store %arg8[%swap3A, %swap3A_33], %add3A_32 {strides = array<i32>} : memref<2x256xf32, #tpu.memory_space<vmem>>, vector<1x256xf32>,
    %get3A_35 = arith.constant 1 : index
    %get3A_36 = arith.constant 0 : index
    %get3A_37 = vector.load %arg8[%get3A_35, %get3A_36] : memref<2x256xf32, #tpu.memory_space<vmem>>, vector<1x256xf32>
    %mul3A_38 = arith.mulf %dot_general3A_27, %dot_general3A_27 : vector<256x256xf32>
    %reduce_sum3A_39 = arith.constant dense<0.000000e+00> : vector<256xf32>
    %reduce_sum3A_40 = vector.multi_reduction <add>, %mul3A_38, %reduce_sum3A_39 [0] : vector<256x256xf32> to vector<256xf32>
    %broadcast_in_dim3A_41 = vector.shape_cast %reduce_sum3A_40 : vector<256xf32> to vector<1x256xf32>
    %add3A_42 = arith.addf %get3A_37, %broadcast_in_dim3A_41 : vector<1x256xf32>
    %swap3A_43 = arith.constant 1 : index
    %swap3A_44 = arith.constant 0 : index
    %swap3A_45 = vector.load %arg8[%swap3A_43, %swap3A_44] : memref<2x256xf32, #tpu.memory_space<vmem>>, vector<1x256xf32>
    tpu.vector_store %arg8[%swap3A_43, %swap3A_44], %add3A_42 {strides = array<i32>} : memref<2x256xf32, #tpu.memory_space<vmem>>, vector<1x256xf32>,
    %reshape3A = vector.shape_cast %dot_general3A_27 : vector<256x256xf32> to vector<8x32x256xf32>
    %reduce_max3A = arith.constant dense<0xFF800000> : vector<8x256xf32>
    %reduce_max3A_46 = vector.multi_reduction <maximumf>, %reshape3A, %reduce_max3A [1] : vector<8x32x256xf32> to vector<8x256xf32>
    %swap3A_47 = arith.constant 0 : index
    %swap3A_48 = arith.constant 0 : index
    %swap3A_49 = vector.load %arg6[%swap3A_47, %swap3A_48] : memref<8x256xf32, #tpu.memory_space<vmem>>, vector<8x256xf32>
    tpu.vector_store %arg6[%swap3A_47, %swap3A_48], %reduce_max3A_46 {strides = array<i32>} : memref<8x256xf32, #tpu.memory_space<vmem>>, vector<8x256xf32>,
    %eq3A_50 = arith.constant 511 : i32
    %eq3A_51 = arith.cmpi eq, %arg0, %eq3A_50 : i32
    %convert_element_type3A_52 = arith.extui %eq3A_51 : i1 to i32
    %cond3A_53 = arith.constant 0 : i32
    %cond3A_54 = arith.cmpi ne, %convert_element_type3A_52, %cond3A_53 : i32
    scf.if %cond3A_54 {
      %get3A_55 = arith.constant 0 : index
      %get3A_56 = arith.constant 0 : index
      %get3A_57 = vector.load %arg8[%get3A_55, %get3A_56] : memref<2x256xf32, #tpu.memory_space<vmem>>, vector<2x256xf32>
      %swap3A_58 = arith.constant 0 : index
      %swap3A_59 = arith.constant 0 : index
      %swap3A_60 = vector.load %arg7[%swap3A_58, %swap3A_59] : memref<2x256xf32, #tpu.memory_space<vmem>>, vector<2x256xf32>
      tpu.vector_store %arg7[%swap3A_58, %swap3A_59], %get3A_57 {strides = array<i32>} : memref<2x256xf32, #tpu.memory_space<vmem>>, vector<2x256xf32>,
    } else {
    }
    return
  }
  func.func @transform_0(%arg0: i32) -> (i32, i32) {
    %c0_i32 = arith.constant 0 : i32
    %c0_i32_0 = arith.constant 0 : i32
    return %arg0, %c0_i32 : i32, i32
  }
  func.func @transform_1(%arg0: i32) -> (i32, i32) {
    %c0_i32 = arith.constant 0 : i32
    %c0_i32_0 = arith.constant 0 : i32
    return %arg0, %c0_i32 : i32, i32
  }
  func.func @transform_2(%arg0: i32) -> (i32, i32) {
    %c0_i32 = arith.constant 0 : i32
    %c0_i32_0 = arith.constant 0 : i32
    %c0_i32_1 = arith.constant 0 : i32
    return %c0_i32, %c0_i32_0 : i32, i32
  }
  func.func @transform_3(%arg0: i32) -> (i32, i32) {
    %c0_i32 = arith.constant 0 : i32
    %c0_i32_0 = arith.constant 0 : i32
    %c0_i32_1 = arith.constant 0 : i32
    return %c0_i32, %c0_i32_0 : i32, i32
  }
  func.func @transform_4(%arg0: i32) -> (i32, i32) {
    %c0_i32 = arith.constant 0 : i32
    %c0_i32_0 = arith.constant 0 : i32
    %c0_i32_1 = arith.constant 0 : i32
    return %c0_i32, %c0_i32_0 : i32, i32
  }
  func.func @transform_5(%arg0: i32) -> (i32, i32) {
    %c0_i32 = arith.constant 0 : i32
    %c0_i32_0 = arith.constant 0 : i32
    return %arg0, %c0_i32 : i32, i32
  }
  func.func @transform_6(%arg0: i32) -> (i32, i32) {
    %c0_i32 = arith.constant 0 : i32
    %c0_i32_0 = arith.constant 0 : i32
    %c0_i32_1 = arith.constant 0 : i32
    return %c0_i32, %c0_i32_0 : i32, i32
  }
}

module attributes {stable_mosaic.version = 14 : i64} {
  func.func @_p3_body(%arg0: i32, %arg1: memref<256x256xf32, #tpu.memory_space<vmem>>, %arg2: memref<2x256xf32, #tpu.memory_space<vmem>>, %arg3: memref<2x256xf32, #tpu.memory_space<vmem>>, %arg4: memref<1x256x256xf32, #tpu.memory_space<vmem>>) attributes {dimension_semantics = [#tpu.dimension_semantics<arbitrary>], iteration_bounds = array<i64: 16>, scalar_prefetch = 0 : i64, scratch_operands = 0 : i64, tpu.core_type = #tpu.core_type<tc>, window_params = [{transform_indices = @transform_0, window_bounds = array<i64: 256, 256>}, {pipeline_mode = #tpu.pipeline_mode<synchronous>, transform_indices = @transform_1, window_bounds = array<i64: 2, 256>}, {pipeline_mode = #tpu.pipeline_mode<synchronous>, transform_indices = @transform_2, window_bounds = array<i64: 2, 256>}, {transform_indices = @transform_3, window_bounds = array<i64: 1, 256, 256>}]} {
    %get3A = arith.constant 0 : index
    %get3A_0 = arith.constant 0 : index
    %get3A_1 = vector.load %arg2[%get3A, %get3A_0] : memref<2x256xf32, #tpu.memory_space<vmem>>, vector<2x256xf32>
    %slice3A = vector.extract_strided_slice %get3A_1 {offsets = [0, 0], sizes = [1, 256], strides = [1, 1]} : vector<2x256xf32> to vector<1x256xf32>
    %div3A = arith.constant 1.310720e+05 : f32
    %div3A_2 = vector.broadcast %div3A : f32 to vector<1x256xf32>
    %div3A_3 = arith.divf %slice3A, %div3A_2 : vector<1x256xf32>
    %slice3A_4 = vector.extract_strided_slice %get3A_1 {offsets = [1, 0], sizes = [1, 256], strides = [1, 1]} : vector<2x256xf32> to vector<1x256xf32>
    %div3A_5 = arith.constant 1.310720e+05 : f32
    %div3A_6 = vector.broadcast %div3A_5 : f32 to vector<1x256xf32>
    %div3A_7 = arith.divf %slice3A_4, %div3A_6 : vector<1x256xf32>
    %mul3A = arith.mulf %div3A_3, %div3A_3 : vector<1x256xf32>
    %sub3A = arith.subf %div3A_7, %mul3A : vector<1x256xf32>
    %get3A_8 = arith.constant 0 : index
    %get3A_9 = arith.constant 0 : index
    %get3A_10 = vector.load %arg3[%get3A_8, %get3A_9] : memref<2x256xf32, #tpu.memory_space<vmem>>, vector<1x256xf32>
    %add3A = arith.constant 9.99999974E-6 : f32
    %add3A_11 = vector.broadcast %add3A : f32 to vector<1x256xf32>
    %add3A_12 = arith.addf %sub3A, %add3A_11 : vector<1x256xf32>
    %rsqrt3A = math.rsqrt %add3A_12 : vector<1x256xf32>
    %mul3A_13 = arith.mulf %get3A_10, %rsqrt3A : vector<1x256xf32>
    %get3A_14 = arith.constant 1 : index
    %get3A_15 = arith.constant 0 : index
    %get3A_16 = vector.load %arg3[%get3A_14, %get3A_15] : memref<2x256xf32, #tpu.memory_space<vmem>>, vector<1x256xf32>
    %mul3A_17 = arith.mulf %div3A_3, %mul3A_13 : vector<1x256xf32>
    %sub3A_18 = arith.subf %get3A_16, %mul3A_17 : vector<1x256xf32>
    %get3A_19 = arith.constant 0 : index
    %get3A_20 = arith.constant 0 : index
    %get3A_21 = vector.load %arg1[%get3A_19, %get3A_20] : memref<256x256xf32, #tpu.memory_space<vmem>>, vector<256x256xf32>
    %mul3A_22 = vector.broadcast %mul3A_13 : vector<1x256xf32> to vector<256x256xf32>
    %mul3A_23 = arith.mulf %get3A_21, %mul3A_22 : vector<256x256xf32>
    %add3A_24 = vector.broadcast %sub3A_18 : vector<1x256xf32> to vector<256x256xf32>
    %add3A_25 = arith.addf %mul3A_23, %add3A_24 : vector<256x256xf32>
    %max3A = arith.constant 0.000000e+00 : f32
    %max3A_26 = vector.broadcast %max3A : f32 to vector<256x256xf32>
    %max3A_27 = arith.maximumf %add3A_25, %max3A_26 : vector<256x256xf32>
    %transpose3A = tpu.transpose %max3A_27, [1, 0] : vector<256x256xf32> -> vector<256x256xf32>
    %swap3A = arith.constant 0 : index
    %swap3A_28 = arith.constant 0 : index
    %swap3A_29 = arith.constant 0 : index
    %swap3A_30 = vector.load %arg4[%swap3A, %swap3A_28, %swap3A_29] : memref<1x256x256xf32, #tpu.memory_space<vmem>>, vector<1x256x256xf32>
    %swap3A_31 = vector.shape_cast %swap3A_30 : vector<1x256x256xf32> to vector<256x256xf32>
    %swap3A_32 = vector.shape_cast %transpose3A : vector<256x256xf32> to vector<1x256x256xf32>
    tpu.vector_store %arg4[%swap3A, %swap3A_28, %swap3A_29], %swap3A_32 {strides = array<i32>} : memref<1x256x256xf32, #tpu.memory_space<vmem>>, vector<1x256x256xf32>,
    return
  }
  func.func @transform_0(%arg0: i32) -> (i32, i32) {
    %c0_i32 = arith.constant 0 : i32
    %c0_i32_0 = arith.constant 0 : i32
    return %arg0, %c0_i32 : i32, i32
  }
  func.func @transform_1(%arg0: i32) -> (i32, i32) {
    %c0_i32 = arith.constant 0 : i32
    %c0_i32_0 = arith.constant 0 : i32
    %c0_i32_1 = arith.constant 0 : i32
    return %c0_i32, %c0_i32_0 : i32, i32
  }
  func.func @transform_2(%arg0: i32) -> (i32, i32) {
    %c0_i32 = arith.constant 0 : i32
    %c0_i32_0 = arith.constant 0 : i32
    %c0_i32_1 = arith.constant 0 : i32
    return %c0_i32, %c0_i32_0 : i32, i32
  }
  func.func @transform_3(%arg0: i32) -> (i32, i32, i32) {
    %jit3A = arith.constant 4 : i32
    %div3A = arith.divsi %arg0, %jit3A : i32
    %sign3A = arith.constant 0 : i32
    %sign3A_0 = arith.cmpi sgt, %arg0, %sign3A : i32
    %sign3A_1 = arith.extui %sign3A_0 : i1 to i32
    %sign3A_2 = arith.constant 0 : i32
    %sign3A_3 = arith.cmpi slt, %arg0, %sign3A_2 : i32
    %sign3A_4 = arith.extui %sign3A_3 : i1 to i32
    %sign3A_5 = arith.subi %sign3A_1, %sign3A_4 : i32
    %sign3A_6 = arith.constant 0 : i32
    %sign3A_7 = arith.cmpi sgt, %jit3A, %sign3A_6 : i32
    %sign3A_8 = arith.extui %sign3A_7 : i1 to i32
    %sign3A_9 = arith.constant 0 : i32
    %sign3A_10 = arith.cmpi slt, %jit3A, %sign3A_9 : i32
    %sign3A_11 = arith.extui %sign3A_10 : i1 to i32
    %sign3A_12 = arith.subi %sign3A_8, %sign3A_11 : i32
    %ne3A = arith.cmpi ne, %sign3A_5, %sign3A_12 : i32
    %rem3A = arith.remsi %arg0, %jit3A : i32
    %ne3A_13 = arith.constant 0 : i32
    %ne3A_14 = arith.cmpi ne, %rem3A, %ne3A_13 : i32
    %and3A = arith.andi %ne3A, %ne3A_14 : i1
    %sub3A = arith.constant 1 : i32
    %sub3A_15 = arith.subi %div3A, %sub3A : i32
    %select_n3A = arith.select %and3A, %sub3A_15, %div3A : i32
    %jit3A_16 = arith.constant 4 : i32
    %eq3A = arith.constant 0 : i32
    %eq3A_17 = arith.cmpi eq, %jit3A_16, %eq3A : i32
    %jit3A_18 = arith.constant 1 : i32
    %select_n3A_19 = arith.select %eq3A_17, %jit3A_18, %jit3A_16 : i32
    %rem3A_20 = arith.remsi %arg0, %select_n3A_19 : i32
    %ne3A_21 = arith.constant 0 : i32
    %ne3A_22 = arith.cmpi ne, %rem3A_20, %ne3A_21 : i32
    %lt3A = arith.constant 0 : i32
    %lt3A_23 = arith.cmpi slt, %rem3A_20, %lt3A : i32
    %lt3A_24 = arith.constant 0 : i32
    %lt3A_25 = arith.cmpi slt, %select_n3A_19, %lt3A_24 : i32
    %ne3A_26 = arith.xori %lt3A_23, %lt3A_25 : i1
    %and3A_27 = arith.andi %ne3A_26, %ne3A_22 : i1
    %add3A = arith.addi %rem3A_20, %select_n3A_19 : i32
    %select_n3A_28 = arith.select %and3A_27, %add3A, %rem3A_20 : i32
    %c0_i32 = arith.constant 0 : i32
    %c0_i32_29 = arith.constant 0 : i32
    return %select_n3A, %c0_i32, %select_n3A_28 : i32, i32, i32
  }
}

</mosaic_0001>

<sc_bundles>
// kernel: kernel.7.cloned.1.call-start
scs
__scs_entry_jumppad:
0x0: {  	(pc) =	sbr.rel $0x88, $3  }
0x1: {  	(tag) =	ssettag $0x0;
	lr =	simm.s32 $0x1  }
0x2: {  	[smem:$0x3F98] =	sst lr;
	_ =	strace $0xD0000000  }
0x3: {  	_ = 	snop  }
0x4: {  	_ = 	snop  }
0x5: {  	_ = 	snop  }
0x6: {  	_ = 	snop  }
0x7: {  	_ = 	snop  }
__scs_overlays_trampoline_lowered:
0x8: {  	[smem:$0x3FA7] =	sst s0  }
0x9: {  	[smem:$0x3FA8] =	sst s1  }
0xa: {  	[smem:$0x3FA9] =	sst s2  }
0xb: {  	[smem:$0x3FAA] =	sst s3  }
0xc: {  	[smem:$0x3FAB] =	sst s4  }
0xd: {  	[smem:$0x3FAC] =	sst s5  }
0xe: {  	[smem:$0x3FAD] =	sst s6  }
0xf: {  	[smem:$0x3FAE] =	sst s7  }
0x10: {  	[smem:$0x3FAF] =	sst s8  }
0x11: {  	[smem:$0x3FB0] =	sst s9;
	s0 =	simm.s32 @!p0 $0x0  }
0x12: {  	s1 =	sld [smem:$0x3F96];
	s0 =	simm.s32 @p0 $0x1  }
0x13: {  	[smem:$0x3FB1] =	sst s0;
	s0 =	simm.s32 @!p1 $0x0  }
0x14: {  	s2 =	sld [smem:$0x3F95];
	s0 =	simm.s32 @p1 $0x1  }
0x15: {  	[smem:$0x3FB2] =	sst s0;
	s0 =	simm.s32 @!p2 $0x0  }
0x16: {  	s3 =	sld [smem:$0x3FDB];
	s0 =	simm.s32 @p2 $0x1  }
0x17: {  	s4 =	simm.s32 $0x1BF5;
	[smem:$0x3FB4] =	sst s0  }
0x18: {  	s0 =	sld [smem:$0x3F97];
	_ =	swait.ge [sflag:s4], $0x0  }
0x19: {  	s7 =	sld [smem:$0x3F98]  }
0x1a: {  	s8 =	sadd.s32 $0xFFFFE003, lr  }
0x1b: {  	s9 =	sadd.s32 $0xFFFFFEF7, lr;
	s5 =	simm.s32 $0xFFFFFFFF;
	p2 =	slt.u32 s8, $0xFFFFF086  }
0x1c: {  	p1 =	slt.u32 s9, $0xF7A;
	s5 =	simm.s32 @!p2 $0x0  }
0x1d: {  	s5 =	simm.s32 @p1 $0x1;
	p0 =	seq.s32 s7, s2  }
0x1e: {  	s7 =	smul.u32 @!p0 $0xF7A, s2;
	p2 =	seq.s32 @!p0 s5, $0x0  }
0x1f: {  	s9 =	smul.u32 $0xF7A, s1;
	s8 =	simm.s32 @!p0 $0x1BF5;
	p2 =	por !p2, p0  }
0x20: {  	[sflag:s8] =	ssyncset.s32 @!p0 $0xFFFFF086;
	s6 =	sadd.s32 @!p0 s3, s7;
	s7 =	simm.s32 @!p0 $0x108  }
0x21: {  	s3 =	sadd.s32 s3, s9;
	s6 =	sadd.s32 @!p0 $0x88, s6;
	s7 =	simm.s32 @p2 $0x1082  }
0x22: {  	[simem:s7], [sflag:s8] =	dma.local @!p0 [hbm:s6], $0xF7A  }
0x23: {  	s9 =	sor.u32 $0xD0000000, s2;
	s6 =	simm.s32 $0x108;
	_ =	swait.ge @!p0 [sflag:s8], $0x0  }
0x24: {  	s3 =	sadd.s32 $0x88, s3;
	s6 =	simm.s32 @!p1 $0x1082;
	[sflag:s4] =	ssyncset.s32 $0xFFFFF086  }
0x25: {  	[simem:s6], [sflag:s4] =	dma.local [hbm:s3], $0xF7A  }
0x26: {  	[smem:$0x3F98] =	sst s1;
	(tag) =	ssettag s2;
	_ =	strace s9  }
0x27: {  	s1 =	sld [smem:$0x3FA8]  }
0x28: {  	s2 =	sld [smem:$0x3FA9]  }
0x29: {  	s4 =	sld [smem:$0x3FAB]  }
0x2a: {  	p0 =	seq.s32 s5, $0x0;
	s5 =	sld [smem:$0x3FAC]  }
0x2b: {  	s6 =	sld [smem:$0x3FAD]  }
0x2c: {  	s7 =	sld [smem:$0x3FAE]  }
0x2d: {  	s3 =	simm.s32 $0x108;
	s8 =	sld [smem:$0x3FAF]  }
0x2e: {  	s3 =	simm.s32 @!p0 $0x1082;
	s9 =	sld [smem:$0x3FB0]  }
0x2f: {  	lr =	sadd.s32 s0, s3;
	s0 =	sld [smem:$0x3FA7]  }
0x30: {  	s3 =	sld [smem:$0x3FAA]  }
0x31: {  	[smem:$0x3FB3] =	sst s10  }
0x32: {  	s10 =	sld [smem:$0x3FB1];
	_ =	sdelay $0x3  }
0x33: {  	p0 =	seq.s32 s10, $0x1;
	s10 =	sld [smem:$0x3FB3];
	_ =	sdelay $0x3  }
0x34: {  	[smem:$0x3FB3] =	sst s10  }
0x35: {  	s10 =	sld [smem:$0x3FB2];
	_ =	sdelay $0x3  }
0x36: {  	p1 =	seq.s32 s10, $0x1;
	s10 =	sld [smem:$0x3FB3];
	_ =	sdelay $0x3  }
0x37: {  	[smem:$0x3FB3] =	sst s10  }
0x38: {  	s10 =	sld [smem:$0x3FB4]  }
0x39: {  	_ = 	snop;
	(pc) =	sbr.ind lr, $3  }
0x3a: {  	_ = 	snop  }
0x3b: {  	_ = 	snop  }
0x3c: {  	p2 =	seq.s32 s10, $0x1;
	s10 =	sld [smem:$0x3FB3]  }
0x3d: {  	_ =	shalt  }
0x3e: {  	_ =	shalt  }
0x3f: {  	_ =	shalt  }
0x40: {  	_ =	shalt  }
0x41: {  	_ =	shalt  }
0x42: {  	_ =	shalt  }
0x43: {  	_ =	shalt  }
0x44: {  	_ =	shalt  }
0x45: {  	_ =	shalt  }
0x46: {  	_ =	shalt  }
0x47: {  	_ =	shalt  }
0x48: {  	_ =	shalt  }
0x49: {  	_ =	shalt  }
0x4a: {  	_ =	shalt  }
0x4b: {  	_ =	shalt  }
0x4c: {  	_ =	shalt  }
0x4d: {  	_ =	shalt  }
0x4e: {  	_ =	shalt  }
0x4f: {  	_ =	shalt  }
0x50: {  	_ =	shalt  }
0x51: {  	_ =	shalt  }
0x52: {  	_ =	shalt  }
0x53: {  	_ =	shalt  }
0x54: {  	_ =	shalt  }
0x55: {  	_ =	shalt  }
0x56: {  	_ =	shalt  }
0x57: {  	_ =	shalt  }
0x58: {  	_ =	shalt  }
0x59: {  	_ =	shalt  }
0x5a: {  	_ =	shalt  }
0x5b: {  	_ =	shalt  }
0x5c: {  	_ =	shalt  }
0x5d: {  	_ =	shalt  }
0x5e: {  	_ =	shalt  }
0x5f: {  	_ =	shalt  }
0x60: {  	_ =	shalt  }
0x61: {  	_ =	shalt  }
0x62: {  	_ =	shalt  }
0x63: {  	_ =	shalt  }
0x64: {  	_ =	shalt  }
0x65: {  	_ =	shalt  }
0x66: {  	_ =	shalt  }
0x67: {  	_ =	shalt  }
0x68: {  	_ =	shalt  }
0x69: {  	_ =	shalt  }
0x6a: {  	_ =	shalt  }
0x6b: {  	_ =	shalt  }
0x6c: {  	_ =	shalt  }
0x6d: {  	_ =	shalt  }
0x6e: {  	_ =	shalt  }
0x6f: {  	_ =	shalt  }
0x70: {  	_ =	shalt  }
0x71: {  	_ =	shalt  }
0x72: {  	_ =	shalt  }
0x73: {  	_ =	shalt  }
0x74: {  	_ =	shalt  }
0x75: {  	_ =	shalt  }
0x76: {  	_ =	shalt  }
0x77: {  	_ =	shalt  }
0x78: {  	_ =	shalt  }
0x79: {  	_ =	shalt  }
0x7a: {  	_ =	shalt  }
0x7b: {  	_ =	shalt  }
0x7c: {  	_ =	shalt  }
0x7d: {  	_ =	shalt  }
0x7e: {  	_ =	shalt  }
0x7f: {  	_ =	shalt  }
0x80: {  	_ =	shalt  }
0x81: {  	_ =	shalt  }
0x82: {  	_ =	shalt  }
0x83: {  	_ =	shalt  }
0x84: {  	_ =	shalt  }
0x85: {  	_ =	shalt  }
0x86: {  	_ =	shalt  }
0x87: {  	_ =	shalt  }
.Lfunc_end0:
.L_simem_size_0:
called_computation_lowered:
.L_overlay_start_0:
0x88: {  	s2 =	sld [smem:$0x3FD9]  }
0x89: {  	s3 =	sld [smem:$0x3FFE];
	_ =	sdelay $0x1  }
0x8a: {  	s1 =	srdreg.scid  }
0x8b: {  	s0 =	sand.u32 $0x1, s1  }
0x8c: {  	s17 =	sshll.u32 s0, $0xA;
	s2 =	sadd.s32 s3, s2  }
0x8d: {  	s2 =	sadd.s32 s2, s17  }
0x8e: {  	[smem:$0x3FBF] =	sst s2  }
0x8f: {  	_ = 	snop  }
0x90: {  	s2 =	sld [smem:$0x3FD0];
	(tm) =	ssettm $0x1  }
0x91: {  	s18 =	sld [smem:$0x3FFB];
	_ =	sdelay $0x3  }
0x92: {  	_ =	strace s18  }
0x93: {  	s3 =	sld [smem:$0x3FFC];
	_ =	sdelay $0x3  }
0x94: {  	_ =	strace s3  }
0x95: {  	s3 =	sld [smem:$0x3FFD];
	_ =	sdelay $0x3  }
0x96: {  	_ =	strace s3  }
0x97: {  	_ =	strace $0x8FFFFFFF  }
0x98: {  	s19 =	sld [smem:$0x3FDB];
	_ =	sdelay $0x1  }
0x99: {  	s4 =	simm.s32 $_scs_section_size  }
0x9a: {  	s5 =	simm.s32 $_size__tile_overlayer_lowered;
	s6 =	simm.s32 $_tile_overlayer_lowered  }
0x9b: {  	s22 =	simm.s32 $0x1BFF;
	s21 =	sshll.u32 s6, $0x1;
	s3 =	sadd.s32 s4, s19  }
0x9c: {  	s7 =	simm.s32 $0x0;
	s20 =	sshll.u32 s5, $0x1;
	s5 =	sadd.s32 s21, s3  }
0x9d: {  	[timem:s7], [sflag:s22] =	dma.local [hbm:s5], s20  }
0x9e: {  	_ =	swait.ge [sflag:s22], s20  }
0x9f: {  	s4 =	ssub.s32 $0x0, s20;
	[sflag:s22] =	ssyncset.done $0x0  }
0xa0: {  	[sflag:s22] =	ssyncadd.s32 s4;
	_ =	sdelay $0x1  }
0xa1: {  	s23 =	simm.s32 $0x1B8B  }
0xa2: {  	_ =	swait.ge [sflag:s23], $0x1  }
0xa3: {  	[sflag:s23] =	ssyncset.done $0x0  }
0xa4: {  	s25 =	simm.s32 $0x1B8E;
	s24 =	sld [smem:$0x3FFE];
	[sflag:s23] =	ssyncadd.s32 $0xFFFFFFFF  }
0xa5: {  	s26 =	simm.s32 $execute0_lowered;
	[smem:$0x3FD2] =	sst s25  }
0xa6: {  	s5 =	sshll.u32 s26, $0x1;
	_ =	strace $0x80000046;
	[dreg:$0x1] =	wrdreg $0xFFFFFFFF  }
0xa7: {  	s28 =	simm.s32 $_size_execute0_lowered;
	s3 =	sadd.s32 s3, s5;
	[dreg:$0x0] =	wrdreg $0x0  }
0xa8: {  	s5 =	sshll.u32 s28, $0x1;
	[dreg:$0x2] =	wrdreg s3  }
0xa9: {  	[dreg:$0x3] =	wrdreg s5  }
0xaa: {  	[dreg:$0x4] =	wrdreg $0xC0  }
0xab: {  	_ =	task [dreg:s7], $0x5FFFF  }
0xac: {  	[dreg:$0x1] =	wrdreg $0xFFFFFFFF  }
0xad: {  	[dreg:$0x0] =	wrdreg $0x60  }
0xae: {  	[dreg:$0x2] =	wrdreg s24  }
0xaf: {  	[dreg:$0x3] =	wrdreg s2  }
0xb0: {  	[dreg:$0x4] =	wrdreg $0x9  }
0xb1: {  	_ =	task.clear_ibuf [dreg:s7], $0x5FFFF;
	_ =	strace $0x90000046  }
0xb2: {  	s29 =	simm.s32 $0x9;
	_ =	strace $0x80000048  }
0xb3: {  	_ =	swait.ge [sflag:s29], $0x1  }
0xb4: {  	[sflag:s29] =	ssyncadd.s32 $0xFFFFFFFF  }
0xb5: {  	_ =	strace $0x90000048  }
0xb6: {  	_ =	sfence  }
0xb7: {  	s30 =	sld [smem:$0x0];
	_ =	sdelay $0x2  }
0xb8: {  	s31 =	sshll.u32 s1, $0xD;
	s1 =	sshrl.u32 s1, $0x2  }
0xb9: {  	s3 =	sand.u32 $0x4000, s31;
	s1 =	sadd.s32 s1, s30  }
0xba: {  	s0 =	sor.u32 s3, s0;
	s1 =	sshll.u32 s1, $0x11  }
0xbb: {  	s0 =	sor.u32 s1, s0  }
0xbc: {  	s0 =	sadd.s32 $0x8F2B, s0  }
0xbd: {  	[sflag:s0] =	ssyncadd.remote.s32 $0x1  }
0xbe: {  	_ =	sfence.sel $0xFFFF  }
0xbf: {  	[dreg:$0x0] =	wrdreg $0xFFFFFFFF;
	(pc) =	sbr.abs _section_cstart, $3  }
0xc0: {  	[dreg:$0x1] =	wrdreg $0xFFFFFFFF  }
0xc1: {  	_ =	task.clear_ibuf [dreg:s7], $0x2FFFF;
	_ =	strace $0x9FFFFFFF  }
0xc2: {  	(tm) =	ssettm $0x7FFFFFFF  }
0xc3: {  	_ =	shalt  }
tec
execute0_lowered:
.L_overlay_start_1:
0x0: {  	(tag) =	ssettag $0x1  }
0x1: {  	s0 =	rddreg [dreg:$0x0]  }
0x2: {  	s2 =	rddreg [dreg:$0x1];
	s3 =	simm.s32 $0x0;
	s6 =	stileid.u32  }
0x3: {  	s4 =	srdreg.scid;
	s17 =	simm.s32 $0x5000;
	s19 =	simm.s32 $0x9380  }
0x4: {  	s18 =	simm.s32 $0x5180;
	[smem:$0x7FF] =	sst s3;
	s1 =	sshrl.u32 s6, $0x2  }
0x5: {  	s4 =	sand.u32 $0x1, s4;
	s6 =	sshll.u32 s6, $0x1;
	s24 =	sadd.s32 $0x37C00, s0  }
0x6: {  	s11 =	sadd.s32 $0x12C00, s0;
	_ =	strace $0x80000047;
	s5 =	sshll.u32 s1, $0x9  }
0x7: {  	s7 =	sshll.u32 s1, $0xE;
	s6 =	sor.u32 s4, s6;
	s4 =	ssub.s32 $0x2, s4  }
0x8: {  	s1 =	sshll.u32 s1, $0xA;
	[dreg:$0x3] =	wrdreg s11;
	s5 =	sadd.s32 s5, s0  }
0x9: {  	s7 =	sadd.s32 s7, s0;
	s8 =	sshll.u32 s6, $0x9;
	s9 =	sshll.u32 s6, $0x7  }
0xa: {  	s25 =	sshll.u32 s6, $0xB;
	s10 =	sshrl.u32 s4, $0x1;
	s6 =	sshllo.u32 s6, $0x7  }
0xb: {  	s8 =	sadd.s32 s8, s0;
	[dreg:$0x4] =	wrdreg s9;
	s0 =	sadd.s32 s9, s0  }
0xc: {  	s26 =	sshll.u32 s6, $0x5;
	s5 =	sadd.s32 $0x2400, s5;
	s6 =	sshll.u32 s6, $0xA  }
0xd: {  	s9 =	sand.u32 $0x3800, s25;
	[dreg:$0x5] =	wrdreg s5;
	s6 =	sadd.s32 s24, s6  }
0xe: {  	s4 =	ssub.s32 s4, s10;
	s30 =	sadd.s32 $0x32C00, s8;
	[dreg:$0x7] =	wrdreg s6  }
0xf: {  	s7 =	sadd.s32 s9, s7;
	s0 =	sadd.s32 $0x36C00, s0;
	[dreg:$0x9] =	wrdreg s30  }
0x10: {  	s29 =	sand.u32 $0x1FF00, s26;
	s31 =	smax.u32 s4, $0x1;
	[dreg:$0xa] =	wrdreg s0  }
0x11: {  	v1 =	vimm.f32 $0.0e+00;
	s28 =	sadd.s32 $0x2C00, s7;
	s5 =	sadd.s32 s29, s11;
	[dreg:$0xb] =	wrdreg s31  }
0x12: {  	v2 =	vimm.s32 $0x0;
	v3 =	vlaneseq.u32;
	v0 =	vmov s1;
	s1 =	simm.s32 $0x0;
	[dreg:$0x6] =	wrdreg s28;
	s5 =	sadd.s32 $0x70, s5  }
0x13: {  	vm0 =	vmmov $0xffff;
	v4 =	vimm.f32 $1.000000000e+00;
	vm1 =	vcmask $0x300;
	s4 =	simm.s32 $0x5;
	s9 =	simm.s32 $0x9180;
	[dreg:$0x8] =	wrdreg s5  }
.LBB2_1:
0x14: {  	[dreg:$0xc] =	wrdreg s1  }
0x15: {  	s0 =	rddreg [dreg:$0x5]  }
0x16: {  	[tilespmem:s3], [sflag:$0x5] =	stream.linear.gather [hbm4b:s0+s3], $0x1000, $0x38;
	[tilespmem:$0xA780] =	vst v63  }
0x17: {  	_ =	swait.ge [sflag:s4], $0x1000  }
0x18: {  	[sflag:s4] =	ssyncset.done $0x0  }
0x19: {  	s29 =	simm.s32 $0x1000;
	s28 =	rddreg [dreg:$0x6];
	[sflag:s4] =	ssyncadd.s32 $0xFFFFF000  }
0x1a: {  	[tilespmem:s29], [sflag:$0x5] =	stream.linear.gather [hbm4b:s28+s3], $0x4000, $0x38;
	[tilespmem:$0xA780] =	vst v63  }
0x1b: {  	_ =	swait.ge [sflag:s4], $0x4000  }
0x1c: {  	s30 =	sand.u32 $0x70, s3;
	s31 =	sand.u32 $0xE00, s3;
	[sflag:s4] =	ssyncset.done $0x0  }
0x1d: {  	[sflag:s4] =	ssyncadd.s32 $0xFFFFC000;
	s4 =	sor.u32 s30, s31  }
0x1e: {  	[tilespmem:s4+$0x9500] =	vst v1  }
0x1f: {  	[tilespmem:s4+$0x9380] =	vst v1  }
0x20: {  	s1 =	simm.s32 $0x0;
	s0 =	simm.s32 $0x10;
	[tilespmem:s4+$0x9400] =	vst v1  }
.LBB2_2:
0x21: {  	s5 =	sand.u32 $0x70, s0;
	[tilespmem:s4+$0x9480] =	vst v1;
	s1 =	sadd.s32 $0x40, s1;
	p0 =	sne.s32 s0, $0x3F0  }
.Ltmp0:
0x22: {  	s0 =	sadd.s32 $0x10, s0;
	s4 =	sand.u32 $0xE00, s1;
	(pc) =	sbr.rel @p0 .LBB2_2-.Ltmp0, $4  }
0x23: {  	s4 =	sor.u32 s5, s4  }
0x24: {  	[tilespmem:s4+$0x9500] =	vst v1  }
0x25: {  	[tilespmem:s4+$0x9380] =	vst v1  }
0x26: {  	[tilespmem:s4+$0x9400] =	vst v1  }
0x27: {  	[tilespmem:s4+$0x9480] =	vst v1  }
0x28: {  	[tilespmem:$0x9180] =	vst v1  }
0x29: {  	[tilespmem:$0x9280] =	vst v1  }
0x2a: {  	[tilespmem:$0x9190] =	vst v1  }
0x2b: {  	[tilespmem:$0x9290] =	vst v1  }
0x2c: {  	[tilespmem:$0x91A0] =	vst v1  }
0x2d: {  	[tilespmem:$0x92A0] =	vst v1  }
0x2e: {  	[tilespmem:$0x91B0] =	vst v1  }
0x2f: {  	[tilespmem:$0x92B0] =	vst v1  }
0x30: {  	[tilespmem:$0x91C0] =	vst v1  }
0x31: {  	[tilespmem:$0x92C0] =	vst v1  }
0x32: {  	[tilespmem:$0x91D0] =	vst v1  }
0x33: {  	[tilespmem:$0x92D0] =	vst v1  }
0x34: {  	[tilespmem:$0x91E0] =	vst v1  }
0x35: {  	[tilespmem:$0x92E0] =	vst v1  }
0x36: {  	[tilespmem:$0x91F0] =	vst v1  }
0x37: {  	[tilespmem:$0x92F0] =	vst v1  }
0x38: {  	v5 =	vld [tilespmem:$0x0];
	[tilespmem:$0x9200] =	vst v1  }
0x39: {  	v6 =	vld [tilespmem:$0x80];
	[tilespmem:$0x9300] =	vst v1  }
0x3a: {  	v7 =	vld [tilespmem:$0x100];
	[tilespmem:$0x9210] =	vst v1  }
0x3b: {  	[tilespmem:$0x9310] =	vst v1  }
0x3c: {  	[tilespmem:$0x9220] =	vst v1  }
0x3d: {  	[tilespmem:$0x9320] =	vst v1;
	(v2sf) =	vpush v5, $0x0  }
0x3e: {  	[tilespmem:$0x9230] =	vst v1;
	(v2sf) =	vpush v6, $0x0  }
0x3f: {  	[tilespmem:$0x9330] =	vst v1;
	(v2sf) =	vpush v7, $0x0  }
0x40: {  	[tilespmem:$0x9240] =	vst v1  }
0x41: {  	[tilespmem:$0x9340] =	vst v1  }
0x42: {  	[tilespmem:$0x9250] =	vst v1  }
0x43: {  	[tilespmem:$0x9350] =	vst v1  }
0x44: {  	[tilespmem:$0x9260] =	vst v1  }
0x45: {  	[tilespmem:$0x9360] =	vst v1  }
0x46: {  	[tilespmem:$0x9270] =	vst v1  }
0x47: {  	[tilespmem:$0x9370] =	vst v1  }
0x48: {  	[tilespmem:$0xA380] =	vst v1  }
0x49: {  	[tilespmem:$0xA400] =	vst v1  }
0x4a: {  	[tilespmem:$0xA480] =	vst v1  }
0x4b: {  	[tilespmem:$0xA500] =	vst v1  }
0x4c: {  	s13 =	simm.f32 $0.0e+00;
	[tilespmem:$0xA580] =	vst v1;
	s0 =	spop (v2sf)  }
0x4d: {  	s1 =	simm.f32 $0.0e+00;
	[tilespmem:$0xA600] =	vst v1;
	[dreg:$0xd] =	wrdreg s0;
	s30 =	spop (v2sf)  }
0x4e: {  	s15 =	simm.f32 $0.0e+00;
	[tilespmem:$0xA680] =	vst v1;
	[dreg:$0xe] =	wrdreg s30;
	s31 =	spop (v2sf)  }
0x4f: {  	s12 =	simm.s32 $0x0;
	[tilespmem:$0xA700] =	vst v1;
	s0 =	simm.f32 $0.0e+00;
	[dreg:$0xf] =	wrdreg s31  }
.LBB2_4:
0x50: {  	s4 =	sshll.u32 s12, $0x8  }
0x51: {  	v9 =	vimm.s32 $0x0;
	s7 =	sand.u32 $0x3FFFFF00, s4  }
0x52: {  	v7 =	vld [tilespmem:s7+$0x1000];
	[tilespmem:$0x5000] =	vst v9  }
0x53: {  	s14 =	simm.s32 $0x10;
	s10 =	simm.s32 $0x0;
	[tilespmem:$0x5010] =	vst v9  }
0x54: {  	p0 =	por $0x0, $0x0;
	s20 =	sand.u32 $0xE00, s10;
	s6 =	sand.u32 $0x50, s14;
	[tilespmem:$0x5020] =	vst v9  }
0x55: {  	s5 =	simm.s32 $0x1;
	s8 =	sand.u32 $0x40, s10;
	[tilespmem:$0x5030] =	vst v9;
	s6 =	sor.u32 s6, s20  }
0x56: {  	s5 =	simm.s32 @!p0 $0x0;
	s8 =	sor.u32 s8, s20;
	v16 =	vld [tilespmem:s6+$0x0]  }
0x57: {  	s5 =	sshll.u32 s5, $0x6;
	v20 =	vld [tilespmem:s8+$0x80]  }
0x58: {  	s5 =	sadd.s32 $0x0, s5;
	v21 =	vld [tilespmem:s8+$0x0]  }
0x59: {  	v23 =	vld [tilespmem:s6+$0x80];
	s5 =	sor.u32 $0x100, s5  }
0x5a: {  	s21 =	simm.s32 $0x30;
	v22 =	vld [tilespmem:s5+$0x0];
	v5 =	vshrl.u32 v7, $0x10  }
0x5b: {  	s22 =	sand.u32 $0x70, s21;
	v6 =	vbroadcast v7, $0xC;
	v8 =	vbroadcast v7, $0xD;
	v5 =	vand.u32 $0x1, v5  }
0x5c: {  	s5 =	sor.u32 s22, s20;
	v12 =	vbroadcast v7, $0xE;
	v5 =	vadd.s32 v5, v7  }
0x5d: {  	v26 =	vld [tilespmem:s5+$0x80];
	v24 =	vsub.f32 v16, v6;
	v25 =	vsub.f32 v20, v8;
	v20 =	vbroadcast v7, $0x2  }
0x5e: {  	v32 =	vld [tilespmem:s5+$0x0];
	v21 =	vsub.f32 v21, v6;
	v23 =	vsub.f32 v23, v8;
	v5 =	vadd.s32 $0x7FFF, v5  }
0x5f: {  	s22 =	simm.s32 $0x20;
	v22 =	vsub.f32 v22, v12;
	v10 =	vand.u32 $0xFFFF0000, v5;
	v27 =	vshrl.u32 v24, $0x10  }
0x60: {  	s29 =	sand.u32 $0x60, s22;
	v28 =	vshrl.u32 v25, $0x10;
	v13 =	vbroadcast v10, $0x0;
	v17 =	vbroadcast v10, $0x3  }
0x61: {  	s4 =	sor.u32 s29, s20;
	v29 =	vshrl.u32 v21, $0x10;
	v11 =	vbroadcast v10, $0x6;
	v14 =	vbroadcast v10, $0x1  }
0x62: {  	v52 =	vld [tilespmem:s4+$0x80];
	v26 =	vsub.f32 v26, v8;
	v15 =	vbroadcast v10, $0x4;
	v5 =	vbroadcast v10, $0x7  }
0x63: {  	v32 =	vsub.f32 v32, v6;
	v18 =	vbroadcast v10, $0x2;
	v19 =	vbroadcast v10, $0x5  }
0x64: {  	v16 =	vbroadcast v10, $0x8;
	v28 =	vand.u32 $0x1, v28;
	v27 =	vand.u32 $0x1, v27  }
0x65: {  	v29 =	vand.u32 $0x1, v29;
	v30 =	vshrl.u32 v22, $0x10;
	v25 =	vadd.s32 v28, v25  }
0x66: {  	v24 =	vadd.s32 v27, v24;
	v27 =	vshrl.u32 v23, $0x10;
	v21 =	vadd.s32 v29, v21  }
0x67: {  	v29 =	vshrl.u32 v26, $0x10;
	v50 =	vshrl.u32 v32, $0x10;
	v40 =	vsub.f32 v52, v8  }
0x68: {  	v25 =	vadd.s32 $0x7FFF, v25;
	v27 =	vand.u32 $0x1, v27;
	v24 =	vadd.s32 $0x7FFF, v24  }
0x69: {  	v21 =	vadd.s32 $0x7FFF, v21;
	v29 =	vand.u32 $0x1, v29;
	v25 =	vand.u32 $0xFFFF0000, v25  }
0x6a: {  	s23 =	sand.u32 $0x7, s10;
	v23 =	vadd.s32 v27, v23;
	v27 =	vand.u32 $0x1, v30;
	v21 =	vand.u32 $0xFFFF0000, v21  }
0x6b: {  	s6 =	sshll.u32 s23, $0x4;
	v35 =	vand.u32 $0xFFFF0000, v24;
	v26 =	vadd.s32 v29, v26;
	v28 =	vmul.f32 v25, v15  }
0x6c: {  	s6 =	sadd.s32 $0x0, s6;
	v58 =	vshrl.u32 v40, $0x10;
	v31 =	vmul.f32 v25, v19;
	v25 =	vmul.f32 v25, v17  }
0x6d: {  	s25 =	sadd.s32 $0x10, s6;
	v53 =	vld [tilespmem:s4+$0x0];
	v23 =	vadd.s32 $0x7FFF, v23;
	v30 =	vmul.f32 v21, v14;
	v33 =	vmul.f32 v21, v18  }
0x6e: {  	s28 =	sand.u32 $0x3, s10;
	s26 =	sor.u32 $0x100, s25;
	v22 =	vadd.s32 v27, v22;
	v21 =	vmul.f32 v21, v13;
	v24 =	vmul.f32 v35, v14  }
0x6f: {  	s5 =	sshll.u32 s28, $0x5;
	v27 =	vld [tilespmem:s26+$0x0];
	v56 =	vmul.f32 v35, v13;
	v22 =	vadd.s32 $0x7FFF, v22;
	v23 =	vand.u32 $0xFFFF0000, v23  }
0x70: {  	s5 =	sadd.s32 $0x0, s5;
	v34 =	vand.u32 $0xFFFF0000, v22;
	v22 =	vmul.f32 v23, v19;
	v38 =	vmul.f32 v23, v17  }
0x71: {  	s5 =	sadd.s32 $0x20, s5;
	v28 =	vadd.f32 v28, v30;
	v23 =	vmul.f32 v23, v15;
	v29 =	vadd.f32 v31, v33  }
0x72: {  	s5 =	sor.u32 $0x100, s5;
	v25 =	vadd.f32 v25, v21;
	v33 =	vsub.f32 v53, v6;
	v36 =	vmul.f32 v34, v11  }
0x73: {  	v30 =	vld [tilespmem:s5+$0x0];
	v37 =	vmul.f32 v34, v5;
	v31 =	vmul.f32 v34, v16;
	v21 =	vadd.f32 v23, v24  }
0x74: {  	v23 =	vadd.s32 $0x7FFF, v26;
	v61 =	vshrl.u32 v33, $0x10;
	v27 =	vsub.f32 v27, v12  }
0x75: {  	v29 =	vadd.f32 v31, v29;
	v26 =	vadd.f32 v37, v28;
	v28 =	vand.u32 $0x1, v50  }
0x76: {  	v23 =	vand.u32 $0xFFFF0000, v23;
	v24 =	vadd.f32 v36, v25;
	v62 =	vand.u32 $0x1, v61  }
0x77: {  	s30 =	sadd.s32 $0x30, s6;
	v32 =	vadd.s32 v28, v32;
	v33 =	vadd.s32 v62, v33;
	v51 =	vshrl.u32 v27, $0x10  }
0x78: {  	s31 =	sor.u32 $0x100, s30;
	v25 =	vmul.f32 v29, v29;
	v26 =	vmul.f32 v26, v26;
	v54 =	vsub.f32 v30, v12  }
0x79: {  	v30 =	vld [tilespmem:s31+$0x0];
	v29 =	vmul.f32 v23, v15;
	vm2 =	vlt.f32 v24, $3.999999910e-02;
	v31 =	vand.u32 $0x1, v51  }
0x7a: {  	v55 =	vadd.s32 v31, v27;
	v27 =	vmul.f32 v23, v17;
	v31 =	vmul.f32 v35, v18  }
0x7b: {  	v39 =	vshrl.u32 v54, $0x10;
	v28 =	vadd.f32 v25, v26;
	v25 =	vadd.s32 $0x7FFF, v32  }
0x7c: {  	v35 =	vand.u32 $0x1, v58;
	v57 =	vand.u32 $0x1, v39;
	v41 =	vand.u32 $0xFFFF0000, v25  }
0x7d: {  	v60 =	vadd.s32 $0x7FFF, v55;
	v40 =	vadd.s32 v35, v40;
	v59 =	vadd.s32 v57, v54  }
0x7e: {  	v25 =	vmul.f32 v41, v18;
	v34 =	vmul.f32 v41, v13;
	v26 =	vsub.f32 v30, v12  }
0x7f: {  	v39 =	vand.u32 $0xFFFF0000, v60;
	v36 =	vmul.f32 v41, v14;
	v30 =	vadd.f32 v38, v56  }
0x80: {  	s16 =	simm.s32 $0x0;
	s23 =	simm.s32 $0x0;
	v37 =	vadd.s32 $0x7FFF, v59;
	v32 =	vmul.f32 v39, v16;
	v63 =	vshrl.u32 v26, $0x10  }
0x81: {  	s25 =	simm.s32 $0x100;
	s20 =	simm.s32 $0x0;
	s26 =	simm.s32 $0x40;
	v35 =	vmul.f32 v39, v5;
	v38 =	vadd.s32 $0x7FFF, v33;
	v33 =	vand.u32 $0x1, v63  }
.LBB2_5:
0x82: {  	v39 =	vmul.f32 v39, v11;
	v22 =	vadd.f32 v22, v31;
	v31 =	vadd.s32 $0x7FFF, v40;
	s20 =	sadd.s32 $0x4, s20;
	s16 =	sadd.s32 $0x2, s16;
	p0 =	por !p0, !p0  }
0x83: {  	p1 =	sne.s32 s25, $0xF00;
	v37 =	vand.u32 $0xFFFF0000, v37;
	v29 =	vadd.f32 v29, v36;
	s4 =	smov.u32 s25;
	s25 =	sadd.s32 $0x100, s25;
	v31 =	vand.u32 $0xFFFF0000, v31  }
0x84: {  	v27 =	vadd.f32 v27, v34;
	v40 =	vmul.f32 v37, v16;
	v36 =	vmul.f32 v31, v15  }
0x85: {  	v34 =	vand.u32 $0xFFFF0000, v38;
	v41 =	vmul.f32 v37, v11;
	v38 =	vmul.f32 v31, v17  }
0x86: {  	vm3 =	vlt.f32 v28, v20;
	v28 =	vadd.f32 v39, v30;
	v30 =	vmul.f32 v34, v18  }
0x87: {  	vm4 =	vgt.f32 v24, $-1.999999960e-02;
	v21 =	vadd.f32 v35, v21;
	v24 =	vmul.f32 v34, v14  }
0x88: {  	v22 =	vadd.f32 v32, v22;
	v32 =	vmul.f32 v37, v5;
	v31 =	vmul.f32 v31, v19  }
0x89: {  	v26 =	vadd.s32 v33, v26;
	v23 =	vmul.f32 v23, v19;
	v34 =	vmul.f32 v34, v13  }
0x8a: {  	v26 =	vadd.s32 $0x7FFF, v26;
	v21 =	vmul.f32 v21, v21;
	v22 =	vmul.f32 v22, v22  }
0x8b: {  	v26 =	vand.u32 $0xFFFF0000, v26;
	v23 =	vadd.f32 v23, v25;
	v30 =	vadd.f32 v31, v30  }
0x8c: {  	v33 =	vmul.f32 v26, v5;
	v25 =	vadd.f32 v38, v34;
	v31 =	vmul.f32 v26, v11  }
0x8d: {  	vm2 =	vmand vm3, vm2;
	v21 =	vadd.f32 v22, v21;
	v22 =	vmul.f32 v26, v16  }
0x8e: {  	vm3 =	vmand vm2, vm4;
	v25 =	vadd.f32 v41, v25;
	v26 =	vadd.f32 v33, v29  }
0x8f: {  	v24 =	vadd.f32 v36, v24;
	v29 =	vsel vm3, $0x1, v2;
	v22 =	vadd.f32 v22, v23  }
0x90: {  	vm2 =	vlt.f32 v21, v20;
	v21 =	vadd.f32 v40, v30;
	v23 =	vmul.f32 v26, v26;
	(xrf0) =	vadd.scan.msk.s32 $0xffff, v29  }
0x91: {  	vm4 =	vlt.f32 v28, $3.999999910e-02;
	v24 =	vadd.f32 v32, v24;
	v22 =	vmul.f32 v22, v22  }
0x92: {  	vm5 =	vlt.f32 v25, $3.999999910e-02;
	v26 =	vadd.f32 v31, v27;
	vm2 =	vmand vm2, vm4  }
0x93: {  	vm4 =	vgt.f32 v28, $-1.999999960e-02;
	v21 =	vmul.f32 v21, v21;
	v22 =	vadd.f32 v22, v23  }
0x94: {  	v27 =	vmul.f32 v24, v24;
	vm4 =	vmand vm2, vm4;
	vm2 =	vlt.f32 v26, $3.999999910e-02  }
0x95: {  	vm7 =	vgt.f32 v26, $-1.999999960e-02;
	v24 =	vsel vm4, $0x1, v2;
	vm6 =	vlt.f32 v22, v20  }
0x96: {  	v21 =	vadd.f32 v21, v27;
	v22 =	vmpcnt.ones.xlane vm4;
	vm2 =	vmand vm6, vm2;
	v23, _, _ =	vpop (xrf0);
	(xrf0) =	vadd.scan.msk.s32 $0xffff, v24  }
0x97: {  	vm6 =	vgt.f32 v25, $-1.999999960e-02;
	vm2 =	vmand vm2, vm7;
	v23 =	vadd.s32 v23, v9  }
0x98: {  	vm7 =	vlt.f32 v21, v20;
	v21 =	vsel vm2, $0x1, v2;
	v23 =	vadd.s32 $0xFFFFFFFF, v23  }
0x99: {  	vm5 =	vmand vm7, vm5;
	vm7 =	vlt.s32 v23, $0x20;
	(xrf0) =	vadd.scan.msk.s32 $0xffff, v21  }
0x9a: {  	v25 =	vmpcnt.ones.xlane vm3;
	vm5 =	vmand vm5, vm6;
	vm3 =	vmand vm3, vm7  }
0x9b: {  	v24 =	vsel vm5, $0x1, v2  }
0x9c: {  	v9 =	vadd.s32 v9, v25;
	v21, _, _ =	vpop (xrf0);
	(xrf0) =	vadd.scan.msk.s32 $0xffff, v24  }
0x9d: {  	v24 =	vmpcnt.ones.xlane vm5;
	v21 =	vadd.s32 v21, v9  }
0x9e: {  	v25 =	vmpcnt.ones.xlane vm2;
	v22 =	vadd.s32 v9, v22;
	v21 =	vadd.s32 $0xFFFFFFFF, v21  }
0x9f: {  	v9 =	vor.u32 s23, v3;
	s23 =	smov.u32 s26;
	v24 =	vadd.s32 v22, v24;
	vm6 =	vlt.s32 v21, $0x20;
	v26, _, _ =	vpop (xrf0)  }
0xa0: {  	[tilespmem:v23+s17+$0x0] =	vst.idx.msk vm3, v9;
	vm3 =	vmand vm4, vm6;
	v23 =	vadd.s32 v26, v24;
	v9 =	vadd.s32 v24, v25;
	_ =	sdelay $0x1  }
0xa1: {  	v24, _, _ =	vpop (xrf0)  }
0xa2: {  	v22 =	vadd.s32 v24, v22  }
0xa3: {  	v22 =	vadd.s32 $0xFFFFFFFF, v22  }
0xa4: {  	s6 =	sadd.s32 $0x30, s26;
	s8 =	sadd.s32 $0x20, s26;
	v23 =	vadd.s32 $0xFFFFFFFF, v23;
	v24 =	vor.u32 s14, v3;
	s14 =	sadd.s32 $0x10, s26;
	vm4 =	vlt.s32 v22, $0x20  }
0xa5: {  	s28 =	simm.s32 $0x1;
	s5 =	sand.u32 $0xE00, s4;
	s11 =	sand.u32 $0x70, s6;
	[tilespmem:v21+s17+$0x0] =	vst.idx.msk vm3, v24;
	vm3 =	vmand vm5, vm4;
	vm4 =	vlt.s32 v23, $0x20  }
0xa6: {  	s29 =	sand.u32 $0x40, s26;
	s28 =	simm.s32 @!p0 $0x0;
	s30 =	sand.u32 $0x50, s14;
	vm2 =	vmand vm2, vm4  }
0xa7: {  	s31 =	sand.u32 $0x60, s8;
	s28 =	sshll.u32 s28, $0x6;
	s29 =	sor.u32 s29, s5  }
0xa8: {  	s11 =	sor.u32 s11, s5;
	s28 =	sadd.s32 s28, s4;
	s30 =	sor.u32 s30, s5  }
0xa9: {  	s28 =	sor.u32 $0x100, s28;
	s5 =	sor.u32 s31, s5  }
0xaa: {  	v21 =	vor.u32 s22, v3;
	s22 =	smov.u32 s8  }
0xab: {  	[tilespmem:v22+s17+$0x0] =	vst.idx.msk vm3, v21;
	v21 =	vor.u32 s21, v3;
	s21 =	smov.u32 s6  }
0xac: {  	[tilespmem:v23+s17+$0x0] =	vst.idx.msk vm2, v21  }
0xad: {  	v21 =	vld [tilespmem:s30+$0x0]  }
0xae: {  	v22 =	vld [tilespmem:s29+$0x80]  }
0xaf: {  	v23 =	vld [tilespmem:s29+$0x0]  }
0xb0: {  	v24 =	vld [tilespmem:s28+$0x0]  }
0xb1: {  	v25 =	vld [tilespmem:s30+$0x80]  }
0xb2: {  	v21 =	vsub.f32 v21, v6  }
0xb3: {  	v22 =	vsub.f32 v22, v8;
	v26 =	vld [tilespmem:s11+$0x80]  }
0xb4: {  	v23 =	vsub.f32 v23, v6;
	v27 =	vshrl.u32 v21, $0x10  }
0xb5: {  	v28 =	vshrl.u32 v22, $0x10;
	v24 =	vsub.f32 v24, v12;
	v27 =	vand.u32 $0x1, v27;
	v29 =	vld [tilespmem:s11+$0x0]  }
0xb6: {  	v30 =	vshrl.u32 v23, $0x10;
	v28 =	vand.u32 $0x1, v28;
	v25 =	vsub.f32 v25, v8  }
0xb7: {  	v21 =	vadd.s32 v27, v21;
	v30 =	vand.u32 $0x1, v30;
	v22 =	vadd.s32 v28, v22  }
0xb8: {  	s6 =	sand.u32 $0x7, s20;
	v22 =	vadd.s32 $0x7FFF, v22;
	v27 =	vshrl.u32 v25, $0x10;
	v26 =	vsub.f32 v26, v8  }
0xb9: {  	s6 =	sshll.u32 s6, $0x4;
	v23 =	vadd.s32 v30, v23;
	v22 =	vand.u32 $0xFFFF0000, v22;
	v27 =	vand.u32 $0x1, v27  }
0xba: {  	s6 =	sadd.s32 s4, s6;
	v21 =	vadd.s32 $0x7FFF, v21;
	v28 =	vmul.f32 v22, v15;
	v30 =	vshrl.u32 v26, $0x10  }
0xbb: {  	s8 =	sadd.s32 $0x10, s6;
	s6 =	sadd.s32 $0x30, s6;
	v31 =	vshrl.u32 v24, $0x10;
	v32 =	vmul.f32 v22, v19;
	v25 =	vadd.s32 v27, v25  }
0xbc: {  	s8 =	sor.u32 $0x100, s8;
	v23 =	vadd.s32 $0x7FFF, v23;
	v27 =	vand.u32 $0x1, v31;
	v25 =	vadd.s32 $0x7FFF, v25  }
0xbd: {  	v23 =	vand.u32 $0xFFFF0000, v23;
	v24 =	vadd.s32 v27, v24;
	v27 =	vmul.f32 v22, v17;
	v31 =	vld [tilespmem:s8+$0x0]  }
0xbe: {  	v33 =	vmul.f32 v23, v18;
	v22 =	vadd.s32 $0x7FFF, v24;
	v24 =	vmul.f32 v23, v14;
	s8 =	sand.u32 $0x3, s16  }
0xbf: {  	v35 =	vand.u32 $0xFFFF0000, v21;
	v23 =	vmul.f32 v23, v13;
	v34 =	vand.u32 $0xFFFF0000, v22;
	s8 =	sshll.u32 s8, $0x5  }
0xc0: {  	v36 =	vsub.f32 v29, v6;
	v21 =	vand.u32 $0xFFFF0000, v25;
	v25 =	vmul.f32 v35, v14;
	s4 =	sadd.s32 s4, s8  }
0xc1: {  	v30 =	vand.u32 $0x1, v30;
	v22 =	vmul.f32 v21, v19;
	v29 =	vmul.f32 v34, v11;
	s4 =	sadd.s32 $0x20, s4  }
0xc2: {  	v38 =	vmul.f32 v21, v17;
	v37 =	vmul.f32 v34, v5;
	s4 =	sor.u32 $0x100, s4;
	v31 =	vsub.f32 v31, v12  }
0xc3: {  	v26 =	vadd.s32 v30, v26;
	v21 =	vmul.f32 v21, v15;
	v24 =	vadd.f32 v28, v24;
	v28 =	vld [tilespmem:s4+$0x0]  }
0xc4: {  	v30 =	vadd.f32 v32, v33;
	v33 =	vshrl.u32 v36, $0x10;
	v32 =	vmul.f32 v34, v16  }
0xc5: {  	v27 =	vadd.f32 v27, v23;
	v21 =	vadd.f32 v21, v25;
	v23 =	vshrl.u32 v31, $0x10  }
0xc6: {  	v25 =	vadd.f32 v32, v30;
	v30 =	vand.u32 $0x1, v23;
	v23 =	vadd.s32 $0x7FFF, v26  }
0xc7: {  	v33 =	vand.u32 $0x1, v33;
	v26 =	vadd.f32 v37, v24;
	v23 =	vand.u32 $0xFFFF0000, v23;
	v32 =	vld [tilespmem:s5+$0x80]  }
0xc8: {  	v25 =	vmul.f32 v25, v25;
	s4 =	sor.u32 $0x100, s6;
	v24 =	vadd.f32 v29, v27;
	v34 =	vld [tilespmem:s5+$0x0]  }
0xc9: {  	v26 =	vmul.f32 v26, v26;
	v29 =	vmul.f32 v23, v15;
	v37 =	vsub.f32 v28, v12;
	v39 =	vld [tilespmem:s4+$0x0]  }
0xca: {  	v40 =	vadd.s32 v30, v31;
	vm2 =	vlt.f32 v24, $3.999999910e-02;
	v27 =	vmul.f32 v23, v17  }
0xcb: {  	v33 =	vadd.s32 v33, v36;
	v31 =	vmul.f32 v35, v18;
	v30 =	vshrl.u32 v37, $0x10  }
0xcc: {  	v28 =	vadd.f32 v25, v26;
	v25 =	vadd.s32 $0x7FFF, v33;
	v32 =	vsub.f32 v32, v8  }
0xcd: {  	v33 =	vmul.f32 v35, v13;
	v35 =	vsub.f32 v34, v6;
	v34 =	vand.u32 $0x1, v30  }
0xce: {  	v41 =	vand.u32 $0xFFFF0000, v25;
	v36 =	vshrl.u32 v32, $0x10;
	v26 =	vsub.f32 v39, v12  }
0xcf: {  	v25 =	vmul.f32 v41, v18;
	v30 =	vadd.f32 v38, v33;
	v33 =	vadd.s32 v34, v37  }
.Ltmp1:
0xd0: {  	v37 =	vadd.s32 $0x7FFF, v40;
	v34 =	vmul.f32 v41, v13;
	v38 =	vand.u32 $0x1, v36;
	(pc) =	sbr.rel @p1 .LBB2_5-.Ltmp1, $4  }
0xd1: {  	v39 =	vand.u32 $0xFFFF0000, v37;
	v37 =	vshrl.u32 v35, $0x10;
	v36 =	vmul.f32 v41, v14  }
0xd2: {  	v41 =	vand.u32 $0x1, v37;
	v40 =	vadd.s32 v38, v32;
	v37 =	vadd.s32 $0x7FFF, v33  }
0xd3: {  	v32 =	vmul.f32 v39, v16;
	v33 =	vadd.s32 v41, v35;
	v41 =	vshrl.u32 v26, $0x10  }
0xd4: {  	s26 =	sadd.s32 $0x40, s26;
	v35 =	vmul.f32 v39, v5;
	v38 =	vadd.s32 $0x7FFF, v33;
	v33 =	vand.u32 $0x1, v41  }
0xd5: {  	v40 =	vadd.s32 $0x7FFF, v40  }
0xd6: {  	v39 =	vmul.f32 v39, v11;
	v22 =	vadd.f32 v22, v31;
	v37 =	vand.u32 $0xFFFF0000, v37  }
0xd7: {  	v29 =	vadd.f32 v29, v36;
	v27 =	vadd.f32 v27, v34;
	v62 =	vand.u32 $0xFFFF0000, v38  }
0xd8: {  	vm3 =	vlt.f32 v28, v20;
	vm4 =	vgt.f32 v24, $-1.999999960e-02;
	v26 =	vadd.s32 v33, v26  }
0xd9: {  	v23 =	vmul.f32 v23, v19;
	(v2sf) =	vpush v10, $0x0;
	v31 =	vand.u32 $0xFFFF0000, v40  }
0xda: {  	v61 =	vmul.f32 v37, v16;
	v41 =	vmul.f32 v37, v11;
	v21 =	vadd.f32 v35, v21  }
0xdb: {  	v24 =	vmul.f32 v62, v14;
	v42 =	vmul.f32 v62, v13;
	v26 =	vadd.s32 $0x7FFF, v26  }
0xdc: {  	vm2 =	vmand vm3, vm2;
	(v2sf) =	vpush v10, $0x1;
	v60 =	vmul.f32 v31, v15  }
0xdd: {  	v63 =	vmul.f32 v31, v17;
	v28 =	vadd.f32 v39, v30;
	v30 =	vmul.f32 v62, v18  }
0xde: {  	v39 =	vmul.f32 v37, v5;
	v22 =	vadd.f32 v32, v22;
	v31 =	vmul.f32 v31, v19  }
0xdf: {  	v26 =	vand.u32 $0xFFFF0000, v26;
	v23 =	vadd.f32 v23, v25;
	vm2 =	vmand vm2, vm4  }
0xe0: {  	(v2sf) =	vpush v10, $0x2;
	v21 =	vmul.f32 v21, v21;
	v43 =	vmul.f32 v26, v5  }
0xe1: {  	(v2sf) =	vpush v10, $0x3;
	v22 =	vmul.f32 v22, v22;
	v30 =	vadd.f32 v31, v30  }
0xe2: {  	v25 =	vadd.f32 v63, v42;
	v31 =	vmul.f32 v26, v11;
	v24 =	vadd.f32 v60, v24  }
0xe3: {  	(v2sf) =	vpush v10, $0x4;
	v21 =	vadd.f32 v22, v21;
	v22 =	vmul.f32 v26, v16  }
0xe4: {  	vm15 =	vlt.f32 v28, $3.999999910e-02;
	(v2sf) =	vpush v10, $0x5;
	v25 =	vadd.f32 v41, v25  }
0xe5: {  	vm8 =	vgt.f32 v28, $-1.999999960e-02;
	v26 =	vadd.f32 v43, v29;
	v22 =	vadd.f32 v22, v23  }
0xe6: {  	v24 =	vadd.f32 v39, v24;
	(v2sf) =	vpush v10, $0x6;
	vm3 =	vlt.f32 v21, v20  }
0xe7: {  	v21 =	vadd.f32 v61, v30;
	v23 =	vmul.f32 v26, v26;
	v22 =	vmul.f32 v22, v22  }
0xe8: {  	v29 =	vsel vm2, $0x1, v2;
	(v2sf) =	vpush v10, $0x7;
	vm5 =	vlt.f32 v25, $3.999999910e-02  }
0xe9: {  	v21 =	vmul.f32 v21, v21;
	v22 =	vadd.f32 v22, v23;
	v23 =	vmul.f32 v24, v24  }
0xea: {  	v26 =	vadd.f32 v31, v27;
	vm11 =	vgt.f32 v25, $-1.999999960e-02;
	(v2sf) =	vpush v10, $0x8  }
0xeb: {  	vm3 =	vmand vm3, vm15;
	(v2sf) =	vpush v7, $0xC;
	v21 =	vadd.f32 v21, v23  }
0xec: {  	vm3 =	vmand vm3, vm8;
	vm9 =	vlt.f32 v26, $3.999999910e-02;
	vm7 =	vgt.f32 v26, $-1.999999960e-02  }
0xed: {  	v24 =	vsel vm3, $0x1, v2;
	vm6 =	vlt.f32 v22, v20;
	vm10 =	vlt.f32 v21, v20  }
0xee: {  	vm4 =	vmand vm6, vm9;
	v20 =	vmpcnt.ones.xlane vm2;
	vm5 =	vmand vm10, vm5  }
0xef: {  	(xrf0) =	vadd.scan.msk.s32 $0xffff, v29;
	v22 =	vmpcnt.ones.xlane vm3;
	vm4 =	vmand vm4, vm7;
	vm5 =	vmand vm5, vm11  }
0xf0: {  	(xrf0) =	vadd.scan.msk.s32 $0xffff, v24;
	v21 =	vsel vm4, $0x1, v2;
	v20 =	vadd.s32 v9, v20;
	v24 =	vmpcnt.ones.xlane vm5  }
0xf1: {  	v10 =	vmpcnt.ones.xlane vm4;
	(xrf0) =	vadd.scan.msk.s32 $0xffff, v21;
	v23 =	vsel vm5, $0x1, v2;
	v21 =	vadd.s32 v20, v22  }
0xf2: {  	(v2sf) =	vpush v7, $0xD;
	(xrf0) =	vadd.scan.msk.s32 $0xffff, v23;
	v22 =	vadd.s32 v21, v24  }
0xf3: {  	(v2sf) =	vpush v7, $0xE;
	v10 =	vadd.s32 v22, v10  }
0xf4: {  	(v2sf) =	vpush v10, $0x0  }
0xf5: {  	v7, _, _ =	vpop (xrf0)  }
0xf6: {  	v7 =	vadd.s32 v7, v9;
	v10, _, _ =	vpop (xrf0)  }
0xf7: {  	s5 =	spop (v2sf);
	v7 =	vadd.s32 $0xFFFFFFFF, v7;
	v9, _, _ =	vpop (xrf0)  }
0xf8: {  	s31 =	spop (v2sf);
	vm12 =	vlt.s32 v7, $0x20;
	v10 =	vadd.s32 v10, v20;
	v20, _, _ =	vpop (xrf0)  }
0xf9: {  	s20 =	spop (v2sf);
	vm2 =	vmand vm2, vm12;
	v10 =	vadd.s32 $0xFFFFFFFF, v10;
	v20 =	vadd.s32 v20, v21  }
0xfa: {  	s6 =	spop (v2sf);
	v9 =	vadd.s32 v9, v22;
	vm13 =	vlt.s32 v10, $0x20;
	v20 =	vadd.s32 $0xFFFFFFFF, v20  }
0xfb: {  	s30 =	spop (v2sf);
	v9 =	vadd.s32 $0xFFFFFFFF, v9;
	vm3 =	vmand vm3, vm13;
	vm14 =	vlt.s32 v20, $0x20  }
0xfc: {  	s25 =	spop (v2sf);
	vm15 =	vlt.s32 v9, $0x20;
	vm5 =	vmand vm5, vm14  }
0xfd: {  	s4 =	spop (v2sf);
	vm4 =	vmand vm4, vm15  }
0xfe: {  	s29 =	spop (v2sf)  }
0xff: {  	s28 =	spop (v2sf);
	v21 =	vor.u32 s23, v3  }
0x100: {  	s8 =	spop (v2sf);
	[tilespmem:v7+s17+$0x0] =	vst.idx.msk vm2, v21;
	v7 =	vor.u32 s14, v3  }
0x101: {  	s23 =	spop (v2sf);
	[tilespmem:v10+s17+$0x0] =	vst.idx.msk vm3, v7;
	v7 =	vor.u32 s22, v3  }
0x102: {  	p0 =	seq.s32 s12, $0x0;
	s11 =	spop (v2sf);
	[tilespmem:v20+s17+$0x0] =	vst.idx.msk vm5, v7;
	v7 =	vor.u32 s21, v3  }
0x103: {  	s14 =	simm.s32 @!p0 $0x3;
	[tilespmem:v9+s17+$0x0] =	vst.idx.msk vm4, v7;
	s16 =	spop (v2sf)  }
0x104: {  	_ =	swait.ge @!p0 [sflag:s14], $0x2000  }
0x105: {  	[sflag:s14] =	ssyncset.done @!p0 $0x0  }
0x106: {  	[sflag:s14] =	ssyncadd.s32 @!p0 $0xFFFFE000  }
0x107: {  	_ =	swait.ge @!p0 [sflag:s14], $0x100  }
0x108: {  	[sflag:s14] =	ssyncset.done @!p0 $0x0  }
0x109: {  	[sflag:s14] =	ssyncadd.s32 @!p0 $0xFFFFFF00  }
0x10a: {  	v20 =	vld [tilespmem:$0x5000];
	_ =	sdelay $0x4  }
0x10b: {  	v7 =	vshll.u32 v20, $0x2  }
0x10c: {  	v9 =	vand.u32 $0x7F, v20;
	v7 =	vand.u32 $0xFFFFFE00, v7  }
0x10d: {  	v21 =	vor.u32 v9, v7  }
0x10e: {  	v22 =	vor.u32 $0x80, v21  }
0x10f: {  	v23 =	vor.u32 $0x100, v21;
	_ =	sdelay $0x2  }
0x110: {  	v7 =	vld.idx.msk [tilespmem:v21+s3+$0x0], $0xffff  }
0x111: {  	v9 =	vld.idx.msk [tilespmem:v22+s3+$0x0], $0xffff  }
0x112: {  	v10 =	vld.idx.msk [tilespmem:v23+s3+$0x0], $0xffff;
	_ =	sdelay $0x3  }
0x113: {  	p1 =	slt.s32 s16, $0x20;
	v24 =	vsub.f32 v7, v6;
	v9 =	vsub.f32 v9, v8  }
0x114: {  	s16 =	simm.s32 @!p1 $0x20;
	v25 =	vsub.f32 v10, v12  }
0x115: {  	v26 =	vmov s16;
	v10 =	vmul.f32 v24, v13;
	v27 =	vmul.f32 v9, v17  }
0x116: {  	vm2 =	vgt.s32 v26, v3;
	v7 =	vmul.u32 $0x8, v3;
	v28 =	vmul.f32 v25, v11  }
0x117: {  	v29 =	vmul.f32 v9, v15;
	v27 =	vadd.f32 v27, v10;
	v10 =	vmul.f32 v24, v14  }
0x118: {  	v30 =	vmul.f32 v9, v19;
	v9 =	vor.u32 $0x1, v7;
	v24 =	vmul.f32 v24, v18  }
0x119: {  	v31 =	vmul.f32 v25, v5;
	v29 =	vadd.f32 v29, v10;
	v10 =	vor.u32 $0x2, v7  }
0x11a: {  	v25 =	vmul.f32 v25, v16;
	v27 =	vadd.f32 v28, v27;
	v24 =	vadd.f32 v30, v24  }
0x11b: {  	v28 =	vadd.f32 v31, v29  }
0x11c: {  	v24 =	vadd.f32 v25, v24;
	[tilespmem:v7+s9+$0x0] =	vst.idx.msk $0xffff, v27  }
0x11d: {  	v25 =	vor.u32 $0x180, v21;
	[tilespmem:v9+s9+$0x0] =	vst.idx.msk $0xffff, v28  }
0x11e: {  	[tilespmem:v10+s9+$0x0] =	vst.idx.msk $0xffff, v24  }
0x11f: {  	[tilespmem:v21+s19+$0x0] =	vst.idx.add.f32.msk vm2, v4  }
0x120: {  	[tilespmem:v22+s19+$0x0] =	vst.idx.add.f32.msk vm2, v27  }
0x121: {  	[tilespmem:v23+s19+$0x0] =	vst.idx.add.f32.msk vm2, v28  }
0x122: {  	[tilespmem:v25+s19+$0x0] =	vst.idx.add.f32.msk vm2, v24  }
0x123: {  	v21 =	vld [tilespmem:$0xA380]  }
0x124: {  	v22 =	vld [tilespmem:$0xA400]  }
0x125: {  	v25 =	vld [tilespmem:$0xA500]  }
0x126: {  	v30 =	vmul.f32 v27, v27;
	v29 =	vld [tilespmem:$0x5010]  }
0x127: {  	v31 =	vmul.f32 v28, v28;
	v23 =	vld [tilespmem:$0xA480]  }
0x128: {  	v46 =	vld [tilespmem:$0xA600];
	v21 =	vadd.f32 v21, v30;
	v30 =	vmul.f32 v28, v27  }
0x129: {  	v22 =	vadd.f32 v22, v31  }
0x12a: {  	v44 =	vmul.f32 v24, v24;
	v45 =	vld [tilespmem:$0xA580];
	[tilespmem:$0xA380] =	vst v21;
	v21 =	vadd.f32 v25, v30  }
0x12b: {  	v25 =	vmul.f32 v24, v27;
	v27 =	vshll.u32 v29, $0x2;
	[tilespmem:$0xA400] =	vst v22;
	v22 =	vmul.f32 v24, v28  }
0x12c: {  	v23 =	vadd.f32 v23, v44;
	v24 =	vand.u32 $0x7F, v29;
	v27 =	vand.u32 $0xFFFFFE00, v27  }
0x12d: {  	v24 =	vor.u32 v24, v27;
	[tilespmem:$0xA500] =	vst v21;
	v21 =	vadd.f32 v46, v22  }
0x12e: {  	[tilespmem:$0xA480] =	vst v23;
	v22 =	vor.u32 $0x80, v24  }
0x12f: {  	v20 =	vadd.s32 v0, v20;
	v23 =	vadd.f32 v45, v25;
	[tilespmem:$0xA600] =	vst v21;
	v21 =	vor.u32 $0x100, v24  }
0x130: {  	[tilespmem:$0x5080] =	vst v20  }
0x131: {  	[tilespmem:$0xA580] =	vst v23  }
0x132: {  	v20 =	vld.idx.msk [tilespmem:v24+s3+$0x0], $0xffff  }
0x133: {  	v23 =	vld.idx.msk [tilespmem:v22+s3+$0x0], $0xffff  }
0x134: {  	v25 =	vld.idx.msk [tilespmem:v21+s3+$0x0], $0xffff;
	_ =	sdelay $0x3  }
0x135: {  	v6 =	vsub.f32 v20, v6  }
0x136: {  	v8 =	vsub.f32 v23, v8;
	v20 =	vsub.f32 v25, v12  }
0x137: {  	v13 =	vmul.f32 v6, v13;
	v12 =	vor.u32 $0x10, v3;
	v14 =	vmul.f32 v6, v14  }
0x138: {  	v6 =	vmul.f32 v6, v18;
	v17 =	vmul.f32 v8, v17;
	vm2 =	vgt.s32 v26, v12  }
0x139: {  	v15 =	vmul.f32 v8, v15;
	v23 =	vmul.f32 v20, v11;
	v11 =	vor.u32 $0x80, v7  }
0x13a: {  	v8 =	vmul.f32 v8, v19;
	v17 =	vadd.f32 v17, v13;
	v13 =	vor.u32 $0x81, v7  }
0x13b: {  	v5 =	vmul.f32 v20, v5;
	v15 =	vadd.f32 v15, v14;
	v14 =	vor.u32 $0x82, v7  }
0x13c: {  	v6 =	vadd.f32 v8, v6;
	v8 =	vmul.f32 v20, v16;
	v17 =	vadd.f32 v23, v17  }
0x13d: {  	v15 =	vadd.f32 v5, v15  }
0x13e: {  	v8 =	vadd.f32 v8, v6;
	[tilespmem:v11+s9+$0x0] =	vst.idx.msk $0xffff, v17  }
0x13f: {  	v5 =	vor.u32 $0x180, v24;
	[tilespmem:v13+s9+$0x0] =	vst.idx.msk $0xffff, v15  }
0x140: {  	[tilespmem:v14+s9+$0x0] =	vst.idx.msk $0xffff, v8  }
0x141: {  	[tilespmem:v24+s19+$0x0] =	vst.idx.add.f32.msk vm2, v4  }
0x142: {  	[tilespmem:v22+s19+$0x0] =	vst.idx.add.f32.msk vm2, v17  }
0x143: {  	[tilespmem:v21+s19+$0x0] =	vst.idx.add.f32.msk vm2, v15  }
0x144: {  	[tilespmem:v5+s19+$0x0] =	vst.idx.add.f32.msk vm2, v8  }
0x145: {  	v6 =	vld [tilespmem:$0xA400]  }
0x146: {  	v16 =	vld [tilespmem:$0xA480]  }
0x147: {  	v18 =	vld [tilespmem:$0x5080]  }
0x148: {  	v5 =	vld [tilespmem:$0xA380];
	_ =	sdelay $0x1  }
0x149: {  	v20 =	vmul.f32 v15, v15;
	v21 =	vmul.f32 v8, v8  }
0x14a: {  	v19 =	vmul.f32 v17, v17;
	v24 =	vshrl.u32 v3, $0x3;
	v22 =	vmul.f32 v15, v17;
	v23 =	vld [tilespmem:$0xA600]  }
0x14b: {  	v20 =	vadd.f32 v6, v20;
	v16 =	vadd.f32 v16, v21;
	v21 =	vld [tilespmem:$0xA580];
	v6 =	vshll.u32 v18, $0x1  }
0x14c: {  	v5 =	vadd.f32 v5, v19;
	v18 =	vand.u32 $0x7, v18;
	v6 =	vand.u32 $0xFFFFFFF0, v6  }
0x14d: {  	v15 =	vmul.f32 v8, v15;
	v19 =	vld [tilespmem:$0xA500];
	v18 =	vor.u32 v18, v6;
	v6 =	vand.u32 $0x7, v3  }
0x14e: {  	v17 =	vmul.f32 v8, v17;
	[tilespmem:$0xA380] =	vst v5;
	v5 =	vmul.u32 $0x8, v24;
	v25 =	vperm.xlane v18, v6  }
0x14f: {  	v8 =	vor.u32 $0x8, v3;
	v15 =	vadd.f32 v23, v15;
	[tilespmem:$0xA400] =	vst v20  }
0x150: {  	[tilespmem:$0xA480] =	vst v16;
	v18 =	vperm.xlane v18, v8;
	v16 =	vadd.f32 v21, v17;
	v17 =	vadd.s32 v5, v25  }
0x151: {  	[tilespmem:$0xA600] =	vst v15  }
0x152: {  	v15 =	vadd.s32 v0, v29;
	v19 =	vadd.f32 v19, v22;
	[tilespmem:$0xA580] =	vst v16;
	v16 =	vadd.s32 v5, v18  }
0x153: {  	[tilespmem:$0x5090] =	vst v15  }
0x154: {  	[tilespmem:$0xA500] =	vst v19  }
0x155: {  	[tilespmem:s18], [sflag:$0x1] =	stream.indirect_vreg.gather [hbm4b:s2+s3], $0x80, v17, vm0, $0xb8;
	[tilespmem:$0xA780] =	vst v63  }
0x156: {  	s14 =	simm.s32 $0x5980  }
0x157: {  	[tilespmem:s14], [sflag:$0x1] =	stream.indirect_vreg.gather [hbm4b:s2+s3], $0x80, v16, vm0, $0xb8;
	[tilespmem:$0xA780] =	vst v63  }
0x158: {  	v15 =	vld [tilespmem:$0x5090];
	_ =	sdelay $0x4  }
0x159: {  	v16 =	vshll.u32 v15, $0x1  }
0x15a: {  	v15 =	vand.u32 $0x7, v15;
	v16 =	vand.u32 $0xFFFFFFF0, v16  }
0x15b: {  	v15 =	vor.u32 v15, v16  }
0x15c: {  	v16 =	vperm.xlane v15, v6;
	_ =	sdelay $0x1  }
0x15d: {  	v15 =	vperm.xlane v15, v8;
	v16 =	vadd.s32 v5, v16;
	_ =	sdelay $0x1  }
0x15e: {  	v15 =	vadd.s32 v5, v15;
	_ =	sdelay $0x1  }
0x15f: {  	s18 =	simm.s32 $0x6180  }
0x160: {  	[tilespmem:s18], [sflag:$0x1] =	stream.indirect_vreg.gather [hbm4b:s2+s3], $0x80, v16, vm0, $0xb8;
	[tilespmem:$0xA780] =	vst v63  }
0x161: {  	s21 =	simm.s32 $0x6980;
	s14 =	sshll.u32 s12, $0x1  }
0x162: {  	[tilespmem:s21], [sflag:$0x1] =	stream.indirect_vreg.gather [hbm4b:s2+s3], $0x80, v15, vm0, $0xb8;
	[tilespmem:$0xA780] =	vst v63  }
0x163: {  	s9 =	rddreg [dreg:$0x4];
	s21 =	sadd.s32 @!p0 $0xFFFFFFFF, s14  }
0x164: {  	s22 =	simm.s32 @!p0 $0x2;
	s26 =	sadd.s32 @!p0 s9, s21  }
0x165: {  	_ =	swait.ge @!p0 [sflag:s22], $0x2000;
	s9 =	sshll.u32 @!p0 s26, $0xA  }
0x166: {  	s10 =	simm.s32 @!p0 $0x7180;
	[sflag:s22] =	ssyncset.done @!p0 $0x0;
	s9 =	sand.u32 @!p0 $0x1FFFFC00, s9  }
0x167: {  	[sflag:s22] =	ssyncadd.s32 @!p0 $0xFFFFE000;
	s22 =	simm.s32 @!p0 $0x0;
	s9 =	sadd.s32 @!p0 s24, s9  }
0x168: {  	[hbm4b:s9+s22] =	stream.linear.scatter @!p0 [tilespmem:s10], [sflag:$0x4], $0x2000, $0x38;
	[tilespmem:$0xA780] =	vst v63  }
0x169: {  	s9 =	sshll.u32 @!p0 s26, $0x8;
	s10 =	sshll.u32 @!p0 s21, $0x7  }
0x16a: {  	s9 =	sand.u32 @!p0 $0xFFFFF800, s9;
	s10 =	sand.u32 @!p0 $0x380, s10  }
0x16b: {  	s9 =	sor.u32 @!p0 s10, s9  }
0x16c: {  	s21 =	simm.s32 @!p0 $0x400;
	s10 =	rddreg [dreg:$0x3];
	s9 =	sshrl.u32 @!p0 s9, $0x3  }
0x16d: {  	s22 =	simm.s32 @!p0 $0x9280;
	s9 =	sadd.s32 @!p0 s10, s9;
	s10 =	simm.s32 @!p0 $0x80  }
0x16e: {  	v28 =	vimm.s32 $0x0;
	[hbm4b:s9+s10] =	stream.strided.scatter @!p0 [tilespmem:s22], [sflag:$0x4], $0x100, s21, s10, $0x38;
	[tilespmem:$0xA780] =	vst v63  }
0x16f: {  	v27 =	vld [tilespmem:s7+$0x1080];
	[tilespmem:$0x5000] =	vst v28  }
0x170: {  	p1 =	por $0x0, $0x0;
	s26 =	simm.s32 $0x0;
	s21 =	simm.s32 $0x10;
	[tilespmem:$0x5010] =	vst v28  }
0x171: {  	s18 =	smov.u32 s24;
	[tilespmem:$0x5020] =	vst v28;
	s7 =	sand.u32 $0xE00, s26;
	s22 =	sand.u32 $0x50, s21  }
0x172: {  	s24 =	sand.u32 $0x40, s26;
	s9 =	simm.s32 $0x1;
	[tilespmem:$0x5030] =	vst v28;
	s10 =	sor.u32 s22, s7  }
0x173: {  	s9 =	simm.s32 @!p1 $0x0;
	s22 =	sor.u32 s24, s7;
	v24 =	vld [tilespmem:s10+$0x0]  }
0x174: {  	s9 =	sshll.u32 s9, $0x6;
	v30 =	vld [tilespmem:s22+$0x80]  }
0x175: {  	s9 =	sadd.s32 $0x0, s9;
	v48 =	vld [tilespmem:s10+$0x80];
	v15 =	vshrl.u32 v27, $0x10  }
0x176: {  	v31 =	vld [tilespmem:s22+$0x0];
	s22 =	simm.s32 $0x30;
	s9 =	sor.u32 $0x100, s9;
	v15 =	vand.u32 $0x1, v15  }
0x177: {  	s10 =	sand.u32 $0x70, s22;
	v47 =	vld [tilespmem:s9+$0x0];
	v16 =	vbroadcast v27, $0xD;
	v15 =	vadd.s32 v15, v27  }
0x178: {  	s9 =	sor.u32 s10, s7;
	v17 =	vbroadcast v27, $0xE;
	v15 =	vadd.s32 $0x7FFF, v15  }
0x179: {  	v51 =	vld [tilespmem:s9+$0x80];
	v50 =	vsub.f32 v30, v16;
	v30 =	vbroadcast v27, $0x2;
	v29 =	vand.u32 $0xFFFF0000, v15  }
0x17a: {  	v33 =	vsub.f32 v48, v16;
	v15 =	vbroadcast v27, $0xC;
	v18 =	vbroadcast v29, $0x0  }
0x17b: {  	v42 =	vld [tilespmem:s9+$0x0];
	v53 =	vshrl.u32 v50, $0x10;
	v20 =	vbroadcast v29, $0x3;
	v21 =	vbroadcast v29, $0x6  }
0x17c: {  	v32 =	vsub.f32 v47, v17;
	v22 =	vbroadcast v29, $0x1;
	v23 =	vbroadcast v29, $0x4  }
0x17d: {  	v55 =	vshrl.u32 v33, $0x10;
	v19 =	vbroadcast v29, $0x7;
	v25 =	vbroadcast v29, $0x2  }
0x17e: {  	v26 =	vbroadcast v29, $0x5;
	v38 =	vand.u32 $0x1, v53;
	v36 =	vsub.f32 v51, v16  }
0x17f: {  	s24 =	sand.u32 $0x7, s26;
	v49 =	vsub.f32 v24, v15;
	v24 =	vbroadcast v29, $0x8;
	v31 =	vsub.f32 v31, v15  }
0x180: {  	s10 =	sshll.u32 s24, $0x4;
	v35 =	vadd.s32 v38, v50;
	v58 =	vshrl.u32 v32, $0x10;
	v42 =	vsub.f32 v42, v15  }
0x181: {  	s10 =	sadd.s32 $0x0, s10;
	v35 =	vadd.s32 $0x7FFF, v35;
	v57 =	vshrl.u32 v36, $0x10;
	v60 =	vand.u32 $0x1, v58  }
0x182: {  	s24 =	sadd.s32 $0x10, s10;
	v52 =	vshrl.u32 v49, $0x10;
	v54 =	vshrl.u32 v31, $0x10;
	v35 =	vand.u32 $0xFFFF0000, v35  }
0x183: {  	s24 =	sor.u32 $0x100, s24;
	v32 =	vadd.s32 v60, v32;
	v37 =	vand.u32 $0x1, v52;
	v56 =	vmul.f32 v35, v23  }
0x184: {  	v61 =	vld [tilespmem:s24+$0x0];
	v39 =	vand.u32 $0x1, v54;
	v59 =	vmul.f32 v35, v26;
	v35 =	vmul.f32 v35, v20  }
0x185: {  	s24 =	sand.u32 $0x3, s26;
	v32 =	vadd.s32 $0x7FFF, v32;
	v34 =	vadd.s32 v37, v49;
	v31 =	vadd.s32 v39, v31  }
0x186: {  	s9 =	sshll.u32 s24, $0x5;
	v37 =	vand.u32 $0x1, v55;
	v32 =	vand.u32 $0xFFFF0000, v32;
	v39 =	vand.u32 $0x1, v57  }
0x187: {  	s24 =	rddreg [dreg:$0xd];
	s9 =	sadd.s32 $0x0, s9;
	v55 =	vshrl.u32 v42, $0x10;
	v34 =	vadd.s32 $0x7FFF, v34;
	v33 =	vadd.s32 v37, v33  }
0x188: {  	s8 =	ssub.f32 s24, s8;
	s9 =	sadd.s32 $0x20, s9;
	v31 =	vadd.s32 $0x7FFF, v31;
	v46 =	vmul.f32 v32, v21;
	v47 =	vmul.f32 v32, v19  }
0x189: {  	s24 =	rddreg [dreg:$0xe];
	s9 =	sor.u32 $0x100, s9;
	v37 =	vsub.f32 v61, v17;
	v36 =	vadd.s32 v39, v36;
	v54 =	vmul.f32 v32, v24  }
0x18a: {  	s24 =	ssub.f32 s24, s23;
	s23 =	simm.s32 $0x20;
	v52 =	vld [tilespmem:s9+$0x0];
	v60 =	vand.u32 $0x1, v55;
	v33 =	vadd.s32 $0x7FFF, v33;
	v31 =	vand.u32 $0xFFFF0000, v31  }
0x18b: {  	s9 =	sand.u32 $0x60, s23;
	v44 =	vand.u32 $0xFFFF0000, v34;
	v57 =	vadd.s32 $0x7FFF, v36;
	v62 =	vmul.f32 v31, v22  }
0x18c: {  	s7 =	sor.u32 s9, s7;
	v41 =	vadd.s32 v60, v42;
	v43 =	vmul.f32 v31, v25;
	v63 =	vmul.f32 v31, v18  }
0x18d: {  	v61 =	vld [tilespmem:s7+$0x0];
	v33 =	vand.u32 $0xFFFF0000, v33;
	v45 =	vmul.f32 v44, v22;
	v40 =	vmul.f32 v44, v25  }
0x18e: {  	s5 =	smul.f32 s5, s8;
	v55 =	vadd.s32 $0x7FFF, v41;
	v31 =	vmul.f32 v33, v26;
	v48 =	vmul.f32 v33, v20  }
0x18f: {  	s31 =	smul.f32 s31, s8;
	v33 =	vmul.f32 v33, v23;
	v52 =	vsub.f32 v52, v17;
	v38 =	vadd.f32 v56, v62  }
0x190: {  	s8 =	smul.f32 s20, s8;
	v53 =	vadd.f32 v59, v43;
	v34 =	vadd.f32 v35, v63;
	v56 =	vshrl.u32 v37, $0x10  }
0x191: {  	s10 =	sadd.s32 $0x30, s10;
	s6 =	smul.f32 s6, s24;
	s9 =	rddreg [dreg:$0xf];
	v32 =	vadd.f32 v33, v45;
	v35 =	vand.u32 $0x1, v56;
	v33 =	vand.u32 $0xFFFF0000, v57  }
0x192: {  	s10 =	sor.u32 $0x100, s10;
	s20 =	smul.f32 s30, s24;
	s9 =	ssub.f32 s9, s11;
	v59 =	vld [tilespmem:s7+$0x80];
	v56 =	vmul.f32 v44, v18;
	v57 =	vsub.f32 v61, v15;
	v39 =	vadd.f32 v54, v53  }
0x193: {  	s25 =	smul.f32 s25, s24;
	v62 =	vld [tilespmem:s10+$0x0];
	v58 =	vadd.f32 v47, v38;
	v34 =	vadd.f32 v46, v34;
	v36 =	vmul.f32 v33, v23  }
0x194: {  	s5 =	sadd.f32 s6, s5;
	s4 =	smul.f32 s4, s9;
	v49 =	vadd.s32 v35, v37;
	v37 =	vmul.f32 v33, v20;
	v53 =	vshrl.u32 v52, $0x10  }
0x195: {  	s6 =	sadd.f32 s20, s31;
	s29 =	smul.f32 s29, s9;
	v35 =	vand.u32 $0x1, v53;
	v41 =	vadd.f32 v48, v56;
	v61 =	vadd.s32 $0x7FFF, v49  }
0x196: {  	s30 =	ssub.s32 $0x20, s16;
	s9 =	smul.f32 s28, s9;
	s4 =	sadd.f32 s5, s4;
	v39 =	vmul.f32 v39, v39;
	v63 =	vmul.f32 v58, v58;
	vm2 =	vlt.f32 v34, $3.999999910e-02  }
0x197: {  	s5 =	sadd.f32 s25, s8;
	s8 =	scvt.s32.f32 s30;
	v60 =	vadd.s32 v35, v52;
	v47 =	vand.u32 $0xFFFF0000, v61;
	v54 =	vsub.f32 v59, v16  }
0x198: {  	s6 =	sadd.f32 s6, s29;
	v59 =	vand.u32 $0xFFFF0000, v55;
	v38 =	vsub.f32 v62, v17;
	v48 =	vadd.s32 $0x7FFF, v60  }
0x199: {  	s5 =	sadd.f32 s5, s9;
	s4 =	smul.f32 s8, s4;
	v42 =	vmul.f32 v47, v24;
	v45 =	vmul.f32 v47, v19;
	v39 =	vadd.f32 v39, v63  }
0x19a: {  	s7 =	sadd.f32 s8, s15;
	s6 =	smul.f32 s8, s6;
	v35 =	vmul.f32 v59, v25;
	v43 =	vmul.f32 v59, v18;
	v63 =	vshrl.u32 v57, $0x10  }
0x19b: {  	s1 =	sadd.f32 s4, s1;
	s31 =	smul.f32 s8, s5;
	v46 =	vmul.f32 v59, v22;
	v58 =	vshrl.u32 v54, $0x10;
	v49 =	vand.u32 $0x1, v63  }
0x19c: {  	s16 =	simm.s32 $0x0;
	s20 =	simm.s32 $0x40;
	s0 =	sadd.f32 s6, s0;
	v51 =	vshrl.u32 v38, $0x10;
	v62 =	vand.u32 $0x1, v58;
	v44 =	vadd.s32 v49, v57  }
0x19d: {  	s25 =	simm.s32 $0x100;
	s15 =	simm.s32 $0x0;
	s13 =	sadd.f32 s31, s13;
	v50 =	vadd.s32 v62, v54;
	v49 =	vadd.s32 $0x7FFF, v44;
	v44 =	vand.u32 $0x1, v51  }
.LBB2_7:
0x19e: {  	v47 =	vmul.f32 v47, v21;
	v31 =	vadd.f32 v31, v40;
	v40 =	vadd.s32 $0x7FFF, v50;
	s26 =	sadd.s32 $0x4, s26;
	s16 =	sadd.s32 $0x2, s16;
	p1 =	por !p1, !p1  }
0x19f: {  	p2 =	sne.s32 s25, $0xF00;
	v48 =	vand.u32 $0xFFFF0000, v48;
	v36 =	vadd.f32 v36, v46;
	s4 =	smov.u32 s25;
	s25 =	sadd.s32 $0x100, s25;
	v40 =	vand.u32 $0xFFFF0000, v40  }
0x1a0: {  	v37 =	vadd.f32 v37, v43;
	v50 =	vmul.f32 v48, v24;
	v46 =	vmul.f32 v40, v23  }
0x1a1: {  	v43 =	vand.u32 $0xFFFF0000, v49;
	v51 =	vmul.f32 v48, v21;
	v49 =	vmul.f32 v40, v20  }
0x1a2: {  	vm3 =	vlt.f32 v39, v30;
	v39 =	vadd.f32 v47, v41;
	v41 =	vmul.f32 v43, v25  }
0x1a3: {  	vm4 =	vgt.f32 v34, $-1.999999960e-02;
	v32 =	vadd.f32 v45, v32;
	v34 =	vmul.f32 v43, v22  }
0x1a4: {  	v31 =	vadd.f32 v42, v31;
	v42 =	vmul.f32 v48, v19;
	v40 =	vmul.f32 v40, v26  }
0x1a5: {  	v38 =	vadd.s32 v44, v38;
	v33 =	vmul.f32 v33, v26;
	v43 =	vmul.f32 v43, v18  }
0x1a6: {  	v38 =	vadd.s32 $0x7FFF, v38;
	v32 =	vmul.f32 v32, v32;
	v31 =	vmul.f32 v31, v31  }
0x1a7: {  	v38 =	vand.u32 $0xFFFF0000, v38;
	v33 =	vadd.f32 v33, v35;
	v40 =	vadd.f32 v40, v41  }
0x1a8: {  	v35 =	vadd.f32 v49, v43;
	v41 =	vmul.f32 v38, v21;
	v43 =	vmul.f32 v38, v19  }
0x1a9: {  	vm2 =	vmand vm3, vm2;
	v31 =	vadd.f32 v31, v32;
	v32 =	vmul.f32 v38, v24  }
0x1aa: {  	vm3 =	vmand vm2, vm4;
	v35 =	vadd.f32 v51, v35;
	v36 =	vadd.f32 v43, v36  }
0x1ab: {  	v34 =	vadd.f32 v46, v34;
	v38 =	vsel vm3, $0x1, v2;
	v32 =	vadd.f32 v32, v33  }
0x1ac: {  	vm2 =	vlt.f32 v31, v30;
	v31 =	vadd.f32 v50, v40;
	v33 =	vmul.f32 v36, v36;
	(xrf0) =	vadd.scan.msk.s32 $0xffff, v38  }
0x1ad: {  	vm4 =	vlt.f32 v39, $3.999999910e-02;
	v34 =	vadd.f32 v42, v34;
	v32 =	vmul.f32 v32, v32  }
0x1ae: {  	vm5 =	vlt.f32 v35, $3.999999910e-02;
	v36 =	vadd.f32 v41, v37;
	vm2 =	vmand vm2, vm4  }
0x1af: {  	vm4 =	vgt.f32 v39, $-1.999999960e-02;
	v31 =	vmul.f32 v31, v31;
	v32 =	vadd.f32 v32, v33  }
0x1b0: {  	v37 =	vmul.f32 v34, v34;
	vm4 =	vmand vm2, vm4;
	vm2 =	vlt.f32 v36, $3.999999910e-02  }
0x1b1: {  	vm7 =	vgt.f32 v36, $-1.999999960e-02;
	v34 =	vsel vm4, $0x1, v2;
	vm6 =	vlt.f32 v32, v30  }
0x1b2: {  	v31 =	vadd.f32 v31, v37;
	v32 =	vmpcnt.ones.xlane vm4;
	vm2 =	vmand vm6, vm2;
	v33, _, _ =	vpop (xrf0);
	(xrf0) =	vadd.scan.msk.s32 $0xffff, v34  }
0x1b3: {  	vm6 =	vgt.f32 v35, $-1.999999960e-02;
	vm2 =	vmand vm2, vm7;
	v33 =	vadd.s32 v33, v28  }
0x1b4: {  	vm7 =	vlt.f32 v31, v30;
	v31 =	vsel vm2, $0x1, v2;
	v33 =	vadd.s32 $0xFFFFFFFF, v33  }
0x1b5: {  	vm5 =	vmand vm7, vm5;
	vm7 =	vlt.s32 v33, $0x20;
	(xrf0) =	vadd.scan.msk.s32 $0xffff, v31  }
0x1b6: {  	v35 =	vmpcnt.ones.xlane vm3;
	vm5 =	vmand vm5, vm6;
	vm3 =	vmand vm3, vm7  }
0x1b7: {  	v34 =	vsel vm5, $0x1, v2  }
0x1b8: {  	v28 =	vadd.s32 v28, v35;
	v31, _, _ =	vpop (xrf0);
	(xrf0) =	vadd.scan.msk.s32 $0xffff, v34  }
0x1b9: {  	v34 =	vmpcnt.ones.xlane vm5;
	v31 =	vadd.s32 v31, v28  }
0x1ba: {  	v35 =	vmpcnt.ones.xlane vm2;
	v32 =	vadd.s32 v28, v32;
	v31 =	vadd.s32 $0xFFFFFFFF, v31  }
0x1bb: {  	v28 =	vor.u32 s15, v3;
	s15 =	smov.u32 s20;
	v34 =	vadd.s32 v32, v34;
	vm6 =	vlt.s32 v31, $0x20;
	v36, _, _ =	vpop (xrf0)  }
0x1bc: {  	[tilespmem:v33+s17+$0x0] =	vst.idx.msk vm3, v28;
	vm3 =	vmand vm4, vm6;
	v33 =	vadd.s32 v36, v34;
	v28 =	vadd.s32 v34, v35;
	_ =	sdelay $0x1  }
0x1bd: {  	v34, _, _ =	vpop (xrf0)  }
0x1be: {  	v32 =	vadd.s32 v34, v32  }
0x1bf: {  	v32 =	vadd.s32 $0xFFFFFFFF, v32  }
0x1c0: {  	s6 =	sadd.s32 $0x30, s20;
	s8 =	sadd.s32 $0x20, s20;
	v33 =	vadd.s32 $0xFFFFFFFF, v33;
	v34 =	vor.u32 s21, v3;
	s21 =	sadd.s32 $0x10, s20;
	vm4 =	vlt.s32 v32, $0x20  }
0x1c1: {  	s10 =	simm.s32 $0x1;
	s5 =	sand.u32 $0xE00, s4;
	s9 =	sand.u32 $0x70, s6;
	[tilespmem:v31+s17+$0x0] =	vst.idx.msk vm3, v34;
	vm3 =	vmand vm5, vm4;
	vm4 =	vlt.s32 v33, $0x20  }
0x1c2: {  	s11 =	sand.u32 $0x40, s20;
	s10 =	simm.s32 @!p1 $0x0;
	s24 =	sand.u32 $0x50, s21;
	vm2 =	vmand vm2, vm4  }
0x1c3: {  	s28 =	sand.u32 $0x60, s8;
	s10 =	sshll.u32 s10, $0x6;
	s11 =	sor.u32 s11, s5  }
0x1c4: {  	s9 =	sor.u32 s9, s5;
	s10 =	sadd.s32 s10, s4;
	s24 =	sor.u32 s24, s5  }
0x1c5: {  	s10 =	sor.u32 $0x100, s10;
	s5 =	sor.u32 s28, s5  }
0x1c6: {  	v31 =	vor.u32 s23, v3;
	s23 =	smov.u32 s8  }
0x1c7: {  	[tilespmem:v32+s17+$0x0] =	vst.idx.msk vm3, v31;
	v31 =	vor.u32 s22, v3;
	s22 =	smov.u32 s6  }
0x1c8: {  	[tilespmem:v33+s17+$0x0] =	vst.idx.msk vm2, v31  }
0x1c9: {  	v31 =	vld [tilespmem:s24+$0x0]  }
0x1ca: {  	v32 =	vld [tilespmem:s11+$0x80]  }
0x1cb: {  	v33 =	vld [tilespmem:s11+$0x0]  }
0x1cc: {  	v34 =	vld [tilespmem:s10+$0x0]  }
0x1cd: {  	v35 =	vld [tilespmem:s24+$0x80]  }
0x1ce: {  	v31 =	vsub.f32 v31, v15  }
0x1cf: {  	v32 =	vsub.f32 v32, v16;
	v36 =	vld [tilespmem:s9+$0x80]  }
0x1d0: {  	v33 =	vsub.f32 v33, v15;
	v37 =	vshrl.u32 v31, $0x10  }
0x1d1: {  	v38 =	vshrl.u32 v32, $0x10;
	v34 =	vsub.f32 v34, v17;
	v37 =	vand.u32 $0x1, v37;
	v39 =	vld [tilespmem:s9+$0x0]  }
0x1d2: {  	v40 =	vshrl.u32 v33, $0x10;
	v38 =	vand.u32 $0x1, v38;
	v35 =	vsub.f32 v35, v16  }
0x1d3: {  	v31 =	vadd.s32 v37, v31;
	v40 =	vand.u32 $0x1, v40;
	v32 =	vadd.s32 v38, v32  }
0x1d4: {  	s6 =	sand.u32 $0x7, s26;
	v32 =	vadd.s32 $0x7FFF, v32;
	v37 =	vshrl.u32 v35, $0x10;
	v36 =	vsub.f32 v36, v16  }
0x1d5: {  	s6 =	sshll.u32 s6, $0x4;
	v33 =	vadd.s32 v40, v33;
	v32 =	vand.u32 $0xFFFF0000, v32;
	v37 =	vand.u32 $0x1, v37  }
0x1d6: {  	s6 =	sadd.s32 s4, s6;
	v31 =	vadd.s32 $0x7FFF, v31;
	v38 =	vmul.f32 v32, v23;
	v40 =	vshrl.u32 v36, $0x10  }
0x1d7: {  	s8 =	sadd.s32 $0x10, s6;
	s6 =	sadd.s32 $0x30, s6;
	v41 =	vshrl.u32 v34, $0x10;
	v42 =	vmul.f32 v32, v26;
	v35 =	vadd.s32 v37, v35  }
0x1d8: {  	s8 =	sor.u32 $0x100, s8;
	v33 =	vadd.s32 $0x7FFF, v33;
	v37 =	vand.u32 $0x1, v41;
	v35 =	vadd.s32 $0x7FFF, v35  }
0x1d9: {  	v33 =	vand.u32 $0xFFFF0000, v33;
	v32 =	vmul.f32 v32, v20;
	v34 =	vadd.s32 v37, v34;
	v37 =	vld [tilespmem:s8+$0x0]  }
0x1da: {  	v41 =	vmul.f32 v33, v22;
	v43 =	vmul.f32 v33, v25;
	v34 =	vadd.s32 $0x7FFF, v34;
	s8 =	sand.u32 $0x3, s16  }
0x1db: {  	v44 =	vand.u32 $0xFFFF0000, v31;
	v33 =	vmul.f32 v33, v18;
	v34 =	vand.u32 $0xFFFF0000, v34;
	s8 =	sshll.u32 s8, $0x5  }
0x1dc: {  	v45 =	vmul.f32 v44, v22;
	v39 =	vsub.f32 v39, v15;
	v35 =	vand.u32 $0xFFFF0000, v35;
	s4 =	sadd.s32 s4, s8  }
0x1dd: {  	v40 =	vand.u32 $0x1, v40;
	v31 =	vmul.f32 v35, v26;
	v46 =	vmul.f32 v34, v21;
	s4 =	sadd.s32 $0x20, s4  }
0x1de: {  	v48 =	vmul.f32 v35, v20;
	v47 =	vmul.f32 v34, v19;
	s4 =	sor.u32 $0x100, s4;
	v37 =	vsub.f32 v37, v17  }
0x1df: {  	v36 =	vadd.s32 v40, v36;
	v38 =	vadd.f32 v38, v41;
	v35 =	vmul.f32 v35, v23;
	v41 =	vld [tilespmem:s4+$0x0]  }
0x1e0: {  	v40 =	vadd.f32 v42, v43;
	v42 =	vshrl.u32 v39, $0x10;
	v34 =	vmul.f32 v34, v24  }
0x1e1: {  	v43 =	vadd.f32 v32, v33;
	v32 =	vadd.f32 v35, v45;
	v33 =	vshrl.u32 v37, $0x10  }
0x1e2: {  	v35 =	vadd.f32 v34, v40;
	v40 =	vand.u32 $0x1, v33;
	v33 =	vadd.s32 $0x7FFF, v36  }
0x1e3: {  	v42 =	vand.u32 $0x1, v42;
	v36 =	vadd.f32 v47, v38;
	v33 =	vand.u32 $0xFFFF0000, v33;
	v38 =	vld [tilespmem:s5+$0x80]  }
0x1e4: {  	v34 =	vadd.f32 v46, v43;
	v35 =	vmul.f32 v35, v35;
	s4 =	sor.u32 $0x100, s6;
	v43 =	vld [tilespmem:s5+$0x0]  }
0x1e5: {  	v45 =	vmul.f32 v36, v36;
	v36 =	vmul.f32 v33, v23;
	v46 =	vsub.f32 v41, v17;
	v41 =	vld [tilespmem:s4+$0x0]  }
0x1e6: {  	vm2 =	vlt.f32 v34, $3.999999910e-02;
	v47 =	vadd.s32 v40, v37;
	v37 =	vmul.f32 v33, v20  }
0x1e7: {  	v42 =	vadd.s32 v42, v39;
	v40 =	vmul.f32 v44, v25;
	v49 =	vshrl.u32 v46, $0x10  }
0x1e8: {  	v39 =	vadd.f32 v35, v45;
	v35 =	vadd.s32 $0x7FFF, v42;
	v45 =	vsub.f32 v38, v16  }
0x1e9: {  	v42 =	vmul.f32 v44, v18;
	v44 =	vsub.f32 v43, v15;
	v43 =	vand.u32 $0x1, v49  }
0x1ea: {  	v50 =	vand.u32 $0xFFFF0000, v35;
	v49 =	vshrl.u32 v45, $0x10;
	v38 =	vsub.f32 v41, v17  }
0x1eb: {  	v35 =	vmul.f32 v50, v25;
	v41 =	vadd.f32 v48, v42;
	v42 =	vadd.s32 v43, v46  }
.Ltmp2:
0x1ec: {  	v46 =	vadd.s32 $0x7FFF, v47;
	v43 =	vmul.f32 v50, v18;
	v48 =	vand.u32 $0x1, v49;
	(pc) =	sbr.rel @p2 .LBB2_7-.Ltmp2, $4  }
0x1ed: {  	v47 =	vand.u32 $0xFFFF0000, v46;
	v49 =	vshrl.u32 v44, $0x10;
	v46 =	vmul.f32 v50, v22  }
0x1ee: {  	v49 =	vand.u32 $0x1, v49;
	v50 =	vadd.s32 v48, v45;
	v48 =	vadd.s32 $0x7FFF, v42  }
0x1ef: {  	v42 =	vmul.f32 v47, v24;
	v51 =	vshrl.u32 v38, $0x10;
	v44 =	vadd.s32 v49, v44  }
0x1f0: {  	s20 =	sadd.s32 $0x40, s20;
	v45 =	vmul.f32 v47, v19;
	v49 =	vadd.s32 $0x7FFF, v44;
	v44 =	vand.u32 $0x1, v51  }
0x1f1: {  	v50 =	vadd.s32 $0x7FFF, v50  }
0x1f2: {  	v47 =	vmul.f32 v47, v21;
	v31 =	vadd.f32 v31, v40;
	v48 =	vand.u32 $0xFFFF0000, v48  }
0x1f3: {  	v36 =	vadd.f32 v36, v46;
	v37 =	vadd.f32 v37, v43;
	v62 =	vand.u32 $0xFFFF0000, v49  }
0x1f4: {  	vm3 =	vlt.f32 v39, v30;
	vm4 =	vgt.f32 v34, $-1.999999960e-02;
	v38 =	vadd.s32 v44, v38  }
0x1f5: {  	v33 =	vmul.f32 v33, v26;
	(v2sf) =	vpush v29, $0x0;
	v61 =	vmul.f32 v48, v24  }
0x1f6: {  	v60 =	vand.u32 $0xFFFF0000, v50;
	v51 =	vmul.f32 v48, v21;
	v52 =	vmul.f32 v62, v25  }
0x1f7: {  	v32 =	vadd.f32 v45, v32;
	v53 =	vmul.f32 v62, v22;
	v54 =	vmul.f32 v48, v19  }
0x1f8: {  	v55 =	vmul.f32 v62, v18;
	v38 =	vadd.s32 $0x7FFF, v38;
	vm2 =	vmand vm3, vm2  }
0x1f9: {  	(v2sf) =	vpush v29, $0x1;
	v46 =	vmul.f32 v60, v23;
	v63 =	vmul.f32 v60, v20  }
0x1fa: {  	v39 =	vadd.f32 v47, v41;
	v31 =	vadd.f32 v42, v31;
	v40 =	vmul.f32 v60, v26  }
0x1fb: {  	v38 =	vand.u32 $0xFFFF0000, v38;
	v33 =	vadd.f32 v33, v35;
	vm2 =	vmand vm2, vm4  }
0x1fc: {  	(v2sf) =	vpush v29, $0x2;
	v32 =	vmul.f32 v32, v32;
	v57 =	vmul.f32 v38, v21  }
0x1fd: {  	v58 =	vmul.f32 v38, v19;
	(v2sf) =	vpush v29, $0x3;
	v40 =	vadd.f32 v40, v52  }
0x1fe: {  	v59 =	vmul.f32 v38, v24;
	v56 =	vadd.f32 v63, v55;
	v34 =	vadd.f32 v46, v53  }
0x1ff: {  	v31 =	vmul.f32 v31, v31;
	(v2sf) =	vpush v29, $0x4;
	v36 =	vadd.f32 v58, v36  }
0x200: {  	v60 =	vsel vm2, $0x1, v2;
	v63 =	vadd.f32 v57, v37;
	(v2sf) =	vpush v29, $0x5  }
0x201: {  	v43 =	vmpcnt.ones.xlane vm2;
	v31 =	vadd.f32 v31, v32;
	v35 =	vadd.f32 v51, v56  }
0x202: {  	vm15 =	vlt.f32 v39, $3.999999910e-02;
	v32 =	vadd.f32 v59, v33;
	v61 =	vadd.f32 v61, v40  }
0x203: {  	vm8 =	vgt.f32 v39, $-1.999999960e-02;
	v34 =	vadd.f32 v54, v34;
	(v2sf) =	vpush v29, $0x6  }
0x204: {  	v62 =	vmul.f32 v36, v36;
	(v2sf) =	vpush v29, $0x7;
	v32 =	vmul.f32 v32, v32  }
0x205: {  	vm3 =	vlt.f32 v31, v30;
	v31 =	vmul.f32 v61, v61;
	v40 =	vmul.f32 v34, v34  }
0x206: {  	vm9 =	vlt.f32 v63, $3.999999910e-02;
	vm7 =	vgt.f32 v63, $-1.999999960e-02;
	(v2sf) =	vpush v29, $0x8  }
0x207: {  	vm5 =	vlt.f32 v35, $3.999999910e-02;
	v32 =	vadd.f32 v32, v62;
	v31 =	vadd.f32 v31, v40  }
0x208: {  	vm11 =	vgt.f32 v35, $-1.999999960e-02;
	vm3 =	vmand vm3, vm15;
	(v2sf) =	vpush v27, $0xC  }
0x209: {  	vm3 =	vmand vm3, vm8;
	vm6 =	vlt.f32 v32, v30;
	vm10 =	vlt.f32 v31, v30  }
0x20a: {  	v41 =	vsel vm3, $0x1, v2;
	vm4 =	vmand vm6, vm9;
	vm5 =	vmand vm10, vm5  }
0x20b: {  	(xrf0) =	vadd.scan.msk.s32 $0xffff, v60;
	v42 =	vmpcnt.ones.xlane vm3;
	vm4 =	vmand vm4, vm7;
	vm5 =	vmand vm5, vm11  }
0x20c: {  	(xrf0) =	vadd.scan.msk.s32 $0xffff, v41;
	v30 =	vadd.s32 v28, v43;
	v44 =	vsel vm4, $0x1, v2;
	v46 =	vmpcnt.ones.xlane vm5  }
0x20d: {  	v48 =	vadd.s32 v30, v42;
	v45 =	vsel vm5, $0x1, v2;
	v47 =	vmpcnt.ones.xlane vm4;
	(xrf0) =	vadd.scan.msk.s32 $0xffff, v44  }
0x20e: {  	(v2sf) =	vpush v27, $0xD;
	(xrf0) =	vadd.scan.msk.s32 $0xffff, v45;
	v32 =	vadd.s32 v48, v46  }
0x20f: {  	(v2sf) =	vpush v27, $0xE;
	v29 =	vadd.s32 v32, v47  }
0x210: {  	(v2sf) =	vpush v29, $0x0  }
0x211: {  	v49, _, _ =	vpop (xrf0)  }
0x212: {  	v27 =	vadd.s32 v49, v28;
	v50, _, _ =	vpop (xrf0)  }
0x213: {  	v27 =	vadd.s32 $0xFFFFFFFF, v27;
	s6 =	spop (v2sf);
	v51, _, _ =	vpop (xrf0)  }
0x214: {  	vm12 =	vlt.s32 v27, $0x20;
	s5 =	spop (v2sf);
	v29 =	vadd.s32 v50, v30;
	v52, _, _ =	vpop (xrf0)  }
0x215: {  	vm2 =	vmand vm2, vm12;
	s4 =	spop (v2sf);
	v29 =	vadd.s32 $0xFFFFFFFF, v29;
	v30 =	vadd.s32 v52, v48  }
0x216: {  	s25 =	spop (v2sf);
	vm13 =	vlt.s32 v29, $0x20;
	v28 =	vadd.s32 v51, v32;
	v30 =	vadd.s32 $0xFFFFFFFF, v30  }
0x217: {  	s20 =	spop (v2sf);
	vm3 =	vmand vm3, vm13;
	v28 =	vadd.s32 $0xFFFFFFFF, v28;
	vm14 =	vlt.s32 v30, $0x20  }
0x218: {  	s8 =	spop (v2sf);
	vm15 =	vlt.s32 v28, $0x20;
	vm5 =	vmand vm5, vm14  }
0x219: {  	s26 =	spop (v2sf);
	vm4 =	vmand vm4, vm15  }
0x21a: {  	s11 =	spop (v2sf)  }
0x21b: {  	v53 =	vor.u32 s15, v3;
	s16 =	spop (v2sf)  }
0x21c: {  	v54 =	vor.u32 s21, v3;
	[tilespmem:v27+s17+$0x0] =	vst.idx.msk vm2, v53;
	s28 =	spop (v2sf)  }
0x21d: {  	v55 =	vor.u32 s23, v3;
	s21 =	spop (v2sf);
	[tilespmem:v29+s17+$0x0] =	vst.idx.msk vm3, v54  }
0x21e: {  	v56 =	vor.u32 s22, v3;
	s23 =	spop (v2sf);
	[tilespmem:v30+s17+$0x0] =	vst.idx.msk vm5, v55  }
0x21f: {  	s9 =	simm.s32 @!p0 $0x4;
	[tilespmem:v28+s17+$0x0] =	vst.idx.msk vm4, v56;
	s15 =	spop (v2sf)  }
0x220: {  	_ =	swait.ge @!p0 [sflag:s9], $0x2000  }
0x221: {  	[sflag:s9] =	ssyncset.done @!p0 $0x0  }
0x222: {  	[sflag:s9] =	ssyncadd.s32 @!p0 $0xFFFFE000  }
0x223: {  	_ =	swait.ge @!p0 [sflag:s9], $0x100  }
0x224: {  	[sflag:s9] =	ssyncset.done @!p0 $0x0  }
0x225: {  	[sflag:s9] =	ssyncadd.s32 @!p0 $0xFFFFFF00  }
0x226: {  	v27 =	vld [tilespmem:$0x5000];
	_ =	sdelay $0x4  }
0x227: {  	v57 =	vshll.u32 v27, $0x2  }
0x228: {  	v58 =	vand.u32 $0x7F, v27;
	v28 =	vand.u32 $0xFFFFFE00, v57  }
0x229: {  	v28 =	vor.u32 v58, v28  }
0x22a: {  	v29 =	vor.u32 $0x80, v28;
	_ =	sdelay $0x1  }
0x22b: {  	v59 =	vor.u32 $0x100, v28;
	_ =	sdelay $0x1  }
0x22c: {  	v60 =	vld.idx.msk [tilespmem:v28+s3+$0x0], $0xffff  }
0x22d: {  	v61 =	vld.idx.msk [tilespmem:v29+s3+$0x0], $0xffff;
	_ =	sdelay $0x1  }
0x22e: {  	v62 =	vld.idx.msk [tilespmem:v59+s3+$0x0], $0xffff;
	_ =	sdelay $0x1  }
0x22f: {  	v31 =	vsub.f32 v60, v15  }
0x230: {  	v32 =	vsub.f32 v61, v16  }
0x231: {  	p0 =	slt.s32 s15, $0x20;
	v63 =	vmul.f32 v31, v18  }
0x232: {  	s15 =	simm.s32 @!p0 $0x20;
	v33 =	vsub.f32 v62, v17;
	v45 =	vmul.f32 v31, v22;
	v42 =	vmul.f32 v32, v20  }
0x233: {  	v44 =	vmov s15;
	v31 =	vmul.f32 v31, v25;
	v46 =	vmul.f32 v32, v23  }
0x234: {  	v43 =	vmul.f32 v33, v21;
	v32 =	vmul.f32 v32, v26;
	v34 =	vadd.f32 v42, v63  }
0x235: {  	vm2 =	vgt.s32 v44, v3;
	v48 =	vmul.f32 v33, v19;
	v47 =	vadd.f32 v46, v45  }
0x236: {  	v49 =	vmul.f32 v33, v24;
	v31 =	vadd.f32 v32, v31;
	v34 =	vadd.f32 v43, v34  }
0x237: {  	s24 =	simm.s32 $0x9280;
	v50 =	vadd.f32 v48, v47  }
0x238: {  	v31 =	vadd.f32 v49, v31;
	[tilespmem:v7+s24+$0x0] =	vst.idx.msk $0xffff, v34  }
0x239: {  	v7 =	vor.u32 $0x180, v28;
	[tilespmem:v9+s24+$0x0] =	vst.idx.msk $0xffff, v50  }
0x23a: {  	[tilespmem:v10+s24+$0x0] =	vst.idx.msk $0xffff, v31  }
0x23b: {  	[tilespmem:v28+s19+$0x0] =	vst.idx.add.f32.msk vm2, v4  }
0x23c: {  	[tilespmem:v29+s19+$0x0] =	vst.idx.add.f32.msk vm2, v34  }
0x23d: {  	[tilespmem:v59+s19+$0x0] =	vst.idx.add.f32.msk vm2, v50  }
0x23e: {  	[tilespmem:v7+s19+$0x0] =	vst.idx.add.f32.msk vm2, v31  }
0x23f: {  	v7 =	vld [tilespmem:$0xA380]  }
0x240: {  	v9 =	vld [tilespmem:$0xA400]  }
0x241: {  	v10 =	vld [tilespmem:$0xA480]  }
0x242: {  	v29 =	vld [tilespmem:$0x5010]  }
0x243: {  	v51 =	vmul.f32 v34, v34;
	v28 =	vld [tilespmem:$0xA500]  }
0x244: {  	v52 =	vmul.f32 v50, v50;
	v54 =	vld [tilespmem:$0xA580]  }
0x245: {  	v53 =	vmul.f32 v31, v31;
	v56 =	vld [tilespmem:$0xA600];
	v7 =	vadd.f32 v7, v51  }
0x246: {  	v55 =	vmul.f32 v50, v34;
	v57 =	vmul.f32 v31, v34;
	v9 =	vadd.f32 v9, v52  }
0x247: {  	v59 =	vmul.f32 v31, v50;
	v10 =	vadd.f32 v10, v53;
	v58 =	vshll.u32 v29, $0x2;
	[tilespmem:$0xA380] =	vst v7  }
0x248: {  	v60 =	vand.u32 $0x7F, v29;
	v30 =	vand.u32 $0xFFFFFE00, v58;
	v7 =	vadd.f32 v28, v55;
	[tilespmem:$0xA400] =	vst v9  }
0x249: {  	v61 =	vadd.f32 v54, v57;
	[tilespmem:$0xA480] =	vst v10;
	v62 =	vor.u32 v60, v30  }
0x24a: {  	v63 =	vor.u32 $0x80, v62;
	[tilespmem:$0xA500] =	vst v7;
	v7 =	vadd.f32 v56, v59  }
0x24b: {  	[tilespmem:$0xA580] =	vst v61;
	v33 =	vor.u32 $0x100, v62  }
0x24c: {  	[tilespmem:$0xA600] =	vst v7;
	v7 =	vadd.s32 v0, v27  }
0x24d: {  	[tilespmem:$0x5100] =	vst v7  }
0x24e: {  	v7 =	vld.idx.msk [tilespmem:v62+s3+$0x0], $0xffff  }
0x24f: {  	v34 =	vld.idx.msk [tilespmem:v63+s3+$0x0], $0xffff  }
0x250: {  	v35 =	vld.idx.msk [tilespmem:v33+s3+$0x0], $0xffff;
	_ =	sdelay $0x3  }
0x251: {  	v7 =	vsub.f32 v7, v15  }
0x252: {  	v36 =	vsub.f32 v34, v16;
	v38 =	vsub.f32 v35, v17  }
0x253: {  	v39 =	vmul.f32 v7, v18  }
0x254: {  	v40 =	vmul.f32 v36, v20;
	v41 =	vmul.f32 v38, v21  }
0x255: {  	v42 =	vmul.f32 v7, v22;
	v43 =	vmul.f32 v36, v23  }
0x256: {  	v7 =	vmul.f32 v7, v25;
	v15 =	vmul.f32 v36, v26;
	v17 =	vadd.f32 v40, v39  }
0x257: {  	vm2 =	vgt.s32 v44, v12;
	v45 =	vmul.f32 v38, v19;
	v44 =	vadd.f32 v43, v42  }
0x258: {  	v46 =	vmul.f32 v38, v24;
	v7 =	vadd.f32 v15, v7;
	v17 =	vadd.f32 v41, v17  }
0x259: {  	v12 =	vadd.f32 v45, v44  }
0x25a: {  	v7 =	vadd.f32 v46, v7;
	[tilespmem:v11+s24+$0x0] =	vst.idx.msk $0xffff, v17  }
0x25b: {  	v47 =	vor.u32 $0x180, v62;
	[tilespmem:v13+s24+$0x0] =	vst.idx.msk $0xffff, v12  }
0x25c: {  	[tilespmem:v14+s24+$0x0] =	vst.idx.msk $0xffff, v7  }
0x25d: {  	[tilespmem:v62+s19+$0x0] =	vst.idx.add.f32.msk vm2, v4  }
0x25e: {  	[tilespmem:v63+s19+$0x0] =	vst.idx.add.f32.msk vm2, v17  }
0x25f: {  	[tilespmem:v33+s19+$0x0] =	vst.idx.add.f32.msk vm2, v12  }
0x260: {  	[tilespmem:v47+s19+$0x0] =	vst.idx.add.f32.msk vm2, v7  }
0x261: {  	v10 =	vld [tilespmem:$0x5100]  }
0x262: {  	v9 =	vld [tilespmem:$0xA380]  }
0x263: {  	v11 =	vld [tilespmem:$0xA400]  }
0x264: {  	v14 =	vld [tilespmem:$0xA480]  }
0x265: {  	v48 =	vmul.f32 v17, v17;
	v49 =	vld [tilespmem:$0xA500]  }
0x266: {  	v50 =	vmul.f32 v12, v12;
	v53 =	vmul.f32 v7, v7;
	v51 =	vld [tilespmem:$0xA580];
	v52 =	vshll.u32 v10, $0x1  }
0x267: {  	v54 =	vld [tilespmem:$0xA600];
	v9 =	vadd.f32 v9, v48;
	v10 =	vand.u32 $0x7, v10;
	v18 =	vand.u32 $0xFFFFFFF0, v52  }
0x268: {  	v55 =	vmul.f32 v12, v17;
	v11 =	vadd.f32 v11, v50;
	v10 =	vor.u32 v10, v18  }
0x269: {  	v57 =	vmul.f32 v7, v17;
	v56 =	vadd.f32 v14, v53;
	[tilespmem:$0xA380] =	vst v9;
	v58 =	vperm.xlane v10, v6  }
0x26a: {  	v7 =	vmul.f32 v7, v12;
	v59 =	vadd.f32 v49, v55;
	[tilespmem:$0xA400] =	vst v11  }
0x26b: {  	v60 =	vadd.f32 v51, v57;
	[tilespmem:$0xA480] =	vst v56;
	v10 =	vperm.xlane v10, v8;
	v61 =	vadd.s32 v5, v58  }
0x26c: {  	v7 =	vadd.f32 v54, v7;
	[tilespmem:$0xA500] =	vst v59  }
0x26d: {  	s10 =	rddreg [dreg:$0xd];
	[tilespmem:$0xA580] =	vst v60;
	v62 =	vadd.s32 v5, v10  }
0x26e: {  	s22 =	rddreg [dreg:$0xf];
	[tilespmem:$0xA600] =	vst v7;
	v7 =	vadd.s32 v0, v29  }
0x26f: {  	s30 =	simm.s32 $0x7180;
	s9 =	ssub.f32 s10, s28;
	[tilespmem:$0x5110] =	vst v7  }
0x270: {  	[tilespmem:s30], [sflag:$0x2] =	stream.indirect_vreg.gather [hbm4b:s2+s3], $0x80, v61, vm0, $0xb8;
	[tilespmem:$0xA780] =	vst v63  }
0x271: {  	s31 =	simm.s32 $0x7980;
	s10 =	rddreg [dreg:$0xe]  }
0x272: {  	[tilespmem:s31], [sflag:$0x2] =	stream.indirect_vreg.gather [hbm4b:s2+s3], $0x80, v62, vm0, $0xb8;
	[tilespmem:$0xA780] =	vst v63  }
0x273: {  	s10 =	ssub.f32 s10, s21;
	s6 =	smul.f32 s6, s9;
	v7 =	vld [tilespmem:$0x5110]  }
0x274: {  	s21 =	ssub.f32 s22, s23;
	s5 =	smul.f32 s5, s9  }
0x275: {  	s4 =	smul.f32 s4, s9  }
0x276: {  	s23 =	smul.f32 s26, s21  }
0x277: {  	s24 =	smul.f32 s25, s10  }
0x278: {  	s20 =	smul.f32 s20, s10;
	v63 =	vshll.u32 v7, $0x1  }
0x279: {  	s8 =	smul.f32 s8, s10;
	s6 =	sadd.f32 s24, s6;
	v7 =	vand.u32 $0x7, v7;
	v9 =	vand.u32 $0xFFFFFFF0, v63  }
0x27a: {  	s22 =	smul.f32 s16, s21;
	s5 =	sadd.f32 s20, s5;
	v7 =	vor.u32 v7, v9  }
0x27b: {  	s20 =	smul.f32 s11, s21;
	s6 =	sadd.f32 s6, s23;
	s23 =	ssub.s32 $0x20, s15;
	v6 =	vperm.xlane v7, v6  }
0x27c: {  	s4 =	sadd.f32 s8, s4;
	s10 =	scvt.s32.f32 s23  }
0x27d: {  	s5 =	sadd.f32 s5, s20;
	v7 =	vperm.xlane v7, v8;
	v6 =	vadd.s32 v5, v6  }
0x27e: {  	s4 =	sadd.f32 s4, s22;
	s6 =	smul.f32 s10, s6  }
0x27f: {  	s5 =	smul.f32 s10, s5;
	s15 =	sadd.f32 s10, s7;
	v5 =	vadd.s32 v5, v7  }
0x280: {  	s29 =	simm.s32 $0x9280;
	s28 =	simm.s32 $0x1;
	s1 =	sadd.f32 s6, s1  }
0x281: {  	s25 =	simm.s32 $0x8180;
	s4 =	smul.f32 s10, s4;
	s0 =	sadd.f32 s5, s0  }
0x282: {  	[tilespmem:s25], [sflag:$0x2] =	stream.indirect_vreg.gather [hbm4b:s2+s3], $0x80, v6, vm0, $0xb8;
	[tilespmem:$0xA780] =	vst v63  }
0x283: {  	s26 =	simm.s32 $0x8980;
	s24 =	smov.u32 s18;
	s13 =	sadd.f32 s4, s13  }
0x284: {  	[tilespmem:s26], [sflag:$0x2] =	stream.indirect_vreg.gather [hbm4b:s2+s3], $0x80, v5, vm0, $0xb8;
	[tilespmem:$0xA780] =	vst v63  }
0x285: {  	s25 =	sshll.u32 s12, $0x5;
	s12 =	sadd.s32 $0x1, s12;
	_ =	swait.ge [sflag:s28], $0x2000  }
0x286: {  	s11 =	sand.u32 $0x60, s25;
	s30 =	rddreg [dreg:$0x4];
	[sflag:s28] =	ssyncset.done $0x0  }
0x287: {  	p0 =	sne.s32 s12, $0x40;
	s14 =	sor.u32 s30, s14;
	[sflag:s28] =	ssyncadd.s32 $0xFFFFE000  }
0x288: {  	s28 =	rddreg [dreg:$0x3];
	s30 =	simm.s32 $0x80;
	s31 =	sshll.u32 s14, $0xA  }
.Ltmp3:
0x289: {  	s14 =	sshll.u32 s14, $0x5;
	s11 =	sadd.s32 s28, s11;
	(pc) =	sbr.rel @p0 .LBB2_4-.Ltmp3, $4  }
0x28a: {  	s9 =	sadd.s32 s18, s31;
	s18 =	simm.s32 $0x5180;
	s26 =	sand.u32 $0xFFFFF00, s14  }
0x28b: {  	[hbm4b:s9+s3] =	stream.linear.scatter [tilespmem:s18], [sflag:$0x3], $0x2000, $0x38;
	[tilespmem:$0xA780] =	vst v63  }
0x28c: {  	s31 =	simm.s32 $0x400;
	s8 =	sadd.s32 s26, s11;
	s9 =	simm.s32 $0x9180  }
0x28d: {  	[hbm4b:s8+s30] =	stream.strided.scatter [tilespmem:s9], [sflag:$0x3], $0x100, s31, s30, $0x38;
	[tilespmem:$0xA780] =	vst v63  }
0x28e: {  	s4 =	simm.s32 $0x2  }
0x28f: {  	_ =	swait.ge [sflag:s4], $0x2000  }
0x290: {  	s5 =	simm.s32 $0x7180;
	[sflag:s4] =	ssyncset.done $0x0  }
0x291: {  	s22 =	simm.s32 $0x80;
	s20 =	rddreg [dreg:$0x7];
	[sflag:s4] =	ssyncadd.s32 $0xFFFFE000  }
0x292: {  	[hbm4b:s20+s3] =	stream.linear.scatter [tilespmem:s5], [sflag:$0x4], $0x2000, $0x38;
	[tilespmem:$0xA780] =	vst v63  }
0x293: {  	s6 =	simm.s32 $0x400;
	s23 =	simm.s32 $0x3;
	s21 =	rddreg [dreg:$0x8]  }
0x294: {  	[hbm4b:s21+s22] =	stream.strided.scatter [tilespmem:s29], [sflag:$0x4], $0x100, s6, s22, $0x38;
	[tilespmem:$0xA780] =	vst v63  }
0x295: {  	_ =	swait.ge [sflag:s23], $0x2000  }
0x296: {  	[sflag:s23] =	ssyncset.done $0x0  }
0x297: {  	[sflag:s23] =	ssyncadd.s32 $0xFFFFE000  }
0x298: {  	_ =	swait.ge [sflag:s23], $0x100  }
0x299: {  	[sflag:s23] =	ssyncset.done $0x0  }
0x29a: {  	s25 =	simm.s32 $0x4;
	[sflag:s23] =	ssyncadd.s32 $0xFFFFFF00  }
0x29b: {  	_ =	swait.ge [sflag:s25], $0x2000  }
0x29c: {  	[sflag:s25] =	ssyncset.done $0x0  }
0x29d: {  	[sflag:s25] =	ssyncadd.s32 $0xFFFFE000  }
0x29e: {  	_ =	swait.ge [sflag:s25], $0x100  }
0x29f: {  	[sflag:s25] =	ssyncset.done $0x0  }
0x2a0: {  	[sflag:s25] =	ssyncadd.s32 $0xFFFFFF00  }
0x2a1: {  	v5 =	vld [tilespmem:$0x9380]  }
0x2a2: {  	v6 =	vld [tilespmem:$0x9400]  }
0x2a3: {  	v7 =	vld [tilespmem:$0x9480]  }
0x2a4: {  	v8 =	vmov s15;
	v9 =	vld [tilespmem:$0x9500]  }
0x2a5: {  	v10 =	vmov s1;
	v8 =	vnsel vm1, $0x0, v8  }
0x2a6: {  	v61 =	vmov s0;
	v60 =	vnsel vm1, $0x0, v10;
	v5 =	vadd.f32 v5, v8  }
0x2a7: {  	v63 =	vmov s13;
	v62 =	vnsel vm1, $0x0, v61;
	v6 =	vadd.f32 v6, v60  }
0x2a8: {  	[tilespmem:$0x9380] =	vst v5;
	v5 =	vadd.f32 v7, v62;
	v7 =	vnsel vm1, $0x0, v63  }
0x2a9: {  	[tilespmem:$0x9400] =	vst v6;
	v6 =	vadd.f32 v9, v7  }
0x2aa: {  	[tilespmem:$0x9480] =	vst v5  }
0x2ab: {  	s4 =	simm.s32 $0x5;
	s26 =	rddreg [dreg:$0x9];
	[tilespmem:$0x9500] =	vst v6  }
0x2ac: {  	[hbm4b:s26+s3] =	stream.linear.scatter [tilespmem:s19], [sflag:$0x5], $0x1000, $0x38;
	[tilespmem:$0xA780] =	vst v63  }
0x2ad: {  	_ =	swait.ge [sflag:s4], $0x1000  }
0x2ae: {  	[sflag:s4] =	ssyncset.done $0x0  }
0x2af: {  	s29 =	simm.s32 $0xA380;
	s28 =	rddreg [dreg:$0xa];
	[sflag:s4] =	ssyncadd.s32 $0xFFFFF000  }
0x2b0: {  	[hbm4b:s28+s3] =	stream.linear.scatter [tilespmem:s29], [sflag:$0x5], $0x400, $0x38;
	[tilespmem:$0xA780] =	vst v63  }
0x2b1: {  	_ =	swait.ge [sflag:s4], $0x400  }
0x2b2: {  	s30 =	rddreg [dreg:$0xc]  }
0x2b3: {  	s31 =	rddreg [dreg:$0xb];
	s1 =	sadd.s32 $0x1, s30  }
0x2b4: {  	p0 =	sne.s32 s1, s31  }
.Ltmp4:
0x2b5: {  	_ = 	snop;
	(pc) =	sbr.rel @p0 .LBB2_1-.Ltmp4, $3  }
0x2b6: {  	_ =	sdelay $0x1  }
0x2b7: {  	[sflag:s4] =	ssyncset.done $0x0  }
0x2b8: {  	[sflag:s4] =	ssyncadd.s32 $0xFFFFFC00  }
0x2b9: {  	_ =	sfence.sel $0x180000  }
0x2ba: {  	[bflag:$0x0] =	sbarrier.arrive $0xFFFF  }
0x2bb: {  	_ =	strace $0x90000047  }
0x2bc: {  	s0 =	stileid.u32;
	[bflag:$0x2] =	sbarrier.arrive $0xFFFF  }
0x2bd: {  	p0 =	sne.s32 s0, $0x0;
	s0 =	rddreg [dreg:$0x2]  }
0x2be: {  	s0 =	sadd.s32 @!p0 $0x100000, s0  }
0x2bf: {  	[sflag:s0] =	ssyncadd.tile.s32 @!p0 $0x1;
	_ =	shalt  }
.Lfunc_end2:
_tile_overlayer_lowered:
.L_overlay_start_2:
0x2c0: {  	(tag) =	ssettag $0x2  }
0x2c1: {  	s0 =	rddreg [dreg:$0x0];
	s2 =	stileid.u32  }
0x2c2: {  	s1 =	rddreg [dreg:$0x1];
	p0 =	sne.s32 s2, $0x0  }
0x2c3: {  	s3 =	rddreg [dreg:$0x2];
	[bflag:$0x3] =	sbarrier.arrive $0xFFFF;
	s2 =	simm.s32 @!p0 $0x1C05  }
0x2c4: {  	[timem:s3], [sflag:s2] =	dma.local @!p0 [hbm:s0], s1  }
0x2c5: {  	s0 =	simm.s32 @!p0 $0x5  }
0x2c6: {  	_ =	swait.ge @!p0 [sflag:s0], s1  }
0x2c7: {  	s1 =	ssub.s32 @!p0 $0x0, s1;
	[sflag:s0] =	ssyncset.done @!p0 $0x0  }
0x2c8: {  	[sflag:s0] =	ssyncadd.s32 @!p0 s1  }
0x2c9: {  	[bflag:$0x3] =	sbarrier.arrive $0xFFFF  }
0x2ca: {  	_ =	shalt  }

</sc_bundles>
